<compile_context>
chip_gen: v7x
topology: tpu7x:2x2x1
jax: 0.10.2.dev20260603
libtpu: 0.0.44.dev20260713+nightly
codegen_flags: <defaults>
</compile_context>

<pallas_src>
import jax
import jax.numpy as jnp
from jax import lax
from jax.experimental import pallas as pl
from jax.experimental.pallas import tpu as pltpu
from jax.experimental.pallas import tpu_sc as plsc

N_NODES = 10000
N_EDGES = 160000
F = 128
ACC_ROWS = 10240
CHUNK = 80
N_TILES = 16
EDGES_PER_TILE = N_EDGES // N_TILES
CHUNKS_PER_TILE = EDGES_PER_TILE // CHUNK
ZROWS = 64
ROWS_PER_TILE = ACC_ROWS // N_TILES
CROWS = ACC_ROWS // F


def _sc_body(feat_hbm, dst_hbm, src_hbm, ew_hbm, out_hbm, cnt_hbm,
             acc, cacc, dstb, gidxb, srcb, cidx, wb, rows, staged, hist,
             zbuf, sem):
    c = lax.axis_index("c")
    t = lax.axis_index("s")

    zv = jnp.zeros((16,), jnp.float32)

    def _zrow(r, _):
        for j in range(F // 16):
            zbuf[r, pl.ds(j * 16, 16)] = zv
        return 0
    lax.fori_loop(0, ZROWS, _zrow, 0)
    for k in range(ROWS_PER_TILE // ZROWS):
        pltpu.sync_copy(zbuf, acc.at[pl.ds(t * ROWS_PER_TILE + k * ZROWS, ZROWS)])

    @pl.when(t == 0)
    def _zero_cacc0():
        pltpu.sync_copy(zbuf, cacc.at[pl.ds(0, ZROWS)])

    @pl.when(t == 1)
    def _zero_cacc1():
        pltpu.sync_copy(zbuf.at[pl.ds(0, CROWS - ZROWS)],
                        cacc.at[pl.ds(ZROWS, CROWS - ZROWS)])

    def _zhist(r, _):
        for j in range(F // 16):
            hist[r, pl.ds(j * 16, 16)] = zv
        return 0
    lax.fori_loop(0, CROWS, _zhist, 0)

    iot = lax.iota(jnp.int32, 16)
    for j in range(CROWS // 16):
        cidx[pl.ds(j * 16, 16)] = iot + (j * 16)

    plsc.subcore_barrier()

    base = t * EDGES_PER_TILE

    def _chunk(ci, _):
        off = base + ci * CHUNK
        pltpu.sync_copy(dst_hbm.at[pl.ds(off, CHUNK)], dstb)
        pltpu.sync_copy(src_hbm.at[pl.ds(off, CHUNK)], srcb)
        pltpu.sync_copy(ew_hbm.at[pl.ds(off, CHUNK)], wb)
        for j in range(CHUNK // 16):
            d = dstb[pl.ds(j * 16, 16)]
            gidxb[pl.ds(j * 16, 16)] = d * 2 + c
        pltpu.async_copy(feat_hbm.at[gidxb], rows, sem).wait()

        def _group(g, _):
            wvec = wb[pl.ds(g * 16, 16)]
            for i in range(16):
                e = g * 16 + i
                w = wvec[i]
                for j in range(F // 16):
                    staged[e, pl.ds(j * 16, 16)] = (
                        rows[e, pl.ds(j * 16, 16)] * w)
            return 0
        lax.fori_loop(0, CHUNK // 16, _group, 0)

        @pl.when(lax.rem(ci, 2) == c)
        def _count():
            def _cgroup(g, _):
                svec = srcb[pl.ds(g * 16, 16)]
                for i in range(16):
                    s = svec[i]
                    r = lax.shift_right_logical(s, 7)
                    sub = lax.bitwise_and(lax.shift_right_logical(s, 4), 7)
                    lane = lax.bitwise_and(s, 15)
                    col = sub * 16
                    hist[r, pl.ds(col, 16)] = hist[r, pl.ds(col, 16)] + \
                        jnp.where(iot == lane, jnp.float32(1.0),
                                  jnp.float32(0.0))
                return 0
            lax.fori_loop(0, CHUNK // 16, _cgroup, 0)

        pass
        return 0

    lax.fori_loop(0, CHUNKS_PER_TILE, _chunk, 0)

    pass

    plsc.subcore_barrier()

    obase = c * ACC_ROWS + t * ROWS_PER_TILE
    pltpu.sync_copy(acc.at[pl.ds(t * ROWS_PER_TILE, ROWS_PER_TILE)],
                    out_hbm.at[pl.ds(obase, ROWS_PER_TILE)])

    @pl.when(t == 0)
    def _cnt_out():
        pltpu.sync_copy(cacc, cnt_hbm.at[pl.ds(c * CROWS, CROWS)])


def _segment_sums(featR, dst, src, ew):
    mesh = plsc.VectorSubcoreMesh(core_axis_name="c", subcore_axis_name="s")
    return pl.kernel(
        _sc_body,
        out_type=(
            jax.ShapeDtypeStruct((2 * ACC_ROWS, F), jnp.float32),
            jax.ShapeDtypeStruct((2 * CROWS, F), jnp.float32),
        ),
        mesh=mesh,
        scratch_types=[
            pltpu.VMEM_SHARED((ACC_ROWS, F), jnp.float32),
            pltpu.VMEM_SHARED((CROWS, F), jnp.float32),
            pltpu.VMEM((CHUNK,), jnp.int32),
            pltpu.VMEM((CHUNK,), jnp.int32),
            pltpu.VMEM((CHUNK,), jnp.int32),
            pltpu.VMEM((CROWS,), jnp.int32),
            pltpu.VMEM((CHUNK,), jnp.float32),
            pltpu.VMEM((CHUNK, F), jnp.float32),
            pltpu.VMEM((CHUNK, F), jnp.float32),
            pltpu.VMEM((CROWS, F), jnp.float32),
            pltpu.VMEM((ZROWS, F), jnp.float32),
            pltpu.SemaphoreType.DMA,
        ],
    )(featR, dst, src, ew)


BN = 400


def _tc_body(fS_ref, sums_ref, cnt_ref, w_ref, out_ref):
    W = w_ref[...]
    cnt = jnp.maximum(cnt_ref[0, 0, :], 1.0).reshape(BN, 1)
    outs = []
    for s in range(2):
        r = jnp.dot(fS_ref[s], W, preferred_element_type=jnp.float32)
        a = sums_ref[s] / cnt
        m = jnp.dot(a, W, preferred_element_type=jnp.float32)
        outs.append(jnp.concatenate([r, m], axis=-1))
    out_ref[...] = jnp.maximum(jnp.stack(outs, axis=0), 0.0)


def _dense_part(fS, sums, counts, W):
    grid = (N_NODES // BN,)
    return pl.pallas_call(
        _tc_body,
        grid=grid,
        in_specs=[
            pl.BlockSpec((2, BN, F), lambda i: (0, i, 0)),
            pl.BlockSpec((2, BN, F), lambda i: (0, i, 0)),
            pl.BlockSpec((1, 1, BN), lambda i: (i, 0, 0)),
            pl.BlockSpec((F, F), lambda i: (0, 0)),
        ],
        out_specs=pl.BlockSpec((2, BN, 2 * F), lambda i: (0, i, 0)),
        out_shape=jax.ShapeDtypeStruct((2, N_NODES, 2 * F), jnp.float32),
    )(fS, sums, counts, W)


def kernel(features, src, dst, edge_weights, W):
    n, b, s, f = features.shape
    featR = features.reshape(n * s, f)
    fS = jnp.transpose(features.reshape(n, s, f), (1, 0, 2))
    sums_flat, craw_flat = _segment_sums(featR, dst, src, edge_weights)
    sums = sums_flat.reshape(2, ACC_ROWS, F)
    craw = craw_flat.reshape(2, CROWS, F)
    counts = (craw[0] + craw[1]).reshape(2 * ACC_ROWS // 2)[:N_NODES]
    counts = counts.reshape(N_NODES // BN, 1, BN)
    out = _dense_part(fS, sums[:, :N_NODES, :], counts, W)
    return jnp.transpose(out, (1, 0, 2)).reshape(n, b, s, 2 * f)

# --- scband reference (transcript-rebuilt; emitter-appended) ---
"""Pipeline reference for scband-graph-conv-32186484916536 (READ-ONLY COPY).

The authoritative reference and input builder live on the scoring server;
editing this copy changes nothing except your own understanding.
"""

import jax, jax.numpy as jnp
import numpy as np

N = 10000
E = 160000
B = 1
S = 2
F_IN = 128
F_OUT = 128


def setup_inputs(seed: int = 0):
    key = jax.random.key(seed)
    k1, k2, k3, k4, k5 = jax.random.split(key, 5)
    features = jax.random.normal(k1, (N, B, S, F_IN), dtype=jnp.float32)
    src = jax.random.randint(k2, (E,), 0, N, dtype=jnp.int32)
    dst = jax.random.randint(k3, (E,), 0, N, dtype=jnp.int32)
    edge_weights = jax.random.uniform(k4, (E,), dtype=jnp.float32)
    limit = float(np.sqrt(6.0 / (F_IN + F_OUT)))
    W = jax.random.uniform(k5, (F_IN, F_OUT), dtype=jnp.float32, minval=-limit, maxval=limit)
    return {"features": features, "src": src, "dst": dst, "edge_weights": edge_weights, "W": W}


def _segment_mean(data, segment_ids, num_segments):
    sums = jax.ops.segment_sum(data, segment_ids, num_segments=num_segments)
    counts = jax.ops.segment_sum(jnp.ones((data.shape[0],), dtype=data.dtype), segment_ids, num_segments=num_segments)
    counts = jnp.maximum(counts, 1.0)
    return sums / counts.reshape((num_segments,) + (1,) * (data.ndim - 1))


def reference(features, src, dst, edge_weights, W):
    # nodes representation: linear transform of node features
    nodes_repr = jnp.matmul(features, W)  # [N, B, S, F_OUT]
    # gather neighbour features along node axis using dst indices
    nbr = jnp.take(features, dst, axis=0)  # [E, B, S, F_IN]
    # faithful transpose -> scale by edge influence -> transpose back
    nbr = jnp.transpose(nbr, (1, 3, 2, 0))  # [B, F, S, E]
    nbr = nbr * edge_weights  # broadcast over last (edge) dim
    nbr = jnp.transpose(nbr, (3, 0, 2, 1))  # [E, B, S, F]
    # unsorted segment mean over src indices (num_segments = N)
    agg = _segment_mean(nbr, src, N)  # [N, B, S, F_IN]
    agg_msgs = jnp.matmul(agg, W)  # [N, B, S, F_OUT]
    # combination_type = 'concat', activation = relu
    h = jnp.concatenate([nodes_repr, agg_msgs], axis=-1)  # [N, B, S, 2*F_OUT]
    return jax.nn.relu(h)

if __name__ == "__main__":
    import jax
    _d = setup_inputs()
    print(jax.jit(kernel)(*tuple(_d.values())))

</pallas_src>

<mosaic_0001>
#map = affine_map<(d0, d1) -> (0, 0)>
#map1 = affine_map<(d0, d1) -> (0)>
module attributes {stable_mosaic.version = 14 : i64} {
  func.func @_sc_body(%arg0: i32, %arg1: i32, %arg2: memref<20000x128xf32, #tpu.memory_space<hbm>>, %arg3: memref<160000xi32, #tpu.memory_space<hbm>>, %arg4: memref<160000xi32, #tpu.memory_space<hbm>>, %arg5: memref<160000xf32, #tpu.memory_space<hbm>>, %arg6: memref<20480x128xf32, #tpu.memory_space<hbm>>, %arg7: memref<160x128xf32, #tpu.memory_space<hbm>>, %arg8: memref<10240x128xf32, #tpu.memory_space<vmem_shared>>, %arg9: memref<80x128xf32, #tpu.memory_space<vmem_shared>>, %arg10: memref<80xi32, #tpu.memory_space<vmem>>, %arg11: memref<80xi32, #tpu.memory_space<vmem>>, %arg12: memref<80xi32, #tpu.memory_space<vmem>>, %arg13: memref<80xi32, #tpu.memory_space<vmem>>, %arg14: memref<80xf32, #tpu.memory_space<vmem>>, %arg15: memref<80x128xf32, #tpu.memory_space<vmem>>, %arg16: memref<80x128xf32, #tpu.memory_space<vmem>>, %arg17: memref<80x128xf32, #tpu.memory_space<vmem>>, %arg18: memref<64x128xf32, #tpu.memory_space<vmem>>, %arg19: memref<!tpu.dma_semaphore, #tpu.memory_space<semaphore_mem>>) attributes {dimension_semantics = [#tpu.dimension_semantics<core_parallel>, #tpu.dimension_semantics<subcore_parallel>], iteration_bounds = array<i64: 2, 16>, scalar_prefetch = 0 : i64, scratch_operands = 12 : i64, tpu.core_type = #tpu.core_type<sc_vector_subcore>, window_params = [{transform_indices = #map}, {transform_indices = #map1}, {transform_indices = #map1}, {transform_indices = #map1}, {transform_indices = #map}, {transform_indices = #map}]} {
    %broadcast_in_dim3A = arith.constant 0.000000e+00 : f32
    %broadcast_in_dim3A_0 = vector.broadcast %broadcast_in_dim3A : f32 to vector<16xf32>
    %scan3A = arith.constant 0 : i32
    %scan3A_1 = arith.constant 0 : i32
    %scan3A_2 = arith.constant 64 : i32
    %scan3A_3 = arith.addi %scan3A_1, %scan3A_2 : i32
    %scan3A_4 = arith.constant 1 : i32
    %scan3A_5 = scf.for %scan3A_115 = %scan3A_1 to %scan3A_3 step %scan3A_4 iter_args(%scan3A_116 = %scan3A) -> (i32)  : i32 {
      %swap3A_117 = arith.index_cast %scan3A_115 : i32 to index
      %swap3A_118 = arith.constant 0 : index
      %swap3A_119 = tpu.vector_load %arg18[%swap3A_117, %swap3A_118] {strides = array<i32>} : memref<64x128xf32, #tpu.memory_space<vmem>>, vector<1x16xf32>,
      %swap3A_120 = vector.shape_cast %swap3A_119 : vector<1x16xf32> to vector<16xf32>
      %swap3A_121 = vector.shape_cast %broadcast_in_dim3A_0 : vector<16xf32> to vector<1x16xf32>
      tpu.vector_store %arg18[%swap3A_117, %swap3A_118], %swap3A_121 {strides = array<i32>} : memref<64x128xf32, #tpu.memory_space<vmem>>, vector<1x16xf32>,
      %swap3A_122 = arith.index_cast %scan3A_115 : i32 to index
      %swap3A_123 = arith.constant 16 : index
      %swap3A_124 = tpu.vector_load %arg18[%swap3A_122, %swap3A_123] {strides = array<i32>} : memref<64x128xf32, #tpu.memory_space<vmem>>, vector<1x16xf32>,
      %swap3A_125 = vector.shape_cast %swap3A_124 : vector<1x16xf32> to vector<16xf32>
      %swap3A_126 = vector.shape_cast %broadcast_in_dim3A_0 : vector<16xf32> to vector<1x16xf32>
      tpu.vector_store %arg18[%swap3A_122, %swap3A_123], %swap3A_126 {strides = array<i32>} : memref<64x128xf32, #tpu.memory_space<vmem>>, vector<1x16xf32>,
      %swap3A_127 = arith.index_cast %scan3A_115 : i32 to index
      %swap3A_128 = arith.constant 32 : index
      %swap3A_129 = tpu.vector_load %arg18[%swap3A_127, %swap3A_128] {strides = array<i32>} : memref<64x128xf32, #tpu.memory_space<vmem>>, vector<1x16xf32>,
      %swap3A_130 = vector.shape_cast %swap3A_129 : vector<1x16xf32> to vector<16xf32>
      %swap3A_131 = vector.shape_cast %broadcast_in_dim3A_0 : vector<16xf32> to vector<1x16xf32>
      tpu.vector_store %arg18[%swap3A_127, %swap3A_128], %swap3A_131 {strides = array<i32>} : memref<64x128xf32, #tpu.memory_space<vmem>>, vector<1x16xf32>,
      %swap3A_132 = arith.index_cast %scan3A_115 : i32 to index
      %swap3A_133 = arith.constant 48 : index
      %swap3A_134 = tpu.vector_load %arg18[%swap3A_132, %swap3A_133] {strides = array<i32>} : memref<64x128xf32, #tpu.memory_space<vmem>>, vector<1x16xf32>,
      %swap3A_135 = vector.shape_cast %swap3A_134 : vector<1x16xf32> to vector<16xf32>
      %swap3A_136 = vector.shape_cast %broadcast_in_dim3A_0 : vector<16xf32> to vector<1x16xf32>
      tpu.vector_store %arg18[%swap3A_132, %swap3A_133], %swap3A_136 {strides = array<i32>} : memref<64x128xf32, #tpu.memory_space<vmem>>, vector<1x16xf32>,
      %swap3A_137 = arith.index_cast %scan3A_115 : i32 to index
      %swap3A_138 = arith.constant 64 : index
      %swap3A_139 = tpu.vector_load %arg18[%swap3A_137, %swap3A_138] {strides = array<i32>} : memref<64x128xf32, #tpu.memory_space<vmem>>, vector<1x16xf32>,
      %swap3A_140 = vector.shape_cast %swap3A_139 : vector<1x16xf32> to vector<16xf32>
      %swap3A_141 = vector.shape_cast %broadcast_in_dim3A_0 : vector<16xf32> to vector<1x16xf32>
      tpu.vector_store %arg18[%swap3A_137, %swap3A_138], %swap3A_141 {strides = array<i32>} : memref<64x128xf32, #tpu.memory_space<vmem>>, vector<1x16xf32>,
      %swap3A_142 = arith.index_cast %scan3A_115 : i32 to index
      %swap3A_143 = arith.constant 80 : index
      %swap3A_144 = tpu.vector_load %arg18[%swap3A_142, %swap3A_143] {strides = array<i32>} : memref<64x128xf32, #tpu.memory_space<vmem>>, vector<1x16xf32>,
      %swap3A_145 = vector.shape_cast %swap3A_144 : vector<1x16xf32> to vector<16xf32>
      %swap3A_146 = vector.shape_cast %broadcast_in_dim3A_0 : vector<16xf32> to vector<1x16xf32>
      tpu.vector_store %arg18[%swap3A_142, %swap3A_143], %swap3A_146 {strides = array<i32>} : memref<64x128xf32, #tpu.memory_space<vmem>>, vector<1x16xf32>,
      %swap3A_147 = arith.index_cast %scan3A_115 : i32 to index
      %swap3A_148 = arith.constant 96 : index
      %swap3A_149 = tpu.vector_load %arg18[%swap3A_147, %swap3A_148] {strides = array<i32>} : memref<64x128xf32, #tpu.memory_space<vmem>>, vector<1x16xf32>,
      %swap3A_150 = vector.shape_cast %swap3A_149 : vector<1x16xf32> to vector<16xf32>
      %swap3A_151 = vector.shape_cast %broadcast_in_dim3A_0 : vector<16xf32> to vector<1x16xf32>
      tpu.vector_store %arg18[%swap3A_147, %swap3A_148], %swap3A_151 {strides = array<i32>} : memref<64x128xf32, #tpu.memory_space<vmem>>, vector<1x16xf32>,
      %swap3A_152 = arith.index_cast %scan3A_115 : i32 to index
      %swap3A_153 = arith.constant 112 : index
      %swap3A_154 = tpu.vector_load %arg18[%swap3A_152, %swap3A_153] {strides = array<i32>} : memref<64x128xf32, #tpu.memory_space<vmem>>, vector<1x16xf32>,
      %swap3A_155 = vector.shape_cast %swap3A_154 : vector<1x16xf32> to vector<16xf32>
      %swap3A_156 = vector.shape_cast %broadcast_in_dim3A_0 : vector<16xf32> to vector<1x16xf32>
      tpu.vector_store %arg18[%swap3A_152, %swap3A_153], %swap3A_156 {strides = array<i32>} : memref<64x128xf32, #tpu.memory_space<vmem>>, vector<1x16xf32>,
      %scan3A_157 = arith.constant 0 : i32
      scf.yield %scan3A_157 : i32
    }
    %scan3A_6 = arith.constant 64 : i32
    %mul3A = arith.constant 640 : i32
    %mul3A_7 = arith.muli %arg1, %mul3A : i32
    %add3A = arith.constant 0 : i32
    %add3A_8 = arith.addi %mul3A_7, %add3A : i32
    "tpu.region"() ({
      %run_scoped3A = tpu.sem_alloc : memref<!tpu.dma_semaphore, #tpu.memory_space<semaphore_mem>>
      %dma_start3A = arith.constant 0 : i32
      %dma_start3A_115 = tpu.memref_slice %arg8[%add3A_8, %dma_start3A] : memref<10240x128xf32, #tpu.memory_space<vmem_shared>> -> memref<64x128xf32, #tpu.memory_space<vmem_shared>>
      %dma_start3A_116 = arith.constant 0 : i32
      %dma_start3A_117 = tpu.memref_slice %arg8[%add3A_8, %dma_start3A_116] : memref<10240x128xf32, #tpu.memory_space<vmem_shared>> -> memref<64x128xf32, #tpu.memory_space<vmem_shared>>
      tpu.enqueue_dma source(%arg18 : memref<64x128xf32, #tpu.memory_space<vmem>>) target(%dma_start3A_117 : memref<64x128xf32, #tpu.memory_space<vmem_shared>>) target_semaphore(%run_scoped3A : memref<!tpu.dma_semaphore, #tpu.memory_space<semaphore_mem>>)
      %dma_wait3A = arith.constant 0 : i32
      %dma_wait3A_118 = tpu.memref_slice %arg8[%add3A_8, %dma_wait3A] : memref<10240x128xf32, #tpu.memory_space<vmem_shared>> -> memref<64x128xf32, #tpu.memory_space<vmem_shared>>
      %dma_wait3A_119 = arith.constant 0 : i32
      %dma_wait3A_120 = tpu.memref_slice %arg8[%add3A_8, %dma_wait3A_119] : memref<10240x128xf32, #tpu.memory_space<vmem_shared>> -> memref<64x128xf32, #tpu.memory_space<vmem_shared>>
      tpu.wait_dma2 semaphore(%run_scoped3A : memref<!tpu.dma_semaphore, #tpu.memory_space<semaphore_mem>>) src(%arg18 : memref<64x128xf32, #tpu.memory_space<vmem>>) dst(%dma_wait3A_120 : memref<64x128xf32, #tpu.memory_space<vmem_shared>>)
      tpu.yield
    }) : () -> ()
    %mul3A_9 = arith.constant 640 : i32
    %mul3A_10 = arith.muli %arg1, %mul3A_9 : i32
    %add3A_11 = arith.constant 64 : i32
    %add3A_12 = arith.addi %mul3A_10, %add3A_11 : i32
    "tpu.region"() ({
      %run_scoped3A = tpu.sem_alloc : memref<!tpu.dma_semaphore, #tpu.memory_space<semaphore_mem>>
      %dma_start3A = arith.constant 0 : i32
      %dma_start3A_115 = tpu.memref_slice %arg8[%add3A_12, %dma_start3A] : memref<10240x128xf32, #tpu.memory_space<vmem_shared>> -> memref<64x128xf32, #tpu.memory_space<vmem_shared>>
      %dma_start3A_116 = arith.constant 0 : i32
      %dma_start3A_117 = tpu.memref_slice %arg8[%add3A_12, %dma_start3A_116] : memref<10240x128xf32, #tpu.memory_space<vmem_shared>> -> memref<64x128xf32, #tpu.memory_space<vmem_shared>>
      tpu.enqueue_dma source(%arg18 : memref<64x128xf32, #tpu.memory_space<vmem>>) target(%dma_start3A_117 : memref<64x128xf32, #tpu.memory_space<vmem_shared>>) target_semaphore(%run_scoped3A : memref<!tpu.dma_semaphore, #tpu.memory_space<semaphore_mem>>)
      %dma_wait3A = arith.constant 0 : i32
      %dma_wait3A_118 = tpu.memref_slice %arg8[%add3A_12, %dma_wait3A] : memref<10240x128xf32, #tpu.memory_space<vmem_shared>> -> memref<64x128xf32, #tpu.memory_space<vmem_shared>>
      %dma_wait3A_119 = arith.constant 0 : i32
      %dma_wait3A_120 = tpu.memref_slice %arg8[%add3A_12, %dma_wait3A_119] : memref<10240x128xf32, #tpu.memory_space<vmem_shared>> -> memref<64x128xf32, #tpu.memory_space<vmem_shared>>
      tpu.wait_dma2 semaphore(%run_scoped3A : memref<!tpu.dma_semaphore, #tpu.memory_space<semaphore_mem>>) src(%arg18 : memref<64x128xf32, #tpu.memory_space<vmem>>) dst(%dma_wait3A_120 : memref<64x128xf32, #tpu.memory_space<vmem_shared>>)
      tpu.yield
    }) : () -> ()
    %mul3A_13 = arith.constant 640 : i32
    %mul3A_14 = arith.muli %arg1, %mul3A_13 : i32
    %add3A_15 = arith.constant 128 : i32
    %add3A_16 = arith.addi %mul3A_14, %add3A_15 : i32
    "tpu.region"() ({
      %run_scoped3A = tpu.sem_alloc : memref<!tpu.dma_semaphore, #tpu.memory_space<semaphore_mem>>
      %dma_start3A = arith.constant 0 : i32
      %dma_start3A_115 = tpu.memref_slice %arg8[%add3A_16, %dma_start3A] : memref<10240x128xf32, #tpu.memory_space<vmem_shared>> -> memref<64x128xf32, #tpu.memory_space<vmem_shared>>
      %dma_start3A_116 = arith.constant 0 : i32
      %dma_start3A_117 = tpu.memref_slice %arg8[%add3A_16, %dma_start3A_116] : memref<10240x128xf32, #tpu.memory_space<vmem_shared>> -> memref<64x128xf32, #tpu.memory_space<vmem_shared>>
      tpu.enqueue_dma source(%arg18 : memref<64x128xf32, #tpu.memory_space<vmem>>) target(%dma_start3A_117 : memref<64x128xf32, #tpu.memory_space<vmem_shared>>) target_semaphore(%run_scoped3A : memref<!tpu.dma_semaphore, #tpu.memory_space<semaphore_mem>>)
      %dma_wait3A = arith.constant 0 : i32
      %dma_wait3A_118 = tpu.memref_slice %arg8[%add3A_16, %dma_wait3A] : memref<10240x128xf32, #tpu.memory_space<vmem_shared>> -> memref<64x128xf32, #tpu.memory_space<vmem_shared>>
      %dma_wait3A_119 = arith.constant 0 : i32
      %dma_wait3A_120 = tpu.memref_slice %arg8[%add3A_16, %dma_wait3A_119] : memref<10240x128xf32, #tpu.memory_space<vmem_shared>> -> memref<64x128xf32, #tpu.memory_space<vmem_shared>>
      tpu.wait_dma2 semaphore(%run_scoped3A : memref<!tpu.dma_semaphore, #tpu.memory_space<semaphore_mem>>) src(%arg18 : memref<64x128xf32, #tpu.memory_space<vmem>>) dst(%dma_wait3A_120 : memref<64x128xf32, #tpu.memory_space<vmem_shared>>)
      tpu.yield
    }) : () -> ()
    %mul3A_17 = arith.constant 640 : i32
    %mul3A_18 = arith.muli %arg1, %mul3A_17 : i32
    %add3A_19 = arith.constant 192 : i32
    %add3A_20 = arith.addi %mul3A_18, %add3A_19 : i32
    "tpu.region"() ({
      %run_scoped3A = tpu.sem_alloc : memref<!tpu.dma_semaphore, #tpu.memory_space<semaphore_mem>>
      %dma_start3A = arith.constant 0 : i32
      %dma_start3A_115 = tpu.memref_slice %arg8[%add3A_20, %dma_start3A] : memref<10240x128xf32, #tpu.memory_space<vmem_shared>> -> memref<64x128xf32, #tpu.memory_space<vmem_shared>>
      %dma_start3A_116 = arith.constant 0 : i32
      %dma_start3A_117 = tpu.memref_slice %arg8[%add3A_20, %dma_start3A_116] : memref<10240x128xf32, #tpu.memory_space<vmem_shared>> -> memref<64x128xf32, #tpu.memory_space<vmem_shared>>
      tpu.enqueue_dma source(%arg18 : memref<64x128xf32, #tpu.memory_space<vmem>>) target(%dma_start3A_117 : memref<64x128xf32, #tpu.memory_space<vmem_shared>>) target_semaphore(%run_scoped3A : memref<!tpu.dma_semaphore, #tpu.memory_space<semaphore_mem>>)
      %dma_wait3A = arith.constant 0 : i32
      %dma_wait3A_118 = tpu.memref_slice %arg8[%add3A_20, %dma_wait3A] : memref<10240x128xf32, #tpu.memory_space<vmem_shared>> -> memref<64x128xf32, #tpu.memory_space<vmem_shared>>
      %dma_wait3A_119 = arith.constant 0 : i32
      %dma_wait3A_120 = tpu.memref_slice %arg8[%add3A_20, %dma_wait3A_119] : memref<10240x128xf32, #tpu.memory_space<vmem_shared>> -> memref<64x128xf32, #tpu.memory_space<vmem_shared>>
      tpu.wait_dma2 semaphore(%run_scoped3A : memref<!tpu.dma_semaphore, #tpu.memory_space<semaphore_mem>>) src(%arg18 : memref<64x128xf32, #tpu.memory_space<vmem>>) dst(%dma_wait3A_120 : memref<64x128xf32, #tpu.memory_space<vmem_shared>>)
      tpu.yield
    }) : () -> ()
    %mul3A_21 = arith.constant 640 : i32
    %mul3A_22 = arith.muli %arg1, %mul3A_21 : i32
    %add3A_23 = arith.constant 256 : i32
    %add3A_24 = arith.addi %mul3A_22, %add3A_23 : i32
    "tpu.region"() ({
      %run_scoped3A = tpu.sem_alloc : memref<!tpu.dma_semaphore, #tpu.memory_space<semaphore_mem>>
      %dma_start3A = arith.constant 0 : i32
      %dma_start3A_115 = tpu.memref_slice %arg8[%add3A_24, %dma_start3A] : memref<10240x128xf32, #tpu.memory_space<vmem_shared>> -> memref<64x128xf32, #tpu.memory_space<vmem_shared>>
      %dma_start3A_116 = arith.constant 0 : i32
      %dma_start3A_117 = tpu.memref_slice %arg8[%add3A_24, %dma_start3A_116] : memref<10240x128xf32, #tpu.memory_space<vmem_shared>> -> memref<64x128xf32, #tpu.memory_space<vmem_shared>>
      tpu.enqueue_dma source(%arg18 : memref<64x128xf32, #tpu.memory_space<vmem>>) target(%dma_start3A_117 : memref<64x128xf32, #tpu.memory_space<vmem_shared>>) target_semaphore(%run_scoped3A : memref<!tpu.dma_semaphore, #tpu.memory_space<semaphore_mem>>)
      %dma_wait3A = arith.constant 0 : i32
      %dma_wait3A_118 = tpu.memref_slice %arg8[%add3A_24, %dma_wait3A] : memref<10240x128xf32, #tpu.memory_space<vmem_shared>> -> memref<64x128xf32, #tpu.memory_space<vmem_shared>>
      %dma_wait3A_119 = arith.constant 0 : i32
      %dma_wait3A_120 = tpu.memref_slice %arg8[%add3A_24, %dma_wait3A_119] : memref<10240x128xf32, #tpu.memory_space<vmem_shared>> -> memref<64x128xf32, #tpu.memory_space<vmem_shared>>
      tpu.wait_dma2 semaphore(%run_scoped3A : memref<!tpu.dma_semaphore, #tpu.memory_space<semaphore_mem>>) src(%arg18 : memref<64x128xf32, #tpu.memory_space<vmem>>) dst(%dma_wait3A_120 : memref<64x128xf32, #tpu.memory_space<vmem_shared>>)
      tpu.yield
    }) : () -> ()
    %mul3A_25 = arith.constant 640 : i32
    %mul3A_26 = arith.muli %arg1, %mul3A_25 : i32
    %add3A_27 = arith.constant 320 : i32
    %add3A_28 = arith.addi %mul3A_26, %add3A_27 : i32
    "tpu.region"() ({
      %run_scoped3A = tpu.sem_alloc : memref<!tpu.dma_semaphore, #tpu.memory_space<semaphore_mem>>
      %dma_start3A = arith.constant 0 : i32
      %dma_start3A_115 = tpu.memref_slice %arg8[%add3A_28, %dma_start3A] : memref<10240x128xf32, #tpu.memory_space<vmem_shared>> -> memref<64x128xf32, #tpu.memory_space<vmem_shared>>
      %dma_start3A_116 = arith.constant 0 : i32
      %dma_start3A_117 = tpu.memref_slice %arg8[%add3A_28, %dma_start3A_116] : memref<10240x128xf32, #tpu.memory_space<vmem_shared>> -> memref<64x128xf32, #tpu.memory_space<vmem_shared>>
      tpu.enqueue_dma source(%arg18 : memref<64x128xf32, #tpu.memory_space<vmem>>) target(%dma_start3A_117 : memref<64x128xf32, #tpu.memory_space<vmem_shared>>) target_semaphore(%run_scoped3A : memref<!tpu.dma_semaphore, #tpu.memory_space<semaphore_mem>>)
      %dma_wait3A = arith.constant 0 : i32
      %dma_wait3A_118 = tpu.memref_slice %arg8[%add3A_28, %dma_wait3A] : memref<10240x128xf32, #tpu.memory_space<vmem_shared>> -> memref<64x128xf32, #tpu.memory_space<vmem_shared>>
      %dma_wait3A_119 = arith.constant 0 : i32
      %dma_wait3A_120 = tpu.memref_slice %arg8[%add3A_28, %dma_wait3A_119] : memref<10240x128xf32, #tpu.memory_space<vmem_shared>> -> memref<64x128xf32, #tpu.memory_space<vmem_shared>>
      tpu.wait_dma2 semaphore(%run_scoped3A : memref<!tpu.dma_semaphore, #tpu.memory_space<semaphore_mem>>) src(%arg18 : memref<64x128xf32, #tpu.memory_space<vmem>>) dst(%dma_wait3A_120 : memref<64x128xf32, #tpu.memory_space<vmem_shared>>)
      tpu.yield
    }) : () -> ()
    %mul3A_29 = arith.constant 640 : i32
    %mul3A_30 = arith.muli %arg1, %mul3A_29 : i32
    %add3A_31 = arith.constant 384 : i32
    %add3A_32 = arith.addi %mul3A_30, %add3A_31 : i32
    "tpu.region"() ({
      %run_scoped3A = tpu.sem_alloc : memref<!tpu.dma_semaphore, #tpu.memory_space<semaphore_mem>>
      %dma_start3A = arith.constant 0 : i32
      %dma_start3A_115 = tpu.memref_slice %arg8[%add3A_32, %dma_start3A] : memref<10240x128xf32, #tpu.memory_space<vmem_shared>> -> memref<64x128xf32, #tpu.memory_space<vmem_shared>>
      %dma_start3A_116 = arith.constant 0 : i32
      %dma_start3A_117 = tpu.memref_slice %arg8[%add3A_32, %dma_start3A_116] : memref<10240x128xf32, #tpu.memory_space<vmem_shared>> -> memref<64x128xf32, #tpu.memory_space<vmem_shared>>
      tpu.enqueue_dma source(%arg18 : memref<64x128xf32, #tpu.memory_space<vmem>>) target(%dma_start3A_117 : memref<64x128xf32, #tpu.memory_space<vmem_shared>>) target_semaphore(%run_scoped3A : memref<!tpu.dma_semaphore, #tpu.memory_space<semaphore_mem>>)
      %dma_wait3A = arith.constant 0 : i32
      %dma_wait3A_118 = tpu.memref_slice %arg8[%add3A_32, %dma_wait3A] : memref<10240x128xf32, #tpu.memory_space<vmem_shared>> -> memref<64x128xf32, #tpu.memory_space<vmem_shared>>
      %dma_wait3A_119 = arith.constant 0 : i32
      %dma_wait3A_120 = tpu.memref_slice %arg8[%add3A_32, %dma_wait3A_119] : memref<10240x128xf32, #tpu.memory_space<vmem_shared>> -> memref<64x128xf32, #tpu.memory_space<vmem_shared>>
      tpu.wait_dma2 semaphore(%run_scoped3A : memref<!tpu.dma_semaphore, #tpu.memory_space<semaphore_mem>>) src(%arg18 : memref<64x128xf32, #tpu.memory_space<vmem>>) dst(%dma_wait3A_120 : memref<64x128xf32, #tpu.memory_space<vmem_shared>>)
      tpu.yield
    }) : () -> ()
    %mul3A_33 = arith.constant 640 : i32
    %mul3A_34 = arith.muli %arg1, %mul3A_33 : i32
    %add3A_35 = arith.constant 448 : i32
    %add3A_36 = arith.addi %mul3A_34, %add3A_35 : i32
    "tpu.region"() ({
      %run_scoped3A = tpu.sem_alloc : memref<!tpu.dma_semaphore, #tpu.memory_space<semaphore_mem>>
      %dma_start3A = arith.constant 0 : i32
      %dma_start3A_115 = tpu.memref_slice %arg8[%add3A_36, %dma_start3A] : memref<10240x128xf32, #tpu.memory_space<vmem_shared>> -> memref<64x128xf32, #tpu.memory_space<vmem_shared>>
      %dma_start3A_116 = arith.constant 0 : i32
      %dma_start3A_117 = tpu.memref_slice %arg8[%add3A_36, %dma_start3A_116] : memref<10240x128xf32, #tpu.memory_space<vmem_shared>> -> memref<64x128xf32, #tpu.memory_space<vmem_shared>>
      tpu.enqueue_dma source(%arg18 : memref<64x128xf32, #tpu.memory_space<vmem>>) target(%dma_start3A_117 : memref<64x128xf32, #tpu.memory_space<vmem_shared>>) target_semaphore(%run_scoped3A : memref<!tpu.dma_semaphore, #tpu.memory_space<semaphore_mem>>)
      %dma_wait3A = arith.constant 0 : i32
      %dma_wait3A_118 = tpu.memref_slice %arg8[%add3A_36, %dma_wait3A] : memref<10240x128xf32, #tpu.memory_space<vmem_shared>> -> memref<64x128xf32, #tpu.memory_space<vmem_shared>>
      %dma_wait3A_119 = arith.constant 0 : i32
      %dma_wait3A_120 = tpu.memref_slice %arg8[%add3A_36, %dma_wait3A_119] : memref<10240x128xf32, #tpu.memory_space<vmem_shared>> -> memref<64x128xf32, #tpu.memory_space<vmem_shared>>
      tpu.wait_dma2 semaphore(%run_scoped3A : memref<!tpu.dma_semaphore, #tpu.memory_space<semaphore_mem>>) src(%arg18 : memref<64x128xf32, #tpu.memory_space<vmem>>) dst(%dma_wait3A_120 : memref<64x128xf32, #tpu.memory_space<vmem_shared>>)
      tpu.yield
    }) : () -> ()
    %mul3A_37 = arith.constant 640 : i32
    %mul3A_38 = arith.muli %arg1, %mul3A_37 : i32
    %add3A_39 = arith.constant 512 : i32
    %add3A_40 = arith.addi %mul3A_38, %add3A_39 : i32
    "tpu.region"() ({
      %run_scoped3A = tpu.sem_alloc : memref<!tpu.dma_semaphore, #tpu.memory_space<semaphore_mem>>
      %dma_start3A = arith.constant 0 : i32
      %dma_start3A_115 = tpu.memref_slice %arg8[%add3A_40, %dma_start3A] : memref<10240x128xf32, #tpu.memory_space<vmem_shared>> -> memref<64x128xf32, #tpu.memory_space<vmem_shared>>
      %dma_start3A_116 = arith.constant 0 : i32
      %dma_start3A_117 = tpu.memref_slice %arg8[%add3A_40, %dma_start3A_116] : memref<10240x128xf32, #tpu.memory_space<vmem_shared>> -> memref<64x128xf32, #tpu.memory_space<vmem_shared>>
      tpu.enqueue_dma source(%arg18 : memref<64x128xf32, #tpu.memory_space<vmem>>) target(%dma_start3A_117 : memref<64x128xf32, #tpu.memory_space<vmem_shared>>) target_semaphore(%run_scoped3A : memref<!tpu.dma_semaphore, #tpu.memory_space<semaphore_mem>>)
      %dma_wait3A = arith.constant 0 : i32
      %dma_wait3A_118 = tpu.memref_slice %arg8[%add3A_40, %dma_wait3A] : memref<10240x128xf32, #tpu.memory_space<vmem_shared>> -> memref<64x128xf32, #tpu.memory_space<vmem_shared>>
      %dma_wait3A_119 = arith.constant 0 : i32
      %dma_wait3A_120 = tpu.memref_slice %arg8[%add3A_40, %dma_wait3A_119] : memref<10240x128xf32, #tpu.memory_space<vmem_shared>> -> memref<64x128xf32, #tpu.memory_space<vmem_shared>>
      tpu.wait_dma2 semaphore(%run_scoped3A : memref<!tpu.dma_semaphore, #tpu.memory_space<semaphore_mem>>) src(%arg18 : memref<64x128xf32, #tpu.memory_space<vmem>>) dst(%dma_wait3A_120 : memref<64x128xf32, #tpu.memory_space<vmem_shared>>)
      tpu.yield
    }) : () -> ()
    %mul3A_41 = arith.constant 640 : i32
    %mul3A_42 = arith.muli %arg1, %mul3A_41 : i32
    %add3A_43 = arith.constant 576 : i32
    %add3A_44 = arith.addi %mul3A_42, %add3A_43 : i32
    "tpu.region"() ({
      %run_scoped3A = tpu.sem_alloc : memref<!tpu.dma_semaphore, #tpu.memory_space<semaphore_mem>>
      %dma_start3A = arith.constant 0 : i32
      %dma_start3A_115 = tpu.memref_slice %arg8[%add3A_44, %dma_start3A] : memref<10240x128xf32, #tpu.memory_space<vmem_shared>> -> memref<64x128xf32, #tpu.memory_space<vmem_shared>>
      %dma_start3A_116 = arith.constant 0 : i32
      %dma_start3A_117 = tpu.memref_slice %arg8[%add3A_44, %dma_start3A_116] : memref<10240x128xf32, #tpu.memory_space<vmem_shared>> -> memref<64x128xf32, #tpu.memory_space<vmem_shared>>
      tpu.enqueue_dma source(%arg18 : memref<64x128xf32, #tpu.memory_space<vmem>>) target(%dma_start3A_117 : memref<64x128xf32, #tpu.memory_space<vmem_shared>>) target_semaphore(%run_scoped3A : memref<!tpu.dma_semaphore, #tpu.memory_space<semaphore_mem>>)
      %dma_wait3A = arith.constant 0 : i32
      %dma_wait3A_118 = tpu.memref_slice %arg8[%add3A_44, %dma_wait3A] : memref<10240x128xf32, #tpu.memory_space<vmem_shared>> -> memref<64x128xf32, #tpu.memory_space<vmem_shared>>
      %dma_wait3A_119 = arith.constant 0 : i32
      %dma_wait3A_120 = tpu.memref_slice %arg8[%add3A_44, %dma_wait3A_119] : memref<10240x128xf32, #tpu.memory_space<vmem_shared>> -> memref<64x128xf32, #tpu.memory_space<vmem_shared>>
      tpu.wait_dma2 semaphore(%run_scoped3A : memref<!tpu.dma_semaphore, #tpu.memory_space<semaphore_mem>>) src(%arg18 : memref<64x128xf32, #tpu.memory_space<vmem>>) dst(%dma_wait3A_120 : memref<64x128xf32, #tpu.memory_space<vmem_shared>>)
      tpu.yield
    }) : () -> ()
    %eq3A = arith.constant 0 : i32
    %eq3A_45 = arith.cmpi eq, %arg1, %eq3A : i32
    %convert_element_type3A = arith.extui %eq3A_45 : i1 to i32
    %cond3A = arith.constant 0 : i32
    %cond3A_46 = arith.cmpi ne, %convert_element_type3A, %cond3A : i32
    scf.if %cond3A_46 {
      "tpu.region"() ({
        %run_scoped3A = tpu.sem_alloc : memref<!tpu.dma_semaphore, #tpu.memory_space<semaphore_mem>>
        %dma_start3A = arith.constant 0 : i32
        %dma_start3A_115 = arith.constant 0 : i32
        %dma_start3A_116 = tpu.memref_slice %arg9[%dma_start3A, %dma_start3A_115] : memref<80x128xf32, #tpu.memory_space<vmem_shared>> -> memref<64x128xf32, #tpu.memory_space<vmem_shared>>
        %dma_start3A_117 = arith.constant 0 : i32
        %dma_start3A_118 = arith.constant 0 : i32
        %dma_start3A_119 = tpu.memref_slice %arg9[%dma_start3A_117, %dma_start3A_118] : memref<80x128xf32, #tpu.memory_space<vmem_shared>> -> memref<64x128xf32, #tpu.memory_space<vmem_shared>>
        tpu.enqueue_dma source(%arg18 : memref<64x128xf32, #tpu.memory_space<vmem>>) target(%dma_start3A_119 : memref<64x128xf32, #tpu.memory_space<vmem_shared>>) target_semaphore(%run_scoped3A : memref<!tpu.dma_semaphore, #tpu.memory_space<semaphore_mem>>)
        %dma_wait3A = arith.constant 0 : i32
        %dma_wait3A_120 = arith.constant 0 : i32
        %dma_wait3A_121 = tpu.memref_slice %arg9[%dma_wait3A, %dma_wait3A_120] : memref<80x128xf32, #tpu.memory_space<vmem_shared>> -> memref<64x128xf32, #tpu.memory_space<vmem_shared>>
        %dma_wait3A_122 = arith.constant 0 : i32
        %dma_wait3A_123 = arith.constant 0 : i32
        %dma_wait3A_124 = tpu.memref_slice %arg9[%dma_wait3A_122, %dma_wait3A_123] : memref<80x128xf32, #tpu.memory_space<vmem_shared>> -> memref<64x128xf32, #tpu.memory_space<vmem_shared>>
        tpu.wait_dma2 semaphore(%run_scoped3A : memref<!tpu.dma_semaphore, #tpu.memory_space<semaphore_mem>>) src(%arg18 : memref<64x128xf32, #tpu.memory_space<vmem>>) dst(%dma_wait3A_124 : memref<64x128xf32, #tpu.memory_space<vmem_shared>>)
        tpu.yield
      }) : () -> ()
    } else {
    }
    %eq3A_47 = arith.constant 1 : i32
    %eq3A_48 = arith.cmpi eq, %arg1, %eq3A_47 : i32
    %convert_element_type3A_49 = arith.extui %eq3A_48 : i1 to i32
    %cond3A_50 = arith.constant 0 : i32
    %cond3A_51 = arith.cmpi ne, %convert_element_type3A_49, %cond3A_50 : i32
    scf.if %cond3A_51 {
      "tpu.region"() ({
        %run_scoped3A = tpu.sem_alloc : memref<!tpu.dma_semaphore, #tpu.memory_space<semaphore_mem>>
        %dma_start3A = arith.constant 0 : i32
        %dma_start3A_115 = arith.constant 0 : i32
        %dma_start3A_116 = tpu.memref_slice %arg18[%dma_start3A, %dma_start3A_115] : memref<64x128xf32, #tpu.memory_space<vmem>> -> memref<16x128xf32, #tpu.memory_space<vmem>>
        %dma_start3A_117 = arith.constant 64 : i32
        %dma_start3A_118 = arith.constant 0 : i32
        %dma_start3A_119 = tpu.memref_slice %arg9[%dma_start3A_117, %dma_start3A_118] : memref<80x128xf32, #tpu.memory_space<vmem_shared>> -> memref<16x128xf32, #tpu.memory_space<vmem_shared>>
        %dma_start3A_120 = arith.constant 64 : i32
        %dma_start3A_121 = arith.constant 0 : i32
        %dma_start3A_122 = tpu.memref_slice %arg9[%dma_start3A_120, %dma_start3A_121] : memref<80x128xf32, #tpu.memory_space<vmem_shared>> -> memref<16x128xf32, #tpu.memory_space<vmem_shared>>
        %dma_start3A_123 = arith.constant 0 : i32
        %dma_start3A_124 = arith.constant 0 : i32
        %dma_start3A_125 = tpu.memref_slice %arg18[%dma_start3A_123, %dma_start3A_124] : memref<64x128xf32, #tpu.memory_space<vmem>> -> memref<16x128xf32, #tpu.memory_space<vmem>>
        tpu.enqueue_dma source(%dma_start3A_125 : memref<16x128xf32, #tpu.memory_space<vmem>>) target(%dma_start3A_122 : memref<16x128xf32, #tpu.memory_space<vmem_shared>>) target_semaphore(%run_scoped3A : memref<!tpu.dma_semaphore, #tpu.memory_space<semaphore_mem>>)
        %dma_wait3A = arith.constant 0 : i32
        %dma_wait3A_126 = arith.constant 0 : i32
        %dma_wait3A_127 = tpu.memref_slice %arg18[%dma_wait3A, %dma_wait3A_126] : memref<64x128xf32, #tpu.memory_space<vmem>> -> memref<16x128xf32, #tpu.memory_space<vmem>>
        %dma_wait3A_128 = arith.constant 64 : i32
        %dma_wait3A_129 = arith.constant 0 : i32
        %dma_wait3A_130 = tpu.memref_slice %arg9[%dma_wait3A_128, %dma_wait3A_129] : memref<80x128xf32, #tpu.memory_space<vmem_shared>> -> memref<16x128xf32, #tpu.memory_space<vmem_shared>>
        %dma_wait3A_131 = arith.constant 64 : i32
        %dma_wait3A_132 = arith.constant 0 : i32
        %dma_wait3A_133 = tpu.memref_slice %arg9[%dma_wait3A_131, %dma_wait3A_132] : memref<80x128xf32, #tpu.memory_space<vmem_shared>> -> memref<16x128xf32, #tpu.memory_space<vmem_shared>>
        %dma_wait3A_134 = arith.constant 0 : i32
        %dma_wait3A_135 = arith.constant 0 : i32
        %dma_wait3A_136 = tpu.memref_slice %arg18[%dma_wait3A_134, %dma_wait3A_135] : memref<64x128xf32, #tpu.memory_space<vmem>> -> memref<16x128xf32, #tpu.memory_space<vmem>>
        tpu.wait_dma2 semaphore(%run_scoped3A : memref<!tpu.dma_semaphore, #tpu.memory_space<semaphore_mem>>) src(%dma_wait3A_136 : memref<16x128xf32, #tpu.memory_space<vmem>>) dst(%dma_wait3A_133 : memref<16x128xf32, #tpu.memory_space<vmem_shared>>)
        tpu.yield
      }) : () -> ()
    } else {
    }
    %scan3A_52 = arith.constant 0 : i32
    %scan3A_53 = arith.constant 0 : i32
    %scan3A_54 = arith.constant 80 : i32
    %scan3A_55 = arith.addi %scan3A_53, %scan3A_54 : i32
    %scan3A_56 = arith.constant 1 : i32
    %scan3A_57 = scf.for %scan3A_115 = %scan3A_53 to %scan3A_55 step %scan3A_56 iter_args(%scan3A_116 = %scan3A_52) -> (i32)  : i32 {
      %swap3A_117 = arith.index_cast %scan3A_115 : i32 to index
      %swap3A_118 = arith.constant 0 : index
      %swap3A_119 = tpu.vector_load %arg17[%swap3A_117, %swap3A_118] {strides = array<i32>} : memref<80x128xf32, #tpu.memory_space<vmem>>, vector<1x16xf32>,
      %swap3A_120 = vector.shape_cast %swap3A_119 : vector<1x16xf32> to vector<16xf32>
      %swap3A_121 = vector.shape_cast %broadcast_in_dim3A_0 : vector<16xf32> to vector<1x16xf32>
      tpu.vector_store %arg17[%swap3A_117, %swap3A_118], %swap3A_121 {strides = array<i32>} : memref<80x128xf32, #tpu.memory_space<vmem>>, vector<1x16xf32>,
      %swap3A_122 = arith.index_cast %scan3A_115 : i32 to index
      %swap3A_123 = arith.constant 16 : index
      %swap3A_124 = tpu.vector_load %arg17[%swap3A_122, %swap3A_123] {strides = array<i32>} : memref<80x128xf32, #tpu.memory_space<vmem>>, vector<1x16xf32>,
      %swap3A_125 = vector.shape_cast %swap3A_124 : vector<1x16xf32> to vector<16xf32>
      %swap3A_126 = vector.shape_cast %broadcast_in_dim3A_0 : vector<16xf32> to vector<1x16xf32>
      tpu.vector_store %arg17[%swap3A_122, %swap3A_123], %swap3A_126 {strides = array<i32>} : memref<80x128xf32, #tpu.memory_space<vmem>>, vector<1x16xf32>,
      %swap3A_127 = arith.index_cast %scan3A_115 : i32 to index
      %swap3A_128 = arith.constant 32 : index
      %swap3A_129 = tpu.vector_load %arg17[%swap3A_127, %swap3A_128] {strides = array<i32>} : memref<80x128xf32, #tpu.memory_space<vmem>>, vector<1x16xf32>,
      %swap3A_130 = vector.shape_cast %swap3A_129 : vector<1x16xf32> to vector<16xf32>
      %swap3A_131 = vector.shape_cast %broadcast_in_dim3A_0 : vector<16xf32> to vector<1x16xf32>
      tpu.vector_store %arg17[%swap3A_127, %swap3A_128], %swap3A_131 {strides = array<i32>} : memref<80x128xf32, #tpu.memory_space<vmem>>, vector<1x16xf32>,
      %swap3A_132 = arith.index_cast %scan3A_115 : i32 to index
      %swap3A_133 = arith.constant 48 : index
      %swap3A_134 = tpu.vector_load %arg17[%swap3A_132, %swap3A_133] {strides = array<i32>} : memref<80x128xf32, #tpu.memory_space<vmem>>, vector<1x16xf32>,
      %swap3A_135 = vector.shape_cast %swap3A_134 : vector<1x16xf32> to vector<16xf32>
      %swap3A_136 = vector.shape_cast %broadcast_in_dim3A_0 : vector<16xf32> to vector<1x16xf32>
      tpu.vector_store %arg17[%swap3A_132, %swap3A_133], %swap3A_136 {strides = array<i32>} : memref<80x128xf32, #tpu.memory_space<vmem>>, vector<1x16xf32>,
      %swap3A_137 = arith.index_cast %scan3A_115 : i32 to index
      %swap3A_138 = arith.constant 64 : index
      %swap3A_139 = tpu.vector_load %arg17[%swap3A_137, %swap3A_138] {strides = array<i32>} : memref<80x128xf32, #tpu.memory_space<vmem>>, vector<1x16xf32>,
      %swap3A_140 = vector.shape_cast %swap3A_139 : vector<1x16xf32> to vector<16xf32>
      %swap3A_141 = vector.shape_cast %broadcast_in_dim3A_0 : vector<16xf32> to vector<1x16xf32>
      tpu.vector_store %arg17[%swap3A_137, %swap3A_138], %swap3A_141 {strides = array<i32>} : memref<80x128xf32, #tpu.memory_space<vmem>>, vector<1x16xf32>,
      %swap3A_142 = arith.index_cast %scan3A_115 : i32 to index
      %swap3A_143 = arith.constant 80 : index
      %swap3A_144 = tpu.vector_load %arg17[%swap3A_142, %swap3A_143] {strides = array<i32>} : memref<80x128xf32, #tpu.memory_space<vmem>>, vector<1x16xf32>,
      %swap3A_145 = vector.shape_cast %swap3A_144 : vector<1x16xf32> to vector<16xf32>
      %swap3A_146 = vector.shape_cast %broadcast_in_dim3A_0 : vector<16xf32> to vector<1x16xf32>
      tpu.vector_store %arg17[%swap3A_142, %swap3A_143], %swap3A_146 {strides = array<i32>} : memref<80x128xf32, #tpu.memory_space<vmem>>, vector<1x16xf32>,
      %swap3A_147 = arith.index_cast %scan3A_115 : i32 to index
      %swap3A_148 = arith.constant 96 : index
      %swap3A_149 = tpu.vector_load %arg17[%swap3A_147, %swap3A_148] {strides = array<i32>} : memref<80x128xf32, #tpu.memory_space<vmem>>, vector<1x16xf32>,
      %swap3A_150 = vector.shape_cast %swap3A_149 : vector<1x16xf32> to vector<16xf32>
      %swap3A_151 = vector.shape_cast %broadcast_in_dim3A_0 : vector<16xf32> to vector<1x16xf32>
      tpu.vector_store %arg17[%swap3A_147, %swap3A_148], %swap3A_151 {strides = array<i32>} : memref<80x128xf32, #tpu.memory_space<vmem>>, vector<1x16xf32>,
      %swap3A_152 = arith.index_cast %scan3A_115 : i32 to index
      %swap3A_153 = arith.constant 112 : index
      %swap3A_154 = tpu.vector_load %arg17[%swap3A_152, %swap3A_153] {strides = array<i32>} : memref<80x128xf32, #tpu.memory_space<vmem>>, vector<1x16xf32>,
      %swap3A_155 = vector.shape_cast %swap3A_154 : vector<1x16xf32> to vector<16xf32>
      %swap3A_156 = vector.shape_cast %broadcast_in_dim3A_0 : vector<16xf32> to vector<1x16xf32>
      tpu.vector_store %arg17[%swap3A_152, %swap3A_153], %swap3A_156 {strides = array<i32>} : memref<80x128xf32, #tpu.memory_space<vmem>>, vector<1x16xf32>,
      %scan3A_157 = arith.constant 0 : i32
      scf.yield %scan3A_157 : i32
    }
    %scan3A_58 = arith.constant 80 : i32
    %iota3A = tpu.iota {dimensions = array<i32: 0>} : vector<16xi32>
    %add3A_59 = arith.constant 0 : i32
    %add3A_60 = vector.broadcast %add3A_59 : i32 to vector<16xi32>
    %add3A_61 = arith.addi %iota3A, %add3A_60 : vector<16xi32>
    %swap3A = arith.constant 0 : index
    %swap3A_62 = tpu.vector_load %arg13[%swap3A] {strides = array<i32>} : memref<80xi32, #tpu.memory_space<vmem>>, vector<16xi32>,
    %swap3A_63 = vector.shape_cast %swap3A_62 : vector<16xi32> to vector<16xi32>
    %swap3A_64 = vector.shape_cast %add3A_61 : vector<16xi32> to vector<16xi32>
    tpu.vector_store %arg13[%swap3A], %swap3A_64 {strides = array<i32>} : memref<80xi32, #tpu.memory_space<vmem>>, vector<16xi32>,
    %add3A_65 = arith.constant 16 : i32
    %add3A_66 = vector.broadcast %add3A_65 : i32 to vector<16xi32>
    %add3A_67 = arith.addi %iota3A, %add3A_66 : vector<16xi32>
    %swap3A_68 = arith.constant 16 : index
    %swap3A_69 = tpu.vector_load %arg13[%swap3A_68] {strides = array<i32>} : memref<80xi32, #tpu.memory_space<vmem>>, vector<16xi32>,
    %swap3A_70 = vector.shape_cast %swap3A_69 : vector<16xi32> to vector<16xi32>
    %swap3A_71 = vector.shape_cast %add3A_67 : vector<16xi32> to vector<16xi32>
    tpu.vector_store %arg13[%swap3A_68], %swap3A_71 {strides = array<i32>} : memref<80xi32, #tpu.memory_space<vmem>>, vector<16xi32>,
    %add3A_72 = arith.constant 32 : i32
    %add3A_73 = vector.broadcast %add3A_72 : i32 to vector<16xi32>
    %add3A_74 = arith.addi %iota3A, %add3A_73 : vector<16xi32>
    %swap3A_75 = arith.constant 32 : index
    %swap3A_76 = tpu.vector_load %arg13[%swap3A_75] {strides = array<i32>} : memref<80xi32, #tpu.memory_space<vmem>>, vector<16xi32>,
    %swap3A_77 = vector.shape_cast %swap3A_76 : vector<16xi32> to vector<16xi32>
    %swap3A_78 = vector.shape_cast %add3A_74 : vector<16xi32> to vector<16xi32>
    tpu.vector_store %arg13[%swap3A_75], %swap3A_78 {strides = array<i32>} : memref<80xi32, #tpu.memory_space<vmem>>, vector<16xi32>,
    %add3A_79 = arith.constant 48 : i32
    %add3A_80 = vector.broadcast %add3A_79 : i32 to vector<16xi32>
    %add3A_81 = arith.addi %iota3A, %add3A_80 : vector<16xi32>
    %swap3A_82 = arith.constant 48 : index
    %swap3A_83 = tpu.vector_load %arg13[%swap3A_82] {strides = array<i32>} : memref<80xi32, #tpu.memory_space<vmem>>, vector<16xi32>,
    %swap3A_84 = vector.shape_cast %swap3A_83 : vector<16xi32> to vector<16xi32>
    %swap3A_85 = vector.shape_cast %add3A_81 : vector<16xi32> to vector<16xi32>
    tpu.vector_store %arg13[%swap3A_82], %swap3A_85 {strides = array<i32>} : memref<80xi32, #tpu.memory_space<vmem>>, vector<16xi32>,
    %add3A_86 = arith.constant 64 : i32
    %add3A_87 = vector.broadcast %add3A_86 : i32 to vector<16xi32>
    %add3A_88 = arith.addi %iota3A, %add3A_87 : vector<16xi32>
    %swap3A_89 = arith.constant 64 : index
    %swap3A_90 = tpu.vector_load %arg13[%swap3A_89] {strides = array<i32>} : memref<80xi32, #tpu.memory_space<vmem>>, vector<16xi32>,
    %swap3A_91 = vector.shape_cast %swap3A_90 : vector<16xi32> to vector<16xi32>
    %swap3A_92 = vector.shape_cast %add3A_88 : vector<16xi32> to vector<16xi32>
    tpu.vector_store %arg13[%swap3A_89], %swap3A_92 {strides = array<i32>} : memref<80xi32, #tpu.memory_space<vmem>>, vector<16xi32>,
    %barrier3A = arith.constant 0 : index
    tpu.barrier barrier_id(%barrier3A)
    %mul3A_93 = arith.constant 10000 : i32
    %mul3A_94 = arith.muli %arg1, %mul3A_93 : i32
    %scan3A_95 = arith.constant 0 : i32
    %scan3A_96 = arith.constant 0 : i32
    %scan3A_97 = arith.constant 125 : i32
    %scan3A_98 = arith.addi %scan3A_96, %scan3A_97 : i32
    %scan3A_99 = arith.constant 1 : i32
    %scan3A_100 = scf.for %scan3A_115 = %scan3A_96 to %scan3A_98 step %scan3A_99 iter_args(%scan3A_116 = %scan3A_95) -> (i32)  : i32 {
      %mul3A_117 = arith.constant 80 : i32
      %mul3A_118 = arith.muli %scan3A_115, %mul3A_117 : i32
      %add3A_119 = arith.addi %mul3A_94, %mul3A_118 : i32
      "tpu.region"() ({
        %run_scoped3A = tpu.sem_alloc : memref<!tpu.dma_semaphore, #tpu.memory_space<semaphore_mem>>
        %dma_start3A_196 = tpu.memref_slice %arg3[%add3A_119] : memref<160000xi32, #tpu.memory_space<hbm>> -> memref<80xi32, #tpu.memory_space<hbm>>
        %dma_start3A_197 = tpu.memref_slice %arg3[%add3A_119] : memref<160000xi32, #tpu.memory_space<hbm>> -> memref<80xi32, #tpu.memory_space<hbm>>
        tpu.enqueue_dma source(%dma_start3A_197 : memref<80xi32, #tpu.memory_space<hbm>>) target(%arg10 : memref<80xi32, #tpu.memory_space<vmem>>) target_semaphore(%run_scoped3A : memref<!tpu.dma_semaphore, #tpu.memory_space<semaphore_mem>>)
        %dma_wait3A_198 = tpu.memref_slice %arg3[%add3A_119] : memref<160000xi32, #tpu.memory_space<hbm>> -> memref<80xi32, #tpu.memory_space<hbm>>
        %dma_wait3A_199 = tpu.memref_slice %arg3[%add3A_119] : memref<160000xi32, #tpu.memory_space<hbm>> -> memref<80xi32, #tpu.memory_space<hbm>>
        tpu.wait_dma2 semaphore(%run_scoped3A : memref<!tpu.dma_semaphore, #tpu.memory_space<semaphore_mem>>) src(%dma_wait3A_199 : memref<80xi32, #tpu.memory_space<hbm>>) dst(%arg10 : memref<80xi32, #tpu.memory_space<vmem>>)
        tpu.yield
      }) : () -> ()
      "tpu.region"() ({
        %run_scoped3A = tpu.sem_alloc : memref<!tpu.dma_semaphore, #tpu.memory_space<semaphore_mem>>
        %dma_start3A_196 = tpu.memref_slice %arg4[%add3A_119] : memref<160000xi32, #tpu.memory_space<hbm>> -> memref<80xi32, #tpu.memory_space<hbm>>
        %dma_start3A_197 = tpu.memref_slice %arg4[%add3A_119] : memref<160000xi32, #tpu.memory_space<hbm>> -> memref<80xi32, #tpu.memory_space<hbm>>
        tpu.enqueue_dma source(%dma_start3A_197 : memref<80xi32, #tpu.memory_space<hbm>>) target(%arg12 : memref<80xi32, #tpu.memory_space<vmem>>) target_semaphore(%run_scoped3A : memref<!tpu.dma_semaphore, #tpu.memory_space<semaphore_mem>>)
        %dma_wait3A_198 = tpu.memref_slice %arg4[%add3A_119] : memref<160000xi32, #tpu.memory_space<hbm>> -> memref<80xi32, #tpu.memory_space<hbm>>
        %dma_wait3A_199 = tpu.memref_slice %arg4[%add3A_119] : memref<160000xi32, #tpu.memory_space<hbm>> -> memref<80xi32, #tpu.memory_space<hbm>>
        tpu.wait_dma2 semaphore(%run_scoped3A : memref<!tpu.dma_semaphore, #tpu.memory_space<semaphore_mem>>) src(%dma_wait3A_199 : memref<80xi32, #tpu.memory_space<hbm>>) dst(%arg12 : memref<80xi32, #tpu.memory_space<vmem>>)
        tpu.yield
      }) : () -> ()
      "tpu.region"() ({
        %run_scoped3A = tpu.sem_alloc : memref<!tpu.dma_semaphore, #tpu.memory_space<semaphore_mem>>
        %dma_start3A_196 = tpu.memref_slice %arg5[%add3A_119] : memref<160000xf32, #tpu.memory_space<hbm>> -> memref<80xf32, #tpu.memory_space<hbm>>
        %dma_start3A_197 = tpu.memref_slice %arg5[%add3A_119] : memref<160000xf32, #tpu.memory_space<hbm>> -> memref<80xf32, #tpu.memory_space<hbm>>
        tpu.enqueue_dma source(%dma_start3A_197 : memref<80xf32, #tpu.memory_space<hbm>>) target(%arg14 : memref<80xf32, #tpu.memory_space<vmem>>) target_semaphore(%run_scoped3A : memref<!tpu.dma_semaphore, #tpu.memory_space<semaphore_mem>>)
        %dma_wait3A_198 = tpu.memref_slice %arg5[%add3A_119] : memref<160000xf32, #tpu.memory_space<hbm>> -> memref<80xf32, #tpu.memory_space<hbm>>
        %dma_wait3A_199 = tpu.memref_slice %arg5[%add3A_119] : memref<160000xf32, #tpu.memory_space<hbm>> -> memref<80xf32, #tpu.memory_space<hbm>>
        tpu.wait_dma2 semaphore(%run_scoped3A : memref<!tpu.dma_semaphore, #tpu.memory_space<semaphore_mem>>) src(%dma_wait3A_199 : memref<80xf32, #tpu.memory_space<hbm>>) dst(%arg14 : memref<80xf32, #tpu.memory_space<vmem>>)
        tpu.yield
      }) : () -> ()
      %get3A = arith.constant 0 : index
      %get3A_120 = tpu.vector_load %arg10[%get3A] {strides = array<i32>} : memref<80xi32, #tpu.memory_space<vmem>>, vector<16xi32>,
      %get3A_121 = vector.shape_cast %get3A_120 : vector<16xi32> to vector<16xi32>
      %mul3A_122 = arith.constant 2 : i32
      %mul3A_123 = vector.broadcast %mul3A_122 : i32 to vector<16xi32>
      %mul3A_124 = arith.muli %get3A_121, %mul3A_123 : vector<16xi32>
      %add3A_125 = vector.broadcast %arg0 : i32 to vector<16xi32>
      %add3A_126 = arith.addi %mul3A_124, %add3A_125 : vector<16xi32>
      %swap3A_127 = arith.constant 0 : index
      %swap3A_128 = tpu.vector_load %arg11[%swap3A_127] {strides = array<i32>} : memref<80xi32, #tpu.memory_space<vmem>>, vector<16xi32>,
      %swap3A_129 = vector.shape_cast %swap3A_128 : vector<16xi32> to vector<16xi32>
      %swap3A_130 = vector.shape_cast %add3A_126 : vector<16xi32> to vector<16xi32>
      tpu.vector_store %arg11[%swap3A_127], %swap3A_130 {strides = array<i32>} : memref<80xi32, #tpu.memory_space<vmem>>, vector<16xi32>,
      %get3A_131 = arith.constant 16 : index
      %get3A_132 = tpu.vector_load %arg10[%get3A_131] {strides = array<i32>} : memref<80xi32, #tpu.memory_space<vmem>>, vector<16xi32>,
      %get3A_133 = vector.shape_cast %get3A_132 : vector<16xi32> to vector<16xi32>
      %mul3A_134 = arith.constant 2 : i32
      %mul3A_135 = vector.broadcast %mul3A_134 : i32 to vector<16xi32>
      %mul3A_136 = arith.muli %get3A_133, %mul3A_135 : vector<16xi32>
      %add3A_137 = vector.broadcast %arg0 : i32 to vector<16xi32>
      %add3A_138 = arith.addi %mul3A_136, %add3A_137 : vector<16xi32>
      %swap3A_139 = arith.constant 16 : index
      %swap3A_140 = tpu.vector_load %arg11[%swap3A_139] {strides = array<i32>} : memref<80xi32, #tpu.memory_space<vmem>>, vector<16xi32>,
      %swap3A_141 = vector.shape_cast %swap3A_140 : vector<16xi32> to vector<16xi32>
      %swap3A_142 = vector.shape_cast %add3A_138 : vector<16xi32> to vector<16xi32>
      tpu.vector_store %arg11[%swap3A_139], %swap3A_142 {strides = array<i32>} : memref<80xi32, #tpu.memory_space<vmem>>, vector<16xi32>,
      %get3A_143 = arith.constant 32 : index
      %get3A_144 = tpu.vector_load %arg10[%get3A_143] {strides = array<i32>} : memref<80xi32, #tpu.memory_space<vmem>>, vector<16xi32>,
      %get3A_145 = vector.shape_cast %get3A_144 : vector<16xi32> to vector<16xi32>
      %mul3A_146 = arith.constant 2 : i32
      %mul3A_147 = vector.broadcast %mul3A_146 : i32 to vector<16xi32>
      %mul3A_148 = arith.muli %get3A_145, %mul3A_147 : vector<16xi32>
      %add3A_149 = vector.broadcast %arg0 : i32 to vector<16xi32>
      %add3A_150 = arith.addi %mul3A_148, %add3A_149 : vector<16xi32>
      %swap3A_151 = arith.constant 32 : index
      %swap3A_152 = tpu.vector_load %arg11[%swap3A_151] {strides = array<i32>} : memref<80xi32, #tpu.memory_space<vmem>>, vector<16xi32>,
      %swap3A_153 = vector.shape_cast %swap3A_152 : vector<16xi32> to vector<16xi32>
      %swap3A_154 = vector.shape_cast %add3A_150 : vector<16xi32> to vector<16xi32>
      tpu.vector_store %arg11[%swap3A_151], %swap3A_154 {strides = array<i32>} : memref<80xi32, #tpu.memory_space<vmem>>, vector<16xi32>,
      %get3A_155 = arith.constant 48 : index
      %get3A_156 = tpu.vector_load %arg10[%get3A_155] {strides = array<i32>} : memref<80xi32, #tpu.memory_space<vmem>>, vector<16xi32>,
      %get3A_157 = vector.shape_cast %get3A_156 : vector<16xi32> to vector<16xi32>
      %mul3A_158 = arith.constant 2 : i32
      %mul3A_159 = vector.broadcast %mul3A_158 : i32 to vector<16xi32>
      %mul3A_160 = arith.muli %get3A_157, %mul3A_159 : vector<16xi32>
      %add3A_161 = vector.broadcast %arg0 : i32 to vector<16xi32>
      %add3A_162 = arith.addi %mul3A_160, %add3A_161 : vector<16xi32>
      %swap3A_163 = arith.constant 48 : index
      %swap3A_164 = tpu.vector_load %arg11[%swap3A_163] {strides = array<i32>} : memref<80xi32, #tpu.memory_space<vmem>>, vector<16xi32>,
      %swap3A_165 = vector.shape_cast %swap3A_164 : vector<16xi32> to vector<16xi32>
      %swap3A_166 = vector.shape_cast %add3A_162 : vector<16xi32> to vector<16xi32>
      tpu.vector_store %arg11[%swap3A_163], %swap3A_166 {strides = array<i32>} : memref<80xi32, #tpu.memory_space<vmem>>, vector<16xi32>,
      %get3A_167 = arith.constant 64 : index
      %get3A_168 = tpu.vector_load %arg10[%get3A_167] {strides = array<i32>} : memref<80xi32, #tpu.memory_space<vmem>>, vector<16xi32>,
      %get3A_169 = vector.shape_cast %get3A_168 : vector<16xi32> to vector<16xi32>
      %mul3A_170 = arith.constant 2 : i32
      %mul3A_171 = vector.broadcast %mul3A_170 : i32 to vector<16xi32>
      %mul3A_172 = arith.muli %get3A_169, %mul3A_171 : vector<16xi32>
      %add3A_173 = vector.broadcast %arg0 : i32 to vector<16xi32>
      %add3A_174 = arith.addi %mul3A_172, %add3A_173 : vector<16xi32>
      %swap3A_175 = arith.constant 64 : index
      %swap3A_176 = tpu.vector_load %arg11[%swap3A_175] {strides = array<i32>} : memref<80xi32, #tpu.memory_space<vmem>>, vector<16xi32>,
      %swap3A_177 = vector.shape_cast %swap3A_176 : vector<16xi32> to vector<16xi32>
      %swap3A_178 = vector.shape_cast %add3A_174 : vector<16xi32> to vector<16xi32>
      tpu.vector_store %arg11[%swap3A_175], %swap3A_178 {strides = array<i32>} : memref<80xi32, #tpu.memory_space<vmem>>, vector<16xi32>,
      %dma_start3A = arith.constant 0 : i32
      %dma_start3A_179 = arith.constant 0 : i32
      %dma_start3A_180 = tpu.memref_slice %arg2[%dma_start3A, %dma_start3A_179] : memref<20000x128xf32, #tpu.memory_space<hbm>> -> memref<20000x128xf32, #tpu.memory_space<hbm>>
      tpu.enqueue_indirect_dma source(%dma_start3A_180 : memref<20000x128xf32, #tpu.memory_space<hbm>>) target(%arg15 : memref<80x128xf32, #tpu.memory_space<vmem>>) offsets(%arg11 : memref<80xi32, #tpu.memory_space<vmem>>) semaphore(%arg19 : memref<!tpu.dma_semaphore, #tpu.memory_space<semaphore_mem>>)
      %dma_wait3A = arith.constant 0 : i32
      %dma_wait3A_181 = arith.constant 0 : i32
      %dma_wait3A_182 = tpu.memref_slice %arg2[%dma_wait3A, %dma_wait3A_181] : memref<20000x128xf32, #tpu.memory_space<hbm>> -> memref<20000x128xf32, #tpu.memory_space<hbm>>
      tpu.wait_indirect_dma semaphore(%arg19 : memref<!tpu.dma_semaphore, #tpu.memory_space<semaphore_mem>>) src(%dma_wait3A_182 : memref<20000x128xf32, #tpu.memory_space<hbm>>) dst(%arg15 : memref<80x128xf32, #tpu.memory_space<vmem>>)
      %scan3A_183 = arith.constant 0 : i32
      %scan3A_184 = arith.constant 0 : i32
      %scan3A_185 = arith.constant 5 : i32
      %scan3A_186 = arith.addi %scan3A_184, %scan3A_185 : i32
      %scan3A_187 = arith.constant 1 : i32
      %scan3A_188 = scf.for %scan3A_196 = %scan3A_184 to %scan3A_186 step %scan3A_187 iter_args(%scan3A_197 = %scan3A_183) -> (i32)  : i32 {
        %mul3A_198 = arith.constant 16 : i32
        %mul3A_199 = arith.muli %scan3A_196, %mul3A_198 : i32
        %get3A_200 = arith.index_cast %mul3A_199 : i32 to index
        %get3A_201 = tpu.vector_load %arg14[%get3A_200] {strides = array<i32>} : memref<80xf32, #tpu.memory_space<vmem>>, vector<16xf32>,
        %get3A_202 = vector.shape_cast %get3A_201 : vector<16xf32> to vector<16xf32>
        %mul3A_203 = arith.constant 16 : i32
        %mul3A_204 = arith.muli %scan3A_196, %mul3A_203 : i32
        %add3A_205 = arith.constant 0 : i32
        %add3A_206 = arith.addi %mul3A_204, %add3A_205 : i32
        %slice3A = vector.extract_strided_slice %get3A_202 {offsets = [0], sizes = [1], strides = [1]} : vector<16xf32> to vector<1xf32>
        %squeeze3A = vector.extract %slice3A[0] : f32 from vector<1xf32>
        %get3A_207 = arith.index_cast %add3A_206 : i32 to index
        %get3A_208 = arith.constant 0 : index
        %get3A_209 = tpu.vector_load %arg15[%get3A_207, %get3A_208] {strides = array<i32>} : memref<80x128xf32, #tpu.memory_space<vmem>>, vector<1x16xf32>,
        %get3A_210 = vector.shape_cast %get3A_209 : vector<1x16xf32> to vector<16xf32>
        %mul3A_211 = vector.broadcast %squeeze3A : f32 to vector<16xf32>
        %mul3A_212 = arith.mulf %get3A_210, %mul3A_211 : vector<16xf32>
        %swap3A_213 = arith.index_cast %add3A_206 : i32 to index
        %swap3A_214 = arith.constant 0 : index
        %swap3A_215 = tpu.vector_load %arg16[%swap3A_213, %swap3A_214] {strides = array<i32>} : memref<80x128xf32, #tpu.memory_space<vmem>>, vector<1x16xf32>,
        %swap3A_216 = vector.shape_cast %swap3A_215 : vector<1x16xf32> to vector<16xf32>
        %swap3A_217 = vector.shape_cast %mul3A_212 : vector<16xf32> to vector<1x16xf32>
        tpu.vector_store %arg16[%swap3A_213, %swap3A_214], %swap3A_217 {strides = array<i32>} : memref<80x128xf32, #tpu.memory_space<vmem>>, vector<1x16xf32>,
        %get3A_218 = arith.index_cast %add3A_206 : i32 to index
        %get3A_219 = arith.constant 16 : index
        %get3A_220 = tpu.vector_load %arg15[%get3A_218, %get3A_219] {strides = array<i32>} : memref<80x128xf32, #tpu.memory_space<vmem>>, vector<1x16xf32>,
        %get3A_221 = vector.shape_cast %get3A_220 : vector<1x16xf32> to vector<16xf32>
        %mul3A_222 = vector.broadcast %squeeze3A : f32 to vector<16xf32>
        %mul3A_223 = arith.mulf %get3A_221, %mul3A_222 : vector<16xf32>
        %swap3A_224 = arith.index_cast %add3A_206 : i32 to index
        %swap3A_225 = arith.constant 16 : index
        %swap3A_226 = tpu.vector_load %arg16[%swap3A_224, %swap3A_225] {strides = array<i32>} : memref<80x128xf32, #tpu.memory_space<vmem>>, vector<1x16xf32>,
        %swap3A_227 = vector.shape_cast %swap3A_226 : vector<1x16xf32> to vector<16xf32>
        %swap3A_228 = vector.shape_cast %mul3A_223 : vector<16xf32> to vector<1x16xf32>
        tpu.vector_store %arg16[%swap3A_224, %swap3A_225], %swap3A_228 {strides = array<i32>} : memref<80x128xf32, #tpu.memory_space<vmem>>, vector<1x16xf32>,
        %get3A_229 = arith.index_cast %add3A_206 : i32 to index
        %get3A_230 = arith.constant 32 : index
        %get3A_231 = tpu.vector_load %arg15[%get3A_229, %get3A_230] {strides = array<i32>} : memref<80x128xf32, #tpu.memory_space<vmem>>, vector<1x16xf32>,
        %get3A_232 = vector.shape_cast %get3A_231 : vector<1x16xf32> to vector<16xf32>
        %mul3A_233 = vector.broadcast %squeeze3A : f32 to vector<16xf32>
        %mul3A_234 = arith.mulf %get3A_232, %mul3A_233 : vector<16xf32>
        %swap3A_235 = arith.index_cast %add3A_206 : i32 to index
        %swap3A_236 = arith.constant 32 : index
        %swap3A_237 = tpu.vector_load %arg16[%swap3A_235, %swap3A_236] {strides = array<i32>} : memref<80x128xf32, #tpu.memory_space<vmem>>, vector<1x16xf32>,
        %swap3A_238 = vector.shape_cast %swap3A_237 : vector<1x16xf32> to vector<16xf32>
        %swap3A_239 = vector.shape_cast %mul3A_234 : vector<16xf32> to vector<1x16xf32>
        tpu.vector_store %arg16[%swap3A_235, %swap3A_236], %swap3A_239 {strides = array<i32>} : memref<80x128xf32, #tpu.memory_space<vmem>>, vector<1x16xf32>,
        %get3A_240 = arith.index_cast %add3A_206 : i32 to index
        %get3A_241 = arith.constant 48 : index
        %get3A_242 = tpu.vector_load %arg15[%get3A_240, %get3A_241] {strides = array<i32>} : memref<80x128xf32, #tpu.memory_space<vmem>>, vector<1x16xf32>,
        %get3A_243 = vector.shape_cast %get3A_242 : vector<1x16xf32> to vector<16xf32>
        %mul3A_244 = vector.broadcast %squeeze3A : f32 to vector<16xf32>
        %mul3A_245 = arith.mulf %get3A_243, %mul3A_244 : vector<16xf32>
        %swap3A_246 = arith.index_cast %add3A_206 : i32 to index
        %swap3A_247 = arith.constant 48 : index
        %swap3A_248 = tpu.vector_load %arg16[%swap3A_246, %swap3A_247] {strides = array<i32>} : memref<80x128xf32, #tpu.memory_space<vmem>>, vector<1x16xf32>,
        %swap3A_249 = vector.shape_cast %swap3A_248 : vector<1x16xf32> to vector<16xf32>
        %swap3A_250 = vector.shape_cast %mul3A_245 : vector<16xf32> to vector<1x16xf32>
        tpu.vector_store %arg16[%swap3A_246, %swap3A_247], %swap3A_250 {strides = array<i32>} : memref<80x128xf32, #tpu.memory_space<vmem>>, vector<1x16xf32>,
        %get3A_251 = arith.index_cast %add3A_206 : i32 to index
        %get3A_252 = arith.constant 64 : index
        %get3A_253 = tpu.vector_load %arg15[%get3A_251, %get3A_252] {strides = array<i32>} : memref<80x128xf32, #tpu.memory_space<vmem>>, vector<1x16xf32>,
        %get3A_254 = vector.shape_cast %get3A_253 : vector<1x16xf32> to vector<16xf32>
        %mul3A_255 = vector.broadcast %squeeze3A : f32 to vector<16xf32>
        %mul3A_256 = arith.mulf %get3A_254, %mul3A_255 : vector<16xf32>
        %swap3A_257 = arith.index_cast %add3A_206 : i32 to index
        %swap3A_258 = arith.constant 64 : index
        %swap3A_259 = tpu.vector_load %arg16[%swap3A_257, %swap3A_258] {strides = array<i32>} : memref<80x128xf32, #tpu.memory_space<vmem>>, vector<1x16xf32>,
        %swap3A_260 = vector.shape_cast %swap3A_259 : vector<1x16xf32> to vector<16xf32>
        %swap3A_261 = vector.shape_cast %mul3A_256 : vector<16xf32> to vector<1x16xf32>
        tpu.vector_store %arg16[%swap3A_257, %swap3A_258], %swap3A_261 {strides = array<i32>} : memref<80x128xf32, #tpu.memory_space<vmem>>, vector<1x16xf32>,
        %get3A_262 = arith.index_cast %add3A_206 : i32 to index
        %get3A_263 = arith.constant 80 : index
        %get3A_264 = tpu.vector_load %arg15[%get3A_262, %get3A_263] {strides = array<i32>} : memref<80x128xf32, #tpu.memory_space<vmem>>, vector<1x16xf32>,
        %get3A_265 = vector.shape_cast %get3A_264 : vector<1x16xf32> to vector<16xf32>
        %mul3A_266 = vector.broadcast %squeeze3A : f32 to vector<16xf32>
        %mul3A_267 = arith.mulf %get3A_265, %mul3A_266 : vector<16xf32>
        %swap3A_268 = arith.index_cast %add3A_206 : i32 to index
        %swap3A_269 = arith.constant 80 : index
        %swap3A_270 = tpu.vector_load %arg16[%swap3A_268, %swap3A_269] {strides = array<i32>} : memref<80x128xf32, #tpu.memory_space<vmem>>, vector<1x16xf32>,
        %swap3A_271 = vector.shape_cast %swap3A_270 : vector<1x16xf32> to vector<16xf32>
        %swap3A_272 = vector.shape_cast %mul3A_267 : vector<16xf32> to vector<1x16xf32>
        tpu.vector_store %arg16[%swap3A_268, %swap3A_269], %swap3A_272 {strides = array<i32>} : memref<80x128xf32, #tpu.memory_space<vmem>>, vector<1x16xf32>,
        %get3A_273 = arith.index_cast %add3A_206 : i32 to index
        %get3A_274 = arith.constant 96 : index
        %get3A_275 = tpu.vector_load %arg15[%get3A_273, %get3A_274] {strides = array<i32>} : memref<80x128xf32, #tpu.memory_space<vmem>>, vector<1x16xf32>,
        %get3A_276 = vector.shape_cast %get3A_275 : vector<1x16xf32> to vector<16xf32>
        %mul3A_277 = vector.broadcast %squeeze3A : f32 to vector<16xf32>
        %mul3A_278 = arith.mulf %get3A_276, %mul3A_277 : vector<16xf32>
        %swap3A_279 = arith.index_cast %add3A_206 : i32 to index
        %swap3A_280 = arith.constant 96 : index
        %swap3A_281 = tpu.vector_load %arg16[%swap3A_279, %swap3A_280] {strides = array<i32>} : memref<80x128xf32, #tpu.memory_space<vmem>>, vector<1x16xf32>,
        %swap3A_282 = vector.shape_cast %swap3A_281 : vector<1x16xf32> to vector<16xf32>
        %swap3A_283 = vector.shape_cast %mul3A_278 : vector<16xf32> to vector<1x16xf32>
        tpu.vector_store %arg16[%swap3A_279, %swap3A_280], %swap3A_283 {strides = array<i32>} : memref<80x128xf32, #tpu.memory_space<vmem>>, vector<1x16xf32>,
        %get3A_284 = arith.index_cast %add3A_206 : i32 to index
        %get3A_285 = arith.constant 112 : index
        %get3A_286 = tpu.vector_load %arg15[%get3A_284, %get3A_285] {strides = array<i32>} : memref<80x128xf32, #tpu.memory_space<vmem>>, vector<1x16xf32>,
        %get3A_287 = vector.shape_cast %get3A_286 : vector<1x16xf32> to vector<16xf32>
        %mul3A_288 = vector.broadcast %squeeze3A : f32 to vector<16xf32>
        %mul3A_289 = arith.mulf %get3A_287, %mul3A_288 : vector<16xf32>
        %swap3A_290 = arith.index_cast %add3A_206 : i32 to index
        %swap3A_291 = arith.constant 112 : index
        %swap3A_292 = tpu.vector_load %arg16[%swap3A_290, %swap3A_291] {strides = array<i32>} : memref<80x128xf32, #tpu.memory_space<vmem>>, vector<1x16xf32>,
        %swap3A_293 = vector.shape_cast %swap3A_292 : vector<1x16xf32> to vector<16xf32>
        %swap3A_294 = vector.shape_cast %mul3A_289 : vector<16xf32> to vector<1x16xf32>
        tpu.vector_store %arg16[%swap3A_290, %swap3A_291], %swap3A_294 {strides = array<i32>} : memref<80x128xf32, #tpu.memory_space<vmem>>, vector<1x16xf32>,
        %mul3A_295 = arith.constant 16 : i32
        %mul3A_296 = arith.muli %scan3A_196, %mul3A_295 : i32
        %add3A_297 = arith.constant 1 : i32
        %add3A_298 = arith.addi %mul3A_296, %add3A_297 : i32
        %slice3A_299 = vector.extract_strided_slice %get3A_202 {offsets = [1], sizes = [1], strides = [1]} : vector<16xf32> to vector<1xf32>
        %squeeze3A_300 = vector.extract %slice3A_299[0] : f32 from vector<1xf32>
        %get3A_301 = arith.index_cast %add3A_298 : i32 to index
        %get3A_302 = arith.constant 0 : index
        %get3A_303 = tpu.vector_load %arg15[%get3A_301, %get3A_302] {strides = array<i32>} : memref<80x128xf32, #tpu.memory_space<vmem>>, vector<1x16xf32>,
        %get3A_304 = vector.shape_cast %get3A_303 : vector<1x16xf32> to vector<16xf32>
        %mul3A_305 = vector.broadcast %squeeze3A_300 : f32 to vector<16xf32>
        %mul3A_306 = arith.mulf %get3A_304, %mul3A_305 : vector<16xf32>
        %swap3A_307 = arith.index_cast %add3A_298 : i32 to index
        %swap3A_308 = arith.constant 0 : index
        %swap3A_309 = tpu.vector_load %arg16[%swap3A_307, %swap3A_308] {strides = array<i32>} : memref<80x128xf32, #tpu.memory_space<vmem>>, vector<1x16xf32>,
        %swap3A_310 = vector.shape_cast %swap3A_309 : vector<1x16xf32> to vector<16xf32>
        %swap3A_311 = vector.shape_cast %mul3A_306 : vector<16xf32> to vector<1x16xf32>
        tpu.vector_store %arg16[%swap3A_307, %swap3A_308], %swap3A_311 {strides = array<i32>} : memref<80x128xf32, #tpu.memory_space<vmem>>, vector<1x16xf32>,
        %get3A_312 = arith.index_cast %add3A_298 : i32 to index
        %get3A_313 = arith.constant 16 : index
        %get3A_314 = tpu.vector_load %arg15[%get3A_312, %get3A_313] {strides = array<i32>} : memref<80x128xf32, #tpu.memory_space<vmem>>, vector<1x16xf32>,
        %get3A_315 = vector.shape_cast %get3A_314 : vector<1x16xf32> to vector<16xf32>
        %mul3A_316 = vector.broadcast %squeeze3A_300 : f32 to vector<16xf32>
        %mul3A_317 = arith.mulf %get3A_315, %mul3A_316 : vector<16xf32>
        %swap3A_318 = arith.index_cast %add3A_298 : i32 to index
        %swap3A_319 = arith.constant 16 : index
        %swap3A_320 = tpu.vector_load %arg16[%swap3A_318, %swap3A_319] {strides = array<i32>} : memref<80x128xf32, #tpu.memory_space<vmem>>, vector<1x16xf32>,
        %swap3A_321 = vector.shape_cast %swap3A_320 : vector<1x16xf32> to vector<16xf32>
        %swap3A_322 = vector.shape_cast %mul3A_317 : vector<16xf32> to vector<1x16xf32>
        tpu.vector_store %arg16[%swap3A_318, %swap3A_319], %swap3A_322 {strides = array<i32>} : memref<80x128xf32, #tpu.memory_space<vmem>>, vector<1x16xf32>,
        %get3A_323 = arith.index_cast %add3A_298 : i32 to index
        %get3A_324 = arith.constant 32 : index
        %get3A_325 = tpu.vector_load %arg15[%get3A_323, %get3A_324] {strides = array<i32>} : memref<80x128xf32, #tpu.memory_space<vmem>>, vector<1x16xf32>,
        %get3A_326 = vector.shape_cast %get3A_325 : vector<1x16xf32> to vector<16xf32>
        %mul3A_327 = vector.broadcast %squeeze3A_300 : f32 to vector<16xf32>
        %mul3A_328 = arith.mulf %get3A_326, %mul3A_327 : vector<16xf32>
        %swap3A_329 = arith.index_cast %add3A_298 : i32 to index
        %swap3A_330 = arith.constant 32 : index
        %swap3A_331 = tpu.vector_load %arg16[%swap3A_329, %swap3A_330] {strides = array<i32>} : memref<80x128xf32, #tpu.memory_space<vmem>>, vector<1x16xf32>,
        %swap3A_332 = vector.shape_cast %swap3A_331 : vector<1x16xf32> to vector<16xf32>
        %swap3A_333 = vector.shape_cast %mul3A_328 : vector<16xf32> to vector<1x16xf32>
        tpu.vector_store %arg16[%swap3A_329, %swap3A_330], %swap3A_333 {strides = array<i32>} : memref<80x128xf32, #tpu.memory_space<vmem>>, vector<1x16xf32>,
        %get3A_334 = arith.index_cast %add3A_298 : i32 to index
        %get3A_335 = arith.constant 48 : index
        %get3A_336 = tpu.vector_load %arg15[%get3A_334, %get3A_335] {strides = array<i32>} : memref<80x128xf32, #tpu.memory_space<vmem>>, vector<1x16xf32>,
        %get3A_337 = vector.shape_cast %get3A_336 : vector<1x16xf32> to vector<16xf32>
        %mul3A_338 = vector.broadcast %squeeze3A_300 : f32 to vector<16xf32>
        %mul3A_339 = arith.mulf %get3A_337, %mul3A_338 : vector<16xf32>
        %swap3A_340 = arith.index_cast %add3A_298 : i32 to index
        %swap3A_341 = arith.constant 48 : index
        %swap3A_342 = tpu.vector_load %arg16[%swap3A_340, %swap3A_341] {strides = array<i32>} : memref<80x128xf32, #tpu.memory_space<vmem>>, vector<1x16xf32>,
        %swap3A_343 = vector.shape_cast %swap3A_342 : vector<1x16xf32> to vector<16xf32>
        %swap3A_344 = vector.shape_cast %mul3A_339 : vector<16xf32> to vector<1x16xf32>
        tpu.vector_store %arg16[%swap3A_340, %swap3A_341], %swap3A_344 {strides = array<i32>} : memref<80x128xf32, #tpu.memory_space<vmem>>, vector<1x16xf32>,
        %get3A_345 = arith.index_cast %add3A_298 : i32 to index
        %get3A_346 = arith.constant 64 : index
        %get3A_347 = tpu.vector_load %arg15[%get3A_345, %get3A_346] {strides = array<i32>} : memref<80x128xf32, #tpu.memory_space<vmem>>, vector<1x16xf32>,
        %get3A_348 = vector.shape_cast %get3A_347 : vector<1x16xf32> to vector<16xf32>
        %mul3A_349 = vector.broadcast %squeeze3A_300 : f32 to vector<16xf32>
        %mul3A_350 = arith.mulf %get3A_348, %mul3A_349 : vector<16xf32>
        %swap3A_351 = arith.index_cast %add3A_298 : i32 to index
        %swap3A_352 = arith.constant 64 : index
        %swap3A_353 = tpu.vector_load %arg16[%swap3A_351, %swap3A_352] {strides = array<i32>} : memref<80x128xf32, #tpu.memory_space<vmem>>, vector<1x16xf32>,
        %swap3A_354 = vector.shape_cast %swap3A_353 : vector<1x16xf32> to vector<16xf32>
        %swap3A_355 = vector.shape_cast %mul3A_350 : vector<16xf32> to vector<1x16xf32>
        tpu.vector_store %arg16[%swap3A_351, %swap3A_352], %swap3A_355 {strides = array<i32>} : memref<80x128xf32, #tpu.memory_space<vmem>>, vector<1x16xf32>,
        %get3A_356 = arith.index_cast %add3A_298 : i32 to index
        %get3A_357 = arith.constant 80 : index
        %get3A_358 = tpu.vector_load %arg15[%get3A_356, %get3A_357] {strides = array<i32>} : memref<80x128xf32, #tpu.memory_space<vmem>>, vector<1x16xf32>,
        %get3A_359 = vector.shape_cast %get3A_358 : vector<1x16xf32> to vector<16xf32>
        %mul3A_360 = vector.broadcast %squeeze3A_300 : f32 to vector<16xf32>
        %mul3A_361 = arith.mulf %get3A_359, %mul3A_360 : vector<16xf32>
        %swap3A_362 = arith.index_cast %add3A_298 : i32 to index
        %swap3A_363 = arith.constant 80 : index
        %swap3A_364 = tpu.vector_load %arg16[%swap3A_362, %swap3A_363] {strides = array<i32>} : memref<80x128xf32, #tpu.memory_space<vmem>>, vector<1x16xf32>,
        %swap3A_365 = vector.shape_cast %swap3A_364 : vector<1x16xf32> to vector<16xf32>
        %swap3A_366 = vector.shape_cast %mul3A_361 : vector<16xf32> to vector<1x16xf32>
        tpu.vector_store %arg16[%swap3A_362, %swap3A_363], %swap3A_366 {strides = array<i32>} : memref<80x128xf32, #tpu.memory_space<vmem>>, vector<1x16xf32>,
        %get3A_367 = arith.index_cast %add3A_298 : i32 to index
        %get3A_368 = arith.constant 96 : index
        %get3A_369 = tpu.vector_load %arg15[%get3A_367, %get3A_368] {strides = array<i32>} : memref<80x128xf32, #tpu.memory_space<vmem>>, vector<1x16xf32>,
        %get3A_370 = vector.shape_cast %get3A_369 : vector<1x16xf32> to vector<16xf32>
        %mul3A_371 = vector.broadcast %squeeze3A_300 : f32 to vector<16xf32>
        %mul3A_372 = arith.mulf %get3A_370, %mul3A_371 : vector<16xf32>
        %swap3A_373 = arith.index_cast %add3A_298 : i32 to index
        %swap3A_374 = arith.constant 96 : index
        %swap3A_375 = tpu.vector_load %arg16[%swap3A_373, %swap3A_374] {strides = array<i32>} : memref<80x128xf32, #tpu.memory_space<vmem>>, vector<1x16xf32>,
        %swap3A_376 = vector.shape_cast %swap3A_375 : vector<1x16xf32> to vector<16xf32>
        %swap3A_377 = vector.shape_cast %mul3A_372 : vector<16xf32> to vector<1x16xf32>
        tpu.vector_store %arg16[%swap3A_373, %swap3A_374], %swap3A_377 {strides = array<i32>} : memref<80x128xf32, #tpu.memory_space<vmem>>, vector<1x16xf32>,
        %get3A_378 = arith.index_cast %add3A_298 : i32 to index
        %get3A_379 = arith.constant 112 : index
        %get3A_380 = tpu.vector_load %arg15[%get3A_378, %get3A_379] {strides = array<i32>} : memref<80x128xf32, #tpu.memory_space<vmem>>, vector<1x16xf32>,
        %get3A_381 = vector.shape_cast %get3A_380 : vector<1x16xf32> to vector<16xf32>
        %mul3A_382 = vector.broadcast %squeeze3A_300 : f32 to vector<16xf32>
        %mul3A_383 = arith.mulf %get3A_381, %mul3A_382 : vector<16xf32>
        %swap3A_384 = arith.index_cast %add3A_298 : i32 to index
        %swap3A_385 = arith.constant 112 : index
        %swap3A_386 = tpu.vector_load %arg16[%swap3A_384, %swap3A_385] {strides = array<i32>} : memref<80x128xf32, #tpu.memory_space<vmem>>, vector<1x16xf32>,
        %swap3A_387 = vector.shape_cast %swap3A_386 : vector<1x16xf32> to vector<16xf32>
        %swap3A_388 = vector.shape_cast %mul3A_383 : vector<16xf32> to vector<1x16xf32>
        tpu.vector_store %arg16[%swap3A_384, %swap3A_385], %swap3A_388 {strides = array<i32>} : memref<80x128xf32, #tpu.memory_space<vmem>>, vector<1x16xf32>,
        %mul3A_389 = arith.constant 16 : i32
        %mul3A_390 = arith.muli %scan3A_196, %mul3A_389 : i32
        %add3A_391 = arith.constant 2 : i32
        %add3A_392 = arith.addi %mul3A_390, %add3A_391 : i32
        %slice3A_393 = vector.extract_strided_slice %get3A_202 {offsets = [2], sizes = [1], strides = [1]} : vector<16xf32> to vector<1xf32>
        %squeeze3A_394 = vector.extract %slice3A_393[0] : f32 from vector<1xf32>
        %get3A_395 = arith.index_cast %add3A_392 : i32 to index
        %get3A_396 = arith.constant 0 : index
        %get3A_397 = tpu.vector_load %arg15[%get3A_395, %get3A_396] {strides = array<i32>} : memref<80x128xf32, #tpu.memory_space<vmem>>, vector<1x16xf32>,
        %get3A_398 = vector.shape_cast %get3A_397 : vector<1x16xf32> to vector<16xf32>
        %mul3A_399 = vector.broadcast %squeeze3A_394 : f32 to vector<16xf32>
        %mul3A_400 = arith.mulf %get3A_398, %mul3A_399 : vector<16xf32>
        %swap3A_401 = arith.index_cast %add3A_392 : i32 to index
        %swap3A_402 = arith.constant 0 : index
        %swap3A_403 = tpu.vector_load %arg16[%swap3A_401, %swap3A_402] {strides = array<i32>} : memref<80x128xf32, #tpu.memory_space<vmem>>, vector<1x16xf32>,
        %swap3A_404 = vector.shape_cast %swap3A_403 : vector<1x16xf32> to vector<16xf32>
        %swap3A_405 = vector.shape_cast %mul3A_400 : vector<16xf32> to vector<1x16xf32>
        tpu.vector_store %arg16[%swap3A_401, %swap3A_402], %swap3A_405 {strides = array<i32>} : memref<80x128xf32, #tpu.memory_space<vmem>>, vector<1x16xf32>,
        %get3A_406 = arith.index_cast %add3A_392 : i32 to index
        %get3A_407 = arith.constant 16 : index
        %get3A_408 = tpu.vector_load %arg15[%get3A_406, %get3A_407] {strides = array<i32>} : memref<80x128xf32, #tpu.memory_space<vmem>>, vector<1x16xf32>,
        %get3A_409 = vector.shape_cast %get3A_408 : vector<1x16xf32> to vector<16xf32>
        %mul3A_410 = vector.broadcast %squeeze3A_394 : f32 to vector<16xf32>
        %mul3A_411 = arith.mulf %get3A_409, %mul3A_410 : vector<16xf32>
        %swap3A_412 = arith.index_cast %add3A_392 : i32 to index
        %swap3A_413 = arith.constant 16 : index
        %swap3A_414 = tpu.vector_load %arg16[%swap3A_412, %swap3A_413] {strides = array<i32>} : memref<80x128xf32, #tpu.memory_space<vmem>>, vector<1x16xf32>,
        %swap3A_415 = vector.shape_cast %swap3A_414 : vector<1x16xf32> to vector<16xf32>
        %swap3A_416 = vector.shape_cast %mul3A_411 : vector<16xf32> to vector<1x16xf32>
        tpu.vector_store %arg16[%swap3A_412, %swap3A_413], %swap3A_416 {strides = array<i32>} : memref<80x128xf32, #tpu.memory_space<vmem>>, vector<1x16xf32>,
        %get3A_417 = arith.index_cast %add3A_392 : i32 to index
        %get3A_418 = arith.constant 32 : index
        %get3A_419 = tpu.vector_load %arg15[%get3A_417, %get3A_418] {strides = array<i32>} : memref<80x128xf32, #tpu.memory_space<vmem>>, vector<1x16xf32>,
        %get3A_420 = vector.shape_cast %get3A_419 : vector<1x16xf32> to vector<16xf32>
        %mul3A_421 = vector.broadcast %squeeze3A_394 : f32 to vector<16xf32>
        %mul3A_422 = arith.mulf %get3A_420, %mul3A_421 : vector<16xf32>
        %swap3A_423 = arith.index_cast %add3A_392 : i32 to index
        %swap3A_424 = arith.constant 32 : index
        %swap3A_425 = tpu.vector_load %arg16[%swap3A_423, %swap3A_424] {strides = array<i32>} : memref<80x128xf32, #tpu.memory_space<vmem>>, vector<1x16xf32>,
        %swap3A_426 = vector.shape_cast %swap3A_425 : vector<1x16xf32> to vector<16xf32>
        %swap3A_427 = vector.shape_cast %mul3A_422 : vector<16xf32> to vector<1x16xf32>
        tpu.vector_store %arg16[%swap3A_423, %swap3A_424], %swap3A_427 {strides = array<i32>} : memref<80x128xf32, #tpu.memory_space<vmem>>, vector<1x16xf32>,
        %get3A_428 = arith.index_cast %add3A_392 : i32 to index
        %get3A_429 = arith.constant 48 : index
        %get3A_430 = tpu.vector_load %arg15[%get3A_428, %get3A_429] {strides = array<i32>} : memref<80x128xf32, #tpu.memory_space<vmem>>, vector<1x16xf32>,
        %get3A_431 = vector.shape_cast %get3A_430 : vector<1x16xf32> to vector<16xf32>
        %mul3A_432 = vector.broadcast %squeeze3A_394 : f32 to vector<16xf32>
        %mul3A_433 = arith.mulf %get3A_431, %mul3A_432 : vector<16xf32>
        %swap3A_434 = arith.index_cast %add3A_392 : i32 to index
        %swap3A_435 = arith.constant 48 : index
        %swap3A_436 = tpu.vector_load %arg16[%swap3A_434, %swap3A_435] {strides = array<i32>} : memref<80x128xf32, #tpu.memory_space<vmem>>, vector<1x16xf32>,
        %swap3A_437 = vector.shape_cast %swap3A_436 : vector<1x16xf32> to vector<16xf32>
        %swap3A_438 = vector.shape_cast %mul3A_433 : vector<16xf32> to vector<1x16xf32>
        tpu.vector_store %arg16[%swap3A_434, %swap3A_435], %swap3A_438 {strides = array<i32>} : memref<80x128xf32, #tpu.memory_space<vmem>>, vector<1x16xf32>,
        %get3A_439 = arith.index_cast %add3A_392 : i32 to index
        %get3A_440 = arith.constant 64 : index
        %get3A_441 = tpu.vector_load %arg15[%get3A_439, %get3A_440] {strides = array<i32>} : memref<80x128xf32, #tpu.memory_space<vmem>>, vector<1x16xf32>,
        %get3A_442 = vector.shape_cast %get3A_441 : vector<1x16xf32> to vector<16xf32>
        %mul3A_443 = vector.broadcast %squeeze3A_394 : f32 to vector<16xf32>
        %mul3A_444 = arith.mulf %get3A_442, %mul3A_443 : vector<16xf32>
        %swap3A_445 = arith.index_cast %add3A_392 : i32 to index
        %swap3A_446 = arith.constant 64 : index
        %swap3A_447 = tpu.vector_load %arg16[%swap3A_445, %swap3A_446] {strides = array<i32>} : memref<80x128xf32, #tpu.memory_space<vmem>>, vector<1x16xf32>,
        %swap3A_448 = vector.shape_cast %swap3A_447 : vector<1x16xf32> to vector<16xf32>
        %swap3A_449 = vector.shape_cast %mul3A_444 : vector<16xf32> to vector<1x16xf32>
        tpu.vector_store %arg16[%swap3A_445, %swap3A_446], %swap3A_449 {strides = array<i32>} : memref<80x128xf32, #tpu.memory_space<vmem>>, vector<1x16xf32>,
        %get3A_450 = arith.index_cast %add3A_392 : i32 to index
        %get3A_451 = arith.constant 80 : index
        %get3A_452 = tpu.vector_load %arg15[%get3A_450, %get3A_451] {strides = array<i32>} : memref<80x128xf32, #tpu.memory_space<vmem>>, vector<1x16xf32>,
        %get3A_453 = vector.shape_cast %get3A_452 : vector<1x16xf32> to vector<16xf32>
        %mul3A_454 = vector.broadcast %squeeze3A_394 : f32 to vector<16xf32>
        %mul3A_455 = arith.mulf %get3A_453, %mul3A_454 : vector<16xf32>
        %swap3A_456 = arith.index_cast %add3A_392 : i32 to index
        %swap3A_457 = arith.constant 80 : index
        %swap3A_458 = tpu.vector_load %arg16[%swap3A_456, %swap3A_457] {strides = array<i32>} : memref<80x128xf32, #tpu.memory_space<vmem>>, vector<1x16xf32>,
        %swap3A_459 = vector.shape_cast %swap3A_458 : vector<1x16xf32> to vector<16xf32>
        %swap3A_460 = vector.shape_cast %mul3A_455 : vector<16xf32> to vector<1x16xf32>
        tpu.vector_store %arg16[%swap3A_456, %swap3A_457], %swap3A_460 {strides = array<i32>} : memref<80x128xf32, #tpu.memory_space<vmem>>, vector<1x16xf32>,
        %get3A_461 = arith.index_cast %add3A_392 : i32 to index
        %get3A_462 = arith.constant 96 : index
        %get3A_463 = tpu.vector_load %arg15[%get3A_461, %get3A_462] {strides = array<i32>} : memref<80x128xf32, #tpu.memory_space<vmem>>, vector<1x16xf32>,
        %get3A_464 = vector.shape_cast %get3A_463 : vector<1x16xf32> to vector<16xf32>
        %mul3A_465 = vector.broadcast %squeeze3A_394 : f32 to vector<16xf32>
        %mul3A_466 = arith.mulf %get3A_464, %mul3A_465 : vector<16xf32>
        %swap3A_467 = arith.index_cast %add3A_392 : i32 to index
        %swap3A_468 = arith.constant 96 : index
        %swap3A_469 = tpu.vector_load %arg16[%swap3A_467, %swap3A_468] {strides = array<i32>} : memref<80x128xf32, #tpu.memory_space<vmem>>, vector<1x16xf32>,
        %swap3A_470 = vector.shape_cast %swap3A_469 : vector<1x16xf32> to vector<16xf32>
        %swap3A_471 = vector.shape_cast %mul3A_466 : vector<16xf32> to vector<1x16xf32>
        tpu.vector_store %arg16[%swap3A_467, %swap3A_468], %swap3A_471 {strides = array<i32>} : memref<80x128xf32, #tpu.memory_space<vmem>>, vector<1x16xf32>,
        %get3A_472 = arith.index_cast %add3A_392 : i32 to index
        %get3A_473 = arith.constant 112 : index
        %get3A_474 = tpu.vector_load %arg15[%get3A_472, %get3A_473] {strides = array<i32>} : memref<80x128xf32, #tpu.memory_space<vmem>>, vector<1x16xf32>,
        %get3A_475 = vector.shape_cast %get3A_474 : vector<1x16xf32> to vector<16xf32>
        %mul3A_476 = vector.broadcast %squeeze3A_394 : f32 to vector<16xf32>
        %mul3A_477 = arith.mulf %get3A_475, %mul3A_476 : vector<16xf32>
        %swap3A_478 = arith.index_cast %add3A_392 : i32 to index
        %swap3A_479 = arith.constant 112 : index
        %swap3A_480 = tpu.vector_load %arg16[%swap3A_478, %swap3A_479] {strides = array<i32>} : memref<80x128xf32, #tpu.memory_space<vmem>>, vector<1x16xf32>,
        %swap3A_481 = vector.shape_cast %swap3A_480 : vector<1x16xf32> to vector<16xf32>
        %swap3A_482 = vector.shape_cast %mul3A_477 : vector<16xf32> to vector<1x16xf32>
        tpu.vector_store %arg16[%swap3A_478, %swap3A_479], %swap3A_482 {strides = array<i32>} : memref<80x128xf32, #tpu.memory_space<vmem>>, vector<1x16xf32>,
        %mul3A_483 = arith.constant 16 : i32
        %mul3A_484 = arith.muli %scan3A_196, %mul3A_483 : i32
        %add3A_485 = arith.constant 3 : i32
        %add3A_486 = arith.addi %mul3A_484, %add3A_485 : i32
        %slice3A_487 = vector.extract_strided_slice %get3A_202 {offsets = [3], sizes = [1], strides = [1]} : vector<16xf32> to vector<1xf32>
        %squeeze3A_488 = vector.extract %slice3A_487[0] : f32 from vector<1xf32>
        %get3A_489 = arith.index_cast %add3A_486 : i32 to index
        %get3A_490 = arith.constant 0 : index
        %get3A_491 = tpu.vector_load %arg15[%get3A_489, %get3A_490] {strides = array<i32>} : memref<80x128xf32, #tpu.memory_space<vmem>>, vector<1x16xf32>,
        %get3A_492 = vector.shape_cast %get3A_491 : vector<1x16xf32> to vector<16xf32>
        %mul3A_493 = vector.broadcast %squeeze3A_488 : f32 to vector<16xf32>
        %mul3A_494 = arith.mulf %get3A_492, %mul3A_493 : vector<16xf32>
        %swap3A_495 = arith.index_cast %add3A_486 : i32 to index
        %swap3A_496 = arith.constant 0 : index
        %swap3A_497 = tpu.vector_load %arg16[%swap3A_495, %swap3A_496] {strides = array<i32>} : memref<80x128xf32, #tpu.memory_space<vmem>>, vector<1x16xf32>,
        %swap3A_498 = vector.shape_cast %swap3A_497 : vector<1x16xf32> to vector<16xf32>
        %swap3A_499 = vector.shape_cast %mul3A_494 : vector<16xf32> to vector<1x16xf32>
        tpu.vector_store %arg16[%swap3A_495, %swap3A_496], %swap3A_499 {strides = array<i32>} : memref<80x128xf32, #tpu.memory_space<vmem>>, vector<1x16xf32>,
        %get3A_500 = arith.index_cast %add3A_486 : i32 to index
        %get3A_501 = arith.constant 16 : index
        %get3A_502 = tpu.vector_load %arg15[%get3A_500, %get3A_501] {strides = array<i32>} : memref<80x128xf32, #tpu.memory_space<vmem>>, vector<1x16xf32>,
        %get3A_503 = vector.shape_cast %get3A_502 : vector<1x16xf32> to vector<16xf32>
        %mul3A_504 = vector.broadcast %squeeze3A_488 : f32 to vector<16xf32>
        %mul3A_505 = arith.mulf %get3A_503, %mul3A_504 : vector<16xf32>
        %swap3A_506 = arith.index_cast %add3A_486 : i32 to index
        %swap3A_507 = arith.constant 16 : index
        %swap3A_508 = tpu.vector_load %arg16[%swap3A_506, %swap3A_507] {strides = array<i32>} : memref<80x128xf32, #tpu.memory_space<vmem>>, vector<1x16xf32>,
        %swap3A_509 = vector.shape_cast %swap3A_508 : vector<1x16xf32> to vector<16xf32>
        %swap3A_510 = vector.shape_cast %mul3A_505 : vector<16xf32> to vector<1x16xf32>
        tpu.vector_store %arg16[%swap3A_506, %swap3A_507], %swap3A_510 {strides = array<i32>} : memref<80x128xf32, #tpu.memory_space<vmem>>, vector<1x16xf32>,
        %get3A_511 = arith.index_cast %add3A_486 : i32 to index
        %get3A_512 = arith.constant 32 : index
        %get3A_513 = tpu.vector_load %arg15[%get3A_511, %get3A_512] {strides = array<i32>} : memref<80x128xf32, #tpu.memory_space<vmem>>, vector<1x16xf32>,
        %get3A_514 = vector.shape_cast %get3A_513 : vector<1x16xf32> to vector<16xf32>
        %mul3A_515 = vector.broadcast %squeeze3A_488 : f32 to vector<16xf32>
        %mul3A_516 = arith.mulf %get3A_514, %mul3A_515 : vector<16xf32>
        %swap3A_517 = arith.index_cast %add3A_486 : i32 to index
        %swap3A_518 = arith.constant 32 : index
        %swap3A_519 = tpu.vector_load %arg16[%swap3A_517, %swap3A_518] {strides = array<i32>} : memref<80x128xf32, #tpu.memory_space<vmem>>, vector<1x16xf32>,
        %swap3A_520 = vector.shape_cast %swap3A_519 : vector<1x16xf32> to vector<16xf32>
        %swap3A_521 = vector.shape_cast %mul3A_516 : vector<16xf32> to vector<1x16xf32>
        tpu.vector_store %arg16[%swap3A_517, %swap3A_518], %swap3A_521 {strides = array<i32>} : memref<80x128xf32, #tpu.memory_space<vmem>>, vector<1x16xf32>,
        %get3A_522 = arith.index_cast %add3A_486 : i32 to index
        %get3A_523 = arith.constant 48 : index
        %get3A_524 = tpu.vector_load %arg15[%get3A_522, %get3A_523] {strides = array<i32>} : memref<80x128xf32, #tpu.memory_space<vmem>>, vector<1x16xf32>,
        %get3A_525 = vector.shape_cast %get3A_524 : vector<1x16xf32> to vector<16xf32>
        %mul3A_526 = vector.broadcast %squeeze3A_488 : f32 to vector<16xf32>
        %mul3A_527 = arith.mulf %get3A_525, %mul3A_526 : vector<16xf32>
        %swap3A_528 = arith.index_cast %add3A_486 : i32 to index
        %swap3A_529 = arith.constant 48 : index
        %swap3A_530 = tpu.vector_load %arg16[%swap3A_528, %swap3A_529] {strides = array<i32>} : memref<80x128xf32, #tpu.memory_space<vmem>>, vector<1x16xf32>,
        %swap3A_531 = vector.shape_cast %swap3A_530 : vector<1x16xf32> to vector<16xf32>
        %swap3A_532 = vector.shape_cast %mul3A_527 : vector<16xf32> to vector<1x16xf32>
        tpu.vector_store %arg16[%swap3A_528, %swap3A_529], %swap3A_532 {strides = array<i32>} : memref<80x128xf32, #tpu.memory_space<vmem>>, vector<1x16xf32>,
        %get3A_533 = arith.index_cast %add3A_486 : i32 to index
        %get3A_534 = arith.constant 64 : index
        %get3A_535 = tpu.vector_load %arg15[%get3A_533, %get3A_534] {strides = array<i32>} : memref<80x128xf32, #tpu.memory_space<vmem>>, vector<1x16xf32>,
        %get3A_536 = vector.shape_cast %get3A_535 : vector<1x16xf32> to vector<16xf32>
        %mul3A_537 = vector.broadcast %squeeze3A_488 : f32 to vector<16xf32>
        %mul3A_538 = arith.mulf %get3A_536, %mul3A_537 : vector<16xf32>
        %swap3A_539 = arith.index_cast %add3A_486 : i32 to index
        %swap3A_540 = arith.constant 64 : index
        %swap3A_541 = tpu.vector_load %arg16[%swap3A_539, %swap3A_540] {strides = array<i32>} : memref<80x128xf32, #tpu.memory_space<vmem>>, vector<1x16xf32>,
        %swap3A_542 = vector.shape_cast %swap3A_541 : vector<1x16xf32> to vector<16xf32>
        %swap3A_543 = vector.shape_cast %mul3A_538 : vector<16xf32> to vector<1x16xf32>
        tpu.vector_store %arg16[%swap3A_539, %swap3A_540], %swap3A_543 {strides = array<i32>} : memref<80x128xf32, #tpu.memory_space<vmem>>, vector<1x16xf32>,
        %get3A_544 = arith.index_cast %add3A_486 : i32 to index
        %get3A_545 = arith.constant 80 : index
        %get3A_546 = tpu.vector_load %arg15[%get3A_544, %get3A_545] {strides = array<i32>} : memref<80x128xf32, #tpu.memory_space<vmem>>, vector<1x16xf32>,
        %get3A_547 = vector.shape_cast %get3A_546 : vector<1x16xf32> to vector<16xf32>
        %mul3A_548 = vector.broadcast %squeeze3A_488 : f32 to vector<16xf32>
        %mul3A_549 = arith.mulf %get3A_547, %mul3A_548 : vector<16xf32>
        %swap3A_550 = arith.index_cast %add3A_486 : i32 to index
        %swap3A_551 = arith.constant 80 : index
        %swap3A_552 = tpu.vector_load %arg16[%swap3A_550, %swap3A_551] {strides = array<i32>} : memref<80x128xf32, #tpu.memory_space<vmem>>, vector<1x16xf32>,
        %swap3A_553 = vector.shape_cast %swap3A_552 : vector<1x16xf32> to vector<16xf32>
        %swap3A_554 = vector.shape_cast %mul3A_549 : vector<16xf32> to vector<1x16xf32>
        tpu.vector_store %arg16[%swap3A_550, %swap3A_551], %swap3A_554 {strides = array<i32>} : memref<80x128xf32, #tpu.memory_space<vmem>>, vector<1x16xf32>,
        %get3A_555 = arith.index_cast %add3A_486 : i32 to index
        %get3A_556 = arith.constant 96 : index
        %get3A_557 = tpu.vector_load %arg15[%get3A_555, %get3A_556] {strides = array<i32>} : memref<80x128xf32, #tpu.memory_space<vmem>>, vector<1x16xf32>,
        %get3A_558 = vector.shape_cast %get3A_557 : vector<1x16xf32> to vector<16xf32>
        %mul3A_559 = vector.broadcast %squeeze3A_488 : f32 to vector<16xf32>
        %mul3A_560 = arith.mulf %get3A_558, %mul3A_559 : vector<16xf32>
        %swap3A_561 = arith.index_cast %add3A_486 : i32 to index
        %swap3A_562 = arith.constant 96 : index
        %swap3A_563 = tpu.vector_load %arg16[%swap3A_561, %swap3A_562] {strides = array<i32>} : memref<80x128xf32, #tpu.memory_space<vmem>>, vector<1x16xf32>,
        %swap3A_564 = vector.shape_cast %swap3A_563 : vector<1x16xf32> to vector<16xf32>
        %swap3A_565 = vector.shape_cast %mul3A_560 : vector<16xf32> to vector<1x16xf32>
        tpu.vector_store %arg16[%swap3A_561, %swap3A_562], %swap3A_565 {strides = array<i32>} : memref<80x128xf32, #tpu.memory_space<vmem>>, vector<1x16xf32>,
        %get3A_566 = arith.index_cast %add3A_486 : i32 to index
        %get3A_567 = arith.constant 112 : index
        %get3A_568 = tpu.vector_load %arg15[%get3A_566, %get3A_567] {strides = array<i32>} : memref<80x128xf32, #tpu.memory_space<vmem>>, vector<1x16xf32>,
        %get3A_569 = vector.shape_cast %get3A_568 : vector<1x16xf32> to vector<16xf32>
        %mul3A_570 = vector.broadcast %squeeze3A_488 : f32 to vector<16xf32>
        %mul3A_571 = arith.mulf %get3A_569, %mul3A_570 : vector<16xf32>
        %swap3A_572 = arith.index_cast %add3A_486 : i32 to index
        %swap3A_573 = arith.constant 112 : index
        %swap3A_574 = tpu.vector_load %arg16[%swap3A_572, %swap3A_573] {strides = array<i32>} : memref<80x128xf32, #tpu.memory_space<vmem>>, vector<1x16xf32>,
        %swap3A_575 = vector.shape_cast %swap3A_574 : vector<1x16xf32> to vector<16xf32>
        %swap3A_576 = vector.shape_cast %mul3A_571 : vector<16xf32> to vector<1x16xf32>
        tpu.vector_store %arg16[%swap3A_572, %swap3A_573], %swap3A_576 {strides = array<i32>} : memref<80x128xf32, #tpu.memory_space<vmem>>, vector<1x16xf32>,
        %mul3A_577 = arith.constant 16 : i32
        %mul3A_578 = arith.muli %scan3A_196, %mul3A_577 : i32
        %add3A_579 = arith.constant 4 : i32
        %add3A_580 = arith.addi %mul3A_578, %add3A_579 : i32
        %slice3A_581 = vector.extract_strided_slice %get3A_202 {offsets = [4], sizes = [1], strides = [1]} : vector<16xf32> to vector<1xf32>
        %squeeze3A_582 = vector.extract %slice3A_581[0] : f32 from vector<1xf32>
        %get3A_583 = arith.index_cast %add3A_580 : i32 to index
        %get3A_584 = arith.constant 0 : index
        %get3A_585 = tpu.vector_load %arg15[%get3A_583, %get3A_584] {strides = array<i32>} : memref<80x128xf32, #tpu.memory_space<vmem>>, vector<1x16xf32>,
        %get3A_586 = vector.shape_cast %get3A_585 : vector<1x16xf32> to vector<16xf32>
        %mul3A_587 = vector.broadcast %squeeze3A_582 : f32 to vector<16xf32>
        %mul3A_588 = arith.mulf %get3A_586, %mul3A_587 : vector<16xf32>
        %swap3A_589 = arith.index_cast %add3A_580 : i32 to index
        %swap3A_590 = arith.constant 0 : index
        %swap3A_591 = tpu.vector_load %arg16[%swap3A_589, %swap3A_590] {strides = array<i32>} : memref<80x128xf32, #tpu.memory_space<vmem>>, vector<1x16xf32>,
        %swap3A_592 = vector.shape_cast %swap3A_591 : vector<1x16xf32> to vector<16xf32>
        %swap3A_593 = vector.shape_cast %mul3A_588 : vector<16xf32> to vector<1x16xf32>
        tpu.vector_store %arg16[%swap3A_589, %swap3A_590], %swap3A_593 {strides = array<i32>} : memref<80x128xf32, #tpu.memory_space<vmem>>, vector<1x16xf32>,
        %get3A_594 = arith.index_cast %add3A_580 : i32 to index
        %get3A_595 = arith.constant 16 : index
        %get3A_596 = tpu.vector_load %arg15[%get3A_594, %get3A_595] {strides = array<i32>} : memref<80x128xf32, #tpu.memory_space<vmem>>, vector<1x16xf32>,
        %get3A_597 = vector.shape_cast %get3A_596 : vector<1x16xf32> to vector<16xf32>
        %mul3A_598 = vector.broadcast %squeeze3A_582 : f32 to vector<16xf32>
        %mul3A_599 = arith.mulf %get3A_597, %mul3A_598 : vector<16xf32>
        %swap3A_600 = arith.index_cast %add3A_580 : i32 to index
        %swap3A_601 = arith.constant 16 : index
        %swap3A_602 = tpu.vector_load %arg16[%swap3A_600, %swap3A_601] {strides = array<i32>} : memref<80x128xf32, #tpu.memory_space<vmem>>, vector<1x16xf32>,
        %swap3A_603 = vector.shape_cast %swap3A_602 : vector<1x16xf32> to vector<16xf32>
        %swap3A_604 = vector.shape_cast %mul3A_599 : vector<16xf32> to vector<1x16xf32>
        tpu.vector_store %arg16[%swap3A_600, %swap3A_601], %swap3A_604 {strides = array<i32>} : memref<80x128xf32, #tpu.memory_space<vmem>>, vector<1x16xf32>,
        %get3A_605 = arith.index_cast %add3A_580 : i32 to index
        %get3A_606 = arith.constant 32 : index
        %get3A_607 = tpu.vector_load %arg15[%get3A_605, %get3A_606] {strides = array<i32>} : memref<80x128xf32, #tpu.memory_space<vmem>>, vector<1x16xf32>,
        %get3A_608 = vector.shape_cast %get3A_607 : vector<1x16xf32> to vector<16xf32>
        %mul3A_609 = vector.broadcast %squeeze3A_582 : f32 to vector<16xf32>
        %mul3A_610 = arith.mulf %get3A_608, %mul3A_609 : vector<16xf32>
        %swap3A_611 = arith.index_cast %add3A_580 : i32 to index
        %swap3A_612 = arith.constant 32 : index
        %swap3A_613 = tpu.vector_load %arg16[%swap3A_611, %swap3A_612] {strides = array<i32>} : memref<80x128xf32, #tpu.memory_space<vmem>>, vector<1x16xf32>,
        %swap3A_614 = vector.shape_cast %swap3A_613 : vector<1x16xf32> to vector<16xf32>
        %swap3A_615 = vector.shape_cast %mul3A_610 : vector<16xf32> to vector<1x16xf32>
        tpu.vector_store %arg16[%swap3A_611, %swap3A_612], %swap3A_615 {strides = array<i32>} : memref<80x128xf32, #tpu.memory_space<vmem>>, vector<1x16xf32>,
        %get3A_616 = arith.index_cast %add3A_580 : i32 to index
        %get3A_617 = arith.constant 48 : index
        %get3A_618 = tpu.vector_load %arg15[%get3A_616, %get3A_617] {strides = array<i32>} : memref<80x128xf32, #tpu.memory_space<vmem>>, vector<1x16xf32>,
        %get3A_619 = vector.shape_cast %get3A_618 : vector<1x16xf32> to vector<16xf32>
        %mul3A_620 = vector.broadcast %squeeze3A_582 : f32 to vector<16xf32>
        %mul3A_621 = arith.mulf %get3A_619, %mul3A_620 : vector<16xf32>
        %swap3A_622 = arith.index_cast %add3A_580 : i32 to index
        %swap3A_623 = arith.constant 48 : index
        %swap3A_624 = tpu.vector_load %arg16[%swap3A_622, %swap3A_623] {strides = array<i32>} : memref<80x128xf32, #tpu.memory_space<vmem>>, vector<1x16xf32>,
        %swap3A_625 = vector.shape_cast %swap3A_624 : vector<1x16xf32> to vector<16xf32>
        %swap3A_626 = vector.shape_cast %mul3A_621 : vector<16xf32> to vector<1x16xf32>
        tpu.vector_store %arg16[%swap3A_622, %swap3A_623], %swap3A_626 {strides = array<i32>} : memref<80x128xf32, #tpu.memory_space<vmem>>, vector<1x16xf32>,
        %get3A_627 = arith.index_cast %add3A_580 : i32 to index
        %get3A_628 = arith.constant 64 : index
        %get3A_629 = tpu.vector_load %arg15[%get3A_627, %get3A_628] {strides = array<i32>} : memref<80x128xf32, #tpu.memory_space<vmem>>, vector<1x16xf32>,
        %get3A_630 = vector.shape_cast %get3A_629 : vector<1x16xf32> to vector<16xf32>
        %mul3A_631 = vector.broadcast %squeeze3A_582 : f32 to vector<16xf32>
        %mul3A_632 = arith.mulf %get3A_630, %mul3A_631 : vector<16xf32>
        %swap3A_633 = arith.index_cast %add3A_580 : i32 to index
        %swap3A_634 = arith.constant 64 : index
        %swap3A_635 = tpu.vector_load %arg16[%swap3A_633, %swap3A_634] {strides = array<i32>} : memref<80x128xf32, #tpu.memory_space<vmem>>, vector<1x16xf32>,
        %swap3A_636 = vector.shape_cast %swap3A_635 : vector<1x16xf32> to vector<16xf32>
        %swap3A_637 = vector.shape_cast %mul3A_632 : vector<16xf32> to vector<1x16xf32>
        tpu.vector_store %arg16[%swap3A_633, %swap3A_634], %swap3A_637 {strides = array<i32>} : memref<80x128xf32, #tpu.memory_space<vmem>>, vector<1x16xf32>,
        %get3A_638 = arith.index_cast %add3A_580 : i32 to index
        %get3A_639 = arith.constant 80 : index
        %get3A_640 = tpu.vector_load %arg15[%get3A_638, %get3A_639] {strides = array<i32>} : memref<80x128xf32, #tpu.memory_space<vmem>>, vector<1x16xf32>,
        %get3A_641 = vector.shape_cast %get3A_640 : vector<1x16xf32> to vector<16xf32>
        %mul3A_642 = vector.broadcast %squeeze3A_582 : f32 to vector<16xf32>
        %mul3A_643 = arith.mulf %get3A_641, %mul3A_642 : vector<16xf32>
        %swap3A_644 = arith.index_cast %add3A_580 : i32 to index
        %swap3A_645 = arith.constant 80 : index
        %swap3A_646 = tpu.vector_load %arg16[%swap3A_644, %swap3A_645] {strides = array<i32>} : memref<80x128xf32, #tpu.memory_space<vmem>>, vector<1x16xf32>,
        %swap3A_647 = vector.shape_cast %swap3A_646 : vector<1x16xf32> to vector<16xf32>
        %swap3A_648 = vector.shape_cast %mul3A_643 : vector<16xf32> to vector<1x16xf32>
        tpu.vector_store %arg16[%swap3A_644, %swap3A_645], %swap3A_648 {strides = array<i32>} : memref<80x128xf32, #tpu.memory_space<vmem>>, vector<1x16xf32>,
        %get3A_649 = arith.index_cast %add3A_580 : i32 to index
        %get3A_650 = arith.constant 96 : index
        %get3A_651 = tpu.vector_load %arg15[%get3A_649, %get3A_650] {strides = array<i32>} : memref<80x128xf32, #tpu.memory_space<vmem>>, vector<1x16xf32>,
        %get3A_652 = vector.shape_cast %get3A_651 : vector<1x16xf32> to vector<16xf32>
        %mul3A_653 = vector.broadcast %squeeze3A_582 : f32 to vector<16xf32>
        %mul3A_654 = arith.mulf %get3A_652, %mul3A_653 : vector<16xf32>
        %swap3A_655 = arith.index_cast %add3A_580 : i32 to index
        %swap3A_656 = arith.constant 96 : index
        %swap3A_657 = tpu.vector_load %arg16[%swap3A_655, %swap3A_656] {strides = array<i32>} : memref<80x128xf32, #tpu.memory_space<vmem>>, vector<1x16xf32>,
        %swap3A_658 = vector.shape_cast %swap3A_657 : vector<1x16xf32> to vector<16xf32>
        %swap3A_659 = vector.shape_cast %mul3A_654 : vector<16xf32> to vector<1x16xf32>
        tpu.vector_store %arg16[%swap3A_655, %swap3A_656], %swap3A_659 {strides = array<i32>} : memref<80x128xf32, #tpu.memory_space<vmem>>, vector<1x16xf32>,
        %get3A_660 = arith.index_cast %add3A_580 : i32 to index
        %get3A_661 = arith.constant 112 : index
        %get3A_662 = tpu.vector_load %arg15[%get3A_660, %get3A_661] {strides = array<i32>} : memref<80x128xf32, #tpu.memory_space<vmem>>, vector<1x16xf32>,
        %get3A_663 = vector.shape_cast %get3A_662 : vector<1x16xf32> to vector<16xf32>
        %mul3A_664 = vector.broadcast %squeeze3A_582 : f32 to vector<16xf32>
        %mul3A_665 = arith.mulf %get3A_663, %mul3A_664 : vector<16xf32>
        %swap3A_666 = arith.index_cast %add3A_580 : i32 to index
        %swap3A_667 = arith.constant 112 : index
        %swap3A_668 = tpu.vector_load %arg16[%swap3A_666, %swap3A_667] {strides = array<i32>} : memref<80x128xf32, #tpu.memory_space<vmem>>, vector<1x16xf32>,
        %swap3A_669 = vector.shape_cast %swap3A_668 : vector<1x16xf32> to vector<16xf32>
        %swap3A_670 = vector.shape_cast %mul3A_665 : vector<16xf32> to vector<1x16xf32>
        tpu.vector_store %arg16[%swap3A_666, %swap3A_667], %swap3A_670 {strides = array<i32>} : memref<80x128xf32, #tpu.memory_space<vmem>>, vector<1x16xf32>,
        %mul3A_671 = arith.constant 16 : i32
        %mul3A_672 = arith.muli %scan3A_196, %mul3A_671 : i32
        %add3A_673 = arith.constant 5 : i32
        %add3A_674 = arith.addi %mul3A_672, %add3A_673 : i32
        %slice3A_675 = vector.extract_strided_slice %get3A_202 {offsets = [5], sizes = [1], strides = [1]} : vector<16xf32> to vector<1xf32>
        %squeeze3A_676 = vector.extract %slice3A_675[0] : f32 from vector<1xf32>
        %get3A_677 = arith.index_cast %add3A_674 : i32 to index
        %get3A_678 = arith.constant 0 : index
        %get3A_679 = tpu.vector_load %arg15[%get3A_677, %get3A_678] {strides = array<i32>} : memref<80x128xf32, #tpu.memory_space<vmem>>, vector<1x16xf32>,
        %get3A_680 = vector.shape_cast %get3A_679 : vector<1x16xf32> to vector<16xf32>
        %mul3A_681 = vector.broadcast %squeeze3A_676 : f32 to vector<16xf32>
        %mul3A_682 = arith.mulf %get3A_680, %mul3A_681 : vector<16xf32>
        %swap3A_683 = arith.index_cast %add3A_674 : i32 to index
        %swap3A_684 = arith.constant 0 : index
        %swap3A_685 = tpu.vector_load %arg16[%swap3A_683, %swap3A_684] {strides = array<i32>} : memref<80x128xf32, #tpu.memory_space<vmem>>, vector<1x16xf32>,
        %swap3A_686 = vector.shape_cast %swap3A_685 : vector<1x16xf32> to vector<16xf32>
        %swap3A_687 = vector.shape_cast %mul3A_682 : vector<16xf32> to vector<1x16xf32>
        tpu.vector_store %arg16[%swap3A_683, %swap3A_684], %swap3A_687 {strides = array<i32>} : memref<80x128xf32, #tpu.memory_space<vmem>>, vector<1x16xf32>,
        %get3A_688 = arith.index_cast %add3A_674 : i32 to index
        %get3A_689 = arith.constant 16 : index
        %get3A_690 = tpu.vector_load %arg15[%get3A_688, %get3A_689] {strides = array<i32>} : memref<80x128xf32, #tpu.memory_space<vmem>>, vector<1x16xf32>,
        %get3A_691 = vector.shape_cast %get3A_690 : vector<1x16xf32> to vector<16xf32>
        %mul3A_692 = vector.broadcast %squeeze3A_676 : f32 to vector<16xf32>
        %mul3A_693 = arith.mulf %get3A_691, %mul3A_692 : vector<16xf32>
        %swap3A_694 = arith.index_cast %add3A_674 : i32 to index
        %swap3A_695 = arith.constant 16 : index
        %swap3A_696 = tpu.vector_load %arg16[%swap3A_694, %swap3A_695] {strides = array<i32>} : memref<80x128xf32, #tpu.memory_space<vmem>>, vector<1x16xf32>,
        %swap3A_697 = vector.shape_cast %swap3A_696 : vector<1x16xf32> to vector<16xf32>
        %swap3A_698 = vector.shape_cast %mul3A_693 : vector<16xf32> to vector<1x16xf32>
        tpu.vector_store %arg16[%swap3A_694, %swap3A_695], %swap3A_698 {strides = array<i32>} : memref<80x128xf32, #tpu.memory_space<vmem>>, vector<1x16xf32>,
        %get3A_699 = arith.index_cast %add3A_674 : i32 to index
        %get3A_700 = arith.constant 32 : index
        %get3A_701 = tpu.vector_load %arg15[%get3A_699, %get3A_700] {strides = array<i32>} : memref<80x128xf32, #tpu.memory_space<vmem>>, vector<1x16xf32>,
        %get3A_702 = vector.shape_cast %get3A_701 : vector<1x16xf32> to vector<16xf32>
        %mul3A_703 = vector.broadcast %squeeze3A_676 : f32 to vector<16xf32>
        %mul3A_704 = arith.mulf %get3A_702, %mul3A_703 : vector<16xf32>
        %swap3A_705 = arith.index_cast %add3A_674 : i32 to index
        %swap3A_706 = arith.constant 32 : index
        %swap3A_707 = tpu.vector_load %arg16[%swap3A_705, %swap3A_706] {strides = array<i32>} : memref<80x128xf32, #tpu.memory_space<vmem>>, vector<1x16xf32>,
        %swap3A_708 = vector.shape_cast %swap3A_707 : vector<1x16xf32> to vector<16xf32>
        %swap3A_709 = vector.shape_cast %mul3A_704 : vector<16xf32> to vector<1x16xf32>
        tpu.vector_store %arg16[%swap3A_705, %swap3A_706], %swap3A_709 {strides = array<i32>} : memref<80x128xf32, #tpu.memory_space<vmem>>, vector<1x16xf32>,
        %get3A_710 = arith.index_cast %add3A_674 : i32 to index
        %get3A_711 = arith.constant 48 : index
        %get3A_712 = tpu.vector_load %arg15[%get3A_710, %get3A_711] {strides = array<i32>} : memref<80x128xf32, #tpu.memory_space<vmem>>, vector<1x16xf32>,
        %get3A_713 = vector.shape_cast %get3A_712 : vector<1x16xf32> to vector<16xf32>
        %mul3A_714 = vector.broadcast %squeeze3A_676 : f32 to vector<16xf32>
        %mul3A_715 = arith.mulf %get3A_713, %mul3A_714 : vector<16xf32>
        %swap3A_716 = arith.index_cast %add3A_674 : i32 to index
        %swap3A_717 = arith.constant 48 : index
        %swap3A_718 = tpu.vector_load %arg16[%swap3A_716, %swap3A_717] {strides = array<i32>} : memref<80x128xf32, #tpu.memory_space<vmem>>, vector<1x16xf32>,
        %swap3A_719 = vector.shape_cast %swap3A_718 : vector<1x16xf32> to vector<16xf32>
        %swap3A_720 = vector.shape_cast %mul3A_715 : vector<16xf32> to vector<1x16xf32>
        tpu.vector_store %arg16[%swap3A_716, %swap3A_717], %swap3A_720 {strides = array<i32>} : memref<80x128xf32, #tpu.memory_space<vmem>>, vector<1x16xf32>,
        %get3A_721 = arith.index_cast %add3A_674 : i32 to index
        %get3A_722 = arith.constant 64 : index
        %get3A_723 = tpu.vector_load %arg15[%get3A_721, %get3A_722] {strides = array<i32>} : memref<80x128xf32, #tpu.memory_space<vmem>>, vector<1x16xf32>,
        %get3A_724 = vector.shape_cast %get3A_723 : vector<1x16xf32> to vector<16xf32>
        %mul3A_725 = vector.broadcast %squeeze3A_676 : f32 to vector<16xf32>
        %mul3A_726 = arith.mulf %get3A_724, %mul3A_725 : vector<16xf32>
        %swap3A_727 = arith.index_cast %add3A_674 : i32 to index
        %swap3A_728 = arith.constant 64 : index
        %swap3A_729 = tpu.vector_load %arg16[%swap3A_727, %swap3A_728] {strides = array<i32>} : memref<80x128xf32, #tpu.memory_space<vmem>>, vector<1x16xf32>,
        %swap3A_730 = vector.shape_cast %swap3A_729 : vector<1x16xf32> to vector<16xf32>
        %swap3A_731 = vector.shape_cast %mul3A_726 : vector<16xf32> to vector<1x16xf32>
        tpu.vector_store %arg16[%swap3A_727, %swap3A_728], %swap3A_731 {strides = array<i32>} : memref<80x128xf32, #tpu.memory_space<vmem>>, vector<1x16xf32>,
        %get3A_732 = arith.index_cast %add3A_674 : i32 to index
        %get3A_733 = arith.constant 80 : index
        %get3A_734 = tpu.vector_load %arg15[%get3A_732, %get3A_733] {strides = array<i32>} : memref<80x128xf32, #tpu.memory_space<vmem>>, vector<1x16xf32>,
        %get3A_735 = vector.shape_cast %get3A_734 : vector<1x16xf32> to vector<16xf32>
        %mul3A_736 = vector.broadcast %squeeze3A_676 : f32 to vector<16xf32>
        %mul3A_737 = arith.mulf %get3A_735, %mul3A_736 : vector<16xf32>
        %swap3A_738 = arith.index_cast %add3A_674 : i32 to index
        %swap3A_739 = arith.constant 80 : index
        %swap3A_740 = tpu.vector_load %arg16[%swap3A_738, %swap3A_739] {strides = array<i32>} : memref<80x128xf32, #tpu.memory_space<vmem>>, vector<1x16xf32>,
        %swap3A_741 = vector.shape_cast %swap3A_740 : vector<1x16xf32> to vector<16xf32>
        %swap3A_742 = vector.shape_cast %mul3A_737 : vector<16xf32> to vector<1x16xf32>
        tpu.vector_store %arg16[%swap3A_738, %swap3A_739], %swap3A_742 {strides = array<i32>} : memref<80x128xf32, #tpu.memory_space<vmem>>, vector<1x16xf32>,
        %get3A_743 = arith.index_cast %add3A_674 : i32 to index
        %get3A_744 = arith.constant 96 : index
        %get3A_745 = tpu.vector_load %arg15[%get3A_743, %get3A_744] {strides = array<i32>} : memref<80x128xf32, #tpu.memory_space<vmem>>, vector<1x16xf32>,
        %get3A_746 = vector.shape_cast %get3A_745 : vector<1x16xf32> to vector<16xf32>
        %mul3A_747 = vector.broadcast %squeeze3A_676 : f32 to vector<16xf32>
        %mul3A_748 = arith.mulf %get3A_746, %mul3A_747 : vector<16xf32>
        %swap3A_749 = arith.index_cast %add3A_674 : i32 to index
        %swap3A_750 = arith.constant 96 : index
        %swap3A_751 = tpu.vector_load %arg16[%swap3A_749, %swap3A_750] {strides = array<i32>} : memref<80x128xf32, #tpu.memory_space<vmem>>, vector<1x16xf32>,
        %swap3A_752 = vector.shape_cast %swap3A_751 : vector<1x16xf32> to vector<16xf32>
        %swap3A_753 = vector.shape_cast %mul3A_748 : vector<16xf32> to vector<1x16xf32>
        tpu.vector_store %arg16[%swap3A_749, %swap3A_750], %swap3A_753 {strides = array<i32>} : memref<80x128xf32, #tpu.memory_space<vmem>>, vector<1x16xf32>,
        %get3A_754 = arith.index_cast %add3A_674 : i32 to index
        %get3A_755 = arith.constant 112 : index
        %get3A_756 = tpu.vector_load %arg15[%get3A_754, %get3A_755] {strides = array<i32>} : memref<80x128xf32, #tpu.memory_space<vmem>>, vector<1x16xf32>,
        %get3A_757 = vector.shape_cast %get3A_756 : vector<1x16xf32> to vector<16xf32>
        %mul3A_758 = vector.broadcast %squeeze3A_676 : f32 to vector<16xf32>
        %mul3A_759 = arith.mulf %get3A_757, %mul3A_758 : vector<16xf32>
        %swap3A_760 = arith.index_cast %add3A_674 : i32 to index
        %swap3A_761 = arith.constant 112 : index
        %swap3A_762 = tpu.vector_load %arg16[%swap3A_760, %swap3A_761] {strides = array<i32>} : memref<80x128xf32, #tpu.memory_space<vmem>>, vector<1x16xf32>,
        %swap3A_763 = vector.shape_cast %swap3A_762 : vector<1x16xf32> to vector<16xf32>
        %swap3A_764 = vector.shape_cast %mul3A_759 : vector<16xf32> to vector<1x16xf32>
        tpu.vector_store %arg16[%swap3A_760, %swap3A_761], %swap3A_764 {strides = array<i32>} : memref<80x128xf32, #tpu.memory_space<vmem>>, vector<1x16xf32>,
        %mul3A_765 = arith.constant 16 : i32
        %mul3A_766 = arith.muli %scan3A_196, %mul3A_765 : i32
        %add3A_767 = arith.constant 6 : i32
        %add3A_768 = arith.addi %mul3A_766, %add3A_767 : i32
        %slice3A_769 = vector.extract_strided_slice %get3A_202 {offsets = [6], sizes = [1], strides = [1]} : vector<16xf32> to vector<1xf32>
        %squeeze3A_770 = vector.extract %slice3A_769[0] : f32 from vector<1xf32>
        %get3A_771 = arith.index_cast %add3A_768 : i32 to index
        %get3A_772 = arith.constant 0 : index
        %get3A_773 = tpu.vector_load %arg15[%get3A_771, %get3A_772] {strides = array<i32>} : memref<80x128xf32, #tpu.memory_space<vmem>>, vector<1x16xf32>,
        %get3A_774 = vector.shape_cast %get3A_773 : vector<1x16xf32> to vector<16xf32>
        %mul3A_775 = vector.broadcast %squeeze3A_770 : f32 to vector<16xf32>
        %mul3A_776 = arith.mulf %get3A_774, %mul3A_775 : vector<16xf32>
        %swap3A_777 = arith.index_cast %add3A_768 : i32 to index
        %swap3A_778 = arith.constant 0 : index
        %swap3A_779 = tpu.vector_load %arg16[%swap3A_777, %swap3A_778] {strides = array<i32>} : memref<80x128xf32, #tpu.memory_space<vmem>>, vector<1x16xf32>,
        %swap3A_780 = vector.shape_cast %swap3A_779 : vector<1x16xf32> to vector<16xf32>
        %swap3A_781 = vector.shape_cast %mul3A_776 : vector<16xf32> to vector<1x16xf32>
        tpu.vector_store %arg16[%swap3A_777, %swap3A_778], %swap3A_781 {strides = array<i32>} : memref<80x128xf32, #tpu.memory_space<vmem>>, vector<1x16xf32>,
        %get3A_782 = arith.index_cast %add3A_768 : i32 to index
        %get3A_783 = arith.constant 16 : index
        %get3A_784 = tpu.vector_load %arg15[%get3A_782, %get3A_783] {strides = array<i32>} : memref<80x128xf32, #tpu.memory_space<vmem>>, vector<1x16xf32>,
        %get3A_785 = vector.shape_cast %get3A_784 : vector<1x16xf32> to vector<16xf32>
        %mul3A_786 = vector.broadcast %squeeze3A_770 : f32 to vector<16xf32>
        %mul3A_787 = arith.mulf %get3A_785, %mul3A_786 : vector<16xf32>
        %swap3A_788 = arith.index_cast %add3A_768 : i32 to index
        %swap3A_789 = arith.constant 16 : index
        %swap3A_790 = tpu.vector_load %arg16[%swap3A_788, %swap3A_789] {strides = array<i32>} : memref<80x128xf32, #tpu.memory_space<vmem>>, vector<1x16xf32>,
        %swap3A_791 = vector.shape_cast %swap3A_790 : vector<1x16xf32> to vector<16xf32>
        %swap3A_792 = vector.shape_cast %mul3A_787 : vector<16xf32> to vector<1x16xf32>
        tpu.vector_store %arg16[%swap3A_788, %swap3A_789], %swap3A_792 {strides = array<i32>} : memref<80x128xf32, #tpu.memory_space<vmem>>, vector<1x16xf32>,
        %get3A_793 = arith.index_cast %add3A_768 : i32 to index
        %get3A_794 = arith.constant 32 : index
        %get3A_795 = tpu.vector_load %arg15[%get3A_793, %get3A_794] {strides = array<i32>} : memref<80x128xf32, #tpu.memory_space<vmem>>, vector<1x16xf32>,
        %get3A_796 = vector.shape_cast %get3A_795 : vector<1x16xf32> to vector<16xf32>
        %mul3A_797 = vector.broadcast %squeeze3A_770 : f32 to vector<16xf32>
        %mul3A_798 = arith.mulf %get3A_796, %mul3A_797 : vector<16xf32>
        %swap3A_799 = arith.index_cast %add3A_768 : i32 to index
        %swap3A_800 = arith.constant 32 : index
        %swap3A_801 = tpu.vector_load %arg16[%swap3A_799, %swap3A_800] {strides = array<i32>} : memref<80x128xf32, #tpu.memory_space<vmem>>, vector<1x16xf32>,
        %swap3A_802 = vector.shape_cast %swap3A_801 : vector<1x16xf32> to vector<16xf32>
        %swap3A_803 = vector.shape_cast %mul3A_798 : vector<16xf32> to vector<1x16xf32>
        tpu.vector_store %arg16[%swap3A_799, %swap3A_800], %swap3A_803 {strides = array<i32>} : memref<80x128xf32, #tpu.memory_space<vmem>>, vector<1x16xf32>,
        %get3A_804 = arith.index_cast %add3A_768 : i32 to index
        %get3A_805 = arith.constant 48 : index
        %get3A_806 = tpu.vector_load %arg15[%get3A_804, %get3A_805] {strides = array<i32>} : memref<80x128xf32, #tpu.memory_space<vmem>>, vector<1x16xf32>,
        %get3A_807 = vector.shape_cast %get3A_806 : vector<1x16xf32> to vector<16xf32>
        %mul3A_808 = vector.broadcast %squeeze3A_770 : f32 to vector<16xf32>
        %mul3A_809 = arith.mulf %get3A_807, %mul3A_808 : vector<16xf32>
        %swap3A_810 = arith.index_cast %add3A_768 : i32 to index
        %swap3A_811 = arith.constant 48 : index
        %swap3A_812 = tpu.vector_load %arg16[%swap3A_810, %swap3A_811] {strides = array<i32>} : memref<80x128xf32, #tpu.memory_space<vmem>>, vector<1x16xf32>,
        %swap3A_813 = vector.shape_cast %swap3A_812 : vector<1x16xf32> to vector<16xf32>
        %swap3A_814 = vector.shape_cast %mul3A_809 : vector<16xf32> to vector<1x16xf32>
        tpu.vector_store %arg16[%swap3A_810, %swap3A_811], %swap3A_814 {strides = array<i32>} : memref<80x128xf32, #tpu.memory_space<vmem>>, vector<1x16xf32>,
        %get3A_815 = arith.index_cast %add3A_768 : i32 to index
        %get3A_816 = arith.constant 64 : index
        %get3A_817 = tpu.vector_load %arg15[%get3A_815, %get3A_816] {strides = array<i32>} : memref<80x128xf32, #tpu.memory_space<vmem>>, vector<1x16xf32>,
        %get3A_818 = vector.shape_cast %get3A_817 : vector<1x16xf32> to vector<16xf32>
        %mul3A_819 = vector.broadcast %squeeze3A_770 : f32 to vector<16xf32>
        %mul3A_820 = arith.mulf %get3A_818, %mul3A_819 : vector<16xf32>
        %swap3A_821 = arith.index_cast %add3A_768 : i32 to index
        %swap3A_822 = arith.constant 64 : index
        %swap3A_823 = tpu.vector_load %arg16[%swap3A_821, %swap3A_822] {strides = array<i32>} : memref<80x128xf32, #tpu.memory_space<vmem>>, vector<1x16xf32>,
        %swap3A_824 = vector.shape_cast %swap3A_823 : vector<1x16xf32> to vector<16xf32>
        %swap3A_825 = vector.shape_cast %mul3A_820 : vector<16xf32> to vector<1x16xf32>
        tpu.vector_store %arg16[%swap3A_821, %swap3A_822], %swap3A_825 {strides = array<i32>} : memref<80x128xf32, #tpu.memory_space<vmem>>, vector<1x16xf32>,
        %get3A_826 = arith.index_cast %add3A_768 : i32 to index
        %get3A_827 = arith.constant 80 : index
        %get3A_828 = tpu.vector_load %arg15[%get3A_826, %get3A_827] {strides = array<i32>} : memref<80x128xf32, #tpu.memory_space<vmem>>, vector<1x16xf32>,
        %get3A_829 = vector.shape_cast %get3A_828 : vector<1x16xf32> to vector<16xf32>
        %mul3A_830 = vector.broadcast %squeeze3A_770 : f32 to vector<16xf32>
        %mul3A_831 = arith.mulf %get3A_829, %mul3A_830 : vector<16xf32>
        %swap3A_832 = arith.index_cast %add3A_768 : i32 to index
        %swap3A_833 = arith.constant 80 : index
        %swap3A_834 = tpu.vector_load %arg16[%swap3A_832, %swap3A_833] {strides = array<i32>} : memref<80x128xf32, #tpu.memory_space<vmem>>, vector<1x16xf32>,
        %swap3A_835 = vector.shape_cast %swap3A_834 : vector<1x16xf32> to vector<16xf32>
        %swap3A_836 = vector.shape_cast %mul3A_831 : vector<16xf32> to vector<1x16xf32>
        tpu.vector_store %arg16[%swap3A_832, %swap3A_833], %swap3A_836 {strides = array<i32>} : memref<80x128xf32, #tpu.memory_space<vmem>>, vector<1x16xf32>,
        %get3A_837 = arith.index_cast %add3A_768 : i32 to index
        %get3A_838 = arith.constant 96 : index
        %get3A_839 = tpu.vector_load %arg15[%get3A_837, %get3A_838] {strides = array<i32>} : memref<80x128xf32, #tpu.memory_space<vmem>>, vector<1x16xf32>,
        %get3A_840 = vector.shape_cast %get3A_839 : vector<1x16xf32> to vector<16xf32>
        %mul3A_841 = vector.broadcast %squeeze3A_770 : f32 to vector<16xf32>
        %mul3A_842 = arith.mulf %get3A_840, %mul3A_841 : vector<16xf32>
        %swap3A_843 = arith.index_cast %add3A_768 : i32 to index
        %swap3A_844 = arith.constant 96 : index
        %swap3A_845 = tpu.vector_load %arg16[%swap3A_843, %swap3A_844] {strides = array<i32>} : memref<80x128xf32, #tpu.memory_space<vmem>>, vector<1x16xf32>,
        %swap3A_846 = vector.shape_cast %swap3A_845 : vector<1x16xf32> to vector<16xf32>
        %swap3A_847 = vector.shape_cast %mul3A_842 : vector<16xf32> to vector<1x16xf32>
        tpu.vector_store %arg16[%swap3A_843, %swap3A_844], %swap3A_847 {strides = array<i32>} : memref<80x128xf32, #tpu.memory_space<vmem>>, vector<1x16xf32>,
        %get3A_848 = arith.index_cast %add3A_768 : i32 to index
        %get3A_849 = arith.constant 112 : index
        %get3A_850 = tpu.vector_load %arg15[%get3A_848, %get3A_849] {strides = array<i32>} : memref<80x128xf32, #tpu.memory_space<vmem>>, vector<1x16xf32>,
        %get3A_851 = vector.shape_cast %get3A_850 : vector<1x16xf32> to vector<16xf32>
        %mul3A_852 = vector.broadcast %squeeze3A_770 : f32 to vector<16xf32>
        %mul3A_853 = arith.mulf %get3A_851, %mul3A_852 : vector<16xf32>
        %swap3A_854 = arith.index_cast %add3A_768 : i32 to index
        %swap3A_855 = arith.constant 112 : index
        %swap3A_856 = tpu.vector_load %arg16[%swap3A_854, %swap3A_855] {strides = array<i32>} : memref<80x128xf32, #tpu.memory_space<vmem>>, vector<1x16xf32>,
        %swap3A_857 = vector.shape_cast %swap3A_856 : vector<1x16xf32> to vector<16xf32>
        %swap3A_858 = vector.shape_cast %mul3A_853 : vector<16xf32> to vector<1x16xf32>
        tpu.vector_store %arg16[%swap3A_854, %swap3A_855], %swap3A_858 {strides = array<i32>} : memref<80x128xf32, #tpu.memory_space<vmem>>, vector<1x16xf32>,
        %mul3A_859 = arith.constant 16 : i32
        %mul3A_860 = arith.muli %scan3A_196, %mul3A_859 : i32
        %add3A_861 = arith.constant 7 : i32
        %add3A_862 = arith.addi %mul3A_860, %add3A_861 : i32
        %slice3A_863 = vector.extract_strided_slice %get3A_202 {offsets = [7], sizes = [1], strides = [1]} : vector<16xf32> to vector<1xf32>
        %squeeze3A_864 = vector.extract %slice3A_863[0] : f32 from vector<1xf32>
        %get3A_865 = arith.index_cast %add3A_862 : i32 to index
        %get3A_866 = arith.constant 0 : index
        %get3A_867 = tpu.vector_load %arg15[%get3A_865, %get3A_866] {strides = array<i32>} : memref<80x128xf32, #tpu.memory_space<vmem>>, vector<1x16xf32>,
        %get3A_868 = vector.shape_cast %get3A_867 : vector<1x16xf32> to vector<16xf32>
        %mul3A_869 = vector.broadcast %squeeze3A_864 : f32 to vector<16xf32>
        %mul3A_870 = arith.mulf %get3A_868, %mul3A_869 : vector<16xf32>
        %swap3A_871 = arith.index_cast %add3A_862 : i32 to index
        %swap3A_872 = arith.constant 0 : index
        %swap3A_873 = tpu.vector_load %arg16[%swap3A_871, %swap3A_872] {strides = array<i32>} : memref<80x128xf32, #tpu.memory_space<vmem>>, vector<1x16xf32>,
        %swap3A_874 = vector.shape_cast %swap3A_873 : vector<1x16xf32> to vector<16xf32>
        %swap3A_875 = vector.shape_cast %mul3A_870 : vector<16xf32> to vector<1x16xf32>
        tpu.vector_store %arg16[%swap3A_871, %swap3A_872], %swap3A_875 {strides = array<i32>} : memref<80x128xf32, #tpu.memory_space<vmem>>, vector<1x16xf32>,
        %get3A_876 = arith.index_cast %add3A_862 : i32 to index
        %get3A_877 = arith.constant 16 : index
        %get3A_878 = tpu.vector_load %arg15[%get3A_876, %get3A_877] {strides = array<i32>} : memref<80x128xf32, #tpu.memory_space<vmem>>, vector<1x16xf32>,
        %get3A_879 = vector.shape_cast %get3A_878 : vector<1x16xf32> to vector<16xf32>
        %mul3A_880 = vector.broadcast %squeeze3A_864 : f32 to vector<16xf32>
        %mul3A_881 = arith.mulf %get3A_879, %mul3A_880 : vector<16xf32>
        %swap3A_882 = arith.index_cast %add3A_862 : i32 to index
        %swap3A_883 = arith.constant 16 : index
        %swap3A_884 = tpu.vector_load %arg16[%swap3A_882, %swap3A_883] {strides = array<i32>} : memref<80x128xf32, #tpu.memory_space<vmem>>, vector<1x16xf32>,
        %swap3A_885 = vector.shape_cast %swap3A_884 : vector<1x16xf32> to vector<16xf32>
        %swap3A_886 = vector.shape_cast %mul3A_881 : vector<16xf32> to vector<1x16xf32>
        tpu.vector_store %arg16[%swap3A_882, %swap3A_883], %swap3A_886 {strides = array<i32>} : memref<80x128xf32, #tpu.memory_space<vmem>>, vector<1x16xf32>,
        %get3A_887 = arith.index_cast %add3A_862 : i32 to index
        %get3A_888 = arith.constant 32 : index
        %get3A_889 = tpu.vector_load %arg15[%get3A_887, %get3A_888] {strides = array<i32>} : memref<80x128xf32, #tpu.memory_space<vmem>>, vector<1x16xf32>,
        %get3A_890 = vector.shape_cast %get3A_889 : vector<1x16xf32> to vector<16xf32>
        %mul3A_891 = vector.broadcast %squeeze3A_864 : f32 to vector<16xf32>
        %mul3A_892 = arith.mulf %get3A_890, %mul3A_891 : vector<16xf32>
        %swap3A_893 = arith.index_cast %add3A_862 : i32 to index
        %swap3A_894 = arith.constant 32 : index
        %swap3A_895 = tpu.vector_load %arg16[%swap3A_893, %swap3A_894] {strides = array<i32>} : memref<80x128xf32, #tpu.memory_space<vmem>>, vector<1x16xf32>,
        %swap3A_896 = vector.shape_cast %swap3A_895 : vector<1x16xf32> to vector<16xf32>
        %swap3A_897 = vector.shape_cast %mul3A_892 : vector<16xf32> to vector<1x16xf32>
        tpu.vector_store %arg16[%swap3A_893, %swap3A_894], %swap3A_897 {strides = array<i32>} : memref<80x128xf32, #tpu.memory_space<vmem>>, vector<1x16xf32>,
        %get3A_898 = arith.index_cast %add3A_862 : i32 to index
        %get3A_899 = arith.constant 48 : index
        %get3A_900 = tpu.vector_load %arg15[%get3A_898, %get3A_899] {strides = array<i32>} : memref<80x128xf32, #tpu.memory_space<vmem>>, vector<1x16xf32>,
        %get3A_901 = vector.shape_cast %get3A_900 : vector<1x16xf32> to vector<16xf32>
        %mul3A_902 = vector.broadcast %squeeze3A_864 : f32 to vector<16xf32>
        %mul3A_903 = arith.mulf %get3A_901, %mul3A_902 : vector<16xf32>
        %swap3A_904 = arith.index_cast %add3A_862 : i32 to index
        %swap3A_905 = arith.constant 48 : index
        %swap3A_906 = tpu.vector_load %arg16[%swap3A_904, %swap3A_905] {strides = array<i32>} : memref<80x128xf32, #tpu.memory_space<vmem>>, vector<1x16xf32>,
        %swap3A_907 = vector.shape_cast %swap3A_906 : vector<1x16xf32> to vector<16xf32>
        %swap3A_908 = vector.shape_cast %mul3A_903 : vector<16xf32> to vector<1x16xf32>
        tpu.vector_store %arg16[%swap3A_904, %swap3A_905], %swap3A_908 {strides = array<i32>} : memref<80x128xf32, #tpu.memory_space<vmem>>, vector<1x16xf32>,
        %get3A_909 = arith.index_cast %add3A_862 : i32 to index
        %get3A_910 = arith.constant 64 : index
        %get3A_911 = tpu.vector_load %arg15[%get3A_909, %get3A_910] {strides = array<i32>} : memref<80x128xf32, #tpu.memory_space<vmem>>, vector<1x16xf32>,
        %get3A_912 = vector.shape_cast %get3A_911 : vector<1x16xf32> to vector<16xf32>
        %mul3A_913 = vector.broadcast %squeeze3A_864 : f32 to vector<16xf32>
        %mul3A_914 = arith.mulf %get3A_912, %mul3A_913 : vector<16xf32>
        %swap3A_915 = arith.index_cast %add3A_862 : i32 to index
        %swap3A_916 = arith.constant 64 : index
        %swap3A_917 = tpu.vector_load %arg16[%swap3A_915, %swap3A_916] {strides = array<i32>} : memref<80x128xf32, #tpu.memory_space<vmem>>, vector<1x16xf32>,
        %swap3A_918 = vector.shape_cast %swap3A_917 : vector<1x16xf32> to vector<16xf32>
        %swap3A_919 = vector.shape_cast %mul3A_914 : vector<16xf32> to vector<1x16xf32>
        tpu.vector_store %arg16[%swap3A_915, %swap3A_916], %swap3A_919 {strides = array<i32>} : memref<80x128xf32, #tpu.memory_space<vmem>>, vector<1x16xf32>,
        %get3A_920 = arith.index_cast %add3A_862 : i32 to index
        %get3A_921 = arith.constant 80 : index
        %get3A_922 = tpu.vector_load %arg15[%get3A_920, %get3A_921] {strides = array<i32>} : memref<80x128xf32, #tpu.memory_space<vmem>>, vector<1x16xf32>,
        %get3A_923 = vector.shape_cast %get3A_922 : vector<1x16xf32> to vector<16xf32>
        %mul3A_924 = vector.broadcast %squeeze3A_864 : f32 to vector<16xf32>
        %mul3A_925 = arith.mulf %get3A_923, %mul3A_924 : vector<16xf32>
        %swap3A_926 = arith.index_cast %add3A_862 : i32 to index
        %swap3A_927 = arith.constant 80 : index
        %swap3A_928 = tpu.vector_load %arg16[%swap3A_926, %swap3A_927] {strides = array<i32>} : memref<80x128xf32, #tpu.memory_space<vmem>>, vector<1x16xf32>,
        %swap3A_929 = vector.shape_cast %swap3A_928 : vector<1x16xf32> to vector<16xf32>
        %swap3A_930 = vector.shape_cast %mul3A_925 : vector<16xf32> to vector<1x16xf32>
        tpu.vector_store %arg16[%swap3A_926, %swap3A_927], %swap3A_930 {strides = array<i32>} : memref<80x128xf32, #tpu.memory_space<vmem>>, vector<1x16xf32>,
        %get3A_931 = arith.index_cast %add3A_862 : i32 to index
        %get3A_932 = arith.constant 96 : index
        %get3A_933 = tpu.vector_load %arg15[%get3A_931, %get3A_932] {strides = array<i32>} : memref<80x128xf32, #tpu.memory_space<vmem>>, vector<1x16xf32>,
        %get3A_934 = vector.shape_cast %get3A_933 : vector<1x16xf32> to vector<16xf32>
        %mul3A_935 = vector.broadcast %squeeze3A_864 : f32 to vector<16xf32>
        %mul3A_936 = arith.mulf %get3A_934, %mul3A_935 : vector<16xf32>
        %swap3A_937 = arith.index_cast %add3A_862 : i32 to index
        %swap3A_938 = arith.constant 96 : index
        %swap3A_939 = tpu.vector_load %arg16[%swap3A_937, %swap3A_938] {strides = array<i32>} : memref<80x128xf32, #tpu.memory_space<vmem>>, vector<1x16xf32>,
        %swap3A_940 = vector.shape_cast %swap3A_939 : vector<1x16xf32> to vector<16xf32>
        %swap3A_941 = vector.shape_cast %mul3A_936 : vector<16xf32> to vector<1x16xf32>
        tpu.vector_store %arg16[%swap3A_937, %swap3A_938], %swap3A_941 {strides = array<i32>} : memref<80x128xf32, #tpu.memory_space<vmem>>, vector<1x16xf32>,
        %get3A_942 = arith.index_cast %add3A_862 : i32 to index
        %get3A_943 = arith.constant 112 : index
        %get3A_944 = tpu.vector_load %arg15[%get3A_942, %get3A_943] {strides = array<i32>} : memref<80x128xf32, #tpu.memory_space<vmem>>, vector<1x16xf32>,
        %get3A_945 = vector.shape_cast %get3A_944 : vector<1x16xf32> to vector<16xf32>
        %mul3A_946 = vector.broadcast %squeeze3A_864 : f32 to vector<16xf32>
        %mul3A_947 = arith.mulf %get3A_945, %mul3A_946 : vector<16xf32>
        %swap3A_948 = arith.index_cast %add3A_862 : i32 to index
        %swap3A_949 = arith.constant 112 : index
        %swap3A_950 = tpu.vector_load %arg16[%swap3A_948, %swap3A_949] {strides = array<i32>} : memref<80x128xf32, #tpu.memory_space<vmem>>, vector<1x16xf32>,
        %swap3A_951 = vector.shape_cast %swap3A_950 : vector<1x16xf32> to vector<16xf32>
        %swap3A_952 = vector.shape_cast %mul3A_947 : vector<16xf32> to vector<1x16xf32>
        tpu.vector_store %arg16[%swap3A_948, %swap3A_949], %swap3A_952 {strides = array<i32>} : memref<80x128xf32, #tpu.memory_space<vmem>>, vector<1x16xf32>,
        %mul3A_953 = arith.constant 16 : i32
        %mul3A_954 = arith.muli %scan3A_196, %mul3A_953 : i32
        %add3A_955 = arith.constant 8 : i32
        %add3A_956 = arith.addi %mul3A_954, %add3A_955 : i32
        %slice3A_957 = vector.extract_strided_slice %get3A_202 {offsets = [8], sizes = [1], strides = [1]} : vector<16xf32> to vector<1xf32>
        %squeeze3A_958 = vector.extract %slice3A_957[0] : f32 from vector<1xf32>
        %get3A_959 = arith.index_cast %add3A_956 : i32 to index
        %get3A_960 = arith.constant 0 : index
        %get3A_961 = tpu.vector_load %arg15[%get3A_959, %get3A_960] {strides = array<i32>} : memref<80x128xf32, #tpu.memory_space<vmem>>, vector<1x16xf32>,
        %get3A_962 = vector.shape_cast %get3A_961 : vector<1x16xf32> to vector<16xf32>
        %mul3A_963 = vector.broadcast %squeeze3A_958 : f32 to vector<16xf32>
        %mul3A_964 = arith.mulf %get3A_962, %mul3A_963 : vector<16xf32>
        %swap3A_965 = arith.index_cast %add3A_956 : i32 to index
        %swap3A_966 = arith.constant 0 : index
        %swap3A_967 = tpu.vector_load %arg16[%swap3A_965, %swap3A_966] {strides = array<i32>} : memref<80x128xf32, #tpu.memory_space<vmem>>, vector<1x16xf32>,
        %swap3A_968 = vector.shape_cast %swap3A_967 : vector<1x16xf32> to vector<16xf32>
        %swap3A_969 = vector.shape_cast %mul3A_964 : vector<16xf32> to vector<1x16xf32>
        tpu.vector_store %arg16[%swap3A_965, %swap3A_966], %swap3A_969 {strides = array<i32>} : memref<80x128xf32, #tpu.memory_space<vmem>>, vector<1x16xf32>,
        %get3A_970 = arith.index_cast %add3A_956 : i32 to index
        %get3A_971 = arith.constant 16 : index
        %get3A_972 = tpu.vector_load %arg15[%get3A_970, %get3A_971] {strides = array<i32>} : memref<80x128xf32, #tpu.memory_space<vmem>>, vector<1x16xf32>,
        %get3A_973 = vector.shape_cast %get3A_972 : vector<1x16xf32> to vector<16xf32>
        %mul3A_974 = vector.broadcast %squeeze3A_958 : f32 to vector<16xf32>
        %mul3A_975 = arith.mulf %get3A_973, %mul3A_974 : vector<16xf32>
        %swap3A_976 = arith.index_cast %add3A_956 : i32 to index
        %swap3A_977 = arith.constant 16 : index
        %swap3A_978 = tpu.vector_load %arg16[%swap3A_976, %swap3A_977] {strides = array<i32>} : memref<80x128xf32, #tpu.memory_space<vmem>>, vector<1x16xf32>,
        %swap3A_979 = vector.shape_cast %swap3A_978 : vector<1x16xf32> to vector<16xf32>
        %swap3A_980 = vector.shape_cast %mul3A_975 : vector<16xf32> to vector<1x16xf32>
        tpu.vector_store %arg16[%swap3A_976, %swap3A_977], %swap3A_980 {strides = array<i32>} : memref<80x128xf32, #tpu.memory_space<vmem>>, vector<1x16xf32>,
        %get3A_981 = arith.index_cast %add3A_956 : i32 to index
        %get3A_982 = arith.constant 32 : index
        %get3A_983 = tpu.vector_load %arg15[%get3A_981, %get3A_982] {strides = array<i32>} : memref<80x128xf32, #tpu.memory_space<vmem>>, vector<1x16xf32>,
        %get3A_984 = vector.shape_cast %get3A_983 : vector<1x16xf32> to vector<16xf32>
        %mul3A_985 = vector.broadcast %squeeze3A_958 : f32 to vector<16xf32>
        %mul3A_986 = arith.mulf %get3A_984, %mul3A_985 : vector<16xf32>
        %swap3A_987 = arith.index_cast %add3A_956 : i32 to index
        %swap3A_988 = arith.constant 32 : index
        %swap3A_989 = tpu.vector_load %arg16[%swap3A_987, %swap3A_988] {strides = array<i32>} : memref<80x128xf32, #tpu.memory_space<vmem>>, vector<1x16xf32>,
        %swap3A_990 = vector.shape_cast %swap3A_989 : vector<1x16xf32> to vector<16xf32>
        %swap3A_991 = vector.shape_cast %mul3A_986 : vector<16xf32> to vector<1x16xf32>
        tpu.vector_store %arg16[%swap3A_987, %swap3A_988], %swap3A_991 {strides = array<i32>} : memref<80x128xf32, #tpu.memory_space<vmem>>, vector<1x16xf32>,
        %get3A_992 = arith.index_cast %add3A_956 : i32 to index
        %get3A_993 = arith.constant 48 : index
        %get3A_994 = tpu.vector_load %arg15[%get3A_992, %get3A_993] {strides = array<i32>} : memref<80x128xf32, #tpu.memory_space<vmem>>, vector<1x16xf32>,
        %get3A_995 = vector.shape_cast %get3A_994 : vector<1x16xf32> to vector<16xf32>
        %mul3A_996 = vector.broadcast %squeeze3A_958 : f32 to vector<16xf32>
        %mul3A_997 = arith.mulf %get3A_995, %mul3A_996 : vector<16xf32>
        %swap3A_998 = arith.index_cast %add3A_956 : i32 to index
        %swap3A_999 = arith.constant 48 : index
        %swap3A_1000 = tpu.vector_load %arg16[%swap3A_998, %swap3A_999] {strides = array<i32>} : memref<80x128xf32, #tpu.memory_space<vmem>>, vector<1x16xf32>,
        %swap3A_1001 = vector.shape_cast %swap3A_1000 : vector<1x16xf32> to vector<16xf32>
        %swap3A_1002 = vector.shape_cast %mul3A_997 : vector<16xf32> to vector<1x16xf32>
        tpu.vector_store %arg16[%swap3A_998, %swap3A_999], %swap3A_1002 {strides = array<i32>} : memref<80x128xf32, #tpu.memory_space<vmem>>, vector<1x16xf32>,
        %get3A_1003 = arith.index_cast %add3A_956 : i32 to index
        %get3A_1004 = arith.constant 64 : index
        %get3A_1005 = tpu.vector_load %arg15[%get3A_1003, %get3A_1004] {strides = array<i32>} : memref<80x128xf32, #tpu.memory_space<vmem>>, vector<1x16xf32>,
        %get3A_1006 = vector.shape_cast %get3A_1005 : vector<1x16xf32> to vector<16xf32>
        %mul3A_1007 = vector.broadcast %squeeze3A_958 : f32 to vector<16xf32>
        %mul3A_1008 = arith.mulf %get3A_1006, %mul3A_1007 : vector<16xf32>
        %swap3A_1009 = arith.index_cast %add3A_956 : i32 to index
        %swap3A_1010 = arith.constant 64 : index
        %swap3A_1011 = tpu.vector_load %arg16[%swap3A_1009, %swap3A_1010] {strides = array<i32>} : memref<80x128xf32, #tpu.memory_space<vmem>>, vector<1x16xf32>,
        %swap3A_1012 = vector.shape_cast %swap3A_1011 : vector<1x16xf32> to vector<16xf32>
        %swap3A_1013 = vector.shape_cast %mul3A_1008 : vector<16xf32> to vector<1x16xf32>
        tpu.vector_store %arg16[%swap3A_1009, %swap3A_1010], %swap3A_1013 {strides = array<i32>} : memref<80x128xf32, #tpu.memory_space<vmem>>, vector<1x16xf32>,
        %get3A_1014 = arith.index_cast %add3A_956 : i32 to index
        %get3A_1015 = arith.constant 80 : index
        %get3A_1016 = tpu.vector_load %arg15[%get3A_1014, %get3A_1015] {strides = array<i32>} : memref<80x128xf32, #tpu.memory_space<vmem>>, vector<1x16xf32>,
        %get3A_1017 = vector.shape_cast %get3A_1016 : vector<1x16xf32> to vector<16xf32>
        %mul3A_1018 = vector.broadcast %squeeze3A_958 : f32 to vector<16xf32>
        %mul3A_1019 = arith.mulf %get3A_1017, %mul3A_1018 : vector<16xf32>
        %swap3A_1020 = arith.index_cast %add3A_956 : i32 to index
        %swap3A_1021 = arith.constant 80 : index
        %swap3A_1022 = tpu.vector_load %arg16[%swap3A_1020, %swap3A_1021] {strides = array<i32>} : memref<80x128xf32, #tpu.memory_space<vmem>>, vector<1x16xf32>,
        %swap3A_1023 = vector.shape_cast %swap3A_1022 : vector<1x16xf32> to vector<16xf32>
        %swap3A_1024 = vector.shape_cast %mul3A_1019 : vector<16xf32> to vector<1x16xf32>
        tpu.vector_store %arg16[%swap3A_1020, %swap3A_1021], %swap3A_1024 {strides = array<i32>} : memref<80x128xf32, #tpu.memory_space<vmem>>, vector<1x16xf32>,
        %get3A_1025 = arith.index_cast %add3A_956 : i32 to index
        %get3A_1026 = arith.constant 96 : index
        %get3A_1027 = tpu.vector_load %arg15[%get3A_1025, %get3A_1026] {strides = array<i32>} : memref<80x128xf32, #tpu.memory_space<vmem>>, vector<1x16xf32>,
        %get3A_1028 = vector.shape_cast %get3A_1027 : vector<1x16xf32> to vector<16xf32>
        %mul3A_1029 = vector.broadcast %squeeze3A_958 : f32 to vector<16xf32>
        %mul3A_1030 = arith.mulf %get3A_1028, %mul3A_1029 : vector<16xf32>
        %swap3A_1031 = arith.index_cast %add3A_956 : i32 to index
        %swap3A_1032 = arith.constant 96 : index
        %swap3A_1033 = tpu.vector_load %arg16[%swap3A_1031, %swap3A_1032] {strides = array<i32>} : memref<80x128xf32, #tpu.memory_space<vmem>>, vector<1x16xf32>,
        %swap3A_1034 = vector.shape_cast %swap3A_1033 : vector<1x16xf32> to vector<16xf32>
        %swap3A_1035 = vector.shape_cast %mul3A_1030 : vector<16xf32> to vector<1x16xf32>
        tpu.vector_store %arg16[%swap3A_1031, %swap3A_1032], %swap3A_1035 {strides = array<i32>} : memref<80x128xf32, #tpu.memory_space<vmem>>, vector<1x16xf32>,
        %get3A_1036 = arith.index_cast %add3A_956 : i32 to index
        %get3A_1037 = arith.constant 112 : index
        %get3A_1038 = tpu.vector_load %arg15[%get3A_1036, %get3A_1037] {strides = array<i32>} : memref<80x128xf32, #tpu.memory_space<vmem>>, vector<1x16xf32>,
        %get3A_1039 = vector.shape_cast %get3A_1038 : vector<1x16xf32> to vector<16xf32>
        %mul3A_1040 = vector.broadcast %squeeze3A_958 : f32 to vector<16xf32>
        %mul3A_1041 = arith.mulf %get3A_1039, %mul3A_1040 : vector<16xf32>
        %swap3A_1042 = arith.index_cast %add3A_956 : i32 to index
        %swap3A_1043 = arith.constant 112 : index
        %swap3A_1044 = tpu.vector_load %arg16[%swap3A_1042, %swap3A_1043] {strides = array<i32>} : memref<80x128xf32, #tpu.memory_space<vmem>>, vector<1x16xf32>,
        %swap3A_1045 = vector.shape_cast %swap3A_1044 : vector<1x16xf32> to vector<16xf32>
        %swap3A_1046 = vector.shape_cast %mul3A_1041 : vector<16xf32> to vector<1x16xf32>
        tpu.vector_store %arg16[%swap3A_1042, %swap3A_1043], %swap3A_1046 {strides = array<i32>} : memref<80x128xf32, #tpu.memory_space<vmem>>, vector<1x16xf32>,
        %mul3A_1047 = arith.constant 16 : i32
        %mul3A_1048 = arith.muli %scan3A_196, %mul3A_1047 : i32
        %add3A_1049 = arith.constant 9 : i32
        %add3A_1050 = arith.addi %mul3A_1048, %add3A_1049 : i32
        %slice3A_1051 = vector.extract_strided_slice %get3A_202 {offsets = [9], sizes = [1], strides = [1]} : vector<16xf32> to vector<1xf32>
        %squeeze3A_1052 = vector.extract %slice3A_1051[0] : f32 from vector<1xf32>
        %get3A_1053 = arith.index_cast %add3A_1050 : i32 to index
        %get3A_1054 = arith.constant 0 : index
        %get3A_1055 = tpu.vector_load %arg15[%get3A_1053, %get3A_1054] {strides = array<i32>} : memref<80x128xf32, #tpu.memory_space<vmem>>, vector<1x16xf32>,
        %get3A_1056 = vector.shape_cast %get3A_1055 : vector<1x16xf32> to vector<16xf32>
        %mul3A_1057 = vector.broadcast %squeeze3A_1052 : f32 to vector<16xf32>
        %mul3A_1058 = arith.mulf %get3A_1056, %mul3A_1057 : vector<16xf32>
        %swap3A_1059 = arith.index_cast %add3A_1050 : i32 to index
        %swap3A_1060 = arith.constant 0 : index
        %swap3A_1061 = tpu.vector_load %arg16[%swap3A_1059, %swap3A_1060] {strides = array<i32>} : memref<80x128xf32, #tpu.memory_space<vmem>>, vector<1x16xf32>,
        %swap3A_1062 = vector.shape_cast %swap3A_1061 : vector<1x16xf32> to vector<16xf32>
        %swap3A_1063 = vector.shape_cast %mul3A_1058 : vector<16xf32> to vector<1x16xf32>
        tpu.vector_store %arg16[%swap3A_1059, %swap3A_1060], %swap3A_1063 {strides = array<i32>} : memref<80x128xf32, #tpu.memory_space<vmem>>, vector<1x16xf32>,
        %get3A_1064 = arith.index_cast %add3A_1050 : i32 to index
        %get3A_1065 = arith.constant 16 : index
        %get3A_1066 = tpu.vector_load %arg15[%get3A_1064, %get3A_1065] {strides = array<i32>} : memref<80x128xf32, #tpu.memory_space<vmem>>, vector<1x16xf32>,
        %get3A_1067 = vector.shape_cast %get3A_1066 : vector<1x16xf32> to vector<16xf32>
        %mul3A_1068 = vector.broadcast %squeeze3A_1052 : f32 to vector<16xf32>
        %mul3A_1069 = arith.mulf %get3A_1067, %mul3A_1068 : vector<16xf32>
        %swap3A_1070 = arith.index_cast %add3A_1050 : i32 to index
        %swap3A_1071 = arith.constant 16 : index
        %swap3A_1072 = tpu.vector_load %arg16[%swap3A_1070, %swap3A_1071] {strides = array<i32>} : memref<80x128xf32, #tpu.memory_space<vmem>>, vector<1x16xf32>,
        %swap3A_1073 = vector.shape_cast %swap3A_1072 : vector<1x16xf32> to vector<16xf32>
        %swap3A_1074 = vector.shape_cast %mul3A_1069 : vector<16xf32> to vector<1x16xf32>
        tpu.vector_store %arg16[%swap3A_1070, %swap3A_1071], %swap3A_1074 {strides = array<i32>} : memref<80x128xf32, #tpu.memory_space<vmem>>, vector<1x16xf32>,
        %get3A_1075 = arith.index_cast %add3A_1050 : i32 to index
        %get3A_1076 = arith.constant 32 : index
        %get3A_1077 = tpu.vector_load %arg15[%get3A_1075, %get3A_1076] {strides = array<i32>} : memref<80x128xf32, #tpu.memory_space<vmem>>, vector<1x16xf32>,
        %get3A_1078 = vector.shape_cast %get3A_1077 : vector<1x16xf32> to vector<16xf32>
        %mul3A_1079 = vector.broadcast %squeeze3A_1052 : f32 to vector<16xf32>
        %mul3A_1080 = arith.mulf %get3A_1078, %mul3A_1079 : vector<16xf32>
        %swap3A_1081 = arith.index_cast %add3A_1050 : i32 to index
        %swap3A_1082 = arith.constant 32 : index
        %swap3A_1083 = tpu.vector_load %arg16[%swap3A_1081, %swap3A_1082] {strides = array<i32>} : memref<80x128xf32, #tpu.memory_space<vmem>>, vector<1x16xf32>,
        %swap3A_1084 = vector.shape_cast %swap3A_1083 : vector<1x16xf32> to vector<16xf32>
        %swap3A_1085 = vector.shape_cast %mul3A_1080 : vector<16xf32> to vector<1x16xf32>
        tpu.vector_store %arg16[%swap3A_1081, %swap3A_1082], %swap3A_1085 {strides = array<i32>} : memref<80x128xf32, #tpu.memory_space<vmem>>, vector<1x16xf32>,
        %get3A_1086 = arith.index_cast %add3A_1050 : i32 to index
        %get3A_1087 = arith.constant 48 : index
        %get3A_1088 = tpu.vector_load %arg15[%get3A_1086, %get3A_1087] {strides = array<i32>} : memref<80x128xf32, #tpu.memory_space<vmem>>, vector<1x16xf32>,
        %get3A_1089 = vector.shape_cast %get3A_1088 : vector<1x16xf32> to vector<16xf32>
        %mul3A_1090 = vector.broadcast %squeeze3A_1052 : f32 to vector<16xf32>
        %mul3A_1091 = arith.mulf %get3A_1089, %mul3A_1090 : vector<16xf32>
        %swap3A_1092 = arith.index_cast %add3A_1050 : i32 to index
        %swap3A_1093 = arith.constant 48 : index
        %swap3A_1094 = tpu.vector_load %arg16[%swap3A_1092, %swap3A_1093] {strides = array<i32>} : memref<80x128xf32, #tpu.memory_space<vmem>>, vector<1x16xf32>,
        %swap3A_1095 = vector.shape_cast %swap3A_1094 : vector<1x16xf32> to vector<16xf32>
        %swap3A_1096 = vector.shape_cast %mul3A_1091 : vector<16xf32> to vector<1x16xf32>
        tpu.vector_store %arg16[%swap3A_1092, %swap3A_1093], %swap3A_1096 {strides = array<i32>} : memref<80x128xf32, #tpu.memory_space<vmem>>, vector<1x16xf32>,
        %get3A_1097 = arith.index_cast %add3A_1050 : i32 to index
        %get3A_1098 = arith.constant 64 : index
        %get3A_1099 = tpu.vector_load %arg15[%get3A_1097, %get3A_1098] {strides = array<i32>} : memref<80x128xf32, #tpu.memory_space<vmem>>, vector<1x16xf32>,
        %get3A_1100 = vector.shape_cast %get3A_1099 : vector<1x16xf32> to vector<16xf32>
        %mul3A_1101 = vector.broadcast %squeeze3A_1052 : f32 to vector<16xf32>
        %mul3A_1102 = arith.mulf %get3A_1100, %mul3A_1101 : vector<16xf32>
        %swap3A_1103 = arith.index_cast %add3A_1050 : i32 to index
        %swap3A_1104 = arith.constant 64 : index
        %swap3A_1105 = tpu.vector_load %arg16[%swap3A_1103, %swap3A_1104] {strides = array<i32>} : memref<80x128xf32, #tpu.memory_space<vmem>>, vector<1x16xf32>,
        %swap3A_1106 = vector.shape_cast %swap3A_1105 : vector<1x16xf32> to vector<16xf32>
        %swap3A_1107 = vector.shape_cast %mul3A_1102 : vector<16xf32> to vector<1x16xf32>
        tpu.vector_store %arg16[%swap3A_1103, %swap3A_1104], %swap3A_1107 {strides = array<i32>} : memref<80x128xf32, #tpu.memory_space<vmem>>, vector<1x16xf32>,
        %get3A_1108 = arith.index_cast %add3A_1050 : i32 to index
        %get3A_1109 = arith.constant 80 : index
        %get3A_1110 = tpu.vector_load %arg15[%get3A_1108, %get3A_1109] {strides = array<i32>} : memref<80x128xf32, #tpu.memory_space<vmem>>, vector<1x16xf32>,
        %get3A_1111 = vector.shape_cast %get3A_1110 : vector<1x16xf32> to vector<16xf32>
        %mul3A_1112 = vector.broadcast %squeeze3A_1052 : f32 to vector<16xf32>
        %mul3A_1113 = arith.mulf %get3A_1111, %mul3A_1112 : vector<16xf32>
        %swap3A_1114 = arith.index_cast %add3A_1050 : i32 to index
        %swap3A_1115 = arith.constant 80 : index
        %swap3A_1116 = tpu.vector_load %arg16[%swap3A_1114, %swap3A_1115] {strides = array<i32>} : memref<80x128xf32, #tpu.memory_space<vmem>>, vector<1x16xf32>,
        %swap3A_1117 = vector.shape_cast %swap3A_1116 : vector<1x16xf32> to vector<16xf32>
        %swap3A_1118 = vector.shape_cast %mul3A_1113 : vector<16xf32> to vector<1x16xf32>
        tpu.vector_store %arg16[%swap3A_1114, %swap3A_1115], %swap3A_1118 {strides = array<i32>} : memref<80x128xf32, #tpu.memory_space<vmem>>, vector<1x16xf32>,
        %get3A_1119 = arith.index_cast %add3A_1050 : i32 to index
        %get3A_1120 = arith.constant 96 : index
        %get3A_1121 = tpu.vector_load %arg15[%get3A_1119, %get3A_1120] {strides = array<i32>} : memref<80x128xf32, #tpu.memory_space<vmem>>, vector<1x16xf32>,
        %get3A_1122 = vector.shape_cast %get3A_1121 : vector<1x16xf32> to vector<16xf32>
        %mul3A_1123 = vector.broadcast %squeeze3A_1052 : f32 to vector<16xf32>
        %mul3A_1124 = arith.mulf %get3A_1122, %mul3A_1123 : vector<16xf32>
        %swap3A_1125 = arith.index_cast %add3A_1050 : i32 to index
        %swap3A_1126 = arith.constant 96 : index
        %swap3A_1127 = tpu.vector_load %arg16[%swap3A_1125, %swap3A_1126] {strides = array<i32>} : memref<80x128xf32, #tpu.memory_space<vmem>>, vector<1x16xf32>,
        %swap3A_1128 = vector.shape_cast %swap3A_1127 : vector<1x16xf32> to vector<16xf32>
        %swap3A_1129 = vector.shape_cast %mul3A_1124 : vector<16xf32> to vector<1x16xf32>
        tpu.vector_store %arg16[%swap3A_1125, %swap3A_1126], %swap3A_1129 {strides = array<i32>} : memref<80x128xf32, #tpu.memory_space<vmem>>, vector<1x16xf32>,
        %get3A_1130 = arith.index_cast %add3A_1050 : i32 to index
        %get3A_1131 = arith.constant 112 : index
        %get3A_1132 = tpu.vector_load %arg15[%get3A_1130, %get3A_1131] {strides = array<i32>} : memref<80x128xf32, #tpu.memory_space<vmem>>, vector<1x16xf32>,
        %get3A_1133 = vector.shape_cast %get3A_1132 : vector<1x16xf32> to vector<16xf32>
        %mul3A_1134 = vector.broadcast %squeeze3A_1052 : f32 to vector<16xf32>
        %mul3A_1135 = arith.mulf %get3A_1133, %mul3A_1134 : vector<16xf32>
        %swap3A_1136 = arith.index_cast %add3A_1050 : i32 to index
        %swap3A_1137 = arith.constant 112 : index
        %swap3A_1138 = tpu.vector_load %arg16[%swap3A_1136, %swap3A_1137] {strides = array<i32>} : memref<80x128xf32, #tpu.memory_space<vmem>>, vector<1x16xf32>,
        %swap3A_1139 = vector.shape_cast %swap3A_1138 : vector<1x16xf32> to vector<16xf32>
        %swap3A_1140 = vector.shape_cast %mul3A_1135 : vector<16xf32> to vector<1x16xf32>
        tpu.vector_store %arg16[%swap3A_1136, %swap3A_1137], %swap3A_1140 {strides = array<i32>} : memref<80x128xf32, #tpu.memory_space<vmem>>, vector<1x16xf32>,
        %mul3A_1141 = arith.constant 16 : i32
        %mul3A_1142 = arith.muli %scan3A_196, %mul3A_1141 : i32
        %add3A_1143 = arith.constant 10 : i32
        %add3A_1144 = arith.addi %mul3A_1142, %add3A_1143 : i32
        %slice3A_1145 = vector.extract_strided_slice %get3A_202 {offsets = [10], sizes = [1], strides = [1]} : vector<16xf32> to vector<1xf32>
        %squeeze3A_1146 = vector.extract %slice3A_1145[0] : f32 from vector<1xf32>
        %get3A_1147 = arith.index_cast %add3A_1144 : i32 to index
        %get3A_1148 = arith.constant 0 : index
        %get3A_1149 = tpu.vector_load %arg15[%get3A_1147, %get3A_1148] {strides = array<i32>} : memref<80x128xf32, #tpu.memory_space<vmem>>, vector<1x16xf32>,
        %get3A_1150 = vector.shape_cast %get3A_1149 : vector<1x16xf32> to vector<16xf32>
        %mul3A_1151 = vector.broadcast %squeeze3A_1146 : f32 to vector<16xf32>
        %mul3A_1152 = arith.mulf %get3A_1150, %mul3A_1151 : vector<16xf32>
        %swap3A_1153 = arith.index_cast %add3A_1144 : i32 to index
        %swap3A_1154 = arith.constant 0 : index
        %swap3A_1155 = tpu.vector_load %arg16[%swap3A_1153, %swap3A_1154] {strides = array<i32>} : memref<80x128xf32, #tpu.memory_space<vmem>>, vector<1x16xf32>,
        %swap3A_1156 = vector.shape_cast %swap3A_1155 : vector<1x16xf32> to vector<16xf32>
        %swap3A_1157 = vector.shape_cast %mul3A_1152 : vector<16xf32> to vector<1x16xf32>
        tpu.vector_store %arg16[%swap3A_1153, %swap3A_1154], %swap3A_1157 {strides = array<i32>} : memref<80x128xf32, #tpu.memory_space<vmem>>, vector<1x16xf32>,
        %get3A_1158 = arith.index_cast %add3A_1144 : i32 to index
        %get3A_1159 = arith.constant 16 : index
        %get3A_1160 = tpu.vector_load %arg15[%get3A_1158, %get3A_1159] {strides = array<i32>} : memref<80x128xf32, #tpu.memory_space<vmem>>, vector<1x16xf32>,
        %get3A_1161 = vector.shape_cast %get3A_1160 : vector<1x16xf32> to vector<16xf32>
        %mul3A_1162 = vector.broadcast %squeeze3A_1146 : f32 to vector<16xf32>
        %mul3A_1163 = arith.mulf %get3A_1161, %mul3A_1162 : vector<16xf32>
        %swap3A_1164 = arith.index_cast %add3A_1144 : i32 to index
        %swap3A_1165 = arith.constant 16 : index
        %swap3A_1166 = tpu.vector_load %arg16[%swap3A_1164, %swap3A_1165] {strides = array<i32>} : memref<80x128xf32, #tpu.memory_space<vmem>>, vector<1x16xf32>,
        %swap3A_1167 = vector.shape_cast %swap3A_1166 : vector<1x16xf32> to vector<16xf32>
        %swap3A_1168 = vector.shape_cast %mul3A_1163 : vector<16xf32> to vector<1x16xf32>
        tpu.vector_store %arg16[%swap3A_1164, %swap3A_1165], %swap3A_1168 {strides = array<i32>} : memref<80x128xf32, #tpu.memory_space<vmem>>, vector<1x16xf32>,
        %get3A_1169 = arith.index_cast %add3A_1144 : i32 to index
        %get3A_1170 = arith.constant 32 : index
        %get3A_1171 = tpu.vector_load %arg15[%get3A_1169, %get3A_1170] {strides = array<i32>} : memref<80x128xf32, #tpu.memory_space<vmem>>, vector<1x16xf32>,
        %get3A_1172 = vector.shape_cast %get3A_1171 : vector<1x16xf32> to vector<16xf32>
        %mul3A_1173 = vector.broadcast %squeeze3A_1146 : f32 to vector<16xf32>
        %mul3A_1174 = arith.mulf %get3A_1172, %mul3A_1173 : vector<16xf32>
        %swap3A_1175 = arith.index_cast %add3A_1144 : i32 to index
        %swap3A_1176 = arith.constant 32 : index
        %swap3A_1177 = tpu.vector_load %arg16[%swap3A_1175, %swap3A_1176] {strides = array<i32>} : memref<80x128xf32, #tpu.memory_space<vmem>>, vector<1x16xf32>,
        %swap3A_1178 = vector.shape_cast %swap3A_1177 : vector<1x16xf32> to vector<16xf32>
        %swap3A_1179 = vector.shape_cast %mul3A_1174 : vector<16xf32> to vector<1x16xf32>
        tpu.vector_store %arg16[%swap3A_1175, %swap3A_1176], %swap3A_1179 {strides = array<i32>} : memref<80x128xf32, #tpu.memory_space<vmem>>, vector<1x16xf32>,
        %get3A_1180 = arith.index_cast %add3A_1144 : i32 to index
        %get3A_1181 = arith.constant 48 : index
        %get3A_1182 = tpu.vector_load %arg15[%get3A_1180, %get3A_1181] {strides = array<i32>} : memref<80x128xf32, #tpu.memory_space<vmem>>, vector<1x16xf32>,
        %get3A_1183 = vector.shape_cast %get3A_1182 : vector<1x16xf32> to vector<16xf32>
        %mul3A_1184 = vector.broadcast %squeeze3A_1146 : f32 to vector<16xf32>
        %mul3A_1185 = arith.mulf %get3A_1183, %mul3A_1184 : vector<16xf32>
        %swap3A_1186 = arith.index_cast %add3A_1144 : i32 to index
        %swap3A_1187 = arith.constant 48 : index
        %swap3A_1188 = tpu.vector_load %arg16[%swap3A_1186, %swap3A_1187] {strides = array<i32>} : memref<80x128xf32, #tpu.memory_space<vmem>>, vector<1x16xf32>,
        %swap3A_1189 = vector.shape_cast %swap3A_1188 : vector<1x16xf32> to vector<16xf32>
        %swap3A_1190 = vector.shape_cast %mul3A_1185 : vector<16xf32> to vector<1x16xf32>
        tpu.vector_store %arg16[%swap3A_1186, %swap3A_1187], %swap3A_1190 {strides = array<i32>} : memref<80x128xf32, #tpu.memory_space<vmem>>, vector<1x16xf32>,
        %get3A_1191 = arith.index_cast %add3A_1144 : i32 to index
        %get3A_1192 = arith.constant 64 : index
        %get3A_1193 = tpu.vector_load %arg15[%get3A_1191, %get3A_1192] {strides = array<i32>} : memref<80x128xf32, #tpu.memory_space<vmem>>, vector<1x16xf32>,
        %get3A_1194 = vector.shape_cast %get3A_1193 : vector<1x16xf32> to vector<16xf32>
        %mul3A_1195 = vector.broadcast %squeeze3A_1146 : f32 to vector<16xf32>
        %mul3A_1196 = arith.mulf %get3A_1194, %mul3A_1195 : vector<16xf32>
        %swap3A_1197 = arith.index_cast %add3A_1144 : i32 to index
        %swap3A_1198 = arith.constant 64 : index
        %swap3A_1199 = tpu.vector_load %arg16[%swap3A_1197, %swap3A_1198] {strides = array<i32>} : memref<80x128xf32, #tpu.memory_space<vmem>>, vector<1x16xf32>,
        %swap3A_1200 = vector.shape_cast %swap3A_1199 : vector<1x16xf32> to vector<16xf32>
        %swap3A_1201 = vector.shape_cast %mul3A_1196 : vector<16xf32> to vector<1x16xf32>
        tpu.vector_store %arg16[%swap3A_1197, %swap3A_1198], %swap3A_1201 {strides = array<i32>} : memref<80x128xf32, #tpu.memory_space<vmem>>, vector<1x16xf32>,
        %get3A_1202 = arith.index_cast %add3A_1144 : i32 to index
        %get3A_1203 = arith.constant 80 : index
        %get3A_1204 = tpu.vector_load %arg15[%get3A_1202, %get3A_1203] {strides = array<i32>} : memref<80x128xf32, #tpu.memory_space<vmem>>, vector<1x16xf32>,
        %get3A_1205 = vector.shape_cast %get3A_1204 : vector<1x16xf32> to vector<16xf32>
        %mul3A_1206 = vector.broadcast %squeeze3A_1146 : f32 to vector<16xf32>
        %mul3A_1207 = arith.mulf %get3A_1205, %mul3A_1206 : vector<16xf32>
        %swap3A_1208 = arith.index_cast %add3A_1144 : i32 to index
        %swap3A_1209 = arith.constant 80 : index
        %swap3A_1210 = tpu.vector_load %arg16[%swap3A_1208, %swap3A_1209] {strides = array<i32>} : memref<80x128xf32, #tpu.memory_space<vmem>>, vector<1x16xf32>,
        %swap3A_1211 = vector.shape_cast %swap3A_1210 : vector<1x16xf32> to vector<16xf32>
        %swap3A_1212 = vector.shape_cast %mul3A_1207 : vector<16xf32> to vector<1x16xf32>
        tpu.vector_store %arg16[%swap3A_1208, %swap3A_1209], %swap3A_1212 {strides = array<i32>} : memref<80x128xf32, #tpu.memory_space<vmem>>, vector<1x16xf32>,
        %get3A_1213 = arith.index_cast %add3A_1144 : i32 to index
        %get3A_1214 = arith.constant 96 : index
        %get3A_1215 = tpu.vector_load %arg15[%get3A_1213, %get3A_1214] {strides = array<i32>} : memref<80x128xf32, #tpu.memory_space<vmem>>, vector<1x16xf32>,
        %get3A_1216 = vector.shape_cast %get3A_1215 : vector<1x16xf32> to vector<16xf32>
        %mul3A_1217 = vector.broadcast %squeeze3A_1146 : f32 to vector<16xf32>
        %mul3A_1218 = arith.mulf %get3A_1216, %mul3A_1217 : vector<16xf32>
        %swap3A_1219 = arith.index_cast %add3A_1144 : i32 to index
        %swap3A_1220 = arith.constant 96 : index
        %swap3A_1221 = tpu.vector_load %arg16[%swap3A_1219, %swap3A_1220] {strides = array<i32>} : memref<80x128xf32, #tpu.memory_space<vmem>>, vector<1x16xf32>,
        %swap3A_1222 = vector.shape_cast %swap3A_1221 : vector<1x16xf32> to vector<16xf32>
        %swap3A_1223 = vector.shape_cast %mul3A_1218 : vector<16xf32> to vector<1x16xf32>
        tpu.vector_store %arg16[%swap3A_1219, %swap3A_1220], %swap3A_1223 {strides = array<i32>} : memref<80x128xf32, #tpu.memory_space<vmem>>, vector<1x16xf32>,
        %get3A_1224 = arith.index_cast %add3A_1144 : i32 to index
        %get3A_1225 = arith.constant 112 : index
        %get3A_1226 = tpu.vector_load %arg15[%get3A_1224, %get3A_1225] {strides = array<i32>} : memref<80x128xf32, #tpu.memory_space<vmem>>, vector<1x16xf32>,
        %get3A_1227 = vector.shape_cast %get3A_1226 : vector<1x16xf32> to vector<16xf32>
        %mul3A_1228 = vector.broadcast %squeeze3A_1146 : f32 to vector<16xf32>
        %mul3A_1229 = arith.mulf %get3A_1227, %mul3A_1228 : vector<16xf32>
        %swap3A_1230 = arith.index_cast %add3A_1144 : i32 to index
        %swap3A_1231 = arith.constant 112 : index
        %swap3A_1232 = tpu.vector_load %arg16[%swap3A_1230, %swap3A_1231] {strides = array<i32>} : memref<80x128xf32, #tpu.memory_space<vmem>>, vector<1x16xf32>,
        %swap3A_1233 = vector.shape_cast %swap3A_1232 : vector<1x16xf32> to vector<16xf32>
        %swap3A_1234 = vector.shape_cast %mul3A_1229 : vector<16xf32> to vector<1x16xf32>
        tpu.vector_store %arg16[%swap3A_1230, %swap3A_1231], %swap3A_1234 {strides = array<i32>} : memref<80x128xf32, #tpu.memory_space<vmem>>, vector<1x16xf32>,
        %mul3A_1235 = arith.constant 16 : i32
        %mul3A_1236 = arith.muli %scan3A_196, %mul3A_1235 : i32
        %add3A_1237 = arith.constant 11 : i32
        %add3A_1238 = arith.addi %mul3A_1236, %add3A_1237 : i32
        %slice3A_1239 = vector.extract_strided_slice %get3A_202 {offsets = [11], sizes = [1], strides = [1]} : vector<16xf32> to vector<1xf32>
        %squeeze3A_1240 = vector.extract %slice3A_1239[0] : f32 from vector<1xf32>
        %get3A_1241 = arith.index_cast %add3A_1238 : i32 to index
        %get3A_1242 = arith.constant 0 : index
        %get3A_1243 = tpu.vector_load %arg15[%get3A_1241, %get3A_1242] {strides = array<i32>} : memref<80x128xf32, #tpu.memory_space<vmem>>, vector<1x16xf32>,
        %get3A_1244 = vector.shape_cast %get3A_1243 : vector<1x16xf32> to vector<16xf32>
        %mul3A_1245 = vector.broadcast %squeeze3A_1240 : f32 to vector<16xf32>
        %mul3A_1246 = arith.mulf %get3A_1244, %mul3A_1245 : vector<16xf32>
        %swap3A_1247 = arith.index_cast %add3A_1238 : i32 to index
        %swap3A_1248 = arith.constant 0 : index
        %swap3A_1249 = tpu.vector_load %arg16[%swap3A_1247, %swap3A_1248] {strides = array<i32>} : memref<80x128xf32, #tpu.memory_space<vmem>>, vector<1x16xf32>,
        %swap3A_1250 = vector.shape_cast %swap3A_1249 : vector<1x16xf32> to vector<16xf32>
        %swap3A_1251 = vector.shape_cast %mul3A_1246 : vector<16xf32> to vector<1x16xf32>
        tpu.vector_store %arg16[%swap3A_1247, %swap3A_1248], %swap3A_1251 {strides = array<i32>} : memref<80x128xf32, #tpu.memory_space<vmem>>, vector<1x16xf32>,
        %get3A_1252 = arith.index_cast %add3A_1238 : i32 to index
        %get3A_1253 = arith.constant 16 : index
        %get3A_1254 = tpu.vector_load %arg15[%get3A_1252, %get3A_1253] {strides = array<i32>} : memref<80x128xf32, #tpu.memory_space<vmem>>, vector<1x16xf32>,
        %get3A_1255 = vector.shape_cast %get3A_1254 : vector<1x16xf32> to vector<16xf32>
        %mul3A_1256 = vector.broadcast %squeeze3A_1240 : f32 to vector<16xf32>
        %mul3A_1257 = arith.mulf %get3A_1255, %mul3A_1256 : vector<16xf32>
        %swap3A_1258 = arith.index_cast %add3A_1238 : i32 to index
        %swap3A_1259 = arith.constant 16 : index
        %swap3A_1260 = tpu.vector_load %arg16[%swap3A_1258, %swap3A_1259] {strides = array<i32>} : memref<80x128xf32, #tpu.memory_space<vmem>>, vector<1x16xf32>,
        %swap3A_1261 = vector.shape_cast %swap3A_1260 : vector<1x16xf32> to vector<16xf32>
        %swap3A_1262 = vector.shape_cast %mul3A_1257 : vector<16xf32> to vector<1x16xf32>
        tpu.vector_store %arg16[%swap3A_1258, %swap3A_1259], %swap3A_1262 {strides = array<i32>} : memref<80x128xf32, #tpu.memory_space<vmem>>, vector<1x16xf32>,
        %get3A_1263 = arith.index_cast %add3A_1238 : i32 to index
        %get3A_1264 = arith.constant 32 : index
        %get3A_1265 = tpu.vector_load %arg15[%get3A_1263, %get3A_1264] {strides = array<i32>} : memref<80x128xf32, #tpu.memory_space<vmem>>, vector<1x16xf32>,
        %get3A_1266 = vector.shape_cast %get3A_1265 : vector<1x16xf32> to vector<16xf32>
        %mul3A_1267 = vector.broadcast %squeeze3A_1240 : f32 to vector<16xf32>
        %mul3A_1268 = arith.mulf %get3A_1266, %mul3A_1267 : vector<16xf32>
        %swap3A_1269 = arith.index_cast %add3A_1238 : i32 to index
        %swap3A_1270 = arith.constant 32 : index
        %swap3A_1271 = tpu.vector_load %arg16[%swap3A_1269, %swap3A_1270] {strides = array<i32>} : memref<80x128xf32, #tpu.memory_space<vmem>>, vector<1x16xf32>,
        %swap3A_1272 = vector.shape_cast %swap3A_1271 : vector<1x16xf32> to vector<16xf32>
        %swap3A_1273 = vector.shape_cast %mul3A_1268 : vector<16xf32> to vector<1x16xf32>
        tpu.vector_store %arg16[%swap3A_1269, %swap3A_1270], %swap3A_1273 {strides = array<i32>} : memref<80x128xf32, #tpu.memory_space<vmem>>, vector<1x16xf32>,
        %get3A_1274 = arith.index_cast %add3A_1238 : i32 to index
        %get3A_1275 = arith.constant 48 : index
        %get3A_1276 = tpu.vector_load %arg15[%get3A_1274, %get3A_1275] {strides = array<i32>} : memref<80x128xf32, #tpu.memory_space<vmem>>, vector<1x16xf32>,
        %get3A_1277 = vector.shape_cast %get3A_1276 : vector<1x16xf32> to vector<16xf32>
        %mul3A_1278 = vector.broadcast %squeeze3A_1240 : f32 to vector<16xf32>
        %mul3A_1279 = arith.mulf %get3A_1277, %mul3A_1278 : vector<16xf32>
        %swap3A_1280 = arith.index_cast %add3A_1238 : i32 to index
        %swap3A_1281 = arith.constant 48 : index
        %swap3A_1282 = tpu.vector_load %arg16[%swap3A_1280, %swap3A_1281] {strides = array<i32>} : memref<80x128xf32, #tpu.memory_space<vmem>>, vector<1x16xf32>,
        %swap3A_1283 = vector.shape_cast %swap3A_1282 : vector<1x16xf32> to vector<16xf32>
        %swap3A_1284 = vector.shape_cast %mul3A_1279 : vector<16xf32> to vector<1x16xf32>
        tpu.vector_store %arg16[%swap3A_1280, %swap3A_1281], %swap3A_1284 {strides = array<i32>} : memref<80x128xf32, #tpu.memory_space<vmem>>, vector<1x16xf32>,
        %get3A_1285 = arith.index_cast %add3A_1238 : i32 to index
        %get3A_1286 = arith.constant 64 : index
        %get3A_1287 = tpu.vector_load %arg15[%get3A_1285, %get3A_1286] {strides = array<i32>} : memref<80x128xf32, #tpu.memory_space<vmem>>, vector<1x16xf32>,
        %get3A_1288 = vector.shape_cast %get3A_1287 : vector<1x16xf32> to vector<16xf32>
        %mul3A_1289 = vector.broadcast %squeeze3A_1240 : f32 to vector<16xf32>
        %mul3A_1290 = arith.mulf %get3A_1288, %mul3A_1289 : vector<16xf32>
        %swap3A_1291 = arith.index_cast %add3A_1238 : i32 to index
        %swap3A_1292 = arith.constant 64 : index
        %swap3A_1293 = tpu.vector_load %arg16[%swap3A_1291, %swap3A_1292] {strides = array<i32>} : memref<80x128xf32, #tpu.memory_space<vmem>>, vector<1x16xf32>,
        %swap3A_1294 = vector.shape_cast %swap3A_1293 : vector<1x16xf32> to vector<16xf32>
        %swap3A_1295 = vector.shape_cast %mul3A_1290 : vector<16xf32> to vector<1x16xf32>
        tpu.vector_store %arg16[%swap3A_1291, %swap3A_1292], %swap3A_1295 {strides = array<i32>} : memref<80x128xf32, #tpu.memory_space<vmem>>, vector<1x16xf32>,
        %get3A_1296 = arith.index_cast %add3A_1238 : i32 to index
        %get3A_1297 = arith.constant 80 : index
        %get3A_1298 = tpu.vector_load %arg15[%get3A_1296, %get3A_1297] {strides = array<i32>} : memref<80x128xf32, #tpu.memory_space<vmem>>, vector<1x16xf32>,
        %get3A_1299 = vector.shape_cast %get3A_1298 : vector<1x16xf32> to vector<16xf32>
        %mul3A_1300 = vector.broadcast %squeeze3A_1240 : f32 to vector<16xf32>
        %mul3A_1301 = arith.mulf %get3A_1299, %mul3A_1300 : vector<16xf32>
        %swap3A_1302 = arith.index_cast %add3A_1238 : i32 to index
        %swap3A_1303 = arith.constant 80 : index
        %swap3A_1304 = tpu.vector_load %arg16[%swap3A_1302, %swap3A_1303] {strides = array<i32>} : memref<80x128xf32, #tpu.memory_space<vmem>>, vector<1x16xf32>,
        %swap3A_1305 = vector.shape_cast %swap3A_1304 : vector<1x16xf32> to vector<16xf32>
        %swap3A_1306 = vector.shape_cast %mul3A_1301 : vector<16xf32> to vector<1x16xf32>
        tpu.vector_store %arg16[%swap3A_1302, %swap3A_1303], %swap3A_1306 {strides = array<i32>} : memref<80x128xf32, #tpu.memory_space<vmem>>, vector<1x16xf32>,
        %get3A_1307 = arith.index_cast %add3A_1238 : i32 to index
        %get3A_1308 = arith.constant 96 : index
        %get3A_1309 = tpu.vector_load %arg15[%get3A_1307, %get3A_1308] {strides = array<i32>} : memref<80x128xf32, #tpu.memory_space<vmem>>, vector<1x16xf32>,
        %get3A_1310 = vector.shape_cast %get3A_1309 : vector<1x16xf32> to vector<16xf32>
        %mul3A_1311 = vector.broadcast %squeeze3A_1240 : f32 to vector<16xf32>
        %mul3A_1312 = arith.mulf %get3A_1310, %mul3A_1311 : vector<16xf32>
        %swap3A_1313 = arith.index_cast %add3A_1238 : i32 to index
        %swap3A_1314 = arith.constant 96 : index
        %swap3A_1315 = tpu.vector_load %arg16[%swap3A_1313, %swap3A_1314] {strides = array<i32>} : memref<80x128xf32, #tpu.memory_space<vmem>>, vector<1x16xf32>,
        %swap3A_1316 = vector.shape_cast %swap3A_1315 : vector<1x16xf32> to vector<16xf32>
        %swap3A_1317 = vector.shape_cast %mul3A_1312 : vector<16xf32> to vector<1x16xf32>
        tpu.vector_store %arg16[%swap3A_1313, %swap3A_1314], %swap3A_1317 {strides = array<i32>} : memref<80x128xf32, #tpu.memory_space<vmem>>, vector<1x16xf32>,
        %get3A_1318 = arith.index_cast %add3A_1238 : i32 to index
        %get3A_1319 = arith.constant 112 : index
        %get3A_1320 = tpu.vector_load %arg15[%get3A_1318, %get3A_1319] {strides = array<i32>} : memref<80x128xf32, #tpu.memory_space<vmem>>, vector<1x16xf32>,
        %get3A_1321 = vector.shape_cast %get3A_1320 : vector<1x16xf32> to vector<16xf32>
        %mul3A_1322 = vector.broadcast %squeeze3A_1240 : f32 to vector<16xf32>
        %mul3A_1323 = arith.mulf %get3A_1321, %mul3A_1322 : vector<16xf32>
        %swap3A_1324 = arith.index_cast %add3A_1238 : i32 to index
        %swap3A_1325 = arith.constant 112 : index
        %swap3A_1326 = tpu.vector_load %arg16[%swap3A_1324, %swap3A_1325] {strides = array<i32>} : memref<80x128xf32, #tpu.memory_space<vmem>>, vector<1x16xf32>,
        %swap3A_1327 = vector.shape_cast %swap3A_1326 : vector<1x16xf32> to vector<16xf32>
        %swap3A_1328 = vector.shape_cast %mul3A_1323 : vector<16xf32> to vector<1x16xf32>
        tpu.vector_store %arg16[%swap3A_1324, %swap3A_1325], %swap3A_1328 {strides = array<i32>} : memref<80x128xf32, #tpu.memory_space<vmem>>, vector<1x16xf32>,
        %mul3A_1329 = arith.constant 16 : i32
        %mul3A_1330 = arith.muli %scan3A_196, %mul3A_1329 : i32
        %add3A_1331 = arith.constant 12 : i32
        %add3A_1332 = arith.addi %mul3A_1330, %add3A_1331 : i32
        %slice3A_1333 = vector.extract_strided_slice %get3A_202 {offsets = [12], sizes = [1], strides = [1]} : vector<16xf32> to vector<1xf32>
        %squeeze3A_1334 = vector.extract %slice3A_1333[0] : f32 from vector<1xf32>
        %get3A_1335 = arith.index_cast %add3A_1332 : i32 to index
        %get3A_1336 = arith.constant 0 : index
        %get3A_1337 = tpu.vector_load %arg15[%get3A_1335, %get3A_1336] {strides = array<i32>} : memref<80x128xf32, #tpu.memory_space<vmem>>, vector<1x16xf32>,
        %get3A_1338 = vector.shape_cast %get3A_1337 : vector<1x16xf32> to vector<16xf32>
        %mul3A_1339 = vector.broadcast %squeeze3A_1334 : f32 to vector<16xf32>
        %mul3A_1340 = arith.mulf %get3A_1338, %mul3A_1339 : vector<16xf32>
        %swap3A_1341 = arith.index_cast %add3A_1332 : i32 to index
        %swap3A_1342 = arith.constant 0 : index
        %swap3A_1343 = tpu.vector_load %arg16[%swap3A_1341, %swap3A_1342] {strides = array<i32>} : memref<80x128xf32, #tpu.memory_space<vmem>>, vector<1x16xf32>,
        %swap3A_1344 = vector.shape_cast %swap3A_1343 : vector<1x16xf32> to vector<16xf32>
        %swap3A_1345 = vector.shape_cast %mul3A_1340 : vector<16xf32> to vector<1x16xf32>
        tpu.vector_store %arg16[%swap3A_1341, %swap3A_1342], %swap3A_1345 {strides = array<i32>} : memref<80x128xf32, #tpu.memory_space<vmem>>, vector<1x16xf32>,
        %get3A_1346 = arith.index_cast %add3A_1332 : i32 to index
        %get3A_1347 = arith.constant 16 : index
        %get3A_1348 = tpu.vector_load %arg15[%get3A_1346, %get3A_1347] {strides = array<i32>} : memref<80x128xf32, #tpu.memory_space<vmem>>, vector<1x16xf32>,
        %get3A_1349 = vector.shape_cast %get3A_1348 : vector<1x16xf32> to vector<16xf32>
        %mul3A_1350 = vector.broadcast %squeeze3A_1334 : f32 to vector<16xf32>
        %mul3A_1351 = arith.mulf %get3A_1349, %mul3A_1350 : vector<16xf32>
        %swap3A_1352 = arith.index_cast %add3A_1332 : i32 to index
        %swap3A_1353 = arith.constant 16 : index
        %swap3A_1354 = tpu.vector_load %arg16[%swap3A_1352, %swap3A_1353] {strides = array<i32>} : memref<80x128xf32, #tpu.memory_space<vmem>>, vector<1x16xf32>,
        %swap3A_1355 = vector.shape_cast %swap3A_1354 : vector<1x16xf32> to vector<16xf32>
        %swap3A_1356 = vector.shape_cast %mul3A_1351 : vector<16xf32> to vector<1x16xf32>
        tpu.vector_store %arg16[%swap3A_1352, %swap3A_1353], %swap3A_1356 {strides = array<i32>} : memref<80x128xf32, #tpu.memory_space<vmem>>, vector<1x16xf32>,
        %get3A_1357 = arith.index_cast %add3A_1332 : i32 to index
        %get3A_1358 = arith.constant 32 : index
        %get3A_1359 = tpu.vector_load %arg15[%get3A_1357, %get3A_1358] {strides = array<i32>} : memref<80x128xf32, #tpu.memory_space<vmem>>, vector<1x16xf32>,
        %get3A_1360 = vector.shape_cast %get3A_1359 : vector<1x16xf32> to vector<16xf32>
        %mul3A_1361 = vector.broadcast %squeeze3A_1334 : f32 to vector<16xf32>
        %mul3A_1362 = arith.mulf %get3A_1360, %mul3A_1361 : vector<16xf32>
        %swap3A_1363 = arith.index_cast %add3A_1332 : i32 to index
        %swap3A_1364 = arith.constant 32 : index
        %swap3A_1365 = tpu.vector_load %arg16[%swap3A_1363, %swap3A_1364] {strides = array<i32>} : memref<80x128xf32, #tpu.memory_space<vmem>>, vector<1x16xf32>,
        %swap3A_1366 = vector.shape_cast %swap3A_1365 : vector<1x16xf32> to vector<16xf32>
        %swap3A_1367 = vector.shape_cast %mul3A_1362 : vector<16xf32> to vector<1x16xf32>
        tpu.vector_store %arg16[%swap3A_1363, %swap3A_1364], %swap3A_1367 {strides = array<i32>} : memref<80x128xf32, #tpu.memory_space<vmem>>, vector<1x16xf32>,
        %get3A_1368 = arith.index_cast %add3A_1332 : i32 to index
        %get3A_1369 = arith.constant 48 : index
        %get3A_1370 = tpu.vector_load %arg15[%get3A_1368, %get3A_1369] {strides = array<i32>} : memref<80x128xf32, #tpu.memory_space<vmem>>, vector<1x16xf32>,
        %get3A_1371 = vector.shape_cast %get3A_1370 : vector<1x16xf32> to vector<16xf32>
        %mul3A_1372 = vector.broadcast %squeeze3A_1334 : f32 to vector<16xf32>
        %mul3A_1373 = arith.mulf %get3A_1371, %mul3A_1372 : vector<16xf32>
        %swap3A_1374 = arith.index_cast %add3A_1332 : i32 to index
        %swap3A_1375 = arith.constant 48 : index
        %swap3A_1376 = tpu.vector_load %arg16[%swap3A_1374, %swap3A_1375] {strides = array<i32>} : memref<80x128xf32, #tpu.memory_space<vmem>>, vector<1x16xf32>,
        %swap3A_1377 = vector.shape_cast %swap3A_1376 : vector<1x16xf32> to vector<16xf32>
        %swap3A_1378 = vector.shape_cast %mul3A_1373 : vector<16xf32> to vector<1x16xf32>
        tpu.vector_store %arg16[%swap3A_1374, %swap3A_1375], %swap3A_1378 {strides = array<i32>} : memref<80x128xf32, #tpu.memory_space<vmem>>, vector<1x16xf32>,
        %get3A_1379 = arith.index_cast %add3A_1332 : i32 to index
        %get3A_1380 = arith.constant 64 : index
        %get3A_1381 = tpu.vector_load %arg15[%get3A_1379, %get3A_1380] {strides = array<i32>} : memref<80x128xf32, #tpu.memory_space<vmem>>, vector<1x16xf32>,
        %get3A_1382 = vector.shape_cast %get3A_1381 : vector<1x16xf32> to vector<16xf32>
        %mul3A_1383 = vector.broadcast %squeeze3A_1334 : f32 to vector<16xf32>
        %mul3A_1384 = arith.mulf %get3A_1382, %mul3A_1383 : vector<16xf32>
        %swap3A_1385 = arith.index_cast %add3A_1332 : i32 to index
        %swap3A_1386 = arith.constant 64 : index
        %swap3A_1387 = tpu.vector_load %arg16[%swap3A_1385, %swap3A_1386] {strides = array<i32>} : memref<80x128xf32, #tpu.memory_space<vmem>>, vector<1x16xf32>,
        %swap3A_1388 = vector.shape_cast %swap3A_1387 : vector<1x16xf32> to vector<16xf32>
        %swap3A_1389 = vector.shape_cast %mul3A_1384 : vector<16xf32> to vector<1x16xf32>
        tpu.vector_store %arg16[%swap3A_1385, %swap3A_1386], %swap3A_1389 {strides = array<i32>} : memref<80x128xf32, #tpu.memory_space<vmem>>, vector<1x16xf32>,
        %get3A_1390 = arith.index_cast %add3A_1332 : i32 to index
        %get3A_1391 = arith.constant 80 : index
        %get3A_1392 = tpu.vector_load %arg15[%get3A_1390, %get3A_1391] {strides = array<i32>} : memref<80x128xf32, #tpu.memory_space<vmem>>, vector<1x16xf32>,
        %get3A_1393 = vector.shape_cast %get3A_1392 : vector<1x16xf32> to vector<16xf32>
        %mul3A_1394 = vector.broadcast %squeeze3A_1334 : f32 to vector<16xf32>
        %mul3A_1395 = arith.mulf %get3A_1393, %mul3A_1394 : vector<16xf32>
        %swap3A_1396 = arith.index_cast %add3A_1332 : i32 to index
        %swap3A_1397 = arith.constant 80 : index
        %swap3A_1398 = tpu.vector_load %arg16[%swap3A_1396, %swap3A_1397] {strides = array<i32>} : memref<80x128xf32, #tpu.memory_space<vmem>>, vector<1x16xf32>,
        %swap3A_1399 = vector.shape_cast %swap3A_1398 : vector<1x16xf32> to vector<16xf32>
        %swap3A_1400 = vector.shape_cast %mul3A_1395 : vector<16xf32> to vector<1x16xf32>
        tpu.vector_store %arg16[%swap3A_1396, %swap3A_1397], %swap3A_1400 {strides = array<i32>} : memref<80x128xf32, #tpu.memory_space<vmem>>, vector<1x16xf32>,
        %get3A_1401 = arith.index_cast %add3A_1332 : i32 to index
        %get3A_1402 = arith.constant 96 : index
        %get3A_1403 = tpu.vector_load %arg15[%get3A_1401, %get3A_1402] {strides = array<i32>} : memref<80x128xf32, #tpu.memory_space<vmem>>, vector<1x16xf32>,
        %get3A_1404 = vector.shape_cast %get3A_1403 : vector<1x16xf32> to vector<16xf32>
        %mul3A_1405 = vector.broadcast %squeeze3A_1334 : f32 to vector<16xf32>
        %mul3A_1406 = arith.mulf %get3A_1404, %mul3A_1405 : vector<16xf32>
        %swap3A_1407 = arith.index_cast %add3A_1332 : i32 to index
        %swap3A_1408 = arith.constant 96 : index
        %swap3A_1409 = tpu.vector_load %arg16[%swap3A_1407, %swap3A_1408] {strides = array<i32>} : memref<80x128xf32, #tpu.memory_space<vmem>>, vector<1x16xf32>,
        %swap3A_1410 = vector.shape_cast %swap3A_1409 : vector<1x16xf32> to vector<16xf32>
        %swap3A_1411 = vector.shape_cast %mul3A_1406 : vector<16xf32> to vector<1x16xf32>
        tpu.vector_store %arg16[%swap3A_1407, %swap3A_1408], %swap3A_1411 {strides = array<i32>} : memref<80x128xf32, #tpu.memory_space<vmem>>, vector<1x16xf32>,
        %get3A_1412 = arith.index_cast %add3A_1332 : i32 to index
        %get3A_1413 = arith.constant 112 : index
        %get3A_1414 = tpu.vector_load %arg15[%get3A_1412, %get3A_1413] {strides = array<i32>} : memref<80x128xf32, #tpu.memory_space<vmem>>, vector<1x16xf32>,
        %get3A_1415 = vector.shape_cast %get3A_1414 : vector<1x16xf32> to vector<16xf32>
        %mul3A_1416 = vector.broadcast %squeeze3A_1334 : f32 to vector<16xf32>
        %mul3A_1417 = arith.mulf %get3A_1415, %mul3A_1416 : vector<16xf32>
        %swap3A_1418 = arith.index_cast %add3A_1332 : i32 to index
        %swap3A_1419 = arith.constant 112 : index
        %swap3A_1420 = tpu.vector_load %arg16[%swap3A_1418, %swap3A_1419] {strides = array<i32>} : memref<80x128xf32, #tpu.memory_space<vmem>>, vector<1x16xf32>,
        %swap3A_1421 = vector.shape_cast %swap3A_1420 : vector<1x16xf32> to vector<16xf32>
        %swap3A_1422 = vector.shape_cast %mul3A_1417 : vector<16xf32> to vector<1x16xf32>
        tpu.vector_store %arg16[%swap3A_1418, %swap3A_1419], %swap3A_1422 {strides = array<i32>} : memref<80x128xf32, #tpu.memory_space<vmem>>, vector<1x16xf32>,
        %mul3A_1423 = arith.constant 16 : i32
        %mul3A_1424 = arith.muli %scan3A_196, %mul3A_1423 : i32
        %add3A_1425 = arith.constant 13 : i32
        %add3A_1426 = arith.addi %mul3A_1424, %add3A_1425 : i32
        %slice3A_1427 = vector.extract_strided_slice %get3A_202 {offsets = [13], sizes = [1], strides = [1]} : vector<16xf32> to vector<1xf32>
        %squeeze3A_1428 = vector.extract %slice3A_1427[0] : f32 from vector<1xf32>
        %get3A_1429 = arith.index_cast %add3A_1426 : i32 to index
        %get3A_1430 = arith.constant 0 : index
        %get3A_1431 = tpu.vector_load %arg15[%get3A_1429, %get3A_1430] {strides = array<i32>} : memref<80x128xf32, #tpu.memory_space<vmem>>, vector<1x16xf32>,
        %get3A_1432 = vector.shape_cast %get3A_1431 : vector<1x16xf32> to vector<16xf32>
        %mul3A_1433 = vector.broadcast %squeeze3A_1428 : f32 to vector<16xf32>
        %mul3A_1434 = arith.mulf %get3A_1432, %mul3A_1433 : vector<16xf32>
        %swap3A_1435 = arith.index_cast %add3A_1426 : i32 to index
        %swap3A_1436 = arith.constant 0 : index
        %swap3A_1437 = tpu.vector_load %arg16[%swap3A_1435, %swap3A_1436] {strides = array<i32>} : memref<80x128xf32, #tpu.memory_space<vmem>>, vector<1x16xf32>,
        %swap3A_1438 = vector.shape_cast %swap3A_1437 : vector<1x16xf32> to vector<16xf32>
        %swap3A_1439 = vector.shape_cast %mul3A_1434 : vector<16xf32> to vector<1x16xf32>
        tpu.vector_store %arg16[%swap3A_1435, %swap3A_1436], %swap3A_1439 {strides = array<i32>} : memref<80x128xf32, #tpu.memory_space<vmem>>, vector<1x16xf32>,
        %get3A_1440 = arith.index_cast %add3A_1426 : i32 to index
        %get3A_1441 = arith.constant 16 : index
        %get3A_1442 = tpu.vector_load %arg15[%get3A_1440, %get3A_1441] {strides = array<i32>} : memref<80x128xf32, #tpu.memory_space<vmem>>, vector<1x16xf32>,
        %get3A_1443 = vector.shape_cast %get3A_1442 : vector<1x16xf32> to vector<16xf32>
        %mul3A_1444 = vector.broadcast %squeeze3A_1428 : f32 to vector<16xf32>
        %mul3A_1445 = arith.mulf %get3A_1443, %mul3A_1444 : vector<16xf32>
        %swap3A_1446 = arith.index_cast %add3A_1426 : i32 to index
        %swap3A_1447 = arith.constant 16 : index
        %swap3A_1448 = tpu.vector_load %arg16[%swap3A_1446, %swap3A_1447] {strides = array<i32>} : memref<80x128xf32, #tpu.memory_space<vmem>>, vector<1x16xf32>,
        %swap3A_1449 = vector.shape_cast %swap3A_1448 : vector<1x16xf32> to vector<16xf32>
        %swap3A_1450 = vector.shape_cast %mul3A_1445 : vector<16xf32> to vector<1x16xf32>
        tpu.vector_store %arg16[%swap3A_1446, %swap3A_1447], %swap3A_1450 {strides = array<i32>} : memref<80x128xf32, #tpu.memory_space<vmem>>, vector<1x16xf32>,
        %get3A_1451 = arith.index_cast %add3A_1426 : i32 to index
        %get3A_1452 = arith.constant 32 : index
        %get3A_1453 = tpu.vector_load %arg15[%get3A_1451, %get3A_1452] {strides = array<i32>} : memref<80x128xf32, #tpu.memory_space<vmem>>, vector<1x16xf32>,
        %get3A_1454 = vector.shape_cast %get3A_1453 : vector<1x16xf32> to vector<16xf32>
        %mul3A_1455 = vector.broadcast %squeeze3A_1428 : f32 to vector<16xf32>
        %mul3A_1456 = arith.mulf %get3A_1454, %mul3A_1455 : vector<16xf32>
        %swap3A_1457 = arith.index_cast %add3A_1426 : i32 to index
        %swap3A_1458 = arith.constant 32 : index
        %swap3A_1459 = tpu.vector_load %arg16[%swap3A_1457, %swap3A_1458] {strides = array<i32>} : memref<80x128xf32, #tpu.memory_space<vmem>>, vector<1x16xf32>,
        %swap3A_1460 = vector.shape_cast %swap3A_1459 : vector<1x16xf32> to vector<16xf32>
        %swap3A_1461 = vector.shape_cast %mul3A_1456 : vector<16xf32> to vector<1x16xf32>
        tpu.vector_store %arg16[%swap3A_1457, %swap3A_1458], %swap3A_1461 {strides = array<i32>} : memref<80x128xf32, #tpu.memory_space<vmem>>, vector<1x16xf32>,
        %get3A_1462 = arith.index_cast %add3A_1426 : i32 to index
        %get3A_1463 = arith.constant 48 : index
        %get3A_1464 = tpu.vector_load %arg15[%get3A_1462, %get3A_1463] {strides = array<i32>} : memref<80x128xf32, #tpu.memory_space<vmem>>, vector<1x16xf32>,
        %get3A_1465 = vector.shape_cast %get3A_1464 : vector<1x16xf32> to vector<16xf32>
        %mul3A_1466 = vector.broadcast %squeeze3A_1428 : f32 to vector<16xf32>
        %mul3A_1467 = arith.mulf %get3A_1465, %mul3A_1466 : vector<16xf32>
        %swap3A_1468 = arith.index_cast %add3A_1426 : i32 to index
        %swap3A_1469 = arith.constant 48 : index
        %swap3A_1470 = tpu.vector_load %arg16[%swap3A_1468, %swap3A_1469] {strides = array<i32>} : memref<80x128xf32, #tpu.memory_space<vmem>>, vector<1x16xf32>,
        %swap3A_1471 = vector.shape_cast %swap3A_1470 : vector<1x16xf32> to vector<16xf32>
        %swap3A_1472 = vector.shape_cast %mul3A_1467 : vector<16xf32> to vector<1x16xf32>
        tpu.vector_store %arg16[%swap3A_1468, %swap3A_1469], %swap3A_1472 {strides = array<i32>} : memref<80x128xf32, #tpu.memory_space<vmem>>, vector<1x16xf32>,
        %get3A_1473 = arith.index_cast %add3A_1426 : i32 to index
        %get3A_1474 = arith.constant 64 : index
        %get3A_1475 = tpu.vector_load %arg15[%get3A_1473, %get3A_1474] {strides = array<i32>} : memref<80x128xf32, #tpu.memory_space<vmem>>, vector<1x16xf32>,
        %get3A_1476 = vector.shape_cast %get3A_1475 : vector<1x16xf32> to vector<16xf32>
        %mul3A_1477 = vector.broadcast %squeeze3A_1428 : f32 to vector<16xf32>
        %mul3A_1478 = arith.mulf %get3A_1476, %mul3A_1477 : vector<16xf32>
        %swap3A_1479 = arith.index_cast %add3A_1426 : i32 to index
        %swap3A_1480 = arith.constant 64 : index
        %swap3A_1481 = tpu.vector_load %arg16[%swap3A_1479, %swap3A_1480] {strides = array<i32>} : memref<80x128xf32, #tpu.memory_space<vmem>>, vector<1x16xf32>,
        %swap3A_1482 = vector.shape_cast %swap3A_1481 : vector<1x16xf32> to vector<16xf32>
        %swap3A_1483 = vector.shape_cast %mul3A_1478 : vector<16xf32> to vector<1x16xf32>
        tpu.vector_store %arg16[%swap3A_1479, %swap3A_1480], %swap3A_1483 {strides = array<i32>} : memref<80x128xf32, #tpu.memory_space<vmem>>, vector<1x16xf32>,
        %get3A_1484 = arith.index_cast %add3A_1426 : i32 to index
        %get3A_1485 = arith.constant 80 : index
        %get3A_1486 = tpu.vector_load %arg15[%get3A_1484, %get3A_1485] {strides = array<i32>} : memref<80x128xf32, #tpu.memory_space<vmem>>, vector<1x16xf32>,
        %get3A_1487 = vector.shape_cast %get3A_1486 : vector<1x16xf32> to vector<16xf32>
        %mul3A_1488 = vector.broadcast %squeeze3A_1428 : f32 to vector<16xf32>
        %mul3A_1489 = arith.mulf %get3A_1487, %mul3A_1488 : vector<16xf32>
        %swap3A_1490 = arith.index_cast %add3A_1426 : i32 to index
        %swap3A_1491 = arith.constant 80 : index
        %swap3A_1492 = tpu.vector_load %arg16[%swap3A_1490, %swap3A_1491] {strides = array<i32>} : memref<80x128xf32, #tpu.memory_space<vmem>>, vector<1x16xf32>,
        %swap3A_1493 = vector.shape_cast %swap3A_1492 : vector<1x16xf32> to vector<16xf32>
        %swap3A_1494 = vector.shape_cast %mul3A_1489 : vector<16xf32> to vector<1x16xf32>
        tpu.vector_store %arg16[%swap3A_1490, %swap3A_1491], %swap3A_1494 {strides = array<i32>} : memref<80x128xf32, #tpu.memory_space<vmem>>, vector<1x16xf32>,
        %get3A_1495 = arith.index_cast %add3A_1426 : i32 to index
        %get3A_1496 = arith.constant 96 : index
        %get3A_1497 = tpu.vector_load %arg15[%get3A_1495, %get3A_1496] {strides = array<i32>} : memref<80x128xf32, #tpu.memory_space<vmem>>, vector<1x16xf32>,
        %get3A_1498 = vector.shape_cast %get3A_1497 : vector<1x16xf32> to vector<16xf32>
        %mul3A_1499 = vector.broadcast %squeeze3A_1428 : f32 to vector<16xf32>
        %mul3A_1500 = arith.mulf %get3A_1498, %mul3A_1499 : vector<16xf32>
        %swap3A_1501 = arith.index_cast %add3A_1426 : i32 to index
        %swap3A_1502 = arith.constant 96 : index
        %swap3A_1503 = tpu.vector_load %arg16[%swap3A_1501, %swap3A_1502] {strides = array<i32>} : memref<80x128xf32, #tpu.memory_space<vmem>>, vector<1x16xf32>,
        %swap3A_1504 = vector.shape_cast %swap3A_1503 : vector<1x16xf32> to vector<16xf32>
        %swap3A_1505 = vector.shape_cast %mul3A_1500 : vector<16xf32> to vector<1x16xf32>
        tpu.vector_store %arg16[%swap3A_1501, %swap3A_1502], %swap3A_1505 {strides = array<i32>} : memref<80x128xf32, #tpu.memory_space<vmem>>, vector<1x16xf32>,
        %get3A_1506 = arith.index_cast %add3A_1426 : i32 to index
        %get3A_1507 = arith.constant 112 : index
        %get3A_1508 = tpu.vector_load %arg15[%get3A_1506, %get3A_1507] {strides = array<i32>} : memref<80x128xf32, #tpu.memory_space<vmem>>, vector<1x16xf32>,
        %get3A_1509 = vector.shape_cast %get3A_1508 : vector<1x16xf32> to vector<16xf32>
        %mul3A_1510 = vector.broadcast %squeeze3A_1428 : f32 to vector<16xf32>
        %mul3A_1511 = arith.mulf %get3A_1509, %mul3A_1510 : vector<16xf32>
        %swap3A_1512 = arith.index_cast %add3A_1426 : i32 to index
        %swap3A_1513 = arith.constant 112 : index
        %swap3A_1514 = tpu.vector_load %arg16[%swap3A_1512, %swap3A_1513] {strides = array<i32>} : memref<80x128xf32, #tpu.memory_space<vmem>>, vector<1x16xf32>,
        %swap3A_1515 = vector.shape_cast %swap3A_1514 : vector<1x16xf32> to vector<16xf32>
        %swap3A_1516 = vector.shape_cast %mul3A_1511 : vector<16xf32> to vector<1x16xf32>
        tpu.vector_store %arg16[%swap3A_1512, %swap3A_1513], %swap3A_1516 {strides = array<i32>} : memref<80x128xf32, #tpu.memory_space<vmem>>, vector<1x16xf32>,
        %mul3A_1517 = arith.constant 16 : i32
        %mul3A_1518 = arith.muli %scan3A_196, %mul3A_1517 : i32
        %add3A_1519 = arith.constant 14 : i32
        %add3A_1520 = arith.addi %mul3A_1518, %add3A_1519 : i32
        %slice3A_1521 = vector.extract_strided_slice %get3A_202 {offsets = [14], sizes = [1], strides = [1]} : vector<16xf32> to vector<1xf32>
        %squeeze3A_1522 = vector.extract %slice3A_1521[0] : f32 from vector<1xf32>
        %get3A_1523 = arith.index_cast %add3A_1520 : i32 to index
        %get3A_1524 = arith.constant 0 : index
        %get3A_1525 = tpu.vector_load %arg15[%get3A_1523, %get3A_1524] {strides = array<i32>} : memref<80x128xf32, #tpu.memory_space<vmem>>, vector<1x16xf32>,
        %get3A_1526 = vector.shape_cast %get3A_1525 : vector<1x16xf32> to vector<16xf32>
        %mul3A_1527 = vector.broadcast %squeeze3A_1522 : f32 to vector<16xf32>
        %mul3A_1528 = arith.mulf %get3A_1526, %mul3A_1527 : vector<16xf32>
        %swap3A_1529 = arith.index_cast %add3A_1520 : i32 to index
        %swap3A_1530 = arith.constant 0 : index
        %swap3A_1531 = tpu.vector_load %arg16[%swap3A_1529, %swap3A_1530] {strides = array<i32>} : memref<80x128xf32, #tpu.memory_space<vmem>>, vector<1x16xf32>,
        %swap3A_1532 = vector.shape_cast %swap3A_1531 : vector<1x16xf32> to vector<16xf32>
        %swap3A_1533 = vector.shape_cast %mul3A_1528 : vector<16xf32> to vector<1x16xf32>
        tpu.vector_store %arg16[%swap3A_1529, %swap3A_1530], %swap3A_1533 {strides = array<i32>} : memref<80x128xf32, #tpu.memory_space<vmem>>, vector<1x16xf32>,
        %get3A_1534 = arith.index_cast %add3A_1520 : i32 to index
        %get3A_1535 = arith.constant 16 : index
        %get3A_1536 = tpu.vector_load %arg15[%get3A_1534, %get3A_1535] {strides = array<i32>} : memref<80x128xf32, #tpu.memory_space<vmem>>, vector<1x16xf32>,
        %get3A_1537 = vector.shape_cast %get3A_1536 : vector<1x16xf32> to vector<16xf32>
        %mul3A_1538 = vector.broadcast %squeeze3A_1522 : f32 to vector<16xf32>
        %mul3A_1539 = arith.mulf %get3A_1537, %mul3A_1538 : vector<16xf32>
        %swap3A_1540 = arith.index_cast %add3A_1520 : i32 to index
        %swap3A_1541 = arith.constant 16 : index
        %swap3A_1542 = tpu.vector_load %arg16[%swap3A_1540, %swap3A_1541] {strides = array<i32>} : memref<80x128xf32, #tpu.memory_space<vmem>>, vector<1x16xf32>,
        %swap3A_1543 = vector.shape_cast %swap3A_1542 : vector<1x16xf32> to vector<16xf32>
        %swap3A_1544 = vector.shape_cast %mul3A_1539 : vector<16xf32> to vector<1x16xf32>
        tpu.vector_store %arg16[%swap3A_1540, %swap3A_1541], %swap3A_1544 {strides = array<i32>} : memref<80x128xf32, #tpu.memory_space<vmem>>, vector<1x16xf32>,
        %get3A_1545 = arith.index_cast %add3A_1520 : i32 to index
        %get3A_1546 = arith.constant 32 : index
        %get3A_1547 = tpu.vector_load %arg15[%get3A_1545, %get3A_1546] {strides = array<i32>} : memref<80x128xf32, #tpu.memory_space<vmem>>, vector<1x16xf32>,
        %get3A_1548 = vector.shape_cast %get3A_1547 : vector<1x16xf32> to vector<16xf32>
        %mul3A_1549 = vector.broadcast %squeeze3A_1522 : f32 to vector<16xf32>
        %mul3A_1550 = arith.mulf %get3A_1548, %mul3A_1549 : vector<16xf32>
        %swap3A_1551 = arith.index_cast %add3A_1520 : i32 to index
        %swap3A_1552 = arith.constant 32 : index
        %swap3A_1553 = tpu.vector_load %arg16[%swap3A_1551, %swap3A_1552] {strides = array<i32>} : memref<80x128xf32, #tpu.memory_space<vmem>>, vector<1x16xf32>,
        %swap3A_1554 = vector.shape_cast %swap3A_1553 : vector<1x16xf32> to vector<16xf32>
        %swap3A_1555 = vector.shape_cast %mul3A_1550 : vector<16xf32> to vector<1x16xf32>
        tpu.vector_store %arg16[%swap3A_1551, %swap3A_1552], %swap3A_1555 {strides = array<i32>} : memref<80x128xf32, #tpu.memory_space<vmem>>, vector<1x16xf32>,
        %get3A_1556 = arith.index_cast %add3A_1520 : i32 to index
        %get3A_1557 = arith.constant 48 : index
        %get3A_1558 = tpu.vector_load %arg15[%get3A_1556, %get3A_1557] {strides = array<i32>} : memref<80x128xf32, #tpu.memory_space<vmem>>, vector<1x16xf32>,
        %get3A_1559 = vector.shape_cast %get3A_1558 : vector<1x16xf32> to vector<16xf32>
        %mul3A_1560 = vector.broadcast %squeeze3A_1522 : f32 to vector<16xf32>
        %mul3A_1561 = arith.mulf %get3A_1559, %mul3A_1560 : vector<16xf32>
        %swap3A_1562 = arith.index_cast %add3A_1520 : i32 to index
        %swap3A_1563 = arith.constant 48 : index
        %swap3A_1564 = tpu.vector_load %arg16[%swap3A_1562, %swap3A_1563] {strides = array<i32>} : memref<80x128xf32, #tpu.memory_space<vmem>>, vector<1x16xf32>,
        %swap3A_1565 = vector.shape_cast %swap3A_1564 : vector<1x16xf32> to vector<16xf32>
        %swap3A_1566 = vector.shape_cast %mul3A_1561 : vector<16xf32> to vector<1x16xf32>
        tpu.vector_store %arg16[%swap3A_1562, %swap3A_1563], %swap3A_1566 {strides = array<i32>} : memref<80x128xf32, #tpu.memory_space<vmem>>, vector<1x16xf32>,
        %get3A_1567 = arith.index_cast %add3A_1520 : i32 to index
        %get3A_1568 = arith.constant 64 : index
        %get3A_1569 = tpu.vector_load %arg15[%get3A_1567, %get3A_1568] {strides = array<i32>} : memref<80x128xf32, #tpu.memory_space<vmem>>, vector<1x16xf32>,
        %get3A_1570 = vector.shape_cast %get3A_1569 : vector<1x16xf32> to vector<16xf32>
        %mul3A_1571 = vector.broadcast %squeeze3A_1522 : f32 to vector<16xf32>
        %mul3A_1572 = arith.mulf %get3A_1570, %mul3A_1571 : vector<16xf32>
        %swap3A_1573 = arith.index_cast %add3A_1520 : i32 to index
        %swap3A_1574 = arith.constant 64 : index
        %swap3A_1575 = tpu.vector_load %arg16[%swap3A_1573, %swap3A_1574] {strides = array<i32>} : memref<80x128xf32, #tpu.memory_space<vmem>>, vector<1x16xf32>,
        %swap3A_1576 = vector.shape_cast %swap3A_1575 : vector<1x16xf32> to vector<16xf32>
        %swap3A_1577 = vector.shape_cast %mul3A_1572 : vector<16xf32> to vector<1x16xf32>
        tpu.vector_store %arg16[%swap3A_1573, %swap3A_1574], %swap3A_1577 {strides = array<i32>} : memref<80x128xf32, #tpu.memory_space<vmem>>, vector<1x16xf32>,
        %get3A_1578 = arith.index_cast %add3A_1520 : i32 to index
        %get3A_1579 = arith.constant 80 : index
        %get3A_1580 = tpu.vector_load %arg15[%get3A_1578, %get3A_1579] {strides = array<i32>} : memref<80x128xf32, #tpu.memory_space<vmem>>, vector<1x16xf32>,
        %get3A_1581 = vector.shape_cast %get3A_1580 : vector<1x16xf32> to vector<16xf32>
        %mul3A_1582 = vector.broadcast %squeeze3A_1522 : f32 to vector<16xf32>
        %mul3A_1583 = arith.mulf %get3A_1581, %mul3A_1582 : vector<16xf32>
        %swap3A_1584 = arith.index_cast %add3A_1520 : i32 to index
        %swap3A_1585 = arith.constant 80 : index
        %swap3A_1586 = tpu.vector_load %arg16[%swap3A_1584, %swap3A_1585] {strides = array<i32>} : memref<80x128xf32, #tpu.memory_space<vmem>>, vector<1x16xf32>,
        %swap3A_1587 = vector.shape_cast %swap3A_1586 : vector<1x16xf32> to vector<16xf32>
        %swap3A_1588 = vector.shape_cast %mul3A_1583 : vector<16xf32> to vector<1x16xf32>
        tpu.vector_store %arg16[%swap3A_1584, %swap3A_1585], %swap3A_1588 {strides = array<i32>} : memref<80x128xf32, #tpu.memory_space<vmem>>, vector<1x16xf32>,
        %get3A_1589 = arith.index_cast %add3A_1520 : i32 to index
        %get3A_1590 = arith.constant 96 : index
        %get3A_1591 = tpu.vector_load %arg15[%get3A_1589, %get3A_1590] {strides = array<i32>} : memref<80x128xf32, #tpu.memory_space<vmem>>, vector<1x16xf32>,
        %get3A_1592 = vector.shape_cast %get3A_1591 : vector<1x16xf32> to vector<16xf32>
        %mul3A_1593 = vector.broadcast %squeeze3A_1522 : f32 to vector<16xf32>
        %mul3A_1594 = arith.mulf %get3A_1592, %mul3A_1593 : vector<16xf32>
        %swap3A_1595 = arith.index_cast %add3A_1520 : i32 to index
        %swap3A_1596 = arith.constant 96 : index
        %swap3A_1597 = tpu.vector_load %arg16[%swap3A_1595, %swap3A_1596] {strides = array<i32>} : memref<80x128xf32, #tpu.memory_space<vmem>>, vector<1x16xf32>,
        %swap3A_1598 = vector.shape_cast %swap3A_1597 : vector<1x16xf32> to vector<16xf32>
        %swap3A_1599 = vector.shape_cast %mul3A_1594 : vector<16xf32> to vector<1x16xf32>
        tpu.vector_store %arg16[%swap3A_1595, %swap3A_1596], %swap3A_1599 {strides = array<i32>} : memref<80x128xf32, #tpu.memory_space<vmem>>, vector<1x16xf32>,
        %get3A_1600 = arith.index_cast %add3A_1520 : i32 to index
        %get3A_1601 = arith.constant 112 : index
        %get3A_1602 = tpu.vector_load %arg15[%get3A_1600, %get3A_1601] {strides = array<i32>} : memref<80x128xf32, #tpu.memory_space<vmem>>, vector<1x16xf32>,
        %get3A_1603 = vector.shape_cast %get3A_1602 : vector<1x16xf32> to vector<16xf32>
        %mul3A_1604 = vector.broadcast %squeeze3A_1522 : f32 to vector<16xf32>
        %mul3A_1605 = arith.mulf %get3A_1603, %mul3A_1604 : vector<16xf32>
        %swap3A_1606 = arith.index_cast %add3A_1520 : i32 to index
        %swap3A_1607 = arith.constant 112 : index
        %swap3A_1608 = tpu.vector_load %arg16[%swap3A_1606, %swap3A_1607] {strides = array<i32>} : memref<80x128xf32, #tpu.memory_space<vmem>>, vector<1x16xf32>,
        %swap3A_1609 = vector.shape_cast %swap3A_1608 : vector<1x16xf32> to vector<16xf32>
        %swap3A_1610 = vector.shape_cast %mul3A_1605 : vector<16xf32> to vector<1x16xf32>
        tpu.vector_store %arg16[%swap3A_1606, %swap3A_1607], %swap3A_1610 {strides = array<i32>} : memref<80x128xf32, #tpu.memory_space<vmem>>, vector<1x16xf32>,
        %mul3A_1611 = arith.constant 16 : i32
        %mul3A_1612 = arith.muli %scan3A_196, %mul3A_1611 : i32
        %add3A_1613 = arith.constant 15 : i32
        %add3A_1614 = arith.addi %mul3A_1612, %add3A_1613 : i32
        %slice3A_1615 = vector.extract_strided_slice %get3A_202 {offsets = [15], sizes = [1], strides = [1]} : vector<16xf32> to vector<1xf32>
        %squeeze3A_1616 = vector.extract %slice3A_1615[0] : f32 from vector<1xf32>
        %get3A_1617 = arith.index_cast %add3A_1614 : i32 to index
        %get3A_1618 = arith.constant 0 : index
        %get3A_1619 = tpu.vector_load %arg15[%get3A_1617, %get3A_1618] {strides = array<i32>} : memref<80x128xf32, #tpu.memory_space<vmem>>, vector<1x16xf32>,
        %get3A_1620 = vector.shape_cast %get3A_1619 : vector<1x16xf32> to vector<16xf32>
        %mul3A_1621 = vector.broadcast %squeeze3A_1616 : f32 to vector<16xf32>
        %mul3A_1622 = arith.mulf %get3A_1620, %mul3A_1621 : vector<16xf32>
        %swap3A_1623 = arith.index_cast %add3A_1614 : i32 to index
        %swap3A_1624 = arith.constant 0 : index
        %swap3A_1625 = tpu.vector_load %arg16[%swap3A_1623, %swap3A_1624] {strides = array<i32>} : memref<80x128xf32, #tpu.memory_space<vmem>>, vector<1x16xf32>,
        %swap3A_1626 = vector.shape_cast %swap3A_1625 : vector<1x16xf32> to vector<16xf32>
        %swap3A_1627 = vector.shape_cast %mul3A_1622 : vector<16xf32> to vector<1x16xf32>
        tpu.vector_store %arg16[%swap3A_1623, %swap3A_1624], %swap3A_1627 {strides = array<i32>} : memref<80x128xf32, #tpu.memory_space<vmem>>, vector<1x16xf32>,
        %get3A_1628 = arith.index_cast %add3A_1614 : i32 to index
        %get3A_1629 = arith.constant 16 : index
        %get3A_1630 = tpu.vector_load %arg15[%get3A_1628, %get3A_1629] {strides = array<i32>} : memref<80x128xf32, #tpu.memory_space<vmem>>, vector<1x16xf32>,
        %get3A_1631 = vector.shape_cast %get3A_1630 : vector<1x16xf32> to vector<16xf32>
        %mul3A_1632 = vector.broadcast %squeeze3A_1616 : f32 to vector<16xf32>
        %mul3A_1633 = arith.mulf %get3A_1631, %mul3A_1632 : vector<16xf32>
        %swap3A_1634 = arith.index_cast %add3A_1614 : i32 to index
        %swap3A_1635 = arith.constant 16 : index
        %swap3A_1636 = tpu.vector_load %arg16[%swap3A_1634, %swap3A_1635] {strides = array<i32>} : memref<80x128xf32, #tpu.memory_space<vmem>>, vector<1x16xf32>,
        %swap3A_1637 = vector.shape_cast %swap3A_1636 : vector<1x16xf32> to vector<16xf32>
        %swap3A_1638 = vector.shape_cast %mul3A_1633 : vector<16xf32> to vector<1x16xf32>
        tpu.vector_store %arg16[%swap3A_1634, %swap3A_1635], %swap3A_1638 {strides = array<i32>} : memref<80x128xf32, #tpu.memory_space<vmem>>, vector<1x16xf32>,
        %get3A_1639 = arith.index_cast %add3A_1614 : i32 to index
        %get3A_1640 = arith.constant 32 : index
        %get3A_1641 = tpu.vector_load %arg15[%get3A_1639, %get3A_1640] {strides = array<i32>} : memref<80x128xf32, #tpu.memory_space<vmem>>, vector<1x16xf32>,
        %get3A_1642 = vector.shape_cast %get3A_1641 : vector<1x16xf32> to vector<16xf32>
        %mul3A_1643 = vector.broadcast %squeeze3A_1616 : f32 to vector<16xf32>
        %mul3A_1644 = arith.mulf %get3A_1642, %mul3A_1643 : vector<16xf32>
        %swap3A_1645 = arith.index_cast %add3A_1614 : i32 to index
        %swap3A_1646 = arith.constant 32 : index
        %swap3A_1647 = tpu.vector_load %arg16[%swap3A_1645, %swap3A_1646] {strides = array<i32>} : memref<80x128xf32, #tpu.memory_space<vmem>>, vector<1x16xf32>,
        %swap3A_1648 = vector.shape_cast %swap3A_1647 : vector<1x16xf32> to vector<16xf32>
        %swap3A_1649 = vector.shape_cast %mul3A_1644 : vector<16xf32> to vector<1x16xf32>
        tpu.vector_store %arg16[%swap3A_1645, %swap3A_1646], %swap3A_1649 {strides = array<i32>} : memref<80x128xf32, #tpu.memory_space<vmem>>, vector<1x16xf32>,
        %get3A_1650 = arith.index_cast %add3A_1614 : i32 to index
        %get3A_1651 = arith.constant 48 : index
        %get3A_1652 = tpu.vector_load %arg15[%get3A_1650, %get3A_1651] {strides = array<i32>} : memref<80x128xf32, #tpu.memory_space<vmem>>, vector<1x16xf32>,
        %get3A_1653 = vector.shape_cast %get3A_1652 : vector<1x16xf32> to vector<16xf32>
        %mul3A_1654 = vector.broadcast %squeeze3A_1616 : f32 to vector<16xf32>
        %mul3A_1655 = arith.mulf %get3A_1653, %mul3A_1654 : vector<16xf32>
        %swap3A_1656 = arith.index_cast %add3A_1614 : i32 to index
        %swap3A_1657 = arith.constant 48 : index
        %swap3A_1658 = tpu.vector_load %arg16[%swap3A_1656, %swap3A_1657] {strides = array<i32>} : memref<80x128xf32, #tpu.memory_space<vmem>>, vector<1x16xf32>,
        %swap3A_1659 = vector.shape_cast %swap3A_1658 : vector<1x16xf32> to vector<16xf32>
        %swap3A_1660 = vector.shape_cast %mul3A_1655 : vector<16xf32> to vector<1x16xf32>
        tpu.vector_store %arg16[%swap3A_1656, %swap3A_1657], %swap3A_1660 {strides = array<i32>} : memref<80x128xf32, #tpu.memory_space<vmem>>, vector<1x16xf32>,
        %get3A_1661 = arith.index_cast %add3A_1614 : i32 to index
        %get3A_1662 = arith.constant 64 : index
        %get3A_1663 = tpu.vector_load %arg15[%get3A_1661, %get3A_1662] {strides = array<i32>} : memref<80x128xf32, #tpu.memory_space<vmem>>, vector<1x16xf32>,
        %get3A_1664 = vector.shape_cast %get3A_1663 : vector<1x16xf32> to vector<16xf32>
        %mul3A_1665 = vector.broadcast %squeeze3A_1616 : f32 to vector<16xf32>
        %mul3A_1666 = arith.mulf %get3A_1664, %mul3A_1665 : vector<16xf32>
        %swap3A_1667 = arith.index_cast %add3A_1614 : i32 to index
        %swap3A_1668 = arith.constant 64 : index
        %swap3A_1669 = tpu.vector_load %arg16[%swap3A_1667, %swap3A_1668] {strides = array<i32>} : memref<80x128xf32, #tpu.memory_space<vmem>>, vector<1x16xf32>,
        %swap3A_1670 = vector.shape_cast %swap3A_1669 : vector<1x16xf32> to vector<16xf32>
        %swap3A_1671 = vector.shape_cast %mul3A_1666 : vector<16xf32> to vector<1x16xf32>
        tpu.vector_store %arg16[%swap3A_1667, %swap3A_1668], %swap3A_1671 {strides = array<i32>} : memref<80x128xf32, #tpu.memory_space<vmem>>, vector<1x16xf32>,
        %get3A_1672 = arith.index_cast %add3A_1614 : i32 to index
        %get3A_1673 = arith.constant 80 : index
        %get3A_1674 = tpu.vector_load %arg15[%get3A_1672, %get3A_1673] {strides = array<i32>} : memref<80x128xf32, #tpu.memory_space<vmem>>, vector<1x16xf32>,
        %get3A_1675 = vector.shape_cast %get3A_1674 : vector<1x16xf32> to vector<16xf32>
        %mul3A_1676 = vector.broadcast %squeeze3A_1616 : f32 to vector<16xf32>
        %mul3A_1677 = arith.mulf %get3A_1675, %mul3A_1676 : vector<16xf32>
        %swap3A_1678 = arith.index_cast %add3A_1614 : i32 to index
        %swap3A_1679 = arith.constant 80 : index
        %swap3A_1680 = tpu.vector_load %arg16[%swap3A_1678, %swap3A_1679] {strides = array<i32>} : memref<80x128xf32, #tpu.memory_space<vmem>>, vector<1x16xf32>,
        %swap3A_1681 = vector.shape_cast %swap3A_1680 : vector<1x16xf32> to vector<16xf32>
        %swap3A_1682 = vector.shape_cast %mul3A_1677 : vector<16xf32> to vector<1x16xf32>
        tpu.vector_store %arg16[%swap3A_1678, %swap3A_1679], %swap3A_1682 {strides = array<i32>} : memref<80x128xf32, #tpu.memory_space<vmem>>, vector<1x16xf32>,
        %get3A_1683 = arith.index_cast %add3A_1614 : i32 to index
        %get3A_1684 = arith.constant 96 : index
        %get3A_1685 = tpu.vector_load %arg15[%get3A_1683, %get3A_1684] {strides = array<i32>} : memref<80x128xf32, #tpu.memory_space<vmem>>, vector<1x16xf32>,
        %get3A_1686 = vector.shape_cast %get3A_1685 : vector<1x16xf32> to vector<16xf32>
        %mul3A_1687 = vector.broadcast %squeeze3A_1616 : f32 to vector<16xf32>
        %mul3A_1688 = arith.mulf %get3A_1686, %mul3A_1687 : vector<16xf32>
        %swap3A_1689 = arith.index_cast %add3A_1614 : i32 to index
        %swap3A_1690 = arith.constant 96 : index
        %swap3A_1691 = tpu.vector_load %arg16[%swap3A_1689, %swap3A_1690] {strides = array<i32>} : memref<80x128xf32, #tpu.memory_space<vmem>>, vector<1x16xf32>,
        %swap3A_1692 = vector.shape_cast %swap3A_1691 : vector<1x16xf32> to vector<16xf32>
        %swap3A_1693 = vector.shape_cast %mul3A_1688 : vector<16xf32> to vector<1x16xf32>
        tpu.vector_store %arg16[%swap3A_1689, %swap3A_1690], %swap3A_1693 {strides = array<i32>} : memref<80x128xf32, #tpu.memory_space<vmem>>, vector<1x16xf32>,
        %get3A_1694 = arith.index_cast %add3A_1614 : i32 to index
        %get3A_1695 = arith.constant 112 : index
        %get3A_1696 = tpu.vector_load %arg15[%get3A_1694, %get3A_1695] {strides = array<i32>} : memref<80x128xf32, #tpu.memory_space<vmem>>, vector<1x16xf32>,
        %get3A_1697 = vector.shape_cast %get3A_1696 : vector<1x16xf32> to vector<16xf32>
        %mul3A_1698 = vector.broadcast %squeeze3A_1616 : f32 to vector<16xf32>
        %mul3A_1699 = arith.mulf %get3A_1697, %mul3A_1698 : vector<16xf32>
        %swap3A_1700 = arith.index_cast %add3A_1614 : i32 to index
        %swap3A_1701 = arith.constant 112 : index
        %swap3A_1702 = tpu.vector_load %arg16[%swap3A_1700, %swap3A_1701] {strides = array<i32>} : memref<80x128xf32, #tpu.memory_space<vmem>>, vector<1x16xf32>,
        %swap3A_1703 = vector.shape_cast %swap3A_1702 : vector<1x16xf32> to vector<16xf32>
        %swap3A_1704 = vector.shape_cast %mul3A_1699 : vector<16xf32> to vector<1x16xf32>
        tpu.vector_store %arg16[%swap3A_1700, %swap3A_1701], %swap3A_1704 {strides = array<i32>} : memref<80x128xf32, #tpu.memory_space<vmem>>, vector<1x16xf32>,
        %scan3A_1705 = arith.constant 0 : i32
        scf.yield %scan3A_1705 : i32
      }
      %scan3A_189 = arith.constant 5 : i32
      %rem3A = arith.constant 2 : i32
      %rem3A_190 = arith.remsi %scan3A_115, %rem3A : i32
      %eq3A_191 = arith.cmpi eq, %rem3A_190, %arg0 : i32
      %convert_element_type3A_192 = arith.extui %eq3A_191 : i1 to i32
      %cond3A_193 = arith.constant 0 : i32
      %cond3A_194 = arith.cmpi ne, %convert_element_type3A_192, %cond3A_193 : i32
      scf.if %cond3A_194 {
        %scan3A_196 = arith.constant 0 : i32
        %scan3A_197 = arith.constant 0 : i32
        %scan3A_198 = arith.constant 5 : i32
        %scan3A_199 = arith.addi %scan3A_197, %scan3A_198 : i32
        %scan3A_200 = arith.constant 1 : i32
        %scan3A_201 = scf.for %scan3A_203 = %scan3A_197 to %scan3A_199 step %scan3A_200 iter_args(%scan3A_204 = %scan3A_196) -> (i32)  : i32 {
          %mul3A_205 = arith.constant 16 : i32
          %mul3A_206 = arith.muli %scan3A_203, %mul3A_205 : i32
          %get3A_207 = arith.index_cast %mul3A_206 : i32 to index
          %get3A_208 = tpu.vector_load %arg12[%get3A_207] {strides = array<i32>} : memref<80xi32, #tpu.memory_space<vmem>>, vector<16xi32>,
          %get3A_209 = vector.shape_cast %get3A_208 : vector<16xi32> to vector<16xi32>
          %slice3A = vector.extract_strided_slice %get3A_209 {offsets = [0], sizes = [1], strides = [1]} : vector<16xi32> to vector<1xi32>
          %squeeze3A = vector.extract %slice3A[0] : i32 from vector<1xi32>
          %shift_right_logical3A = arith.constant 7 : i32
          %shift_right_logical3A_210 = arith.shrui %squeeze3A, %shift_right_logical3A : i32
          %shift_right_logical3A_211 = arith.constant 4 : i32
          %shift_right_logical3A_212 = arith.shrui %squeeze3A, %shift_right_logical3A_211 : i32
          %and3A = arith.constant 7 : i32
          %and3A_213 = arith.andi %shift_right_logical3A_212, %and3A : i32
          %and3A_214 = arith.constant 15 : i32
          %and3A_215 = arith.andi %squeeze3A, %and3A_214 : i32
          %mul3A_216 = arith.constant 16 : i32
          %mul3A_217 = arith.muli %and3A_213, %mul3A_216 : i32
          %get3A_218 = arith.index_cast %shift_right_logical3A_210 : i32 to index
          %get3A_219 = arith.index_cast %mul3A_217 : i32 to index
          %get3A_220 = tpu.vector_load %arg17[%get3A_218, %get3A_219] {strides = array<i32>} : memref<80x128xf32, #tpu.memory_space<vmem>>, vector<1x16xf32>,
          %get3A_221 = vector.shape_cast %get3A_220 : vector<1x16xf32> to vector<16xf32>
          %eq3A_222 = vector.broadcast %and3A_215 : i32 to vector<16xi32>
          %eq3A_223 = arith.cmpi eq, %iota3A, %eq3A_222 : vector<16xi32>
          %jit3A = arith.constant 1.000000e+00 : f32
          %jit3A_224 = arith.constant 0.000000e+00 : f32
          %broadcast_in_dim3A_225 = vector.broadcast %jit3A : f32 to vector<16xf32>
          %broadcast_in_dim3A_226 = vector.broadcast %jit3A_224 : f32 to vector<16xf32>
          %select_n3A = arith.select %eq3A_223, %broadcast_in_dim3A_225, %broadcast_in_dim3A_226 : vector<16xi1>, vector<16xf32>
          %add3A_227 = arith.addf %get3A_221, %select_n3A : vector<16xf32>
          %swap3A_228 = arith.index_cast %shift_right_logical3A_210 : i32 to index
          %swap3A_229 = arith.index_cast %mul3A_217 : i32 to index
          %swap3A_230 = tpu.vector_load %arg17[%swap3A_228, %swap3A_229] {strides = array<i32>} : memref<80x128xf32, #tpu.memory_space<vmem>>, vector<1x16xf32>,
          %swap3A_231 = vector.shape_cast %swap3A_230 : vector<1x16xf32> to vector<16xf32>
          %swap3A_232 = vector.shape_cast %add3A_227 : vector<16xf32> to vector<1x16xf32>
          tpu.vector_store %arg17[%swap3A_228, %swap3A_229], %swap3A_232 {strides = array<i32>} : memref<80x128xf32, #tpu.memory_space<vmem>>, vector<1x16xf32>,
          %slice3A_233 = vector.extract_strided_slice %get3A_209 {offsets = [1], sizes = [1], strides = [1]} : vector<16xi32> to vector<1xi32>
          %squeeze3A_234 = vector.extract %slice3A_233[0] : i32 from vector<1xi32>
          %shift_right_logical3A_235 = arith.constant 7 : i32
          %shift_right_logical3A_236 = arith.shrui %squeeze3A_234, %shift_right_logical3A_235 : i32
          %shift_right_logical3A_237 = arith.constant 4 : i32
          %shift_right_logical3A_238 = arith.shrui %squeeze3A_234, %shift_right_logical3A_237 : i32
          %and3A_239 = arith.constant 7 : i32
          %and3A_240 = arith.andi %shift_right_logical3A_238, %and3A_239 : i32
          %and3A_241 = arith.constant 15 : i32
          %and3A_242 = arith.andi %squeeze3A_234, %and3A_241 : i32
          %mul3A_243 = arith.constant 16 : i32
          %mul3A_244 = arith.muli %and3A_240, %mul3A_243 : i32
          %get3A_245 = arith.index_cast %shift_right_logical3A_236 : i32 to index
          %get3A_246 = arith.index_cast %mul3A_244 : i32 to index
          %get3A_247 = tpu.vector_load %arg17[%get3A_245, %get3A_246] {strides = array<i32>} : memref<80x128xf32, #tpu.memory_space<vmem>>, vector<1x16xf32>,
          %get3A_248 = vector.shape_cast %get3A_247 : vector<1x16xf32> to vector<16xf32>
          %eq3A_249 = vector.broadcast %and3A_242 : i32 to vector<16xi32>
          %eq3A_250 = arith.cmpi eq, %iota3A, %eq3A_249 : vector<16xi32>
          %jit3A_251 = arith.constant 1.000000e+00 : f32
          %jit3A_252 = arith.constant 0.000000e+00 : f32
          %broadcast_in_dim3A_253 = vector.broadcast %jit3A_251 : f32 to vector<16xf32>
          %broadcast_in_dim3A_254 = vector.broadcast %jit3A_252 : f32 to vector<16xf32>
          %select_n3A_255 = arith.select %eq3A_250, %broadcast_in_dim3A_253, %broadcast_in_dim3A_254 : vector<16xi1>, vector<16xf32>
          %add3A_256 = arith.addf %get3A_248, %select_n3A_255 : vector<16xf32>
          %swap3A_257 = arith.index_cast %shift_right_logical3A_236 : i32 to index
          %swap3A_258 = arith.index_cast %mul3A_244 : i32 to index
          %swap3A_259 = tpu.vector_load %arg17[%swap3A_257, %swap3A_258] {strides = array<i32>} : memref<80x128xf32, #tpu.memory_space<vmem>>, vector<1x16xf32>,
          %swap3A_260 = vector.shape_cast %swap3A_259 : vector<1x16xf32> to vector<16xf32>
          %swap3A_261 = vector.shape_cast %add3A_256 : vector<16xf32> to vector<1x16xf32>
          tpu.vector_store %arg17[%swap3A_257, %swap3A_258], %swap3A_261 {strides = array<i32>} : memref<80x128xf32, #tpu.memory_space<vmem>>, vector<1x16xf32>,
          %slice3A_262 = vector.extract_strided_slice %get3A_209 {offsets = [2], sizes = [1], strides = [1]} : vector<16xi32> to vector<1xi32>
          %squeeze3A_263 = vector.extract %slice3A_262[0] : i32 from vector<1xi32>
          %shift_right_logical3A_264 = arith.constant 7 : i32
          %shift_right_logical3A_265 = arith.shrui %squeeze3A_263, %shift_right_logical3A_264 : i32
          %shift_right_logical3A_266 = arith.constant 4 : i32
          %shift_right_logical3A_267 = arith.shrui %squeeze3A_263, %shift_right_logical3A_266 : i32
          %and3A_268 = arith.constant 7 : i32
          %and3A_269 = arith.andi %shift_right_logical3A_267, %and3A_268 : i32
          %and3A_270 = arith.constant 15 : i32
          %and3A_271 = arith.andi %squeeze3A_263, %and3A_270 : i32
          %mul3A_272 = arith.constant 16 : i32
          %mul3A_273 = arith.muli %and3A_269, %mul3A_272 : i32
          %get3A_274 = arith.index_cast %shift_right_logical3A_265 : i32 to index
          %get3A_275 = arith.index_cast %mul3A_273 : i32 to index
          %get3A_276 = tpu.vector_load %arg17[%get3A_274, %get3A_275] {strides = array<i32>} : memref<80x128xf32, #tpu.memory_space<vmem>>, vector<1x16xf32>,
          %get3A_277 = vector.shape_cast %get3A_276 : vector<1x16xf32> to vector<16xf32>
          %eq3A_278 = vector.broadcast %and3A_271 : i32 to vector<16xi32>
          %eq3A_279 = arith.cmpi eq, %iota3A, %eq3A_278 : vector<16xi32>
          %jit3A_280 = arith.constant 1.000000e+00 : f32
          %jit3A_281 = arith.constant 0.000000e+00 : f32
          %broadcast_in_dim3A_282 = vector.broadcast %jit3A_280 : f32 to vector<16xf32>
          %broadcast_in_dim3A_283 = vector.broadcast %jit3A_281 : f32 to vector<16xf32>
          %select_n3A_284 = arith.select %eq3A_279, %broadcast_in_dim3A_282, %broadcast_in_dim3A_283 : vector<16xi1>, vector<16xf32>
          %add3A_285 = arith.addf %get3A_277, %select_n3A_284 : vector<16xf32>
          %swap3A_286 = arith.index_cast %shift_right_logical3A_265 : i32 to index
          %swap3A_287 = arith.index_cast %mul3A_273 : i32 to index
          %swap3A_288 = tpu.vector_load %arg17[%swap3A_286, %swap3A_287] {strides = array<i32>} : memref<80x128xf32, #tpu.memory_space<vmem>>, vector<1x16xf32>,
          %swap3A_289 = vector.shape_cast %swap3A_288 : vector<1x16xf32> to vector<16xf32>
          %swap3A_290 = vector.shape_cast %add3A_285 : vector<16xf32> to vector<1x16xf32>
          tpu.vector_store %arg17[%swap3A_286, %swap3A_287], %swap3A_290 {strides = array<i32>} : memref<80x128xf32, #tpu.memory_space<vmem>>, vector<1x16xf32>,
          %slice3A_291 = vector.extract_strided_slice %get3A_209 {offsets = [3], sizes = [1], strides = [1]} : vector<16xi32> to vector<1xi32>
          %squeeze3A_292 = vector.extract %slice3A_291[0] : i32 from vector<1xi32>
          %shift_right_logical3A_293 = arith.constant 7 : i32
          %shift_right_logical3A_294 = arith.shrui %squeeze3A_292, %shift_right_logical3A_293 : i32
          %shift_right_logical3A_295 = arith.constant 4 : i32
          %shift_right_logical3A_296 = arith.shrui %squeeze3A_292, %shift_right_logical3A_295 : i32
          %and3A_297 = arith.constant 7 : i32
          %and3A_298 = arith.andi %shift_right_logical3A_296, %and3A_297 : i32
          %and3A_299 = arith.constant 15 : i32
          %and3A_300 = arith.andi %squeeze3A_292, %and3A_299 : i32
          %mul3A_301 = arith.constant 16 : i32
          %mul3A_302 = arith.muli %and3A_298, %mul3A_301 : i32
          %get3A_303 = arith.index_cast %shift_right_logical3A_294 : i32 to index
          %get3A_304 = arith.index_cast %mul3A_302 : i32 to index
          %get3A_305 = tpu.vector_load %arg17[%get3A_303, %get3A_304] {strides = array<i32>} : memref<80x128xf32, #tpu.memory_space<vmem>>, vector<1x16xf32>,
          %get3A_306 = vector.shape_cast %get3A_305 : vector<1x16xf32> to vector<16xf32>
          %eq3A_307 = vector.broadcast %and3A_300 : i32 to vector<16xi32>
          %eq3A_308 = arith.cmpi eq, %iota3A, %eq3A_307 : vector<16xi32>
          %jit3A_309 = arith.constant 1.000000e+00 : f32
          %jit3A_310 = arith.constant 0.000000e+00 : f32
          %broadcast_in_dim3A_311 = vector.broadcast %jit3A_309 : f32 to vector<16xf32>
          %broadcast_in_dim3A_312 = vector.broadcast %jit3A_310 : f32 to vector<16xf32>
          %select_n3A_313 = arith.select %eq3A_308, %broadcast_in_dim3A_311, %broadcast_in_dim3A_312 : vector<16xi1>, vector<16xf32>
          %add3A_314 = arith.addf %get3A_306, %select_n3A_313 : vector<16xf32>
          %swap3A_315 = arith.index_cast %shift_right_logical3A_294 : i32 to index
          %swap3A_316 = arith.index_cast %mul3A_302 : i32 to index
          %swap3A_317 = tpu.vector_load %arg17[%swap3A_315, %swap3A_316] {strides = array<i32>} : memref<80x128xf32, #tpu.memory_space<vmem>>, vector<1x16xf32>,
          %swap3A_318 = vector.shape_cast %swap3A_317 : vector<1x16xf32> to vector<16xf32>
          %swap3A_319 = vector.shape_cast %add3A_314 : vector<16xf32> to vector<1x16xf32>
          tpu.vector_store %arg17[%swap3A_315, %swap3A_316], %swap3A_319 {strides = array<i32>} : memref<80x128xf32, #tpu.memory_space<vmem>>, vector<1x16xf32>,
          %slice3A_320 = vector.extract_strided_slice %get3A_209 {offsets = [4], sizes = [1], strides = [1]} : vector<16xi32> to vector<1xi32>
          %squeeze3A_321 = vector.extract %slice3A_320[0] : i32 from vector<1xi32>
          %shift_right_logical3A_322 = arith.constant 7 : i32
          %shift_right_logical3A_323 = arith.shrui %squeeze3A_321, %shift_right_logical3A_322 : i32
          %shift_right_logical3A_324 = arith.constant 4 : i32
          %shift_right_logical3A_325 = arith.shrui %squeeze3A_321, %shift_right_logical3A_324 : i32
          %and3A_326 = arith.constant 7 : i32
          %and3A_327 = arith.andi %shift_right_logical3A_325, %and3A_326 : i32
          %and3A_328 = arith.constant 15 : i32
          %and3A_329 = arith.andi %squeeze3A_321, %and3A_328 : i32
          %mul3A_330 = arith.constant 16 : i32
          %mul3A_331 = arith.muli %and3A_327, %mul3A_330 : i32
          %get3A_332 = arith.index_cast %shift_right_logical3A_323 : i32 to index
          %get3A_333 = arith.index_cast %mul3A_331 : i32 to index
          %get3A_334 = tpu.vector_load %arg17[%get3A_332, %get3A_333] {strides = array<i32>} : memref<80x128xf32, #tpu.memory_space<vmem>>, vector<1x16xf32>,
          %get3A_335 = vector.shape_cast %get3A_334 : vector<1x16xf32> to vector<16xf32>
          %eq3A_336 = vector.broadcast %and3A_329 : i32 to vector<16xi32>
          %eq3A_337 = arith.cmpi eq, %iota3A, %eq3A_336 : vector<16xi32>
          %jit3A_338 = arith.constant 1.000000e+00 : f32
          %jit3A_339 = arith.constant 0.000000e+00 : f32
          %broadcast_in_dim3A_340 = vector.broadcast %jit3A_338 : f32 to vector<16xf32>
          %broadcast_in_dim3A_341 = vector.broadcast %jit3A_339 : f32 to vector<16xf32>
          %select_n3A_342 = arith.select %eq3A_337, %broadcast_in_dim3A_340, %broadcast_in_dim3A_341 : vector<16xi1>, vector<16xf32>
          %add3A_343 = arith.addf %get3A_335, %select_n3A_342 : vector<16xf32>
          %swap3A_344 = arith.index_cast %shift_right_logical3A_323 : i32 to index
          %swap3A_345 = arith.index_cast %mul3A_331 : i32 to index
          %swap3A_346 = tpu.vector_load %arg17[%swap3A_344, %swap3A_345] {strides = array<i32>} : memref<80x128xf32, #tpu.memory_space<vmem>>, vector<1x16xf32>,
          %swap3A_347 = vector.shape_cast %swap3A_346 : vector<1x16xf32> to vector<16xf32>
          %swap3A_348 = vector.shape_cast %add3A_343 : vector<16xf32> to vector<1x16xf32>
          tpu.vector_store %arg17[%swap3A_344, %swap3A_345], %swap3A_348 {strides = array<i32>} : memref<80x128xf32, #tpu.memory_space<vmem>>, vector<1x16xf32>,
          %slice3A_349 = vector.extract_strided_slice %get3A_209 {offsets = [5], sizes = [1], strides = [1]} : vector<16xi32> to vector<1xi32>
          %squeeze3A_350 = vector.extract %slice3A_349[0] : i32 from vector<1xi32>
          %shift_right_logical3A_351 = arith.constant 7 : i32
          %shift_right_logical3A_352 = arith.shrui %squeeze3A_350, %shift_right_logical3A_351 : i32
          %shift_right_logical3A_353 = arith.constant 4 : i32
          %shift_right_logical3A_354 = arith.shrui %squeeze3A_350, %shift_right_logical3A_353 : i32
          %and3A_355 = arith.constant 7 : i32
          %and3A_356 = arith.andi %shift_right_logical3A_354, %and3A_355 : i32
          %and3A_357 = arith.constant 15 : i32
          %and3A_358 = arith.andi %squeeze3A_350, %and3A_357 : i32
          %mul3A_359 = arith.constant 16 : i32
          %mul3A_360 = arith.muli %and3A_356, %mul3A_359 : i32
          %get3A_361 = arith.index_cast %shift_right_logical3A_352 : i32 to index
          %get3A_362 = arith.index_cast %mul3A_360 : i32 to index
          %get3A_363 = tpu.vector_load %arg17[%get3A_361, %get3A_362] {strides = array<i32>} : memref<80x128xf32, #tpu.memory_space<vmem>>, vector<1x16xf32>,
          %get3A_364 = vector.shape_cast %get3A_363 : vector<1x16xf32> to vector<16xf32>
          %eq3A_365 = vector.broadcast %and3A_358 : i32 to vector<16xi32>
          %eq3A_366 = arith.cmpi eq, %iota3A, %eq3A_365 : vector<16xi32>
          %jit3A_367 = arith.constant 1.000000e+00 : f32
          %jit3A_368 = arith.constant 0.000000e+00 : f32
          %broadcast_in_dim3A_369 = vector.broadcast %jit3A_367 : f32 to vector<16xf32>
          %broadcast_in_dim3A_370 = vector.broadcast %jit3A_368 : f32 to vector<16xf32>
          %select_n3A_371 = arith.select %eq3A_366, %broadcast_in_dim3A_369, %broadcast_in_dim3A_370 : vector<16xi1>, vector<16xf32>
          %add3A_372 = arith.addf %get3A_364, %select_n3A_371 : vector<16xf32>
          %swap3A_373 = arith.index_cast %shift_right_logical3A_352 : i32 to index
          %swap3A_374 = arith.index_cast %mul3A_360 : i32 to index
          %swap3A_375 = tpu.vector_load %arg17[%swap3A_373, %swap3A_374] {strides = array<i32>} : memref<80x128xf32, #tpu.memory_space<vmem>>, vector<1x16xf32>,
          %swap3A_376 = vector.shape_cast %swap3A_375 : vector<1x16xf32> to vector<16xf32>
          %swap3A_377 = vector.shape_cast %add3A_372 : vector<16xf32> to vector<1x16xf32>
          tpu.vector_store %arg17[%swap3A_373, %swap3A_374], %swap3A_377 {strides = array<i32>} : memref<80x128xf32, #tpu.memory_space<vmem>>, vector<1x16xf32>,
          %slice3A_378 = vector.extract_strided_slice %get3A_209 {offsets = [6], sizes = [1], strides = [1]} : vector<16xi32> to vector<1xi32>
          %squeeze3A_379 = vector.extract %slice3A_378[0] : i32 from vector<1xi32>
          %shift_right_logical3A_380 = arith.constant 7 : i32
          %shift_right_logical3A_381 = arith.shrui %squeeze3A_379, %shift_right_logical3A_380 : i32
          %shift_right_logical3A_382 = arith.constant 4 : i32
          %shift_right_logical3A_383 = arith.shrui %squeeze3A_379, %shift_right_logical3A_382 : i32
          %and3A_384 = arith.constant 7 : i32
          %and3A_385 = arith.andi %shift_right_logical3A_383, %and3A_384 : i32
          %and3A_386 = arith.constant 15 : i32
          %and3A_387 = arith.andi %squeeze3A_379, %and3A_386 : i32
          %mul3A_388 = arith.constant 16 : i32
          %mul3A_389 = arith.muli %and3A_385, %mul3A_388 : i32
          %get3A_390 = arith.index_cast %shift_right_logical3A_381 : i32 to index
          %get3A_391 = arith.index_cast %mul3A_389 : i32 to index
          %get3A_392 = tpu.vector_load %arg17[%get3A_390, %get3A_391] {strides = array<i32>} : memref<80x128xf32, #tpu.memory_space<vmem>>, vector<1x16xf32>,
          %get3A_393 = vector.shape_cast %get3A_392 : vector<1x16xf32> to vector<16xf32>
          %eq3A_394 = vector.broadcast %and3A_387 : i32 to vector<16xi32>
          %eq3A_395 = arith.cmpi eq, %iota3A, %eq3A_394 : vector<16xi32>
          %jit3A_396 = arith.constant 1.000000e+00 : f32
          %jit3A_397 = arith.constant 0.000000e+00 : f32
          %broadcast_in_dim3A_398 = vector.broadcast %jit3A_396 : f32 to vector<16xf32>
          %broadcast_in_dim3A_399 = vector.broadcast %jit3A_397 : f32 to vector<16xf32>
          %select_n3A_400 = arith.select %eq3A_395, %broadcast_in_dim3A_398, %broadcast_in_dim3A_399 : vector<16xi1>, vector<16xf32>
          %add3A_401 = arith.addf %get3A_393, %select_n3A_400 : vector<16xf32>
          %swap3A_402 = arith.index_cast %shift_right_logical3A_381 : i32 to index
          %swap3A_403 = arith.index_cast %mul3A_389 : i32 to index
          %swap3A_404 = tpu.vector_load %arg17[%swap3A_402, %swap3A_403] {strides = array<i32>} : memref<80x128xf32, #tpu.memory_space<vmem>>, vector<1x16xf32>,
          %swap3A_405 = vector.shape_cast %swap3A_404 : vector<1x16xf32> to vector<16xf32>
          %swap3A_406 = vector.shape_cast %add3A_401 : vector<16xf32> to vector<1x16xf32>
          tpu.vector_store %arg17[%swap3A_402, %swap3A_403], %swap3A_406 {strides = array<i32>} : memref<80x128xf32, #tpu.memory_space<vmem>>, vector<1x16xf32>,
          %slice3A_407 = vector.extract_strided_slice %get3A_209 {offsets = [7], sizes = [1], strides = [1]} : vector<16xi32> to vector<1xi32>
          %squeeze3A_408 = vector.extract %slice3A_407[0] : i32 from vector<1xi32>
          %shift_right_logical3A_409 = arith.constant 7 : i32
          %shift_right_logical3A_410 = arith.shrui %squeeze3A_408, %shift_right_logical3A_409 : i32
          %shift_right_logical3A_411 = arith.constant 4 : i32
          %shift_right_logical3A_412 = arith.shrui %squeeze3A_408, %shift_right_logical3A_411 : i32
          %and3A_413 = arith.constant 7 : i32
          %and3A_414 = arith.andi %shift_right_logical3A_412, %and3A_413 : i32
          %and3A_415 = arith.constant 15 : i32
          %and3A_416 = arith.andi %squeeze3A_408, %and3A_415 : i32
          %mul3A_417 = arith.constant 16 : i32
          %mul3A_418 = arith.muli %and3A_414, %mul3A_417 : i32
          %get3A_419 = arith.index_cast %shift_right_logical3A_410 : i32 to index
          %get3A_420 = arith.index_cast %mul3A_418 : i32 to index
          %get3A_421 = tpu.vector_load %arg17[%get3A_419, %get3A_420] {strides = array<i32>} : memref<80x128xf32, #tpu.memory_space<vmem>>, vector<1x16xf32>,
          %get3A_422 = vector.shape_cast %get3A_421 : vector<1x16xf32> to vector<16xf32>
          %eq3A_423 = vector.broadcast %and3A_416 : i32 to vector<16xi32>
          %eq3A_424 = arith.cmpi eq, %iota3A, %eq3A_423 : vector<16xi32>
          %jit3A_425 = arith.constant 1.000000e+00 : f32
          %jit3A_426 = arith.constant 0.000000e+00 : f32
          %broadcast_in_dim3A_427 = vector.broadcast %jit3A_425 : f32 to vector<16xf32>
          %broadcast_in_dim3A_428 = vector.broadcast %jit3A_426 : f32 to vector<16xf32>
          %select_n3A_429 = arith.select %eq3A_424, %broadcast_in_dim3A_427, %broadcast_in_dim3A_428 : vector<16xi1>, vector<16xf32>
          %add3A_430 = arith.addf %get3A_422, %select_n3A_429 : vector<16xf32>
          %swap3A_431 = arith.index_cast %shift_right_logical3A_410 : i32 to index
          %swap3A_432 = arith.index_cast %mul3A_418 : i32 to index
          %swap3A_433 = tpu.vector_load %arg17[%swap3A_431, %swap3A_432] {strides = array<i32>} : memref<80x128xf32, #tpu.memory_space<vmem>>, vector<1x16xf32>,
          %swap3A_434 = vector.shape_cast %swap3A_433 : vector<1x16xf32> to vector<16xf32>
          %swap3A_435 = vector.shape_cast %add3A_430 : vector<16xf32> to vector<1x16xf32>
          tpu.vector_store %arg17[%swap3A_431, %swap3A_432], %swap3A_435 {strides = array<i32>} : memref<80x128xf32, #tpu.memory_space<vmem>>, vector<1x16xf32>,
          %slice3A_436 = vector.extract_strided_slice %get3A_209 {offsets = [8], sizes = [1], strides = [1]} : vector<16xi32> to vector<1xi32>
          %squeeze3A_437 = vector.extract %slice3A_436[0] : i32 from vector<1xi32>
          %shift_right_logical3A_438 = arith.constant 7 : i32
          %shift_right_logical3A_439 = arith.shrui %squeeze3A_437, %shift_right_logical3A_438 : i32
          %shift_right_logical3A_440 = arith.constant 4 : i32
          %shift_right_logical3A_441 = arith.shrui %squeeze3A_437, %shift_right_logical3A_440 : i32
          %and3A_442 = arith.constant 7 : i32
          %and3A_443 = arith.andi %shift_right_logical3A_441, %and3A_442 : i32
          %and3A_444 = arith.constant 15 : i32
          %and3A_445 = arith.andi %squeeze3A_437, %and3A_444 : i32
          %mul3A_446 = arith.constant 16 : i32
          %mul3A_447 = arith.muli %and3A_443, %mul3A_446 : i32
          %get3A_448 = arith.index_cast %shift_right_logical3A_439 : i32 to index
          %get3A_449 = arith.index_cast %mul3A_447 : i32 to index
          %get3A_450 = tpu.vector_load %arg17[%get3A_448, %get3A_449] {strides = array<i32>} : memref<80x128xf32, #tpu.memory_space<vmem>>, vector<1x16xf32>,
          %get3A_451 = vector.shape_cast %get3A_450 : vector<1x16xf32> to vector<16xf32>
          %eq3A_452 = vector.broadcast %and3A_445 : i32 to vector<16xi32>
          %eq3A_453 = arith.cmpi eq, %iota3A, %eq3A_452 : vector<16xi32>
          %jit3A_454 = arith.constant 1.000000e+00 : f32
          %jit3A_455 = arith.constant 0.000000e+00 : f32
          %broadcast_in_dim3A_456 = vector.broadcast %jit3A_454 : f32 to vector<16xf32>
          %broadcast_in_dim3A_457 = vector.broadcast %jit3A_455 : f32 to vector<16xf32>
          %select_n3A_458 = arith.select %eq3A_453, %broadcast_in_dim3A_456, %broadcast_in_dim3A_457 : vector<16xi1>, vector<16xf32>
          %add3A_459 = arith.addf %get3A_451, %select_n3A_458 : vector<16xf32>
          %swap3A_460 = arith.index_cast %shift_right_logical3A_439 : i32 to index
          %swap3A_461 = arith.index_cast %mul3A_447 : i32 to index
          %swap3A_462 = tpu.vector_load %arg17[%swap3A_460, %swap3A_461] {strides = array<i32>} : memref<80x128xf32, #tpu.memory_space<vmem>>, vector<1x16xf32>,
          %swap3A_463 = vector.shape_cast %swap3A_462 : vector<1x16xf32> to vector<16xf32>
          %swap3A_464 = vector.shape_cast %add3A_459 : vector<16xf32> to vector<1x16xf32>
          tpu.vector_store %arg17[%swap3A_460, %swap3A_461], %swap3A_464 {strides = array<i32>} : memref<80x128xf32, #tpu.memory_space<vmem>>, vector<1x16xf32>,
          %slice3A_465 = vector.extract_strided_slice %get3A_209 {offsets = [9], sizes = [1], strides = [1]} : vector<16xi32> to vector<1xi32>
          %squeeze3A_466 = vector.extract %slice3A_465[0] : i32 from vector<1xi32>
          %shift_right_logical3A_467 = arith.constant 7 : i32
          %shift_right_logical3A_468 = arith.shrui %squeeze3A_466, %shift_right_logical3A_467 : i32
          %shift_right_logical3A_469 = arith.constant 4 : i32
          %shift_right_logical3A_470 = arith.shrui %squeeze3A_466, %shift_right_logical3A_469 : i32
          %and3A_471 = arith.constant 7 : i32
          %and3A_472 = arith.andi %shift_right_logical3A_470, %and3A_471 : i32
          %and3A_473 = arith.constant 15 : i32
          %and3A_474 = arith.andi %squeeze3A_466, %and3A_473 : i32
          %mul3A_475 = arith.constant 16 : i32
          %mul3A_476 = arith.muli %and3A_472, %mul3A_475 : i32
          %get3A_477 = arith.index_cast %shift_right_logical3A_468 : i32 to index
          %get3A_478 = arith.index_cast %mul3A_476 : i32 to index
          %get3A_479 = tpu.vector_load %arg17[%get3A_477, %get3A_478] {strides = array<i32>} : memref<80x128xf32, #tpu.memory_space<vmem>>, vector<1x16xf32>,
          %get3A_480 = vector.shape_cast %get3A_479 : vector<1x16xf32> to vector<16xf32>
          %eq3A_481 = vector.broadcast %and3A_474 : i32 to vector<16xi32>
          %eq3A_482 = arith.cmpi eq, %iota3A, %eq3A_481 : vector<16xi32>
          %jit3A_483 = arith.constant 1.000000e+00 : f32
          %jit3A_484 = arith.constant 0.000000e+00 : f32
          %broadcast_in_dim3A_485 = vector.broadcast %jit3A_483 : f32 to vector<16xf32>
          %broadcast_in_dim3A_486 = vector.broadcast %jit3A_484 : f32 to vector<16xf32>
          %select_n3A_487 = arith.select %eq3A_482, %broadcast_in_dim3A_485, %broadcast_in_dim3A_486 : vector<16xi1>, vector<16xf32>
          %add3A_488 = arith.addf %get3A_480, %select_n3A_487 : vector<16xf32>
          %swap3A_489 = arith.index_cast %shift_right_logical3A_468 : i32 to index
          %swap3A_490 = arith.index_cast %mul3A_476 : i32 to index
          %swap3A_491 = tpu.vector_load %arg17[%swap3A_489, %swap3A_490] {strides = array<i32>} : memref<80x128xf32, #tpu.memory_space<vmem>>, vector<1x16xf32>,
          %swap3A_492 = vector.shape_cast %swap3A_491 : vector<1x16xf32> to vector<16xf32>
          %swap3A_493 = vector.shape_cast %add3A_488 : vector<16xf32> to vector<1x16xf32>
          tpu.vector_store %arg17[%swap3A_489, %swap3A_490], %swap3A_493 {strides = array<i32>} : memref<80x128xf32, #tpu.memory_space<vmem>>, vector<1x16xf32>,
          %slice3A_494 = vector.extract_strided_slice %get3A_209 {offsets = [10], sizes = [1], strides = [1]} : vector<16xi32> to vector<1xi32>
          %squeeze3A_495 = vector.extract %slice3A_494[0] : i32 from vector<1xi32>
          %shift_right_logical3A_496 = arith.constant 7 : i32
          %shift_right_logical3A_497 = arith.shrui %squeeze3A_495, %shift_right_logical3A_496 : i32
          %shift_right_logical3A_498 = arith.constant 4 : i32
          %shift_right_logical3A_499 = arith.shrui %squeeze3A_495, %shift_right_logical3A_498 : i32
          %and3A_500 = arith.constant 7 : i32
          %and3A_501 = arith.andi %shift_right_logical3A_499, %and3A_500 : i32
          %and3A_502 = arith.constant 15 : i32
          %and3A_503 = arith.andi %squeeze3A_495, %and3A_502 : i32
          %mul3A_504 = arith.constant 16 : i32
          %mul3A_505 = arith.muli %and3A_501, %mul3A_504 : i32
          %get3A_506 = arith.index_cast %shift_right_logical3A_497 : i32 to index
          %get3A_507 = arith.index_cast %mul3A_505 : i32 to index
          %get3A_508 = tpu.vector_load %arg17[%get3A_506, %get3A_507] {strides = array<i32>} : memref<80x128xf32, #tpu.memory_space<vmem>>, vector<1x16xf32>,
          %get3A_509 = vector.shape_cast %get3A_508 : vector<1x16xf32> to vector<16xf32>
          %eq3A_510 = vector.broadcast %and3A_503 : i32 to vector<16xi32>
          %eq3A_511 = arith.cmpi eq, %iota3A, %eq3A_510 : vector<16xi32>
          %jit3A_512 = arith.constant 1.000000e+00 : f32
          %jit3A_513 = arith.constant 0.000000e+00 : f32
          %broadcast_in_dim3A_514 = vector.broadcast %jit3A_512 : f32 to vector<16xf32>
          %broadcast_in_dim3A_515 = vector.broadcast %jit3A_513 : f32 to vector<16xf32>
          %select_n3A_516 = arith.select %eq3A_511, %broadcast_in_dim3A_514, %broadcast_in_dim3A_515 : vector<16xi1>, vector<16xf32>
          %add3A_517 = arith.addf %get3A_509, %select_n3A_516 : vector<16xf32>
          %swap3A_518 = arith.index_cast %shift_right_logical3A_497 : i32 to index
          %swap3A_519 = arith.index_cast %mul3A_505 : i32 to index
          %swap3A_520 = tpu.vector_load %arg17[%swap3A_518, %swap3A_519] {strides = array<i32>} : memref<80x128xf32, #tpu.memory_space<vmem>>, vector<1x16xf32>,
          %swap3A_521 = vector.shape_cast %swap3A_520 : vector<1x16xf32> to vector<16xf32>
          %swap3A_522 = vector.shape_cast %add3A_517 : vector<16xf32> to vector<1x16xf32>
          tpu.vector_store %arg17[%swap3A_518, %swap3A_519], %swap3A_522 {strides = array<i32>} : memref<80x128xf32, #tpu.memory_space<vmem>>, vector<1x16xf32>,
          %slice3A_523 = vector.extract_strided_slice %get3A_209 {offsets = [11], sizes = [1], strides = [1]} : vector<16xi32> to vector<1xi32>
          %squeeze3A_524 = vector.extract %slice3A_523[0] : i32 from vector<1xi32>
          %shift_right_logical3A_525 = arith.constant 7 : i32
          %shift_right_logical3A_526 = arith.shrui %squeeze3A_524, %shift_right_logical3A_525 : i32
          %shift_right_logical3A_527 = arith.constant 4 : i32
          %shift_right_logical3A_528 = arith.shrui %squeeze3A_524, %shift_right_logical3A_527 : i32
          %and3A_529 = arith.constant 7 : i32
          %and3A_530 = arith.andi %shift_right_logical3A_528, %and3A_529 : i32
          %and3A_531 = arith.constant 15 : i32
          %and3A_532 = arith.andi %squeeze3A_524, %and3A_531 : i32
          %mul3A_533 = arith.constant 16 : i32
          %mul3A_534 = arith.muli %and3A_530, %mul3A_533 : i32
          %get3A_535 = arith.index_cast %shift_right_logical3A_526 : i32 to index
          %get3A_536 = arith.index_cast %mul3A_534 : i32 to index
          %get3A_537 = tpu.vector_load %arg17[%get3A_535, %get3A_536] {strides = array<i32>} : memref<80x128xf32, #tpu.memory_space<vmem>>, vector<1x16xf32>,
          %get3A_538 = vector.shape_cast %get3A_537 : vector<1x16xf32> to vector<16xf32>
          %eq3A_539 = vector.broadcast %and3A_532 : i32 to vector<16xi32>
          %eq3A_540 = arith.cmpi eq, %iota3A, %eq3A_539 : vector<16xi32>
          %jit3A_541 = arith.constant 1.000000e+00 : f32
          %jit3A_542 = arith.constant 0.000000e+00 : f32
          %broadcast_in_dim3A_543 = vector.broadcast %jit3A_541 : f32 to vector<16xf32>
          %broadcast_in_dim3A_544 = vector.broadcast %jit3A_542 : f32 to vector<16xf32>
          %select_n3A_545 = arith.select %eq3A_540, %broadcast_in_dim3A_543, %broadcast_in_dim3A_544 : vector<16xi1>, vector<16xf32>
          %add3A_546 = arith.addf %get3A_538, %select_n3A_545 : vector<16xf32>
          %swap3A_547 = arith.index_cast %shift_right_logical3A_526 : i32 to index
          %swap3A_548 = arith.index_cast %mul3A_534 : i32 to index
          %swap3A_549 = tpu.vector_load %arg17[%swap3A_547, %swap3A_548] {strides = array<i32>} : memref<80x128xf32, #tpu.memory_space<vmem>>, vector<1x16xf32>,
          %swap3A_550 = vector.shape_cast %swap3A_549 : vector<1x16xf32> to vector<16xf32>
          %swap3A_551 = vector.shape_cast %add3A_546 : vector<16xf32> to vector<1x16xf32>
          tpu.vector_store %arg17[%swap3A_547, %swap3A_548], %swap3A_551 {strides = array<i32>} : memref<80x128xf32, #tpu.memory_space<vmem>>, vector<1x16xf32>,
          %slice3A_552 = vector.extract_strided_slice %get3A_209 {offsets = [12], sizes = [1], strides = [1]} : vector<16xi32> to vector<1xi32>
          %squeeze3A_553 = vector.extract %slice3A_552[0] : i32 from vector<1xi32>
          %shift_right_logical3A_554 = arith.constant 7 : i32
          %shift_right_logical3A_555 = arith.shrui %squeeze3A_553, %shift_right_logical3A_554 : i32
          %shift_right_logical3A_556 = arith.constant 4 : i32
          %shift_right_logical3A_557 = arith.shrui %squeeze3A_553, %shift_right_logical3A_556 : i32
          %and3A_558 = arith.constant 7 : i32
          %and3A_559 = arith.andi %shift_right_logical3A_557, %and3A_558 : i32
          %and3A_560 = arith.constant 15 : i32
          %and3A_561 = arith.andi %squeeze3A_553, %and3A_560 : i32
          %mul3A_562 = arith.constant 16 : i32
          %mul3A_563 = arith.muli %and3A_559, %mul3A_562 : i32
          %get3A_564 = arith.index_cast %shift_right_logical3A_555 : i32 to index
          %get3A_565 = arith.index_cast %mul3A_563 : i32 to index
          %get3A_566 = tpu.vector_load %arg17[%get3A_564, %get3A_565] {strides = array<i32>} : memref<80x128xf32, #tpu.memory_space<vmem>>, vector<1x16xf32>,
          %get3A_567 = vector.shape_cast %get3A_566 : vector<1x16xf32> to vector<16xf32>
          %eq3A_568 = vector.broadcast %and3A_561 : i32 to vector<16xi32>
          %eq3A_569 = arith.cmpi eq, %iota3A, %eq3A_568 : vector<16xi32>
          %jit3A_570 = arith.constant 1.000000e+00 : f32
          %jit3A_571 = arith.constant 0.000000e+00 : f32
          %broadcast_in_dim3A_572 = vector.broadcast %jit3A_570 : f32 to vector<16xf32>
          %broadcast_in_dim3A_573 = vector.broadcast %jit3A_571 : f32 to vector<16xf32>
          %select_n3A_574 = arith.select %eq3A_569, %broadcast_in_dim3A_572, %broadcast_in_dim3A_573 : vector<16xi1>, vector<16xf32>
          %add3A_575 = arith.addf %get3A_567, %select_n3A_574 : vector<16xf32>
          %swap3A_576 = arith.index_cast %shift_right_logical3A_555 : i32 to index
          %swap3A_577 = arith.index_cast %mul3A_563 : i32 to index
          %swap3A_578 = tpu.vector_load %arg17[%swap3A_576, %swap3A_577] {strides = array<i32>} : memref<80x128xf32, #tpu.memory_space<vmem>>, vector<1x16xf32>,
          %swap3A_579 = vector.shape_cast %swap3A_578 : vector<1x16xf32> to vector<16xf32>
          %swap3A_580 = vector.shape_cast %add3A_575 : vector<16xf32> to vector<1x16xf32>
          tpu.vector_store %arg17[%swap3A_576, %swap3A_577], %swap3A_580 {strides = array<i32>} : memref<80x128xf32, #tpu.memory_space<vmem>>, vector<1x16xf32>,
          %slice3A_581 = vector.extract_strided_slice %get3A_209 {offsets = [13], sizes = [1], strides = [1]} : vector<16xi32> to vector<1xi32>
          %squeeze3A_582 = vector.extract %slice3A_581[0] : i32 from vector<1xi32>
          %shift_right_logical3A_583 = arith.constant 7 : i32
          %shift_right_logical3A_584 = arith.shrui %squeeze3A_582, %shift_right_logical3A_583 : i32
          %shift_right_logical3A_585 = arith.constant 4 : i32
          %shift_right_logical3A_586 = arith.shrui %squeeze3A_582, %shift_right_logical3A_585 : i32
          %and3A_587 = arith.constant 7 : i32
          %and3A_588 = arith.andi %shift_right_logical3A_586, %and3A_587 : i32
          %and3A_589 = arith.constant 15 : i32
          %and3A_590 = arith.andi %squeeze3A_582, %and3A_589 : i32
          %mul3A_591 = arith.constant 16 : i32
          %mul3A_592 = arith.muli %and3A_588, %mul3A_591 : i32
          %get3A_593 = arith.index_cast %shift_right_logical3A_584 : i32 to index
          %get3A_594 = arith.index_cast %mul3A_592 : i32 to index
          %get3A_595 = tpu.vector_load %arg17[%get3A_593, %get3A_594] {strides = array<i32>} : memref<80x128xf32, #tpu.memory_space<vmem>>, vector<1x16xf32>,
          %get3A_596 = vector.shape_cast %get3A_595 : vector<1x16xf32> to vector<16xf32>
          %eq3A_597 = vector.broadcast %and3A_590 : i32 to vector<16xi32>
          %eq3A_598 = arith.cmpi eq, %iota3A, %eq3A_597 : vector<16xi32>
          %jit3A_599 = arith.constant 1.000000e+00 : f32
          %jit3A_600 = arith.constant 0.000000e+00 : f32
          %broadcast_in_dim3A_601 = vector.broadcast %jit3A_599 : f32 to vector<16xf32>
          %broadcast_in_dim3A_602 = vector.broadcast %jit3A_600 : f32 to vector<16xf32>
          %select_n3A_603 = arith.select %eq3A_598, %broadcast_in_dim3A_601, %broadcast_in_dim3A_602 : vector<16xi1>, vector<16xf32>
          %add3A_604 = arith.addf %get3A_596, %select_n3A_603 : vector<16xf32>
          %swap3A_605 = arith.index_cast %shift_right_logical3A_584 : i32 to index
          %swap3A_606 = arith.index_cast %mul3A_592 : i32 to index
          %swap3A_607 = tpu.vector_load %arg17[%swap3A_605, %swap3A_606] {strides = array<i32>} : memref<80x128xf32, #tpu.memory_space<vmem>>, vector<1x16xf32>,
          %swap3A_608 = vector.shape_cast %swap3A_607 : vector<1x16xf32> to vector<16xf32>
          %swap3A_609 = vector.shape_cast %add3A_604 : vector<16xf32> to vector<1x16xf32>
          tpu.vector_store %arg17[%swap3A_605, %swap3A_606], %swap3A_609 {strides = array<i32>} : memref<80x128xf32, #tpu.memory_space<vmem>>, vector<1x16xf32>,
          %slice3A_610 = vector.extract_strided_slice %get3A_209 {offsets = [14], sizes = [1], strides = [1]} : vector<16xi32> to vector<1xi32>
          %squeeze3A_611 = vector.extract %slice3A_610[0] : i32 from vector<1xi32>
          %shift_right_logical3A_612 = arith.constant 7 : i32
          %shift_right_logical3A_613 = arith.shrui %squeeze3A_611, %shift_right_logical3A_612 : i32
          %shift_right_logical3A_614 = arith.constant 4 : i32
          %shift_right_logical3A_615 = arith.shrui %squeeze3A_611, %shift_right_logical3A_614 : i32
          %and3A_616 = arith.constant 7 : i32
          %and3A_617 = arith.andi %shift_right_logical3A_615, %and3A_616 : i32
          %and3A_618 = arith.constant 15 : i32
          %and3A_619 = arith.andi %squeeze3A_611, %and3A_618 : i32
          %mul3A_620 = arith.constant 16 : i32
          %mul3A_621 = arith.muli %and3A_617, %mul3A_620 : i32
          %get3A_622 = arith.index_cast %shift_right_logical3A_613 : i32 to index
          %get3A_623 = arith.index_cast %mul3A_621 : i32 to index
          %get3A_624 = tpu.vector_load %arg17[%get3A_622, %get3A_623] {strides = array<i32>} : memref<80x128xf32, #tpu.memory_space<vmem>>, vector<1x16xf32>,
          %get3A_625 = vector.shape_cast %get3A_624 : vector<1x16xf32> to vector<16xf32>
          %eq3A_626 = vector.broadcast %and3A_619 : i32 to vector<16xi32>
          %eq3A_627 = arith.cmpi eq, %iota3A, %eq3A_626 : vector<16xi32>
          %jit3A_628 = arith.constant 1.000000e+00 : f32
          %jit3A_629 = arith.constant 0.000000e+00 : f32
          %broadcast_in_dim3A_630 = vector.broadcast %jit3A_628 : f32 to vector<16xf32>
          %broadcast_in_dim3A_631 = vector.broadcast %jit3A_629 : f32 to vector<16xf32>
          %select_n3A_632 = arith.select %eq3A_627, %broadcast_in_dim3A_630, %broadcast_in_dim3A_631 : vector<16xi1>, vector<16xf32>
          %add3A_633 = arith.addf %get3A_625, %select_n3A_632 : vector<16xf32>
          %swap3A_634 = arith.index_cast %shift_right_logical3A_613 : i32 to index
          %swap3A_635 = arith.index_cast %mul3A_621 : i32 to index
          %swap3A_636 = tpu.vector_load %arg17[%swap3A_634, %swap3A_635] {strides = array<i32>} : memref<80x128xf32, #tpu.memory_space<vmem>>, vector<1x16xf32>,
          %swap3A_637 = vector.shape_cast %swap3A_636 : vector<1x16xf32> to vector<16xf32>
          %swap3A_638 = vector.shape_cast %add3A_633 : vector<16xf32> to vector<1x16xf32>
          tpu.vector_store %arg17[%swap3A_634, %swap3A_635], %swap3A_638 {strides = array<i32>} : memref<80x128xf32, #tpu.memory_space<vmem>>, vector<1x16xf32>,
          %slice3A_639 = vector.extract_strided_slice %get3A_209 {offsets = [15], sizes = [1], strides = [1]} : vector<16xi32> to vector<1xi32>
          %squeeze3A_640 = vector.extract %slice3A_639[0] : i32 from vector<1xi32>
          %shift_right_logical3A_641 = arith.constant 7 : i32
          %shift_right_logical3A_642 = arith.shrui %squeeze3A_640, %shift_right_logical3A_641 : i32
          %shift_right_logical3A_643 = arith.constant 4 : i32
          %shift_right_logical3A_644 = arith.shrui %squeeze3A_640, %shift_right_logical3A_643 : i32
          %and3A_645 = arith.constant 7 : i32
          %and3A_646 = arith.andi %shift_right_logical3A_644, %and3A_645 : i32
          %and3A_647 = arith.constant 15 : i32
          %and3A_648 = arith.andi %squeeze3A_640, %and3A_647 : i32
          %mul3A_649 = arith.constant 16 : i32
          %mul3A_650 = arith.muli %and3A_646, %mul3A_649 : i32
          %get3A_651 = arith.index_cast %shift_right_logical3A_642 : i32 to index
          %get3A_652 = arith.index_cast %mul3A_650 : i32 to index
          %get3A_653 = tpu.vector_load %arg17[%get3A_651, %get3A_652] {strides = array<i32>} : memref<80x128xf32, #tpu.memory_space<vmem>>, vector<1x16xf32>,
          %get3A_654 = vector.shape_cast %get3A_653 : vector<1x16xf32> to vector<16xf32>
          %eq3A_655 = vector.broadcast %and3A_648 : i32 to vector<16xi32>
          %eq3A_656 = arith.cmpi eq, %iota3A, %eq3A_655 : vector<16xi32>
          %jit3A_657 = arith.constant 1.000000e+00 : f32
          %jit3A_658 = arith.constant 0.000000e+00 : f32
          %broadcast_in_dim3A_659 = vector.broadcast %jit3A_657 : f32 to vector<16xf32>
          %broadcast_in_dim3A_660 = vector.broadcast %jit3A_658 : f32 to vector<16xf32>
          %select_n3A_661 = arith.select %eq3A_656, %broadcast_in_dim3A_659, %broadcast_in_dim3A_660 : vector<16xi1>, vector<16xf32>
          %add3A_662 = arith.addf %get3A_654, %select_n3A_661 : vector<16xf32>
          %swap3A_663 = arith.index_cast %shift_right_logical3A_642 : i32 to index
          %swap3A_664 = arith.index_cast %mul3A_650 : i32 to index
          %swap3A_665 = tpu.vector_load %arg17[%swap3A_663, %swap3A_664] {strides = array<i32>} : memref<80x128xf32, #tpu.memory_space<vmem>>, vector<1x16xf32>,
          %swap3A_666 = vector.shape_cast %swap3A_665 : vector<1x16xf32> to vector<16xf32>
          %swap3A_667 = vector.shape_cast %add3A_662 : vector<16xf32> to vector<1x16xf32>
          tpu.vector_store %arg17[%swap3A_663, %swap3A_664], %swap3A_667 {strides = array<i32>} : memref<80x128xf32, #tpu.memory_space<vmem>>, vector<1x16xf32>,
          %scan3A_668 = arith.constant 0 : i32
          scf.yield %scan3A_668 : i32
        }
        %scan3A_202 = arith.constant 5 : i32
      } else {
      }
      %scan3A_195 = arith.constant 0 : i32
      scf.yield %scan3A_195 : i32
    }
    %scan3A_101 = arith.constant 125 : i32
    %barrier3A_102 = arith.constant 0 : index
    tpu.barrier barrier_id(%barrier3A_102)
    %mul3A_103 = arith.constant 10240 : i32
    %mul3A_104 = arith.muli %arg0, %mul3A_103 : i32
    %mul3A_105 = arith.constant 640 : i32
    %mul3A_106 = arith.muli %arg1, %mul3A_105 : i32
    %add3A_107 = arith.addi %mul3A_104, %mul3A_106 : i32
    %mul3A_108 = arith.constant 640 : i32
    %mul3A_109 = arith.muli %arg1, %mul3A_108 : i32
    "tpu.region"() ({
      %run_scoped3A = tpu.sem_alloc : memref<!tpu.dma_semaphore, #tpu.memory_space<semaphore_mem>>
      %dma_start3A = arith.constant 0 : i32
      %dma_start3A_115 = tpu.memref_slice %arg6[%add3A_107, %dma_start3A] : memref<20480x128xf32, #tpu.memory_space<hbm>> -> memref<640x128xf32, #tpu.memory_space<hbm>>
      %dma_start3A_116 = arith.constant 0 : i32
      %dma_start3A_117 = tpu.memref_slice %arg8[%mul3A_109, %dma_start3A_116] : memref<10240x128xf32, #tpu.memory_space<vmem_shared>> -> memref<640x128xf32, #tpu.memory_space<vmem_shared>>
      tpu.enqueue_dma source(%dma_start3A_117 : memref<640x128xf32, #tpu.memory_space<vmem_shared>>) target(%dma_start3A_115 : memref<640x128xf32, #tpu.memory_space<hbm>>) target_semaphore(%run_scoped3A : memref<!tpu.dma_semaphore, #tpu.memory_space<semaphore_mem>>)
      %dma_wait3A = arith.constant 0 : i32
      %dma_wait3A_118 = tpu.memref_slice %arg6[%add3A_107, %dma_wait3A] : memref<20480x128xf32, #tpu.memory_space<hbm>> -> memref<640x128xf32, #tpu.memory_space<hbm>>
      %dma_wait3A_119 = arith.constant 0 : i32
      %dma_wait3A_120 = tpu.memref_slice %arg8[%mul3A_109, %dma_wait3A_119] : memref<10240x128xf32, #tpu.memory_space<vmem_shared>> -> memref<640x128xf32, #tpu.memory_space<vmem_shared>>
      tpu.wait_dma2 semaphore(%run_scoped3A : memref<!tpu.dma_semaphore, #tpu.memory_space<semaphore_mem>>) src(%dma_wait3A_120 : memref<640x128xf32, #tpu.memory_space<vmem_shared>>) dst(%dma_wait3A_118 : memref<640x128xf32, #tpu.memory_space<hbm>>)
      tpu.yield
    }) : () -> ()
    %eq3A_110 = arith.constant 0 : i32
    %eq3A_111 = arith.cmpi eq, %arg1, %eq3A_110 : i32
    %convert_element_type3A_112 = arith.extui %eq3A_111 : i1 to i32
    %cond3A_113 = arith.constant 0 : i32
    %cond3A_114 = arith.cmpi ne, %convert_element_type3A_112, %cond3A_113 : i32
    scf.if %cond3A_114 {
      %mul3A_115 = arith.constant 80 : i32
      %mul3A_116 = arith.muli %arg0, %mul3A_115 : i32
      "tpu.region"() ({
        %run_scoped3A = tpu.sem_alloc : memref<!tpu.dma_semaphore, #tpu.memory_space<semaphore_mem>>
        %dma_start3A = arith.constant 0 : i32
        %dma_start3A_117 = tpu.memref_slice %arg7[%mul3A_116, %dma_start3A] : memref<160x128xf32, #tpu.memory_space<hbm>> -> memref<80x128xf32, #tpu.memory_space<hbm>>
        tpu.enqueue_dma source(%arg9 : memref<80x128xf32, #tpu.memory_space<vmem_shared>>) target(%dma_start3A_117 : memref<80x128xf32, #tpu.memory_space<hbm>>) target_semaphore(%run_scoped3A : memref<!tpu.dma_semaphore, #tpu.memory_space<semaphore_mem>>)
        %dma_wait3A = arith.constant 0 : i32
        %dma_wait3A_118 = tpu.memref_slice %arg7[%mul3A_116, %dma_wait3A] : memref<160x128xf32, #tpu.memory_space<hbm>> -> memref<80x128xf32, #tpu.memory_space<hbm>>
        tpu.wait_dma2 semaphore(%run_scoped3A : memref<!tpu.dma_semaphore, #tpu.memory_space<semaphore_mem>>) src(%arg9 : memref<80x128xf32, #tpu.memory_space<vmem_shared>>) dst(%dma_wait3A_118 : memref<80x128xf32, #tpu.memory_space<hbm>>)
        tpu.yield
      }) : () -> ()
    } else {
    }
    return
  }
}

module attributes {stable_mosaic.version = 14 : i64} {
  func.func @_tc_body(%arg0: i32, %arg1: memref<2x400x128xf32, #tpu.memory_space<vmem>>, %arg2: memref<2x400x128xf32, #tpu.memory_space<vmem>>, %arg3: memref<1x1x400xf32, #tpu.memory_space<vmem>>, %arg4: memref<128x128xf32, #tpu.memory_space<vmem>>, %arg5: memref<2x400x256xf32, #tpu.memory_space<vmem>>) attributes {dimension_semantics = [#tpu.dimension_semantics<arbitrary>], iteration_bounds = array<i64: 25>, scalar_prefetch = 0 : i64, scratch_operands = 0 : i64, tpu.core_type = #tpu.core_type<tc>, window_params = [{transform_indices = @transform_0, window_bounds = array<i64: 2, 400, 128>}, {transform_indices = @transform_1, window_bounds = array<i64: 2, 400, 128>}, {transform_indices = @transform_2, window_bounds = array<i64: 1, 1, 400>}, {pipeline_mode = #tpu.pipeline_mode<synchronous>, transform_indices = @transform_3, window_bounds = array<i64: 128, 128>}, {transform_indices = @transform_4, window_bounds = array<i64: 2, 400, 256>}]} {
    %get3A = arith.constant 0 : index
    %get3A_0 = arith.constant 0 : index
    %get3A_1 = vector.load %arg4[%get3A, %get3A_0] : memref<128x128xf32, #tpu.memory_space<vmem>>, vector<128x128xf32>
    %get3A_2 = arith.constant 0 : index
    %get3A_3 = arith.constant 0 : index
    %get3A_4 = arith.constant 0 : index
    %get3A_5 = vector.load %arg3[%get3A_2, %get3A_3, %get3A_4] : memref<1x1x400xf32, #tpu.memory_space<vmem>>, vector<1x1x400xf32>
    %get3A_6 = vector.shape_cast %get3A_5 : vector<1x1x400xf32> to vector<400xf32>
    %max3A = arith.constant 1.000000e+00 : f32
    %max3A_7 = vector.broadcast %max3A : f32 to vector<400xf32>
    %max3A_8 = arith.maximumf %get3A_6, %max3A_7 : vector<400xf32>
    %reshape3A = vector.shape_cast %max3A_8 : vector<400xf32> to vector<400x1xf32>
    %get3A_9 = arith.constant 0 : index
    %get3A_10 = arith.constant 0 : index
    %get3A_11 = arith.constant 0 : index
    %get3A_12 = vector.load %arg1[%get3A_9, %get3A_10, %get3A_11] : memref<2x400x128xf32, #tpu.memory_space<vmem>>, vector<1x400x128xf32>
    %get3A_13 = vector.shape_cast %get3A_12 : vector<1x400x128xf32> to vector<400x128xf32>
    %dot_general3A = arith.constant dense<0.000000e+00> : vector<400x128xf32>
    %dot_general3A_14 = tpu.matmul %get3A_13, %get3A_1, %dot_general3A {dimension_numbers = #tpu.dot_dimension_numbers<[1], [0], [0], [1], [0, 0, 1, 1], [], []>, transpose_lhs_hint = false} : vector<400x128xf32>, vector<128x128xf32>, vector<400x128xf32> -> vector<400x128xf32>
    %get3A_15 = arith.constant 0 : index
    %get3A_16 = arith.constant 0 : index
    %get3A_17 = arith.constant 0 : index
    %get3A_18 = vector.load %arg2[%get3A_15, %get3A_16, %get3A_17] : memref<2x400x128xf32, #tpu.memory_space<vmem>>, vector<1x400x128xf32>
    %get3A_19 = vector.shape_cast %get3A_18 : vector<1x400x128xf32> to vector<400x128xf32>
    %div3A = vector.broadcast %reshape3A : vector<400x1xf32> to vector<400x128xf32>
    %div3A_20 = arith.divf %get3A_19, %div3A : vector<400x128xf32>
    %dot_general3A_21 = arith.constant dense<0.000000e+00> : vector<400x128xf32>
    %dot_general3A_22 = tpu.matmul %div3A_20, %get3A_1, %dot_general3A_21 {dimension_numbers = #tpu.dot_dimension_numbers<[1], [0], [0], [1], [0, 0, 1, 1], [], []>, transpose_lhs_hint = false} : vector<400x128xf32>, vector<128x128xf32>, vector<400x128xf32> -> vector<400x128xf32>
    %concatenate3A = tpu.concatenate %dot_general3A_14, %dot_general3A_22 in 1 : vector<400x128xf32>, vector<400x128xf32> -> vector<400x256xf32>
    %get3A_23 = arith.constant 1 : index
    %get3A_24 = arith.constant 0 : index
    %get3A_25 = arith.constant 0 : index
    %get3A_26 = vector.load %arg1[%get3A_23, %get3A_24, %get3A_25] : memref<2x400x128xf32, #tpu.memory_space<vmem>>, vector<1x400x128xf32>
    %get3A_27 = vector.shape_cast %get3A_26 : vector<1x400x128xf32> to vector<400x128xf32>
    %dot_general3A_28 = arith.constant dense<0.000000e+00> : vector<400x128xf32>
    %dot_general3A_29 = tpu.matmul %get3A_27, %get3A_1, %dot_general3A_28 {dimension_numbers = #tpu.dot_dimension_numbers<[1], [0], [0], [1], [0, 0, 1, 1], [], []>, transpose_lhs_hint = false} : vector<400x128xf32>, vector<128x128xf32>, vector<400x128xf32> -> vector<400x128xf32>
    %get3A_30 = arith.constant 1 : index
    %get3A_31 = arith.constant 0 : index
    %get3A_32 = arith.constant 0 : index
    %get3A_33 = vector.load %arg2[%get3A_30, %get3A_31, %get3A_32] : memref<2x400x128xf32, #tpu.memory_space<vmem>>, vector<1x400x128xf32>
    %get3A_34 = vector.shape_cast %get3A_33 : vector<1x400x128xf32> to vector<400x128xf32>
    %div3A_35 = vector.broadcast %reshape3A : vector<400x1xf32> to vector<400x128xf32>
    %div3A_36 = arith.divf %get3A_34, %div3A_35 : vector<400x128xf32>
    %dot_general3A_37 = arith.constant dense<0.000000e+00> : vector<400x128xf32>
    %dot_general3A_38 = tpu.matmul %div3A_36, %get3A_1, %dot_general3A_37 {dimension_numbers = #tpu.dot_dimension_numbers<[1], [0], [0], [1], [0, 0, 1, 1], [], []>, transpose_lhs_hint = false} : vector<400x128xf32>, vector<128x128xf32>, vector<400x128xf32> -> vector<400x128xf32>
    %concatenate3A_39 = tpu.concatenate %dot_general3A_29, %dot_general3A_38 in 1 : vector<400x128xf32>, vector<400x128xf32> -> vector<400x256xf32>
    %stack3A = vector.shape_cast %concatenate3A : vector<400x256xf32> to vector<1x400x256xf32>
    %stack3A_40 = vector.shape_cast %concatenate3A_39 : vector<400x256xf32> to vector<1x400x256xf32>
    %stack3A_41 = tpu.concatenate %stack3A, %stack3A_40 in 0 : vector<1x400x256xf32>, vector<1x400x256xf32> -> vector<2x400x256xf32>
    %max3A_42 = arith.constant 0.000000e+00 : f32
    %max3A_43 = vector.broadcast %max3A_42 : f32 to vector<2x400x256xf32>
    %max3A_44 = arith.maximumf %stack3A_41, %max3A_43 : vector<2x400x256xf32>
    %swap3A = arith.constant 0 : index
    %swap3A_45 = arith.constant 0 : index
    %swap3A_46 = arith.constant 0 : index
    %swap3A_47 = vector.load %arg5[%swap3A, %swap3A_45, %swap3A_46] : memref<2x400x256xf32, #tpu.memory_space<vmem>>, vector<2x400x256xf32>
    tpu.vector_store %arg5[%swap3A, %swap3A_45, %swap3A_46], %max3A_44 {strides = array<i32>} : memref<2x400x256xf32, #tpu.memory_space<vmem>>, vector<2x400x256xf32>,
    return
  }
  func.func @transform_0(%arg0: i32) -> (i32, i32, i32) {
    %c0_i32 = arith.constant 0 : i32
    %c0_i32_0 = arith.constant 0 : i32
    %c0_i32_1 = arith.constant 0 : i32
    return %c0_i32, %arg0, %c0_i32_0 : i32, i32, i32
  }
  func.func @transform_1(%arg0: i32) -> (i32, i32, i32) {
    %c0_i32 = arith.constant 0 : i32
    %c0_i32_0 = arith.constant 0 : i32
    %c0_i32_1 = arith.constant 0 : i32
    return %c0_i32, %arg0, %c0_i32_0 : i32, i32, i32
  }
  func.func @transform_2(%arg0: i32) -> (i32, i32, i32) {
    %c0_i32 = arith.constant 0 : i32
    %c0_i32_0 = arith.constant 0 : i32
    %c0_i32_1 = arith.constant 0 : i32
    return %arg0, %c0_i32, %c0_i32_0 : i32, i32, i32
  }
  func.func @transform_3(%arg0: i32) -> (i32, i32) {
    %c0_i32 = arith.constant 0 : i32
    %c0_i32_0 = arith.constant 0 : i32
    %c0_i32_1 = arith.constant 0 : i32
    return %c0_i32, %c0_i32_0 : i32, i32
  }
  func.func @transform_4(%arg0: i32) -> (i32, i32, i32) {
    %c0_i32 = arith.constant 0 : i32
    %c0_i32_0 = arith.constant 0 : i32
    %c0_i32_1 = arith.constant 0 : i32
    return %c0_i32, %arg0, %c0_i32_0 : i32, i32, i32
  }
}

</mosaic_0001>

<sc_bundles>
// kernel: kernel.4.cloned.1.call-start
scs
__scs_entry_jumppad:
0x0: {  	(pc) =	sbr.rel $0x88, $3  }
0x1: {  	(tag) =	ssettag $0x0;
	lr =	simm.s32 $0x1  }
0x2: {  	[smem:$0x3F9C] =	sst lr;
	_ =	strace $0xD0000000  }
0x3: {  	_ = 	snop  }
0x4: {  	_ = 	snop  }
0x5: {  	_ = 	snop  }
0x6: {  	_ = 	snop  }
0x7: {  	_ = 	snop  }
__scs_overlays_trampoline_lowered:
0x8: {  	[smem:$0x3FAB] =	sst s0  }
0x9: {  	[smem:$0x3FAC] =	sst s1  }
0xa: {  	[smem:$0x3FAD] =	sst s2  }
0xb: {  	[smem:$0x3FAE] =	sst s3  }
0xc: {  	[smem:$0x3FAF] =	sst s4  }
0xd: {  	[smem:$0x3FB0] =	sst s5  }
0xe: {  	[smem:$0x3FB1] =	sst s6  }
0xf: {  	[smem:$0x3FB2] =	sst s7  }
0x10: {  	[smem:$0x3FB3] =	sst s8  }
0x11: {  	[smem:$0x3FB4] =	sst s9;
	s0 =	simm.s32 @!p0 $0x0  }
0x12: {  	s1 =	sld [smem:$0x3F9A];
	s0 =	simm.s32 @p0 $0x1  }
0x13: {  	[smem:$0x3FB5] =	sst s0;
	s0 =	simm.s32 @!p1 $0x0  }
0x14: {  	s2 =	sld [smem:$0x3F99];
	s0 =	simm.s32 @p1 $0x1  }
0x15: {  	[smem:$0x3FB6] =	sst s0;
	s0 =	simm.s32 @!p2 $0x0  }
0x16: {  	s3 =	sld [smem:$0x3FDB];
	s0 =	simm.s32 @p2 $0x1  }
0x17: {  	s4 =	simm.s32 $0x1BF5;
	[smem:$0x3FB8] =	sst s0  }
0x18: {  	s0 =	sld [smem:$0x3F9B];
	_ =	swait.ge [sflag:s4], $0x0  }
0x19: {  	s7 =	sld [smem:$0x3F9C]  }
0x1a: {  	s8 =	sadd.s32 $0xFFFFE003, lr  }
0x1b: {  	s9 =	sadd.s32 $0xFFFFFEF7, lr;
	s5 =	simm.s32 $0xFFFFFFFF;
	p2 =	slt.u32 s8, $0xFFFFF086  }
0x1c: {  	p1 =	slt.u32 s9, $0xF7A;
	s5 =	simm.s32 @!p2 $0x0  }
0x1d: {  	s5 =	simm.s32 @p1 $0x1;
	p0 =	seq.s32 s7, s2  }
0x1e: {  	s7 =	smul.u32 @!p0 $0xF7A, s2;
	p2 =	seq.s32 @!p0 s5, $0x0  }
0x1f: {  	s9 =	smul.u32 $0xF7A, s1;
	s8 =	simm.s32 @!p0 $0x1BF5;
	p2 =	por !p2, p0  }
0x20: {  	[sflag:s8] =	ssyncset.s32 @!p0 $0xFFFFF086;
	s6 =	sadd.s32 @!p0 s3, s7;
	s7 =	simm.s32 @!p0 $0x108  }
0x21: {  	s3 =	sadd.s32 s3, s9;
	s6 =	sadd.s32 @!p0 $0x88, s6;
	s7 =	simm.s32 @p2 $0x1082  }
0x22: {  	[simem:s7], [sflag:s8] =	dma.local @!p0 [hbm:s6], $0xF7A  }
0x23: {  	s9 =	sor.u32 $0xD0000000, s2;
	s6 =	simm.s32 $0x108;
	_ =	swait.ge @!p0 [sflag:s8], $0x0  }
0x24: {  	s3 =	sadd.s32 $0x88, s3;
	s6 =	simm.s32 @!p1 $0x1082;
	[sflag:s4] =	ssyncset.s32 $0xFFFFF086  }
0x25: {  	[simem:s6], [sflag:s4] =	dma.local [hbm:s3], $0xF7A  }
0x26: {  	[smem:$0x3F9C] =	sst s1;
	(tag) =	ssettag s2;
	_ =	strace s9  }
0x27: {  	s1 =	sld [smem:$0x3FAC]  }
0x28: {  	s2 =	sld [smem:$0x3FAD]  }
0x29: {  	s4 =	sld [smem:$0x3FAF]  }
0x2a: {  	p0 =	seq.s32 s5, $0x0;
	s5 =	sld [smem:$0x3FB0]  }
0x2b: {  	s6 =	sld [smem:$0x3FB1]  }
0x2c: {  	s7 =	sld [smem:$0x3FB2]  }
0x2d: {  	s3 =	simm.s32 $0x108;
	s8 =	sld [smem:$0x3FB3]  }
0x2e: {  	s3 =	simm.s32 @!p0 $0x1082;
	s9 =	sld [smem:$0x3FB4]  }
0x2f: {  	lr =	sadd.s32 s0, s3;
	s0 =	sld [smem:$0x3FAB]  }
0x30: {  	s3 =	sld [smem:$0x3FAE]  }
0x31: {  	[smem:$0x3FB7] =	sst s10  }
0x32: {  	s10 =	sld [smem:$0x3FB5];
	_ =	sdelay $0x3  }
0x33: {  	p0 =	seq.s32 s10, $0x1;
	s10 =	sld [smem:$0x3FB7];
	_ =	sdelay $0x3  }
0x34: {  	[smem:$0x3FB7] =	sst s10  }
0x35: {  	s10 =	sld [smem:$0x3FB6];
	_ =	sdelay $0x3  }
0x36: {  	p1 =	seq.s32 s10, $0x1;
	s10 =	sld [smem:$0x3FB7];
	_ =	sdelay $0x3  }
0x37: {  	[smem:$0x3FB7] =	sst s10  }
0x38: {  	s10 =	sld [smem:$0x3FB8]  }
0x39: {  	_ = 	snop;
	(pc) =	sbr.ind lr, $3  }
0x3a: {  	_ = 	snop  }
0x3b: {  	_ = 	snop  }
0x3c: {  	p2 =	seq.s32 s10, $0x1;
	s10 =	sld [smem:$0x3FB7]  }
0x3d: {  	_ =	shalt  }
0x3e: {  	_ =	shalt  }
0x3f: {  	_ =	shalt  }
0x40: {  	_ =	shalt  }
0x41: {  	_ =	shalt  }
0x42: {  	_ =	shalt  }
0x43: {  	_ =	shalt  }
0x44: {  	_ =	shalt  }
0x45: {  	_ =	shalt  }
0x46: {  	_ =	shalt  }
0x47: {  	_ =	shalt  }
0x48: {  	_ =	shalt  }
0x49: {  	_ =	shalt  }
0x4a: {  	_ =	shalt  }
0x4b: {  	_ =	shalt  }
0x4c: {  	_ =	shalt  }
0x4d: {  	_ =	shalt  }
0x4e: {  	_ =	shalt  }
0x4f: {  	_ =	shalt  }
0x50: {  	_ =	shalt  }
0x51: {  	_ =	shalt  }
0x52: {  	_ =	shalt  }
0x53: {  	_ =	shalt  }
0x54: {  	_ =	shalt  }
0x55: {  	_ =	shalt  }
0x56: {  	_ =	shalt  }
0x57: {  	_ =	shalt  }
0x58: {  	_ =	shalt  }
0x59: {  	_ =	shalt  }
0x5a: {  	_ =	shalt  }
0x5b: {  	_ =	shalt  }
0x5c: {  	_ =	shalt  }
0x5d: {  	_ =	shalt  }
0x5e: {  	_ =	shalt  }
0x5f: {  	_ =	shalt  }
0x60: {  	_ =	shalt  }
0x61: {  	_ =	shalt  }
0x62: {  	_ =	shalt  }
0x63: {  	_ =	shalt  }
0x64: {  	_ =	shalt  }
0x65: {  	_ =	shalt  }
0x66: {  	_ =	shalt  }
0x67: {  	_ =	shalt  }
0x68: {  	_ =	shalt  }
0x69: {  	_ =	shalt  }
0x6a: {  	_ =	shalt  }
0x6b: {  	_ =	shalt  }
0x6c: {  	_ =	shalt  }
0x6d: {  	_ =	shalt  }
0x6e: {  	_ =	shalt  }
0x6f: {  	_ =	shalt  }
0x70: {  	_ =	shalt  }
0x71: {  	_ =	shalt  }
0x72: {  	_ =	shalt  }
0x73: {  	_ =	shalt  }
0x74: {  	_ =	shalt  }
0x75: {  	_ =	shalt  }
0x76: {  	_ =	shalt  }
0x77: {  	_ =	shalt  }
0x78: {  	_ =	shalt  }
0x79: {  	_ =	shalt  }
0x7a: {  	_ =	shalt  }
0x7b: {  	_ =	shalt  }
0x7c: {  	_ =	shalt  }
0x7d: {  	_ =	shalt  }
0x7e: {  	_ =	shalt  }
0x7f: {  	_ =	shalt  }
0x80: {  	_ =	shalt  }
0x81: {  	_ =	shalt  }
0x82: {  	_ =	shalt  }
0x83: {  	_ =	shalt  }
0x84: {  	_ =	shalt  }
0x85: {  	_ =	shalt  }
0x86: {  	_ =	shalt  }
0x87: {  	_ =	shalt  }
.Lfunc_end0:
.L_simem_size_0:
called_computation_lowered:
.L_overlay_start_0:
0x88: {  	s2 =	sld [smem:$0x3FD9]  }
0x89: {  	s3 =	sld [smem:$0x3FFE];
	_ =	sdelay $0x1  }
0x8a: {  	s1 =	srdreg.scid  }
0x8b: {  	s0 =	sand.u32 $0x1, s1  }
0x8c: {  	s17 =	sshll.u32 s0, $0xA;
	s2 =	sadd.s32 s3, s2  }
0x8d: {  	s2 =	sadd.s32 s2, s17  }
0x8e: {  	[smem:$0x3FC3] =	sst s2  }
0x8f: {  	_ = 	snop  }
0x90: {  	s2 =	sld [smem:$0x3FC9]  }
0x91: {  	s18 =	sld [smem:$0x3FC8]  }
0x92: {  	s4 =	sld [smem:$0x3FC7]  }
0x93: {  	s5 =	sld [smem:$0x3FC6]  }
0x94: {  	s6 =	sld [smem:$0x3FD0];
	(tm) =	ssettm $0x1  }
0x95: {  	s7 =	sld [smem:$0x3FFB];
	_ =	sdelay $0x3  }
0x96: {  	_ =	strace s7  }
0x97: {  	s7 =	sld [smem:$0x3FFC];
	_ =	sdelay $0x3  }
0x98: {  	_ =	strace s7  }
0x99: {  	s7 =	sld [smem:$0x3FFD];
	_ =	sdelay $0x3  }
0x9a: {  	_ =	strace s7  }
0x9b: {  	_ =	strace $0x8FFFFFFF  }
0x9c: {  	s19 =	sld [smem:$0x3FDB];
	_ =	sdelay $0x1  }
0x9d: {  	s8 =	simm.s32 $_scs_section_size  }
0x9e: {  	s9 =	simm.s32 $_size__tile_overlayer_lowered;
	s10 =	simm.s32 $_tile_overlayer_lowered  }
0x9f: {  	s22 =	simm.s32 $0x1BFF;
	s21 =	sshll.u32 s10, $0x1;
	s7 =	sadd.s32 s8, s19  }
0xa0: {  	s11 =	simm.s32 $0x0;
	s20 =	sshll.u32 s9, $0x1;
	s9 =	sadd.s32 s21, s7  }
0xa1: {  	[timem:s11], [sflag:s22] =	dma.local [hbm:s9], s20  }
0xa2: {  	_ =	swait.ge [sflag:s22], s20  }
0xa3: {  	s8 =	ssub.s32 $0x0, s20;
	[sflag:s22] =	ssyncset.done $0x0  }
0xa4: {  	[sflag:s22] =	ssyncadd.s32 s8;
	_ =	sdelay $0x1  }
0xa5: {  	s23 =	simm.s32 $0x1B8B  }
0xa6: {  	_ =	swait.ge [sflag:s23], $0x1  }
0xa7: {  	[sflag:s23] =	ssyncset.done $0x0  }
0xa8: {  	s25 =	simm.s32 $0x1B8E;
	s24 =	sld [smem:$0x3FFE];
	[sflag:s23] =	ssyncadd.s32 $0xFFFFFFFF  }
0xa9: {  	s26 =	simm.s32 $execute0_lowered;
	[smem:$0x3FD2] =	sst s25  }
0xaa: {  	s9 =	sshll.u32 s26, $0x1;
	_ =	strace $0x80000046;
	[dreg:$0x1] =	wrdreg $0xFFFFFFFF  }
0xab: {  	s28 =	simm.s32 $_size_execute0_lowered;
	s7 =	sadd.s32 s7, s9;
	[dreg:$0x0] =	wrdreg $0x0  }
0xac: {  	s9 =	sshll.u32 s28, $0x1;
	[dreg:$0x2] =	wrdreg s7  }
0xad: {  	[dreg:$0x3] =	wrdreg s9  }
0xae: {  	[dreg:$0x4] =	wrdreg $0xC0  }
0xaf: {  	_ =	task [dreg:s11], $0x5FFFF  }
0xb0: {  	[dreg:$0x1] =	wrdreg $0xFFFFFFFF  }
0xb1: {  	[dreg:$0x0] =	wrdreg $0x60  }
0xb2: {  	[dreg:$0x2] =	wrdreg s2  }
0xb3: {  	[dreg:$0x3] =	wrdreg s4  }
0xb4: {  	[dreg:$0x4] =	wrdreg s18  }
0xb5: {  	[dreg:$0x5] =	wrdreg s5  }
0xb6: {  	[dreg:$0x6] =	wrdreg s6  }
0xb7: {  	[dreg:$0x7] =	wrdreg s24  }
0xb8: {  	[dreg:$0x8] =	wrdreg $0x0  }
0xb9: {  	[dreg:$0x9] =	wrdreg $0x140000  }
0xba: {  	[dreg:$0xa] =	wrdreg $0x9  }
0xbb: {  	_ =	task.clear_ibuf [dreg:s11], $0xBFFFF;
	_ =	strace $0x90000046  }
0xbc: {  	s29 =	simm.s32 $0x9;
	_ =	strace $0x80000048  }
0xbd: {  	_ =	swait.ge [sflag:s29], $0x1  }
0xbe: {  	[sflag:s29] =	ssyncadd.s32 $0xFFFFFFFF  }
0xbf: {  	_ =	strace $0x90000048  }
0xc0: {  	_ =	sfence  }
0xc1: {  	s30 =	sld [smem:$0x0];
	_ =	sdelay $0x2  }
0xc2: {  	s31 =	sshll.u32 s1, $0xD;
	s1 =	sshrl.u32 s1, $0x2  }
0xc3: {  	s3 =	sand.u32 $0x4000, s31;
	s1 =	sadd.s32 s1, s30  }
0xc4: {  	s0 =	sor.u32 s3, s0;
	s1 =	sshll.u32 s1, $0x11  }
0xc5: {  	s0 =	sor.u32 s1, s0  }
0xc6: {  	s0 =	sadd.s32 $0x8F2B, s0  }
0xc7: {  	[sflag:s0] =	ssyncadd.remote.s32 $0x1  }
0xc8: {  	_ =	sfence.sel $0xFFFF  }
0xc9: {  	[dreg:$0x0] =	wrdreg $0xFFFFFFFF;
	(pc) =	sbr.abs _section_cstart, $3  }
0xca: {  	[dreg:$0x1] =	wrdreg $0xFFFFFFFF  }
0xcb: {  	_ =	task.clear_ibuf [dreg:s11], $0x2FFFF;
	_ =	strace $0x9FFFFFFF  }
0xcc: {  	(tm) =	ssettm $0x7FFFFFFF  }
0xcd: {  	_ =	shalt  }
tec
execute0_lowered:
.L_overlay_start_1:
0x0: {  	(tag) =	ssettag $0x1  }
0x1: {  	s2 =	rddreg [dreg:$0x0]  }
0x2: {  	s26 =	rddreg [dreg:$0x1]  }
0x3: {  	s28 =	rddreg [dreg:$0x2]  }
0x4: {  	s29 =	rddreg [dreg:$0x3]  }
0x5: {  	s0 =	rddreg [dreg:$0x4]  }
0x6: {  	s3 =	rddreg [dreg:$0x5]  }
0x7: {  	s5 =	rddreg [dreg:$0x6]  }
0x8: {  	s11 =	rddreg [dreg:$0x7];
	s6 =	srdreg.scid  }
0x9: {  	s1 =	stileid.u32;
	s12 =	simm.s32 $0x0;
	s30 =	simm.s32 $0x50  }
0xa: {  	s31 =	simm.s32 $0x14300;
	s8 =	sand.u32 $0x1, s6;
	s25 =	smul.u32 $0x50000, s1  }
0xb: {  	[smem:$0x7FF] =	sst s12;
	s23 =	sadd.s32 $0x2000, s11;
	s9 =	ssub.s32 $0x2, s8  }
0xc: {  	_ =	strace $0x80000047;
	s10 =	sshrl.u32 s9, $0x1;
	s6 =	sshrl.u32 s25, $0x2  }
0xd: {  	[dreg:$0x14] =	wrdreg s23;
	s4 =	ssub.s32 s9, s10;
	s9 =	sadd.s32 s6, s5  }
0xe: {  	s13 =	smul.u32 $0x2800, s1;
	s6 =	sadd.s32 $0x2000, s9;
	[dreg:$0xa] =	wrdreg s9  }
0xf: {  	p1 =	seq.s32 s1, $0x1;
	s14 =	sadd.s32 $0x4000, s9;
	[dreg:$0xb] =	wrdreg s6  }
0x10: {  	s7 =	smul.u32 $0x500, s8;
	s15 =	sadd.s32 $0x6000, s9;
	[dreg:$0xc] =	wrdreg s14  }
0x11: {  	s17 =	smul.u32 $0x28000, s8;
	s16 =	sadd.s32 $0x8000, s9;
	[dreg:$0xd] =	wrdreg s15  }
0x12: {  	p0 =	sne.s32 @!p1 s1, $0x0;
	s18 =	sadd.s32 $0xA000, s9;
	[dreg:$0xe] =	wrdreg s16  }
0x13: {  	p2 =	por p0, p1;
	s19 =	sadd.s32 $0xC000, s9;
	[dreg:$0xf] =	wrdreg s18  }
0x14: {  	p0 =	sne.s32 s1, $0x0;
	s20 =	sadd.s32 $0xE000, s9;
	[dreg:$0x10] =	wrdreg s19  }
0x15: {  	s3 =	sadd.s32 s7, s3;
	s21 =	sadd.s32 $0x10000, s9;
	[dreg:$0x11] =	wrdreg s20  }
0x16: {  	v3 =	vlaneseq.u32;
	v0 =	vmov s8;
	s5 =	sadd.s32 s13, s17;
	s22 =	sadd.s32 $0x12000, s9;
	[dreg:$0x12] =	wrdreg s21  }
.Ltmp0:
0x17: {  	[tilespmem:$0x1FFB0] =	vst v0;
	v0 =	vor.u32 $0x10, v3;
	s0 =	sadd.s32 s0, s5;
	[dreg:$0x13] =	wrdreg s22;
	(pc) =	sbr.rel .LBB2_1-.Ltmp0, $4  }
0x18: {  	[tilespmem:$0x1FFC0] =	vst v0;
	s17 =	simm.s32 $0x14380;
	v0 =	vor.u32 $0x20, v3;
	s24 =	sadd.s32 $0xE00, s3;
	[dreg:$0x15] =	wrdreg s0  }
0x19: {  	s25 =	smax.u32 s4, $0x1;
	[tilespmem:$0x1FFD0] =	vst v0;
	v0 =	vor.u32 $0x30, v3;
	s3 =	simm.s32 $0x14500;
	[dreg:$0x16] =	wrdreg s24  }
0x1a: {  	s20 =	smul.u32 $0x2710, s1;
	[dreg:$0x17] =	wrdreg s25;
	s25 =	simm.s32 $0x2;
	[tilespmem:$0x1FFE0] =	vst v0;
	v0 =	vor.u32 $0x40, v3  }
0x1b: {  	v4 =	vimm.f32 $0.0e+00;
	s16 =	simm.s32 $0x14280;
	s18 =	simm.s32 $0x14480;
	s6 =	simm.s32 $0x1;
	[tilespmem:$0x1FFF0] =	vst v0  }
.LBB2_13:
0x1c: {  	s0 =	stileid.u32;
	[bflag:$0x0] =	sbarrier.arrive $0xFFFF  }
0x1d: {  	s0 =	sshll.u32 s0, $0x6;
	s9 =	rddreg [dreg:$0xa]  }
0x1e: {  	s5 =	rddreg [dreg:$0x15];
	s0 =	sor.u32 $0x1C02, s0;
	s1 =	sshrl.u32 s9, $0x3  }
0x1f: {  	[hbm:s5], [sflag:s0] =	dma.local [spmem:s1], $0x2800  }
0x20: {  	_ =	swait.ge [sflag:s25], $0x2800  }
0x21: {  	[sflag:s25] =	ssyncset.done $0x0  }
0x22: {  	[sflag:s25] =	ssyncadd.s32 $0xFFFFD800  }
0x23: {  	s11 =	rddreg [dreg:$0x7]  }
0x24: {  	s5 =	rddreg [dreg:$0x16];
	s1 =	sshrl.u32 @!p0 s11, $0x3  }
0x25: {  	[hbm:s5], [sflag:s0] =	dma.local @!p0 [spmem:s1], $0x500  }
0x26: {  	s0 =	simm.s32 @!p0 $0x2  }
0x27: {  	_ =	swait.ge @!p0 [sflag:s0], $0x500  }
0x28: {  	s12 =	rddreg [dreg:$0x9]  }
0x29: {  	s24 =	rddreg [dreg:$0x17];
	s12 =	sadd.s32 $0x1, s12  }
0x2a: {  	p3 =	sne.s32 s12, s24  }
.Ltmp1:
0x2b: {  	_ = 	snop;
	(pc) =	sbr.rel @!p3 .LBB2_14-.Ltmp1, $3  }
0x2c: {  	_ =	sdelay $0x1  }
0x2d: {  	[sflag:s0] =	ssyncset.done @!p0 $0x0  }
0x2e: {  	[sflag:s0] =	ssyncadd.s32 @!p0 $0xFFFFFB00  }
.LBB2_1:
0x2f: {  	s0 =	simm.s32 $0x0;
	s5 =	simm.s32 $0x200  }
.LBB2_2:
0x30: {  	p3 =	sne.s32 s5, $0x7E00;
	[tilespmem:s0+$0x1BD70] =	vst v4  }
0x31: {  	[tilespmem:s0+$0x1BD00] =	vst v4  }
0x32: {  	[tilespmem:s0+$0x1BD10] =	vst v4  }
.Ltmp2:
0x33: {  	[tilespmem:s0+$0x1BD20] =	vst v4;
	(pc) =	sbr.rel @p3 .LBB2_2-.Ltmp2, $4  }
0x34: {  	[tilespmem:s0+$0x1BD30] =	vst v4  }
0x35: {  	[tilespmem:s0+$0x1BD40] =	vst v4  }
0x36: {  	[tilespmem:s0+$0x1BD50] =	vst v4  }
0x37: {  	[tilespmem:s0+$0x1BD60] =	vst v4;
	s0 =	sshra.s32 s5, $0x2;
	s5 =	sadd.s32 $0x200, s5  }
0x38: {  	[tilespmem:s0+$0x1BD70] =	vst v4  }
0x39: {  	[tilespmem:s0+$0x1BD00] =	vst v4  }
0x3a: {  	[tilespmem:s0+$0x1BD10] =	vst v4  }
0x3b: {  	[tilespmem:s0+$0x1BD20] =	vst v4  }
0x3c: {  	[tilespmem:s0+$0x1BD30] =	vst v4  }
0x3d: {  	[tilespmem:s0+$0x1BD40] =	vst v4  }
0x3e: {  	[tilespmem:s0+$0x1BD50] =	vst v4  }
0x3f: {  	[dreg:$0x9] =	wrdreg s12;
	[tilespmem:s0+$0x1BD60] =	vst v4;
	s1 =	simm.s32 $0x1BD00  }
0x40: {  	[spmem:s9] =	stream.linear.scatter [tilespmem:s1], [sflag:$0x2], $0x2000, $0x38;
	[tilespmem:$0x1DD00] =	vst v63  }
0x41: {  	_ =	swait.ge [sflag:s25], $0x2000  }
0x42: {  	[sflag:s25] =	ssyncset.done $0x0  }
0x43: {  	s12 =	rddreg [dreg:$0xb];
	[sflag:s25] =	ssyncadd.s32 $0xFFFFE000  }
0x44: {  	[spmem:s12] =	stream.linear.scatter [tilespmem:s1], [sflag:$0x2], $0x2000, $0x38;
	[tilespmem:$0x1DD00] =	vst v63  }
0x45: {  	_ =	swait.ge [sflag:s25], $0x2000  }
0x46: {  	[sflag:s25] =	ssyncset.done $0x0  }
0x47: {  	s13 =	rddreg [dreg:$0xc];
	[sflag:s25] =	ssyncadd.s32 $0xFFFFE000  }
0x48: {  	[spmem:s13] =	stream.linear.scatter [tilespmem:s1], [sflag:$0x2], $0x2000, $0x38;
	[tilespmem:$0x1DD00] =	vst v63  }
0x49: {  	_ =	swait.ge [sflag:s25], $0x2000  }
0x4a: {  	[sflag:s25] =	ssyncset.done $0x0  }
0x4b: {  	s14 =	rddreg [dreg:$0xd];
	[sflag:s25] =	ssyncadd.s32 $0xFFFFE000  }
0x4c: {  	[spmem:s14] =	stream.linear.scatter [tilespmem:s1], [sflag:$0x2], $0x2000, $0x38;
	[tilespmem:$0x1DD00] =	vst v63  }
0x4d: {  	_ =	swait.ge [sflag:s25], $0x2000  }
0x4e: {  	[sflag:s25] =	ssyncset.done $0x0  }
0x4f: {  	s15 =	rddreg [dreg:$0xe];
	[sflag:s25] =	ssyncadd.s32 $0xFFFFE000  }
0x50: {  	[spmem:s15] =	stream.linear.scatter [tilespmem:s1], [sflag:$0x2], $0x2000, $0x38;
	[tilespmem:$0x1DD00] =	vst v63  }
0x51: {  	_ =	swait.ge [sflag:s25], $0x2000  }
0x52: {  	[sflag:s25] =	ssyncset.done $0x0  }
0x53: {  	s19 =	rddreg [dreg:$0xf];
	[sflag:s25] =	ssyncadd.s32 $0xFFFFE000  }
0x54: {  	[spmem:s19] =	stream.linear.scatter [tilespmem:s1], [sflag:$0x2], $0x2000, $0x38;
	[tilespmem:$0x1DD00] =	vst v63  }
0x55: {  	_ =	swait.ge [sflag:s25], $0x2000  }
0x56: {  	[sflag:s25] =	ssyncset.done $0x0  }
0x57: {  	s21 =	rddreg [dreg:$0x10];
	[sflag:s25] =	ssyncadd.s32 $0xFFFFE000  }
0x58: {  	[spmem:s21] =	stream.linear.scatter [tilespmem:s1], [sflag:$0x2], $0x2000, $0x38;
	[tilespmem:$0x1DD00] =	vst v63  }
0x59: {  	_ =	swait.ge [sflag:s25], $0x2000  }
0x5a: {  	[sflag:s25] =	ssyncset.done $0x0  }
0x5b: {  	s22 =	rddreg [dreg:$0x11];
	[sflag:s25] =	ssyncadd.s32 $0xFFFFE000  }
0x5c: {  	[spmem:s22] =	stream.linear.scatter [tilespmem:s1], [sflag:$0x2], $0x2000, $0x38;
	[tilespmem:$0x1DD00] =	vst v63  }
0x5d: {  	_ =	swait.ge [sflag:s25], $0x2000  }
0x5e: {  	[sflag:s25] =	ssyncset.done $0x0  }
0x5f: {  	s23 =	rddreg [dreg:$0x12];
	[sflag:s25] =	ssyncadd.s32 $0xFFFFE000  }
0x60: {  	[spmem:s23] =	stream.linear.scatter [tilespmem:s1], [sflag:$0x2], $0x2000, $0x38;
	[tilespmem:$0x1DD00] =	vst v63  }
0x61: {  	_ =	swait.ge [sflag:s25], $0x2000  }
0x62: {  	[sflag:s25] =	ssyncset.done $0x0  }
0x63: {  	s24 =	rddreg [dreg:$0x13];
	[sflag:s25] =	ssyncadd.s32 $0xFFFFE000  }
0x64: {  	[spmem:s24] =	stream.linear.scatter [tilespmem:s1], [sflag:$0x2], $0x2000, $0x38;
	[tilespmem:$0x1DD00] =	vst v63  }
0x65: {  	_ =	swait.ge [sflag:s25], $0x2000  }
0x66: {  	[sflag:s25] =	ssyncset.done $0x0  }
0x67: {  	s0 =	simm.s32 @p1 $0x1BD00;
	s1 =	rddreg [dreg:$0x14];
	[sflag:s25] =	ssyncadd.s32 $0xFFFFE000  }
0x68: {  	[spmem:s1] =	stream.linear.scatter @p1 [tilespmem:s0], [sflag:$0x2], $0x800, $0x38;
	[tilespmem:$0x1DD00] =	vst v63  }
0x69: {  	s0 =	simm.s32 @p1 $0x2  }
0x6a: {  	_ =	swait.ge @p1 [sflag:s0], $0x800  }
0x6b: {  	[sflag:s0] =	ssyncset.done @p1 $0x0  }
0x6c: {  	[sflag:s0] =	ssyncadd.s32 @p1 $0xFFFFF800;
	s0 =	simm.s32 @!p2 $0x1BD00  }
0x6d: {  	[spmem:s11] =	stream.linear.scatter @!p2 [tilespmem:s0], [sflag:$0x2], $0x2000, $0x38;
	[tilespmem:$0x1DD00] =	vst v63  }
0x6e: {  	s0 =	simm.s32 @!p2 $0x2  }
0x6f: {  	_ =	swait.ge @!p2 [sflag:s0], $0x2000  }
0x70: {  	[sflag:s0] =	ssyncset.done @!p2 $0x0  }
0x71: {  	s5 =	simm.s32 $0x200;
	[sflag:s0] =	ssyncadd.s32 @!p2 $0xFFFFE000;
	s0 =	simm.s32 $0x0  }
.LBB2_4:
0x72: {  	p3 =	sne.s32 s5, $0x9E00;
	[tilespmem:s0+$0x19570] =	vst v4  }
0x73: {  	[tilespmem:s0+$0x19500] =	vst v4  }
0x74: {  	[tilespmem:s0+$0x19510] =	vst v4  }
.Ltmp3:
0x75: {  	[tilespmem:s0+$0x19520] =	vst v4;
	(pc) =	sbr.rel @p3 .LBB2_4-.Ltmp3, $4  }
0x76: {  	[tilespmem:s0+$0x19530] =	vst v4  }
0x77: {  	[tilespmem:s0+$0x19540] =	vst v4  }
0x78: {  	[tilespmem:s0+$0x19550] =	vst v4  }
0x79: {  	[tilespmem:s0+$0x19560] =	vst v4;
	s0 =	sshra.s32 s5, $0x2;
	s5 =	sadd.s32 $0x200, s5  }
0x7a: {  	[tilespmem:s0+$0x19570] =	vst v4  }
0x7b: {  	[tilespmem:s0+$0x19500] =	vst v4  }
0x7c: {  	[tilespmem:s0+$0x19510] =	vst v4  }
0x7d: {  	[tilespmem:s0+$0x19520] =	vst v4  }
0x7e: {  	[tilespmem:s0+$0x19530] =	vst v4;
	v0 =	vld [tilespmem:$0x1FFC0]  }
0x7f: {  	[tilespmem:s0+$0x19540] =	vst v4;
	v61 =	vld [tilespmem:$0x1FFD0]  }
0x80: {  	[tilespmem:s0+$0x19550] =	vst v4;
	v62 =	vld [tilespmem:$0x1FFE0]  }
0x81: {  	[tilespmem:s0+$0x19560] =	vst v4;
	v63 =	vld [tilespmem:$0x1FFF0]  }
0x82: {  	[tilespmem:$0x14400] =	vst v3  }
0x83: {  	[tilespmem:$0x14410] =	vst v0  }
.Ltmp4:
0x84: {  	[tilespmem:$0x14420] =	vst v61;
	(pc) =	sbr.rel .LBB2_6-.Ltmp4, $4  }
0x85: {  	[tilespmem:$0x14430] =	vst v62  }
0x86: {  	[tilespmem:$0x14440] =	vst v63  }
0x87: {  	[bflag:$0x0] =	sbarrier.arrive $0xFFFF  }
0x88: {  	s5 =	simm.s32 $0x0;
	s10 =	simm.s32 $0x0  }
.LBB2_12:
0x89: {  	s10 =	sadd.s32 $0x1, s10  }
0x8a: {  	p3 =	sne.s32 s10, $0x7D  }
.Ltmp5:
0x8b: {  	_ = 	snop;
	(pc) =	sbr.rel @!p3 .LBB2_13-.Ltmp5, $1  }
0x8c: {  	_ =	sdelay $0x3  }
.LBB2_6:
0x8d: {  	s0 =	smul.u32 $0x50, s10;
	_ =	sdelay $0x1  }
0x8e: {  	s0 =	sadd.s32 s20, s0  }
0x8f: {  	s0 =	sshrl.u32 s0, $0x3  }
0x90: {  	s7 =	sadd.s32 s26, s0  }
0x91: {  	[tilespmem:s16], [sflag:$0x2] =	stream.linear.gather [hbm4b:s7+s5], $0x50, $0x38;
	[tilespmem:$0x1DD00] =	vst v63  }
0x92: {  	_ =	swait.ge [sflag:s25], $0x50  }
0x93: {  	[sflag:s25] =	ssyncset.done $0x0  }
0x94: {  	s23 =	sadd.s32 s28, s0;
	[sflag:s25] =	ssyncadd.s32 $0xFFFFFFB0  }
0x95: {  	[tilespmem:s17], [sflag:$0x2] =	stream.linear.gather [hbm4b:s23+s5], $0x50, $0x38;
	[tilespmem:$0x1DD00] =	vst v63  }
0x96: {  	_ =	swait.ge [sflag:s25], $0x50  }
0x97: {  	[sflag:s25] =	ssyncset.done $0x0  }
0x98: {  	s0 =	sadd.s32 s29, s0;
	[sflag:s25] =	ssyncadd.s32 $0xFFFFFFB0  }
0x99: {  	[tilespmem:s18], [sflag:$0x2] =	stream.linear.gather [hbm4b:s0+s5], $0x50, $0x38;
	[tilespmem:$0x1DD00] =	vst v63  }
0x9a: {  	_ =	swait.ge [sflag:s25], $0x50  }
0x9b: {  	[sflag:s25] =	ssyncset.done $0x0  }
0x9c: {  	v5 =	vld [tilespmem:$0x1FFB0];
	[sflag:s25] =	ssyncadd.s32 $0xFFFFFFB0  }
0x9d: {  	v0 =	vld [tilespmem:$0x14280]  }
0x9e: {  	v1 =	vld [tilespmem:$0x14290]  }
0x9f: {  	v2 =	vld [tilespmem:$0x142A0]  }
0xa0: {  	v3 =	vld [tilespmem:$0x142B0]  }
0xa1: {  	v4 =	vld [tilespmem:$0x142C0]  }
0xa2: {  	v0 =	vshll.u32 v0, $0x1  }
0xa3: {  	v1 =	vshll.u32 v1, $0x1;
	v0 =	vor.u32 v5, v0  }
0xa4: {  	[tilespmem:$0x14300] =	vst v0;
	v0 =	vor.u32 v5, v1;
	v1 =	vshll.u32 v2, $0x1  }
0xa5: {  	[tilespmem:$0x14310] =	vst v0;
	v0 =	vor.u32 v5, v1;
	v1 =	vshll.u32 v3, $0x1  }
0xa6: {  	[tilespmem:$0x14320] =	vst v0;
	v0 =	vor.u32 v5, v1;
	v1 =	vshll.u32 v4, $0x1  }
0xa7: {  	[tilespmem:$0x14330] =	vst v0;
	v0 =	vor.u32 v5, v1  }
0xa8: {  	[tilespmem:$0x14340] =	vst v0  }
0xa9: {  	[tilespmem:s3], [sflag:$0x1] =	stream.indirect.gather [hbm4b:s2+s30], $0x80, s31, s30, $0xb8;
	[tilespmem:$0x1DD00] =	vst v63  }
0xaa: {  	_ =	swait.ge [sflag:s6], $0x2800  }
0xab: {  	s24 =	simm.s32 $0x0;
	[sflag:s6] =	ssyncset.done $0x0  }
0xac: {  	s0 =	sand.u32 $0x3FFFFFF0, s24;
	[sflag:s6] =	ssyncadd.s32 $0xFFFFD800  }
0xad: {  	s11 =	simm.s32 $0x0;
	v35 =	vld [tilespmem:s0+$0x14480]  }
0xae: {  	v0 =	vld [tilespmem:s11+$0x148C0];
	_ =	sdelay $0x1  }
0xaf: {  	v9 =	vld [tilespmem:s11+$0x14500];
	_ =	sdelay $0x1  }
0xb0: {  	v10 =	vld [tilespmem:s11+$0x14510]  }
0xb1: {  	[tilespmem:$0x1FDC0] =	vst v0;
	v36 =	vbroadcast v35, $0x0;
	v0 =	vld [tilespmem:s11+$0x148D0];
	_ =	sdelay $0x1  }
0xb2: {  	v11 =	vld [tilespmem:s11+$0x14520];
	v9 =	vmul.f32 v36, v9  }
0xb3: {  	v12 =	vld [tilespmem:s11+$0x14530]  }
0xb4: {  	v13 =	vld [tilespmem:s11+$0x14540];
	[tilespmem:s11+$0x16D00] =	vst v9  }
0xb5: {  	v9 =	vmul.f32 v10, v36;
	[tilespmem:$0x1FDD0] =	vst v0;
	v0 =	vld [tilespmem:s11+$0x148E0];
	_ =	sdelay $0x1  }
0xb6: {  	v14 =	vld [tilespmem:s11+$0x14550];
	[tilespmem:s11+$0x16D10] =	vst v9;
	v9 =	vmul.f32 v11, v36  }
0xb7: {  	v15 =	vld [tilespmem:s11+$0x14560]  }
0xb8: {  	v16 =	vld [tilespmem:s11+$0x14570];
	[tilespmem:s11+$0x16D20] =	vst v9  }
0xb9: {  	v9 =	vmul.f32 v12, v36;
	v12 =	vmul.f32 v13, v36;
	[tilespmem:$0x1FDE0] =	vst v0;
	v0 =	vld [tilespmem:s11+$0x148F0];
	_ =	sdelay $0x1  }
0xba: {  	v17 =	vld [tilespmem:s11+$0x14580];
	[tilespmem:s11+$0x16D40] =	vst v12;
	v12 =	vmul.f32 v14, v36;
	_ =	sdelay $0x1  }
0xbb: {  	v18 =	vld [tilespmem:s11+$0x14590];
	[tilespmem:s11+$0x16D50] =	vst v12;
	v12 =	vmul.f32 v15, v36  }
0xbc: {  	v15 =	vmul.f32 v16, v36;
	v36 =	vbroadcast v35, $0x1;
	[tilespmem:$0x1FDF0] =	vst v0;
	v0 =	vld [tilespmem:s11+$0x14900]  }
0xbd: {  	v20 =	vld [tilespmem:s11+$0x145A0]  }
0xbe: {  	v21 =	vld [tilespmem:s11+$0x145B0];
	[tilespmem:s11+$0x16D60] =	vst v12;
	v12 =	vmul.f32 v17, v36  }
0xbf: {  	v23 =	vld [tilespmem:s11+$0x145D0]  }
0xc0: {  	v25 =	vld [tilespmem:s11+$0x145F0];
	[tilespmem:s11+$0x16D80] =	vst v12  }
0xc1: {  	v12 =	vmul.f32 v18, v36;
	[tilespmem:$0x1FE00] =	vst v0;
	v0 =	vld [tilespmem:s11+$0x14910]  }
0xc2: {  	v26 =	vld [tilespmem:s11+$0x14600]  }
0xc3: {  	v29 =	vld [tilespmem:s11+$0x14630];
	[tilespmem:s11+$0x16D90] =	vst v12;
	v12 =	vmul.f32 v20, v36  }
0xc4: {  	v37 =	vld [tilespmem:s11+$0x14660]  }
0xc5: {  	[tilespmem:s11+$0x16DA0] =	vst v12;
	v12 =	vmul.f32 v21, v36;
	v21 =	vmul.f32 v23, v36  }
0xc6: {  	v23 =	vmul.f32 v25, v36;
	[tilespmem:$0x1FE10] =	vst v0;
	v0 =	vbroadcast v35, $0x2;
	_ =	sdelay $0x1  }
0xc7: {  	v1 =	vld [tilespmem:s11+$0x146A0];
	[tilespmem:s11+$0x16DF0] =	vst v23;
	v23 =	vmul.f32 v26, v0  }
0xc8: {  	v26 =	vmul.f32 v29, v0;
	v29 =	vmul.f32 v37, v0  }
0xc9: {  	v2 =	vld [tilespmem:s11+$0x146B0]  }
0xca: {  	[tilespmem:s11+$0x16E60] =	vst v29;
	v29 =	vbroadcast v35, $0x3  }
0xcb: {  	v3 =	vld [tilespmem:s11+$0x146C0]  }
0xcc: {  	v1 =	vmul.f32 v1, v29  }
0xcd: {  	v38 =	vld [tilespmem:s11+$0x146D0]  }
0xce: {  	[tilespmem:s11+$0x16EA0] =	vst v1;
	v1 =	vmul.f32 v2, v29  }
0xcf: {  	v40 =	vld [tilespmem:s11+$0x146E0]  }
0xd0: {  	v2 =	vld [tilespmem:s11+$0x14AB0];
	[tilespmem:s11+$0x16EB0] =	vst v1;
	v1 =	vmul.f32 v3, v29  }
0xd1: {  	v44 =	vld [tilespmem:s11+$0x146F0]  }
0xd2: {  	[tilespmem:s11+$0x16EC0] =	vst v1;
	v1 =	vmul.f32 v38, v29  }
0xd3: {  	v41 =	vld [tilespmem:s11+$0x14700]  }
0xd4: {  	[tilespmem:s11+$0x16ED0] =	vst v1;
	v1 =	vmul.f32 v40, v29  }
0xd5: {  	v42 =	vld [tilespmem:s11+$0x14710];
	[tilespmem:$0x1FE20] =	vst v2  }
0xd6: {  	v2 =	vmul.f32 v44, v29;
	[tilespmem:s11+$0x16EE0] =	vst v1;
	v1 =	vbroadcast v35, $0x4  }
0xd7: {  	v43 =	vld [tilespmem:s11+$0x14720]  }
0xd8: {  	[tilespmem:s11+$0x16EF0] =	vst v2;
	v2 =	vmul.f32 v41, v1  }
0xd9: {  	v45 =	vld [tilespmem:s11+$0x14730]  }
0xda: {  	[tilespmem:s11+$0x16F00] =	vst v2;
	v2 =	vmul.f32 v42, v1  }
0xdb: {  	v46 =	vld [tilespmem:s11+$0x14740]  }
0xdc: {  	[tilespmem:s11+$0x16F10] =	vst v2;
	v2 =	vmul.f32 v43, v1  }
0xdd: {  	v50 =	vld [tilespmem:s11+$0x14750]  }
0xde: {  	[tilespmem:s11+$0x16F20] =	vst v2;
	v2 =	vmul.f32 v45, v1  }
0xdf: {  	v53 =	vld [tilespmem:s11+$0x14760]  }
0xe0: {  	[tilespmem:s11+$0x16F30] =	vst v2;
	v2 =	vmul.f32 v46, v1  }
0xe1: {  	v19 =	vld [tilespmem:s11+$0x14770]  }
0xe2: {  	[tilespmem:s11+$0x16F40] =	vst v2;
	v2 =	vmul.f32 v50, v1  }
0xe3: {  	v55 =	vld [tilespmem:s11+$0x14780]  }
0xe4: {  	[tilespmem:s11+$0x16F50] =	vst v2;
	v2 =	vmul.f32 v53, v1  }
0xe5: {  	v56 =	vld [tilespmem:s11+$0x14790]  }
0xe6: {  	v1 =	vmul.f32 v19, v1;
	[tilespmem:s11+$0x16F60] =	vst v2;
	v2 =	vbroadcast v35, $0x5  }
0xe7: {  	v57 =	vld [tilespmem:s11+$0x147A0]  }
0xe8: {  	[tilespmem:s11+$0x16F70] =	vst v1;
	v1 =	vmul.f32 v55, v2  }
0xe9: {  	v58 =	vld [tilespmem:s11+$0x147B0]  }
0xea: {  	[tilespmem:s11+$0x16F80] =	vst v1;
	v1 =	vmul.f32 v56, v2  }
0xeb: {  	v59 =	vld [tilespmem:s11+$0x147C0]  }
0xec: {  	v22 =	vld [tilespmem:s11+$0x145C0];
	[tilespmem:s11+$0x16F90] =	vst v1;
	v1 =	vmul.f32 v57, v2  }
0xed: {  	v34 =	vld [tilespmem:s11+$0x147D0]  }
0xee: {  	v24 =	vld [tilespmem:s11+$0x145E0];
	[tilespmem:s11+$0x16FA0] =	vst v1;
	v1 =	vmul.f32 v58, v2  }
0xef: {  	v4 =	vld [tilespmem:s11+$0x147E0]  }
0xf0: {  	v3 =	vld [tilespmem:s11+$0x14C10];
	[tilespmem:s11+$0x16FB0] =	vst v1;
	v1 =	vmul.f32 v59, v2  }
0xf1: {  	v5 =	vld [tilespmem:s11+$0x147F0]  }
0xf2: {  	v27 =	vld [tilespmem:s11+$0x14610];
	[tilespmem:s11+$0x16FC0] =	vst v1;
	v1 =	vmul.f32 v34, v2  }
0xf3: {  	v63 =	vld [tilespmem:s11+$0x14800]  }
0xf4: {  	v28 =	vld [tilespmem:s11+$0x14620];
	[tilespmem:s11+$0x16FD0] =	vst v1;
	v1 =	vmul.f32 v4, v2  }
0xf5: {  	v6 =	vld [tilespmem:s11+$0x14810];
	[tilespmem:$0x1FE50] =	vst v3  }
0xf6: {  	v3 =	vld [tilespmem:s11+$0x14C20];
	v2 =	vmul.f32 v5, v2;
	[tilespmem:s11+$0x16FE0] =	vst v1;
	v1 =	vbroadcast v35, $0x6  }
0xf7: {  	v7 =	vld [tilespmem:s11+$0x14820]  }
0xf8: {  	v32 =	vld [tilespmem:s11+$0x14640];
	[tilespmem:s11+$0x16FF0] =	vst v2;
	v2 =	vmul.f32 v63, v1  }
0xf9: {  	v8 =	vld [tilespmem:s11+$0x14830]  }
0xfa: {  	v33 =	vld [tilespmem:s11+$0x14650];
	[tilespmem:s11+$0x17000] =	vst v2;
	v2 =	vmul.f32 v6, v1  }
0xfb: {  	v60 =	vld [tilespmem:s11+$0x14840];
	[tilespmem:$0x1FE70] =	vst v3  }
0xfc: {  	v3 =	vld [tilespmem:s11+$0x14C30];
	[tilespmem:s11+$0x17010] =	vst v2;
	v2 =	vmul.f32 v7, v1  }
0xfd: {  	v54 =	vld [tilespmem:s11+$0x14850]  }
0xfe: {  	v39 =	vld [tilespmem:s11+$0x14670];
	[tilespmem:s11+$0x17020] =	vst v2;
	v2 =	vmul.f32 v8, v1  }
0xff: {  	v30 =	vld [tilespmem:s11+$0x14860]  }
0x100: {  	v61 =	vld [tilespmem:s11+$0x14680];
	[tilespmem:s11+$0x17030] =	vst v2;
	v2 =	vmul.f32 v60, v1  }
0x101: {  	v52 =	vld [tilespmem:s11+$0x14870];
	[tilespmem:$0x1FE90] =	vst v3  }
0x102: {  	v3 =	vld [tilespmem:s11+$0x14C40];
	[tilespmem:s11+$0x17040] =	vst v2;
	v2 =	vmul.f32 v54, v1  }
0x103: {  	v51 =	vld [tilespmem:s11+$0x14880]  }
0x104: {  	v62 =	vld [tilespmem:s11+$0x14690];
	[tilespmem:s11+$0x17050] =	vst v2;
	v2 =	vmul.f32 v30, v1  }
0x105: {  	v49 =	vld [tilespmem:s11+$0x14890]  }
0x106: {  	v31 =	vld [tilespmem:s11+$0x148A0];
	v1 =	vmul.f32 v52, v1;
	[tilespmem:s11+$0x17060] =	vst v2;
	v2 =	vbroadcast v35, $0x7  }
0x107: {  	v47 =	vld [tilespmem:s11+$0x148B0];
	[tilespmem:$0x1FEB0] =	vst v3  }
0x108: {  	v3 =	vld [tilespmem:s11+$0x14C50];
	[tilespmem:s11+$0x17070] =	vst v1;
	v1 =	vmul.f32 v51, v2  }
0x109: {  	v48 =	vld [tilespmem:s11+$0x14970]  }
0x10a: {  	v10 =	vld [tilespmem:s11+$0x14920];
	[tilespmem:s11+$0x17080] =	vst v1;
	v1 =	vmul.f32 v49, v2  }
0x10b: {  	v11 =	vld [tilespmem:s11+$0x14930];
	[tilespmem:s11+$0x16D30] =	vst v9  }
0x10c: {  	v13 =	vld [tilespmem:s11+$0x14950];
	[tilespmem:s11+$0x17090] =	vst v1;
	v1 =	vmul.f32 v31, v2  }
0x10d: {  	v9 =	vld [tilespmem:s11+$0x14940];
	[tilespmem:$0x1FED0] =	vst v3  }
0x10e: {  	v3 =	vld [tilespmem:s11+$0x14C80];
	[tilespmem:s11+$0x170A0] =	vst v1;
	v1 =	vmul.f32 v47, v2  }
0x10f: {  	v14 =	vld [tilespmem:s11+$0x14960]  }
0x110: {  	[tilespmem:s11+$0x170B0] =	vst v1;
	v1 =	vld [tilespmem:$0x1FDC0]  }
0x111: {  	v16 =	vld [tilespmem:s11+$0x14990]  }
0x112: {  	[tilespmem:s11+$0x16D70] =	vst v15;
	v15 =	vld [tilespmem:s11+$0x14980]  }
0x113: {  	[tilespmem:$0x1FF10] =	vst v3;
	v3 =	vld [tilespmem:s11+$0x14C90]  }
0x114: {  	v17 =	vld [tilespmem:s11+$0x149A0];
	v20 =	vmul.f32 v22, v36  }
0x115: {  	v18 =	vld [tilespmem:s11+$0x149B0];
	v1 =	vmul.f32 v1, v2  }
0x116: {  	[tilespmem:s11+$0x16DC0] =	vst v20;
	v20 =	vld [tilespmem:s11+$0x149D0]  }
0x117: {  	[tilespmem:s11+$0x170C0] =	vst v1;
	v1 =	vld [tilespmem:$0x1FDD0]  }
0x118: {  	v22 =	vmul.f32 v24, v36;
	[tilespmem:$0x1FF30] =	vst v3;
	v3 =	vld [tilespmem:s11+$0x14CB0]  }
0x119: {  	v36 =	vld [tilespmem:s11+$0x149F0]  }
0x11a: {  	[tilespmem:s11+$0x16DE0] =	vst v22;
	v22 =	vld [tilespmem:s11+$0x14A00]  }
0x11b: {  	[tilespmem:s11+$0x16DB0] =	vst v12;
	v12 =	vld [tilespmem:s11+$0x149C0]  }
0x11c: {  	[tilespmem:s11+$0x16DD0] =	vst v21;
	v21 =	vld [tilespmem:s11+$0x149E0];
	v1 =	vmul.f32 v1, v2  }
0x11d: {  	[tilespmem:$0x1FF60] =	vst v3;
	v3 =	vld [tilespmem:s11+$0x14CC0]  }
0x11e: {  	v24 =	vmul.f32 v27, v0;
	[tilespmem:s11+$0x170D0] =	vst v1;
	v1 =	vld [tilespmem:$0x1FDE0]  }
0x11f: {  	v25 =	vmul.f32 v28, v0;
	v27 =	vmul.f32 v32, v0;
	[tilespmem:s11+$0x16E00] =	vst v23;
	v6 =	vld [tilespmem:$0x1FDF0]  }
0x120: {  	v28 =	vmul.f32 v33, v0;
	v0 =	vmul.f32 v39, v0;
	v39 =	vld [tilespmem:s11+$0x14A70];
	[tilespmem:s11+$0x16E10] =	vst v24  }
0x121: {  	v32 =	vld [tilespmem:s11+$0x14A90];
	[tilespmem:s11+$0x16E20] =	vst v25  }
0x122: {  	v33 =	vld [tilespmem:s11+$0x14AA0];
	[tilespmem:s11+$0x16E30] =	vst v26  }
0x123: {  	[tilespmem:$0x1FF80] =	vst v3;
	v3 =	vld [tilespmem:s11+$0x14CD0];
	v1 =	vmul.f32 v1, v2  }
0x124: {  	v37 =	vld [tilespmem:s11+$0x14AC0];
	[tilespmem:s11+$0x16E40] =	vst v27;
	v2 =	vmul.f32 v6, v2  }
0x125: {  	[tilespmem:s11+$0x170E0] =	vst v1;
	v1 =	vld [tilespmem:$0x1FE00]  }
0x126: {  	[tilespmem:s11+$0x170F0] =	vst v2;
	v2 =	vld [tilespmem:$0x1FE10]  }
0x127: {  	v23 =	vld [tilespmem:s11+$0x14A10];
	[tilespmem:s11+$0x16E50] =	vst v28  }
0x128: {  	v24 =	vld [tilespmem:s11+$0x14A20];
	v61 =	vmul.f32 v61, v29;
	[tilespmem:$0x1FF90] =	vst v3;
	v3 =	vbroadcast v35, $0x8  }
0x129: {  	v25 =	vld [tilespmem:s11+$0x14A30];
	[tilespmem:s11+$0x16E70] =	vst v0;
	v62 =	vmul.f32 v62, v29  }
0x12a: {  	v26 =	vld [tilespmem:s11+$0x14A40];
	[tilespmem:s11+$0x16E80] =	vst v61;
	v6 =	vmul.f32 v1, v3  }
0x12b: {  	v27 =	vld [tilespmem:s11+$0x14A50];
	[tilespmem:s11+$0x16E90] =	vst v62;
	v2 =	vmul.f32 v2, v3  }
0x12c: {  	v28 =	vld [tilespmem:s11+$0x14A60];
	[tilespmem:s11+$0x17100] =	vst v6;
	v6 =	vmul.f32 v10, v3  }
0x12d: {  	v0 =	vld [tilespmem:s11+$0x14A80];
	[tilespmem:s11+$0x17110] =	vst v2;
	v2 =	vmul.f32 v11, v3  }
0x12e: {  	v61 =	vld [tilespmem:s11+$0x14BD0];
	[tilespmem:s11+$0x17120] =	vst v6;
	v6 =	vmul.f32 v9, v3  }
0x12f: {  	v38 =	vld [tilespmem:s11+$0x14AD0];
	[tilespmem:s11+$0x17130] =	vst v2;
	v2 =	vmul.f32 v13, v3  }
0x130: {  	v44 =	vld [tilespmem:s11+$0x14AF0];
	[tilespmem:s11+$0x17140] =	vst v6;
	v6 =	vmul.f32 v14, v3  }
0x131: {  	v40 =	vld [tilespmem:s11+$0x14AE0];
	[tilespmem:s11+$0x17150] =	vst v2  }
0x132: {  	s12 =	simm.s32 $0x800;
	v29 =	vld [tilespmem:s11+$0x14B30];
	[tilespmem:s11+$0x17160] =	vst v6  }
0x133: {  	v7 =	vld [tilespmem:s12+$0x14500]  }
0x134: {  	v41 =	vld [tilespmem:s11+$0x14B00];
	v2 =	vmul.f32 v48, v3;
	v3 =	vbroadcast v35, $0x9  }
0x135: {  	v42 =	vld [tilespmem:s11+$0x14B10]  }
0x136: {  	v43 =	vld [tilespmem:s11+$0x14B20];
	v6 =	vmul.f32 v15, v3  }
0x137: {  	v46 =	vld [tilespmem:s11+$0x14B40];
	[tilespmem:s11+$0x17170] =	vst v2;
	v2 =	vmul.f32 v16, v3  }
0x138: {  	v15 =	vmov v7;
	v7 =	vld [tilespmem:s12+$0x14510];
	[tilespmem:s11+$0x17180] =	vst v6;
	v6 =	vmul.f32 v17, v3  }
0x139: {  	v8 =	vld [tilespmem:s12+$0x14520];
	[tilespmem:s11+$0x17190] =	vst v2;
	v2 =	vmul.f32 v18, v3  }
0x13a: {  	v10 =	vld [tilespmem:s12+$0x14530];
	[tilespmem:s11+$0x171A0] =	vst v6;
	v6 =	vmul.f32 v12, v3  }
0x13b: {  	v9 =	vld [tilespmem:s12+$0x14540];
	[tilespmem:s11+$0x171B0] =	vst v2;
	v2 =	vmul.f32 v20, v3  }
0x13c: {  	v12 =	vld [tilespmem:s12+$0x14550];
	[tilespmem:s11+$0x171C0] =	vst v6;
	v6 =	vmul.f32 v21, v3  }
0x13d: {  	v20 =	vmov v7;
	v7 =	vld [tilespmem:s12+$0x14560];
	[tilespmem:s11+$0x171D0] =	vst v2;
	v2 =	vmul.f32 v36, v3;
	v3 =	vbroadcast v35, $0xA  }
0x13e: {  	v50 =	vld [tilespmem:s11+$0x14B50]  }
0x13f: {  	v14 =	vld [tilespmem:s12+$0x14570];
	[tilespmem:s11+$0x171E0] =	vst v6;
	v6 =	vmul.f32 v22, v3  }
0x140: {  	v13 =	vld [tilespmem:s12+$0x14580];
	[tilespmem:s11+$0x171F0] =	vst v2;
	v2 =	vmul.f32 v23, v3  }
0x141: {  	v16 =	vld [tilespmem:s12+$0x14590];
	[tilespmem:s11+$0x17200] =	vst v6;
	v6 =	vmul.f32 v24, v3  }
0x142: {  	v23 =	vmov v8;
	v8 =	vld [tilespmem:s12+$0x145A0];
	[tilespmem:s11+$0x17210] =	vst v2;
	v2 =	vmul.f32 v25, v3  }
0x143: {  	v24 =	vld [tilespmem:s12+$0x145B0];
	[tilespmem:s11+$0x17220] =	vst v6;
	v6 =	vmul.f32 v26, v3  }
0x144: {  	v17 =	vld [tilespmem:s12+$0x145C0];
	[tilespmem:s11+$0x17230] =	vst v2;
	v2 =	vmul.f32 v27, v3  }
0x145: {  	v26 =	vld [tilespmem:s12+$0x145D0];
	[tilespmem:s11+$0x17240] =	vst v6;
	v6 =	vmul.f32 v28, v3  }
0x146: {  	v18 =	vld [tilespmem:s12+$0x145E0];
	[tilespmem:s11+$0x17250] =	vst v2;
	v2 =	vmul.f32 v39, v3;
	v3 =	vbroadcast v35, $0xB  }
0x147: {  	v53 =	vld [tilespmem:s11+$0x14B60]  }
0x148: {  	v28 =	vld [tilespmem:s12+$0x145F0];
	[tilespmem:s11+$0x17260] =	vst v6;
	v0 =	vmul.f32 v0, v3  }
0x149: {  	v6 =	vld [tilespmem:s12+$0x14600];
	[tilespmem:s11+$0x17270] =	vst v2  }
0x14a: {  	v2 =	vmul.f32 v32, v3;
	v45 =	vld [tilespmem:s12+$0x14610];
	[tilespmem:s11+$0x17280] =	vst v0  }
0x14b: {  	v22 =	vld [tilespmem:s12+$0x14620]  }
0x14c: {  	[tilespmem:s11+$0x17290] =	vst v2;
	v2 =	vld [tilespmem:$0x1FE20]  }
0x14d: {  	v19 =	vld [tilespmem:s11+$0x14B70]  }
0x14e: {  	v55 =	vld [tilespmem:s11+$0x14B80]  }
0x14f: {  	v56 =	vld [tilespmem:s11+$0x14B90]  }
0x150: {  	v57 =	vld [tilespmem:s11+$0x14BA0];
	v0 =	vmul.f32 v33, v3  }
0x151: {  	v58 =	vld [tilespmem:s11+$0x14BB0];
	v2 =	vmul.f32 v2, v3  }
0x152: {  	v36 =	vld [tilespmem:s12+$0x14630];
	[tilespmem:s11+$0x172A0] =	vst v0;
	v0 =	vmul.f32 v37, v3  }
0x153: {  	v32 =	vld [tilespmem:s12+$0x14640];
	[tilespmem:s11+$0x172B0] =	vst v2;
	v2 =	vmul.f32 v38, v3  }
0x154: {  	v39 =	vld [tilespmem:s12+$0x14650];
	[tilespmem:s11+$0x172C0] =	vst v0;
	v0 =	vmul.f32 v40, v3  }
0x155: {  	v11 =	vld [tilespmem:s12+$0x14660];
	[tilespmem:s11+$0x172D0] =	vst v2;
	v2 =	vmul.f32 v44, v3;
	v3 =	vbroadcast v35, $0xC  }
0x156: {  	v59 =	vld [tilespmem:s11+$0x14BC0]  }
0x157: {  	v47 =	vld [tilespmem:s12+$0x14670];
	[tilespmem:s11+$0x172E0] =	vst v0;
	v0 =	vmul.f32 v41, v3  }
0x158: {  	v40 =	vld [tilespmem:s12+$0x14680];
	[tilespmem:s11+$0x172F0] =	vst v2;
	v2 =	vmul.f32 v42, v3  }
0x159: {  	v48 =	vld [tilespmem:s12+$0x14690];
	[tilespmem:s11+$0x17300] =	vst v0;
	v0 =	vmul.f32 v43, v3  }
0x15a: {  	v44 =	vld [tilespmem:s12+$0x146A0];
	[tilespmem:s11+$0x17310] =	vst v2;
	v2 =	vmul.f32 v29, v3  }
0x15b: {  	v51 =	vld [tilespmem:s12+$0x146B0];
	[tilespmem:s11+$0x17320] =	vst v0;
	v0 =	vmul.f32 v46, v3  }
0x15c: {  	v49 =	vld [tilespmem:s12+$0x146C0];
	[tilespmem:s11+$0x17330] =	vst v2;
	v2 =	vmul.f32 v50, v3  }
0x15d: {  	v54 =	vld [tilespmem:s12+$0x146D0];
	[tilespmem:s11+$0x17340] =	vst v0;
	v0 =	vmul.f32 v53, v3  }
0x15e: {  	v52 =	vld [tilespmem:s12+$0x146E0];
	[tilespmem:s11+$0x17350] =	vst v2;
	v2 =	vmul.f32 v19, v3  }
0x15f: {  	v3 =	vbroadcast v35, $0xD;
	v60 =	vld [tilespmem:s12+$0x146F0];
	[tilespmem:s11+$0x17360] =	vst v0  }
0x160: {  	v33 =	vld [tilespmem:s12+$0x14700];
	[tilespmem:s11+$0x17370] =	vst v2  }
0x161: {  	v53 =	vmov v6;
	v0 =	vmul.f32 v55, v3;
	v6 =	vld [tilespmem:s12+$0x14710]  }
0x162: {  	v62 =	vld [tilespmem:s11+$0x14BE0];
	v2 =	vmul.f32 v56, v3  }
0x163: {  	v34 =	vld [tilespmem:s11+$0x14BF0];
	[tilespmem:s11+$0x17380] =	vst v0;
	v0 =	vmul.f32 v57, v3  }
0x164: {  	v43 =	vld [tilespmem:s12+$0x14720];
	[tilespmem:s11+$0x17390] =	vst v2;
	v2 =	vmul.f32 v58, v3  }
0x165: {  	v55 =	vmov v8;
	v8 =	vld [tilespmem:s12+$0x14730];
	[tilespmem:s11+$0x173A0] =	vst v0;
	v0 =	vmul.f32 v59, v3  }
0x166: {  	v58 =	vmov v6;
	v6 =	vld [tilespmem:s12+$0x14740];
	[tilespmem:s11+$0x173B0] =	vst v2;
	v2 =	vmul.f32 v61, v3  }
0x167: {  	v50 =	vmov v13;
	v13 =	vld [tilespmem:s12+$0x14750];
	[tilespmem:s11+$0x173C0] =	vst v0  }
0x168: {  	v29 =	vmov v9;
	v9 =	vld [tilespmem:s12+$0x14760];
	[tilespmem:s11+$0x173D0] =	vst v2  }
0x169: {  	v2 =	vld [tilespmem:s12+$0x14770];
	_ =	sdelay $0x3  }
0x16a: {  	v63 =	vld [tilespmem:s11+$0x14C00];
	v0 =	vmul.f32 v62, v3  }
0x16b: {  	[tilespmem:$0x1FE30] =	vst v2;
	v2 =	vmul.f32 v34, v3  }
0x16c: {  	[tilespmem:s11+$0x173E0] =	vst v0  }
0x16d: {  	v38 =	vld [tilespmem:s12+$0x14780];
	v3 =	vbroadcast v35, $0xE;
	[tilespmem:s11+$0x173F0] =	vst v2  }
0x16e: {  	v2 =	vld [tilespmem:s12+$0x14790]  }
0x16f: {  	v0 =	vmul.f32 v63, v3;
	_ =	sdelay $0x1  }
0x170: {  	[tilespmem:s11+$0x17400] =	vst v0  }
0x171: {  	v0 =	vld [tilespmem:s12+$0x147A0]  }
0x172: {  	[tilespmem:$0x1FE40] =	vst v2;
	v2 =	vld [tilespmem:$0x1FE50];
	_ =	sdelay $0x3  }
0x173: {  	[tilespmem:$0x1FE60] =	vst v0;
	v0 =	vld [tilespmem:$0x1FE70]  }
0x174: {  	v2 =	vmul.f32 v2, v3;
	_ =	sdelay $0x1  }
0x175: {  	[tilespmem:s11+$0x17410] =	vst v2  }
0x176: {  	v2 =	vld [tilespmem:s12+$0x147B0]  }
0x177: {  	v0 =	vmul.f32 v0, v3;
	_ =	sdelay $0x1  }
0x178: {  	[tilespmem:s11+$0x17420] =	vst v0  }
0x179: {  	v0 =	vld [tilespmem:s12+$0x147C0]  }
0x17a: {  	[tilespmem:$0x1FE80] =	vst v2;
	v2 =	vld [tilespmem:$0x1FE90];
	_ =	sdelay $0x4  }
0x17b: {  	[tilespmem:$0x1FEA0] =	vst v0;
	v0 =	vld [tilespmem:$0x1FEB0];
	v2 =	vmul.f32 v2, v3;
	_ =	sdelay $0x1  }
0x17c: {  	[tilespmem:s11+$0x17430] =	vst v2  }
0x17d: {  	v2 =	vld [tilespmem:s12+$0x147D0];
	_ =	sdelay $0x1  }
0x17e: {  	v0 =	vmul.f32 v0, v3;
	_ =	sdelay $0x1  }
0x17f: {  	v30 =	vld [tilespmem:s11+$0x14C60];
	[tilespmem:s11+$0x17440] =	vst v0  }
0x180: {  	[tilespmem:$0x1FEC0] =	vst v2;
	v2 =	vld [tilespmem:$0x1FED0]  }
0x181: {  	v0 =	vld [tilespmem:s12+$0x147E0];
	_ =	sdelay $0x3  }
0x182: {  	v2 =	vmul.f32 v2, v3  }
0x183: {  	[tilespmem:$0x1FEE0] =	vst v0;
	v0 =	vmul.f32 v30, v3  }
0x184: {  	v4 =	vld [tilespmem:s11+$0x14C70];
	[tilespmem:s11+$0x17450] =	vst v2  }
0x185: {  	v2 =	vld [tilespmem:s12+$0x147F0];
	[tilespmem:s11+$0x17460] =	vst v0  }
0x186: {  	v0 =	vld [tilespmem:s12+$0x14800];
	_ =	sdelay $0x3  }
0x187: {  	[tilespmem:$0x1FEF0] =	vst v2;
	v2 =	vmul.f32 v4, v3  }
0x188: {  	[tilespmem:$0x1FF00] =	vst v0  }
0x189: {  	v0 =	vld [tilespmem:$0x1FF10];
	[tilespmem:s11+$0x17470] =	vst v2  }
0x18a: {  	v2 =	vld [tilespmem:s12+$0x14810];
	_ =	sdelay $0x1  }
0x18b: {  	v3 =	vbroadcast v35, $0xF;
	_ =	sdelay $0x1  }
0x18c: {  	v0 =	vmul.f32 v0, v3  }
0x18d: {  	v31 =	vld [tilespmem:s11+$0x14CA0];
	[tilespmem:$0x1FF20] =	vst v2  }
0x18e: {  	v2 =	vld [tilespmem:$0x1FF30];
	[tilespmem:s11+$0x17480] =	vst v0  }
0x18f: {  	v0 =	vld [tilespmem:s12+$0x14820];
	_ =	sdelay $0x3  }
0x190: {  	v2 =	vmul.f32 v2, v3  }
0x191: {  	[tilespmem:$0x1FF40] =	vst v0;
	v0 =	vmul.f32 v31, v3  }
0x192: {  	[tilespmem:s11+$0x17490] =	vst v2  }
0x193: {  	v2 =	vld [tilespmem:s12+$0x14830];
	[tilespmem:s11+$0x174A0] =	vst v0  }
0x194: {  	v0 =	vld [tilespmem:s12+$0x14840];
	_ =	sdelay $0x3  }
0x195: {  	[tilespmem:$0x1FF50] =	vst v2;
	v2 =	vld [tilespmem:$0x1FF60]  }
0x196: {  	[tilespmem:$0x1FF70] =	vst v0;
	v0 =	vld [tilespmem:$0x1FF80];
	_ =	sdelay $0x3  }
0x197: {  	v2 =	vmul.f32 v2, v3  }
0x198: {  	v5 =	vld [tilespmem:s11+$0x14CE0];
	v0 =	vmul.f32 v0, v3  }
0x199: {  	[tilespmem:s11+$0x174B0] =	vst v2;
	v2 =	vld [tilespmem:$0x1FF90]  }
0x19a: {  	v42 =	vld [tilespmem:s12+$0x14850];
	[tilespmem:s11+$0x174C0] =	vst v0  }
0x19b: {  	v0 =	vld [tilespmem:s12+$0x14860]  }
0x19c: {  	v1 =	vld [tilespmem:s11+$0x14CF0];
	_ =	sdelay $0x2  }
0x19d: {  	v2 =	vmul.f32 v2, v3  }
0x19e: {  	[tilespmem:$0x1FFA0] =	vst v0;
	v0 =	vmul.f32 v5, v3  }
0x19f: {  	v46 =	vmovc v12;
	v56 =	vmov v14;
	v57 =	vmov v18;
	v1 =	vmul.f32 v1, v3;
	[tilespmem:s11+$0x174D0] =	vst v2  }
0x1a0: {  	s13 =	simm.s32 $0x2;
	s0 =	simm.s32 $0x10;
	v59 =	vmovc v16;
	v61 =	vmovc v17;
	v62 =	vmov v6;
	v34 =	vmov v10;
	v35 =	vmov v7;
	v41 =	vld [tilespmem:s12+$0x14870];
	[tilespmem:s11+$0x174E0] =	vst v0  }
.LBB2_7:
0x1a1: {  	s0 =	sand.u32 $0x3FFFFFF0, s0;
	v6 =	vld [tilespmem:s12+$0x14880];
	[tilespmem:s11+$0x174F0] =	vst v1  }
0x1a2: {  	v63 =	vld [tilespmem:s0+$0x14480];
	_ =	sdelay $0x2  }
0x1a3: {  	s11 =	smov.u32 s12  }
0x1a4: {  	v3 =	vld [tilespmem:s11+$0x148C0]  }
0x1a5: {  	v10 =	vbroadcast v63, $0x0  }
0x1a6: {  	v1 =	vld [tilespmem:s11+$0x14890];
	v14 =	vbroadcast v63, $0x1  }
0x1a7: {  	v2 =	vld [tilespmem:s11+$0x148A0];
	v4 =	vmul.f32 v10, v15;
	v7 =	vmul.f32 v20, v10  }
0x1a8: {  	v0 =	vld [tilespmem:s11+$0x148B0];
	v12 =	vmul.f32 v23, v10;
	v15 =	vmul.f32 v34, v10  }
0x1a9: {  	v5 =	vmov v13;
	[tilespmem:$0x1FBE0] =	vst v3;
	v3 =	vld [tilespmem:s11+$0x148D0];
	v13 =	vmul.f32 v29, v10;
	v16 =	vmul.f32 v46, v10  }
0x1aa: {  	v17 =	vmul.f32 v35, v10;
	v20 =	vmul.f32 v56, v10;
	v10 =	vld [tilespmem:s11+$0x14930]  }
0x1ab: {  	v23 =	vmul.f32 v55, v14;
	v55 =	vld [tilespmem:s11+$0x14940]  }
0x1ac: {  	v56 =	vld [tilespmem:s11+$0x14950];
	[tilespmem:s11+$0x16D00] =	vst v4  }
0x1ad: {  	v18 =	vbroadcast v63, $0x2;
	v25 =	vmul.f32 v61, v14;
	v61 =	vld [tilespmem:s11+$0x14970];
	[tilespmem:s11+$0x16D10] =	vst v7  }
0x1ae: {  	v35 =	vld [tilespmem:s11+$0x14A10];
	[tilespmem:s11+$0x16D20] =	vst v12  }
0x1af: {  	v30 =	vmul.f32 v28, v14;
	v28 =	vmul.f32 v53, v18;
	v53 =	vld [tilespmem:s11+$0x14A20];
	[tilespmem:s11+$0x16D30] =	vst v15  }
0x1b0: {  	v27 =	vmul.f32 v57, v14;
	v57 =	vld [tilespmem:s11+$0x14A30];
	[tilespmem:s11+$0x16D40] =	vst v13  }
0x1b1: {  	v34 =	vld [tilespmem:$0x1FEC0];
	[tilespmem:s11+$0x16D50] =	vst v16  }
0x1b2: {  	v21 =	vmul.f32 v50, v14;
	[tilespmem:$0x1FBF0] =	vst v3;
	v3 =	vld [tilespmem:s11+$0x148E0]  }
0x1b3: {  	v32 =	vmul.f32 v32, v18;
	v7 =	vld [tilespmem:s11+$0x14920];
	[tilespmem:s11+$0x16D60] =	vst v17  }
0x1b4: {  	v24 =	vmul.f32 v24, v14;
	[tilespmem:s11+$0x16D80] =	vst v21;
	v4 =	vld [tilespmem:s11+$0x149F0]  }
0x1b5: {  	[tilespmem:s11+$0x16E40] =	vst v32;
	v32 =	vld [tilespmem:$0x1FE80]  }
0x1b6: {  	v19 =	vbroadcast v63, $0x3;
	v37 =	vmul.f32 v47, v18;
	[tilespmem:s11+$0x16DB0] =	vst v24;
	v24 =	vld [tilespmem:s11+$0x14A70]  }
0x1b7: {  	v26 =	vmul.f32 v26, v14;
	v39 =	vmul.f32 v39, v18;
	[tilespmem:$0x1FC00] =	vst v3;
	v3 =	vld [tilespmem:s11+$0x148F0]  }
0x1b8: {  	v40 =	vmul.f32 v40, v19;
	v47 =	vmul.f32 v48, v19;
	[tilespmem:s11+$0x16E70] =	vst v37;
	v37 =	vld [tilespmem:$0x1FEE0]  }
0x1b9: {  	v44 =	vmul.f32 v44, v19;
	v48 =	vmul.f32 v51, v19;
	[tilespmem:s11+$0x16E50] =	vst v39;
	v39 =	vld [tilespmem:$0x1FEF0]  }
0x1ba: {  	v51 =	vmul.f32 v60, v19;
	[tilespmem:s11+$0x16DC0] =	vst v25;
	v25 =	vmul.f32 v49, v19;
	v21 =	vld [tilespmem:s11+$0x14A80]  }
0x1bb: {  	v49 =	vmul.f32 v54, v19;
	[tilespmem:s11+$0x16DD0] =	vst v26;
	v26 =	vmul.f32 v52, v19;
	v19 =	vld [tilespmem:s11+$0x14A90]  }
0x1bc: {  	[tilespmem:$0x1FC10] =	vst v3;
	v3 =	vld [tilespmem:s11+$0x14900]  }
0x1bd: {  	[tilespmem:s11+$0x16D70] =	vst v20;
	v20 =	vld [tilespmem:s11+$0x14AA0]  }
0x1be: {  	v31 =	vmul.f32 v45, v18;
	v45 =	vbroadcast v63, $0x7;
	[tilespmem:s11+$0x16E80] =	vst v40;
	v40 =	vld [tilespmem:$0x1FF70]  }
0x1bf: {  	[tilespmem:s11+$0x16DA0] =	vst v23;
	v16 =	vld [tilespmem:s11+$0x14AD0]  }
0x1c0: {  	[tilespmem:s11+$0x16EB0] =	vst v48;
	v48 =	vmul.f32 v0, v45;
	v0 =	vld [tilespmem:$0x1FBE0]  }
0x1c1: {  	[tilespmem:$0x1FC20] =	vst v3;
	v3 =	vld [tilespmem:s11+$0x14910]  }
0x1c2: {  	[tilespmem:s11+$0x16DE0] =	vst v27;
	v17 =	vld [tilespmem:s11+$0x14B00]  }
0x1c3: {  	[tilespmem:s11+$0x16DF0] =	vst v30;
	v15 =	vld [tilespmem:s11+$0x14B10]  }
0x1c4: {  	v52 =	vbroadcast v63, $0x4;
	[tilespmem:s11+$0x16E00] =	vst v28;
	v13 =	vld [tilespmem:s11+$0x14B30]  }
0x1c5: {  	v36 =	vmul.f32 v36, v18;
	[tilespmem:s11+$0x16E10] =	vst v31;
	v12 =	vld [tilespmem:s11+$0x14B40]  }
0x1c6: {  	v46 =	vmul.f32 v58, v52;
	v58 =	vld [tilespmem:s11+$0x14A40];
	[tilespmem:$0x1FC30] =	vst v3;
	v3 =	vmov v22  }
0x1c7: {  	[tilespmem:s11+$0x16E30] =	vst v36;
	v29 =	vmul.f32 v3, v18;
	v3 =	vld [tilespmem:s11+$0x14980]  }
0x1c8: {  	[tilespmem:s11+$0x16EA0] =	vst v44;
	v28 =	vmul.f32 v33, v52;
	v33 =	vld [tilespmem:$0x1FEA0]  }
0x1c9: {  	[tilespmem:s11+$0x16EE0] =	vst v26;
	v26 =	vmul.f32 v0, v45;
	v0 =	vld [tilespmem:$0x1FBF0]  }
0x1ca: {  	[tilespmem:s11+$0x16ED0] =	vst v49;
	v49 =	vld [tilespmem:s11+$0x14AE0]  }
0x1cb: {  	[tilespmem:s11+$0x16EF0] =	vst v51;
	v36 =	vmul.f32 v9, v52;
	v9 =	vld [tilespmem:s11+$0x14B60]  }
0x1cc: {  	[tilespmem:$0x1FC80] =	vst v3;
	v3 =	vld [tilespmem:s11+$0x14990]  }
0x1cd: {  	v50 =	vmul.f32 v8, v52;
	[tilespmem:s11+$0x16EC0] =	vst v25;
	v8 =	vld [tilespmem:s11+$0x14B70]  }
0x1ce: {  	v25 =	vmul.f32 v6, v45;
	v6 =	vld [tilespmem:s11+$0x14B90];
	[tilespmem:$0x1FC40] =	vst v55;
	v0 =	vmul.f32 v0, v45  }
0x1cf: {  	[tilespmem:$0x1FC50] =	vst v56;
	v55 =	vmul.f32 v62, v52;
	v62 =	vld [tilespmem:$0x1FE30]  }
0x1d0: {  	v54 =	vbroadcast v63, $0x5;
	[tilespmem:$0x1FCF0] =	vst v0;
	v0 =	vld [tilespmem:$0x1FC00]  }
0x1d1: {  	[tilespmem:$0x1FC90] =	vst v3;
	v3 =	vld [tilespmem:s11+$0x149A0]  }
0x1d2: {  	v31 =	vmul.f32 v43, v52;
	[tilespmem:$0x1FC70] =	vst v61;
	v43 =	vmul.f32 v34, v54;
	v34 =	vld [tilespmem:$0x1FF20]  }
0x1d3: {  	[tilespmem:s11+$0x16F30] =	vst v50;
	v50 =	vld [tilespmem:$0x1FC40]  }
0x1d4: {  	[tilespmem:s11+$0x16F00] =	vst v28;
	v23 =	vmul.f32 v37, v54;
	v37 =	vld [tilespmem:$0x1FF40]  }
0x1d5: {  	[tilespmem:s11+$0x16F10] =	vst v46;
	v27 =	vmul.f32 v39, v54;
	v39 =	vld [tilespmem:$0x1FF50];
	v0 =	vmul.f32 v0, v45  }
0x1d6: {  	v22 =	vmul.f32 v59, v14;
	[tilespmem:$0x1FCA0] =	vst v3;
	v3 =	vld [tilespmem:s11+$0x149B0]  }
0x1d7: {  	[tilespmem:$0x1FD00] =	vst v0;
	v0 =	vld [tilespmem:$0x1FC10]  }
0x1d8: {  	v59 =	vld [tilespmem:s11+$0x14960];
	[tilespmem:s11+$0x16D90] =	vst v22;
	v22 =	vmul.f32 v11, v18  }
0x1d9: {  	[tilespmem:s11+$0x16F20] =	vst v31;
	v46 =	vld [tilespmem:$0x1FC30]  }
0x1da: {  	[tilespmem:s11+$0x16E60] =	vst v22;
	v22 =	vmul.f32 v33, v54;
	v33 =	vld [tilespmem:$0x1FF00]  }
0x1db: {  	v56 =	vmul.f32 v5, v52;
	[tilespmem:$0x1FCB0] =	vst v3;
	v3 =	vld [tilespmem:s11+$0x149C0]  }
0x1dc: {  	v60 =	vbroadcast v63, $0x6;
	v28 =	vbroadcast v63, $0x8;
	[tilespmem:s11+$0x16F40] =	vst v55;
	v55 =	vld [tilespmem:$0x1FC50]  }
0x1dd: {  	[tilespmem:s11+$0x16F50] =	vst v56;
	v56 =	vld [tilespmem:$0x1FC70]  }
0x1de: {  	v44 =	vmul.f32 v40, v60;
	v51 =	vmul.f32 v10, v28;
	v10 =	vld [tilespmem:s11+$0x14B50];
	[tilespmem:s11+$0x16FE0] =	vst v23  }
0x1df: {  	v40 =	vmul.f32 v2, v45;
	v23 =	vld [tilespmem:s11+$0x14C00];
	v0 =	vmul.f32 v0, v45;
	[tilespmem:$0x1FC60] =	vst v59  }
0x1e0: {  	v31 =	vmul.f32 v46, v28;
	v30 =	vmul.f32 v33, v60;
	[tilespmem:$0x1FCC0] =	vst v3;
	v3 =	vld [tilespmem:s11+$0x149D0]  }
0x1e1: {  	v46 =	vld [tilespmem:$0x1FC60];
	v33 =	vmul.f32 v34, v60;
	v34 =	vmul.f32 v37, v60  }
0x1e2: {  	[tilespmem:s11+$0x16E90] =	vst v47;
	v37 =	vmul.f32 v39, v60;
	v39 =	vmul.f32 v1, v45;
	v45 =	vld [tilespmem:$0x1FC20]  }
0x1e3: {  	[tilespmem:s11+$0x16F60] =	vst v36;
	v5 =	vld [tilespmem:$0x1FC90]  }
0x1e4: {  	v32 =	vmul.f32 v32, v54;
	[tilespmem:s11+$0x16FD0] =	vst v43;
	v52 =	vmul.f32 v62, v52;
	v62 =	vld [tilespmem:s11+$0x14A50]  }
0x1e5: {  	v50 =	vmul.f32 v50, v28;
	v55 =	vmul.f32 v55, v28;
	[tilespmem:$0x1FCD0] =	vst v3;
	v3 =	vld [tilespmem:s11+$0x149E0]  }
0x1e6: {  	v56 =	vmul.f32 v56, v28;
	v14 =	vld [tilespmem:s11+$0x14B20];
	[tilespmem:$0x1FD10] =	vst v0;
	v0 =	vbroadcast v63, $0x9  }
0x1e7: {  	[tilespmem:s11+$0x170B0] =	vst v48;
	v48 =	vld [tilespmem:s11+$0x14CC0];
	v46 =	vmul.f32 v46, v28;
	v47 =	vmul.f32 v45, v28  }
0x1e8: {  	[tilespmem:s11+$0x16FB0] =	vst v32;
	v45 =	vmul.f32 v7, v28;
	v28 =	vmul.f32 v5, v0;
	v5 =	vld [tilespmem:$0x1FCB0]  }
0x1e9: {  	[tilespmem:s11+$0x16FF0] =	vst v27;
	v18 =	vld [tilespmem:s11+$0x14AB0]  }
0x1ea: {  	v11 =	vld [tilespmem:s11+$0x14AF0];
	[tilespmem:$0x1FCE0] =	vst v3;
	v3 =	vmov v38  }
0x1eb: {  	[tilespmem:s11+$0x16F70] =	vst v52;
	v59 =	vmul.f32 v3, v54;
	v3 =	vld [tilespmem:$0x1FE40]  }
0x1ec: {  	v41 =	vmul.f32 v41, v60;
	[tilespmem:s11+$0x16E20] =	vst v29;
	v29 =	vld [tilespmem:s11+$0x14A60]  }
0x1ed: {  	[tilespmem:s11+$0x17040] =	vst v44;
	v36 =	vld [tilespmem:$0x1FC80];
	v5 =	vmul.f32 v5, v0  }
0x1ee: {  	[tilespmem:s11+$0x17070] =	vst v41;
	v52 =	vld [tilespmem:$0x1FCA0]  }
0x1ef: {  	[tilespmem:$0x1FD20] =	vst v5;
	v5 =	vld [tilespmem:$0x1FCD0]  }
0x1f0: {  	[tilespmem:s11+$0x16F80] =	vst v59;
	v59 =	vld [tilespmem:$0x1FCC0];
	v61 =	vmul.f32 v3, v54  }
0x1f1: {  	[tilespmem:s11+$0x17020] =	vst v34;
	v3 =	vld [tilespmem:$0x1FE60]  }
0x1f2: {  	v34 =	vbroadcast v63, $0xE;
	[tilespmem:s11+$0x16F90] =	vst v61;
	v61 =	vld [tilespmem:$0x1FCE0]  }
0x1f3: {  	v1 =	vbroadcast v63, $0xA;
	[tilespmem:s11+$0x17090] =	vst v39;
	v39 =	vld [tilespmem:s11+$0x14CA0];
	v36 =	vmul.f32 v36, v0  }
0x1f4: {  	[tilespmem:s11+$0x17030] =	vst v37;
	v37 =	vmul.f32 v23, v34;
	v52 =	vmul.f32 v52, v0;
	v38 =	vld [tilespmem:s11+$0x14A00]  }
0x1f5: {  	[tilespmem:s11+$0x17080] =	vst v25;
	v23 =	vld [tilespmem:s11+$0x14CD0];
	v5 =	vmul.f32 v5, v0;
	v59 =	vmul.f32 v59, v0  }
0x1f6: {  	[tilespmem:s11+$0x170A0] =	vst v40;
	v7 =	vld [tilespmem:s11+$0x14B80];
	v3 =	vmul.f32 v3, v54;
	v54 =	vmul.f32 v42, v60  }
0x1f7: {  	[tilespmem:$0x1FD30] =	vst v5;
	v42 =	vld [tilespmem:$0x1FFA0];
	v61 =	vmul.f32 v61, v0;
	v0 =	vmul.f32 v4, v0  }
0x1f8: {  	v2 =	vbroadcast v63, $0xB;
	v32 =	vmul.f32 v53, v1;
	v5 =	vld [tilespmem:s11+$0x14BA0];
	[tilespmem:s11+$0x16FA0] =	vst v3  }
0x1f9: {  	v57 =	vmul.f32 v57, v1;
	v3 =	vld [tilespmem:s11+$0x14BE0];
	[tilespmem:$0x1FD40] =	vst v0;
	v0 =	vmul.f32 v38, v1  }
0x1fa: {  	[tilespmem:s11+$0x16FC0] =	vst v22;
	v22 =	vmul.f32 v58, v1;
	v58 =	vmul.f32 v62, v1;
	v4 =	vld [tilespmem:s11+$0x14BC0]  }
0x1fb: {  	v53 =	vmul.f32 v29, v1;
	v38 =	vld [tilespmem:s11+$0x14BB0];
	[tilespmem:$0x1FD50] =	vst v0;
	v0 =	vmul.f32 v35, v1  }
0x1fc: {  	[tilespmem:s11+$0x17000] =	vst v30;
	v30 =	vbroadcast v63, $0xD;
	v42 =	vmul.f32 v42, v60;
	v60 =	vld [tilespmem:s11+$0x14AC0]  }
0x1fd: {  	v43 =	vmul.f32 v24, v1;
	v35 =	vld [tilespmem:s11+$0x14BD0];
	[tilespmem:$0x1FD60] =	vst v0;
	v0 =	vmul.f32 v19, v2  }
0x1fe: {  	v24 =	vmul.f32 v21, v2;
	v1 =	vld [tilespmem:s11+$0x14C40];
	[tilespmem:s11+$0x17060] =	vst v42;
	v42 =	vmul.f32 v3, v30  }
0x1ff: {  	v3 =	vld [tilespmem:$0x1FCF0];
	[tilespmem:$0x1FD70] =	vst v0;
	v0 =	vmul.f32 v18, v2;
	v18 =	vbroadcast v63, $0xC  }
0x200: {  	v21 =	vmul.f32 v20, v2;
	v20 =	vbroadcast v63, $0xF;
	[tilespmem:s11+$0x17050] =	vst v54;
	v19 =	vld [tilespmem:s11+$0x14BF0]  }
0x201: {  	[tilespmem:$0x1FD80] =	vst v0;
	v0 =	vmul.f32 v16, v2;
	v54 =	vmul.f32 v14, v18;
	v14 =	vld [tilespmem:s11+$0x14C60]  }
0x202: {  	[tilespmem:s11+$0x170C0] =	vst v26;
	v27 =	vmul.f32 v60, v2;
	v60 =	vmul.f32 v10, v18;
	v10 =	vld [tilespmem:s11+$0x14C70]  }
0x203: {  	v63 =	vmul.f32 v9, v18;
	v9 =	vld [tilespmem:s11+$0x14C80];
	[tilespmem:$0x1FD90] =	vst v0;
	v0 =	vmul.f32 v49, v2  }
0x204: {  	[tilespmem:s11+$0x17010] =	vst v33;
	v2 =	vmul.f32 v11, v2;
	v11 =	vld [tilespmem:s11+$0x14C20]  }
0x205: {  	v44 =	vmul.f32 v17, v18;
	v17 =	vmul.f32 v13, v18;
	[tilespmem:$0x1FDA0] =	vst v0;
	v0 =	vld [tilespmem:s11+$0x14C30]  }
0x206: {  	[tilespmem:s11+$0x17100] =	vst v47;
	v33 =	vmul.f32 v12, v18;
	v12 =	vmul.f32 v6, v30;
	v6 =	vld [tilespmem:s11+$0x14C90]  }
0x207: {  	[tilespmem:s11+$0x17110] =	vst v31;
	v13 =	vmul.f32 v8, v18;
	v16 =	vmul.f32 v35, v30;
	v35 =	vld [tilespmem:s11+$0x14CB0]  }
0x208: {  	[tilespmem:s11+$0x170D0] =	vst v3;
	v3 =	vld [tilespmem:$0x1FD10];
	v49 =	vmul.f32 v15, v18;
	v18 =	vmul.f32 v5, v30  }
0x209: {  	[tilespmem:s11+$0x17120] =	vst v45;
	v5 =	vmul.f32 v19, v30;
	v19 =	vmul.f32 v11, v34;
	v11 =	vld [tilespmem:s11+$0x14CE0]  }
0x20a: {  	[tilespmem:s11+$0x17130] =	vst v51;
	v41 =	vmul.f32 v4, v30;
	v4 =	vmul.f32 v0, v34;
	v0 =	vld [tilespmem:$0x1FD00]  }
0x20b: {  	v62 =	vmul.f32 v7, v30;
	v31 =	vmul.f32 v39, v20;
	[tilespmem:s11+$0x17140] =	vst v50;
	v15 =	vld [tilespmem:s11+$0x14C50]  }
0x20c: {  	[tilespmem:s11+$0x17150] =	vst v55;
	v38 =	vmul.f32 v38, v30;
	v30 =	vmul.f32 v1, v34;
	v1 =	vld [tilespmem:s11+$0x14CF0]  }
0x20d: {  	[tilespmem:s11+$0x17160] =	vst v46;
	v25 =	vmul.f32 v14, v34;
	v7 =	vmul.f32 v10, v34  }
0x20e: {  	v29 =	vld [tilespmem:s11+$0x14C10];
	[tilespmem:s11+$0x170F0] =	vst v3;
	v10 =	vmul.f32 v9, v20;
	v3 =	vmul.f32 v6, v20  }
0x20f: {  	s12 =	sshll.u32 s13, $0xB;
	v9 =	vmul.f32 v35, v20;
	v26 =	vmul.f32 v11, v20;
	v11 =	vld [tilespmem:$0x1FD20];
	[tilespmem:s11+$0x170E0] =	vst v0  }
0x210: {  	v6 =	vmul.f32 v48, v20;
	v0 =	vmul.f32 v15, v34;
	v15 =	vld [tilespmem:s12+$0x14500];
	[tilespmem:s11+$0x17170] =	vst v56  }
0x211: {  	v14 =	vmul.f32 v23, v20;
	v1 =	vmul.f32 v1, v20;
	v20 =	vld [tilespmem:s12+$0x14510];
	[tilespmem:s11+$0x17180] =	vst v36  }
0x212: {  	v23 =	vld [tilespmem:s12+$0x14520];
	[tilespmem:s11+$0x17190] =	vst v28  }
0x213: {  	v8 =	vmul.f32 v29, v34;
	v34 =	vld [tilespmem:s12+$0x14530];
	[tilespmem:s11+$0x171A0] =	vst v52  }
0x214: {  	v29 =	vld [tilespmem:s12+$0x14540]  }
0x215: {  	[tilespmem:s11+$0x171B0] =	vst v11;
	v11 =	vld [tilespmem:$0x1FD30];
	_ =	sdelay $0x2  }
0x216: {  	v46 =	vld [tilespmem:s12+$0x14550];
	[tilespmem:s11+$0x171C0] =	vst v59  }
0x217: {  	v35 =	vld [tilespmem:s12+$0x14560]  }
0x218: {  	[tilespmem:s11+$0x171D0] =	vst v11;
	v11 =	vld [tilespmem:$0x1FD40];
	_ =	sdelay $0x2  }
0x219: {  	v56 =	vld [tilespmem:s12+$0x14570];
	[tilespmem:s11+$0x171E0] =	vst v61  }
0x21a: {  	v50 =	vld [tilespmem:s12+$0x14580]  }
0x21b: {  	[tilespmem:s11+$0x171F0] =	vst v11;
	v11 =	vld [tilespmem:$0x1FD50];
	_ =	sdelay $0x3  }
0x21c: {  	v59 =	vld [tilespmem:s12+$0x14590]  }
0x21d: {  	[tilespmem:s11+$0x17200] =	vst v11;
	v11 =	vld [tilespmem:$0x1FD60];
	_ =	sdelay $0x3  }
0x21e: {  	[tilespmem:$0x1FDB0] =	vst v14  }
0x21f: {  	v55 =	vld [tilespmem:s12+$0x145A0];
	[tilespmem:s11+$0x17210] =	vst v11  }
0x220: {  	v11 =	vld [tilespmem:s12+$0x145B0];
	[tilespmem:s11+$0x17220] =	vst v32  }
0x221: {  	v61 =	vld [tilespmem:s12+$0x145C0];
	[tilespmem:s11+$0x17230] =	vst v57  }
0x222: {  	v14 =	vld [tilespmem:s12+$0x145D0];
	[tilespmem:s11+$0x17240] =	vst v22  }
0x223: {  	v57 =	vld [tilespmem:s12+$0x145E0];
	[tilespmem:s11+$0x17250] =	vst v58  }
0x224: {  	v28 =	vld [tilespmem:s12+$0x145F0];
	[tilespmem:s11+$0x17260] =	vst v53  }
0x225: {  	v53 =	vld [tilespmem:s12+$0x14600];
	[tilespmem:s11+$0x17270] =	vst v43  }
0x226: {  	v45 =	vld [tilespmem:s12+$0x14610]  }
0x227: {  	[tilespmem:s11+$0x17280] =	vst v24;
	v24 =	vmov v11;
	v11 =	vld [tilespmem:$0x1FD70];
	_ =	sdelay $0x3  }
0x228: {  	v22 =	vld [tilespmem:s12+$0x14620]  }
0x229: {  	[tilespmem:s11+$0x17290] =	vst v11;
	v11 =	vld [tilespmem:$0x1FD80];
	_ =	sdelay $0x1  }
0x22a: {  	v36 =	vld [tilespmem:s12+$0x14630]  }
0x22b: {  	[tilespmem:s11+$0x172A0] =	vst v21;
	v21 =	vld [tilespmem:$0x1FD90];
	_ =	sdelay $0x1  }
0x22c: {  	v32 =	vld [tilespmem:s12+$0x14640];
	[tilespmem:s11+$0x172B0] =	vst v11  }
0x22d: {  	v39 =	vld [tilespmem:s12+$0x14650];
	[tilespmem:s11+$0x172C0] =	vst v27  }
0x22e: {  	v11 =	vld [tilespmem:s12+$0x14660]  }
0x22f: {  	[tilespmem:s11+$0x172D0] =	vst v21;
	v21 =	vld [tilespmem:$0x1FDA0];
	_ =	sdelay $0x4  }
0x230: {  	v47 =	vld [tilespmem:s12+$0x14670];
	[tilespmem:s11+$0x172E0] =	vst v21  }
0x231: {  	v40 =	vld [tilespmem:s12+$0x14680];
	[tilespmem:s11+$0x172F0] =	vst v2  }
0x232: {  	v48 =	vld [tilespmem:s12+$0x14690];
	[tilespmem:s11+$0x17300] =	vst v44  }
0x233: {  	v44 =	vld [tilespmem:s12+$0x146A0];
	[tilespmem:s11+$0x17310] =	vst v49  }
0x234: {  	v51 =	vld [tilespmem:s12+$0x146B0];
	[tilespmem:s11+$0x17320] =	vst v54  }
0x235: {  	v49 =	vld [tilespmem:s12+$0x146C0];
	[tilespmem:s11+$0x17330] =	vst v17  }
0x236: {  	v54 =	vld [tilespmem:s12+$0x146D0];
	[tilespmem:s11+$0x17340] =	vst v33  }
0x237: {  	v52 =	vld [tilespmem:s12+$0x146E0];
	[tilespmem:s11+$0x17350] =	vst v60  }
0x238: {  	v60 =	vld [tilespmem:s12+$0x146F0];
	[tilespmem:s11+$0x17360] =	vst v63  }
0x239: {  	v33 =	vld [tilespmem:s12+$0x14700];
	[tilespmem:s11+$0x17370] =	vst v13  }
0x23a: {  	v58 =	vld [tilespmem:s12+$0x14710];
	[tilespmem:s11+$0x17380] =	vst v62  }
0x23b: {  	v43 =	vld [tilespmem:s12+$0x14720];
	[tilespmem:s11+$0x17390] =	vst v12  }
0x23c: {  	v2 =	vld [tilespmem:s12+$0x14730];
	[tilespmem:s11+$0x173A0] =	vst v18  }
0x23d: {  	v62 =	vld [tilespmem:s12+$0x14740];
	[tilespmem:s11+$0x173B0] =	vst v38  }
0x23e: {  	v13 =	vld [tilespmem:s12+$0x14750];
	[tilespmem:s11+$0x173C0] =	vst v41  }
0x23f: {  	v12 =	vld [tilespmem:s12+$0x14760];
	[tilespmem:s11+$0x173D0] =	vst v16  }
0x240: {  	v16 =	vld [tilespmem:s12+$0x14770];
	[tilespmem:s11+$0x173E0] =	vst v42  }
0x241: {  	v38 =	vld [tilespmem:s12+$0x14780];
	[tilespmem:s11+$0x173F0] =	vst v5  }
0x242: {  	v5 =	vld [tilespmem:s12+$0x14790];
	[tilespmem:s11+$0x17400] =	vst v37  }
0x243: {  	v63 =	vld [tilespmem:s12+$0x147A0];
	[tilespmem:s11+$0x17410] =	vst v8  }
0x244: {  	v8 =	vmov v2;
	v2 =	vld [tilespmem:s12+$0x147B0];
	_ =	sdelay $0x3  }
0x245: {  	[tilespmem:s11+$0x17420] =	vst v19  }
0x246: {  	[tilespmem:$0x1FE80] =	vst v2;
	v2 =	vld [tilespmem:s12+$0x147C0];
	_ =	sdelay $0x3  }
0x247: {  	[tilespmem:s11+$0x17430] =	vst v4  }
0x248: {  	[tilespmem:$0x1FEA0] =	vst v2;
	v2 =	vld [tilespmem:s12+$0x147D0];
	_ =	sdelay $0x3  }
0x249: {  	[tilespmem:s11+$0x17440] =	vst v30  }
0x24a: {  	[tilespmem:$0x1FEC0] =	vst v2  }
0x24b: {  	v2 =	vld [tilespmem:s12+$0x147E0];
	[tilespmem:s11+$0x17450] =	vst v0  }
0x24c: {  	v0 =	vld [tilespmem:s12+$0x147F0];
	_ =	sdelay $0x3  }
0x24d: {  	[tilespmem:s11+$0x17460] =	vst v25  }
0x24e: {  	[tilespmem:$0x1FEF0] =	vst v0;
	v0 =	vld [tilespmem:s12+$0x14800];
	_ =	sdelay $0x3  }
0x24f: {  	[tilespmem:s11+$0x17470] =	vst v7  }
0x250: {  	[tilespmem:$0x1FF00] =	vst v0;
	v0 =	vld [tilespmem:s12+$0x14810];
	_ =	sdelay $0x3  }
0x251: {  	[tilespmem:s11+$0x17480] =	vst v10  }
0x252: {  	[tilespmem:$0x1FF20] =	vst v0;
	v0 =	vld [tilespmem:s12+$0x14820];
	_ =	sdelay $0x3  }
0x253: {  	[tilespmem:s11+$0x17490] =	vst v3  }
0x254: {  	[tilespmem:$0x1FF40] =	vst v0;
	v0 =	vld [tilespmem:s12+$0x14830];
	_ =	sdelay $0x3  }
0x255: {  	[tilespmem:s11+$0x174A0] =	vst v31  }
0x256: {  	[tilespmem:$0x1FF50] =	vst v0;
	v0 =	vld [tilespmem:s12+$0x14840];
	_ =	sdelay $0x2  }
0x257: {  	[tilespmem:s11+$0x174B0] =	vst v9  }
0x258: {  	v42 =	vld [tilespmem:s12+$0x14850];
	[tilespmem:s11+$0x174C0] =	vst v6  }
0x259: {  	[tilespmem:$0x1FF70] =	vst v0;
	v0 =	vld [tilespmem:s12+$0x14860];
	_ =	sdelay $0x4  }
0x25a: {  	[tilespmem:$0x1FFA0] =	vst v0;
	v0 =	vld [tilespmem:$0x1FDB0]  }
0x25b: {  	p3 =	sne.s32 s13, $0x4;
	[tilespmem:$0x1FE30] =	vst v16  }
.Ltmp6:
0x25c: {  	[tilespmem:$0x1FE40] =	vst v5;
	(pc) =	sbr.rel @p3 .LBB2_7-.Ltmp6, $4  }
0x25d: {  	[tilespmem:$0x1FE60] =	vst v63  }
0x25e: {  	[tilespmem:$0x1FEE0] =	vst v2  }
0x25f: {  	[tilespmem:s11+$0x174D0] =	vst v0  }
0x260: {  	s0 =	sshll.u32 s13, $0x4;
	s13 =	sadd.s32 $0x1, s13;
	v9 =	vmov v12;
	v41 =	vld [tilespmem:s12+$0x14870];
	[tilespmem:s11+$0x174E0] =	vst v26;
	v26 =	vmov v14  }
0x261: {  	v3 =	vld [tilespmem:s12+$0x14880];
	s0 =	sand.u32 $0x3FFFFFF0, s0;
	[tilespmem:s11+$0x174F0] =	vst v1  }
0x262: {  	v63 =	vld [tilespmem:s0+$0x14480];
	_ =	sdelay $0x4  }
0x263: {  	v0 =	vbroadcast v63, $0x0;
	_ =	sdelay $0x1  }
0x264: {  	v7 =	vmul.f32 v0, v15;
	_ =	sdelay $0x1  }
0x265: {  	[tilespmem:s12+$0x16D00] =	vst v7;
	v7 =	vmul.f32 v20, v0;
	_ =	sdelay $0x1  }
0x266: {  	[tilespmem:s12+$0x16D10] =	vst v7;
	v7 =	vmul.f32 v23, v0;
	_ =	sdelay $0x1  }
0x267: {  	[tilespmem:s12+$0x16D20] =	vst v7;
	v7 =	vmul.f32 v34, v0;
	_ =	sdelay $0x1  }
0x268: {  	[tilespmem:s12+$0x16D30] =	vst v7;
	v7 =	vmul.f32 v29, v0;
	_ =	sdelay $0x1  }
0x269: {  	[tilespmem:s12+$0x16D40] =	vst v7;
	v7 =	vmul.f32 v46, v0;
	_ =	sdelay $0x1  }
0x26a: {  	[tilespmem:s12+$0x16D50] =	vst v7;
	v7 =	vmul.f32 v35, v0;
	_ =	sdelay $0x1  }
0x26b: {  	v0 =	vmul.f32 v56, v0;
	[tilespmem:s12+$0x16D60] =	vst v7;
	v7 =	vbroadcast v63, $0x1;
	_ =	sdelay $0x1  }
0x26c: {  	[tilespmem:s12+$0x16D70] =	vst v0;
	v0 =	vmul.f32 v50, v7;
	_ =	sdelay $0x1  }
0x26d: {  	[tilespmem:s12+$0x16D80] =	vst v0;
	v0 =	vmul.f32 v59, v7;
	_ =	sdelay $0x1  }
0x26e: {  	[tilespmem:s12+$0x16D90] =	vst v0;
	v0 =	vmul.f32 v55, v7;
	_ =	sdelay $0x1  }
0x26f: {  	[tilespmem:s12+$0x16DA0] =	vst v0;
	v0 =	vmul.f32 v24, v7;
	_ =	sdelay $0x1  }
0x270: {  	[tilespmem:s12+$0x16DB0] =	vst v0;
	v0 =	vmul.f32 v61, v7;
	_ =	sdelay $0x1  }
0x271: {  	[tilespmem:s12+$0x16DC0] =	vst v0;
	v0 =	vmul.f32 v26, v7;
	_ =	sdelay $0x1  }
0x272: {  	[tilespmem:s12+$0x16DD0] =	vst v0;
	v0 =	vmul.f32 v57, v7;
	_ =	sdelay $0x1  }
0x273: {  	v7 =	vmul.f32 v28, v7;
	[tilespmem:s12+$0x16DE0] =	vst v0;
	v0 =	vbroadcast v63, $0x2;
	_ =	sdelay $0x1  }
0x274: {  	[tilespmem:s12+$0x16DF0] =	vst v7;
	v7 =	vmul.f32 v53, v0;
	_ =	sdelay $0x1  }
0x275: {  	[tilespmem:s12+$0x16E00] =	vst v7;
	v7 =	vmul.f32 v45, v0;
	_ =	sdelay $0x1  }
0x276: {  	[tilespmem:s12+$0x16E10] =	vst v7;
	v7 =	vmul.f32 v22, v0;
	_ =	sdelay $0x1  }
0x277: {  	[tilespmem:s12+$0x16E20] =	vst v7;
	v7 =	vmul.f32 v36, v0;
	_ =	sdelay $0x1  }
0x278: {  	[tilespmem:s12+$0x16E30] =	vst v7;
	v7 =	vmul.f32 v32, v0;
	_ =	sdelay $0x1  }
0x279: {  	[tilespmem:s12+$0x16E40] =	vst v7;
	v7 =	vmul.f32 v39, v0;
	_ =	sdelay $0x1  }
0x27a: {  	[tilespmem:s12+$0x16E50] =	vst v7;
	v7 =	vmul.f32 v11, v0;
	_ =	sdelay $0x1  }
0x27b: {  	v0 =	vmul.f32 v47, v0;
	[tilespmem:s12+$0x16E60] =	vst v7;
	v7 =	vbroadcast v63, $0x3;
	_ =	sdelay $0x1  }
0x27c: {  	[tilespmem:s12+$0x16E70] =	vst v0;
	v0 =	vmul.f32 v40, v7;
	_ =	sdelay $0x1  }
0x27d: {  	[tilespmem:s12+$0x16E80] =	vst v0;
	v0 =	vmul.f32 v48, v7;
	_ =	sdelay $0x1  }
0x27e: {  	[tilespmem:s12+$0x16E90] =	vst v0;
	v0 =	vmul.f32 v44, v7;
	_ =	sdelay $0x1  }
0x27f: {  	[tilespmem:s12+$0x16EA0] =	vst v0;
	v0 =	vmul.f32 v51, v7;
	_ =	sdelay $0x1  }
0x280: {  	[tilespmem:s12+$0x16EB0] =	vst v0;
	v0 =	vmul.f32 v49, v7;
	_ =	sdelay $0x1  }
0x281: {  	[tilespmem:s12+$0x16EC0] =	vst v0;
	v0 =	vmul.f32 v54, v7;
	_ =	sdelay $0x1  }
0x282: {  	[tilespmem:s12+$0x16ED0] =	vst v0;
	v0 =	vmul.f32 v52, v7;
	_ =	sdelay $0x1  }
0x283: {  	v7 =	vmul.f32 v60, v7;
	[tilespmem:s12+$0x16EE0] =	vst v0;
	v0 =	vbroadcast v63, $0x4;
	_ =	sdelay $0x1  }
0x284: {  	[tilespmem:s12+$0x16EF0] =	vst v7;
	v7 =	vmul.f32 v33, v0;
	_ =	sdelay $0x1  }
0x285: {  	[tilespmem:s12+$0x16F00] =	vst v7;
	v7 =	vmul.f32 v58, v0;
	_ =	sdelay $0x1  }
0x286: {  	[tilespmem:s12+$0x16F10] =	vst v7;
	v7 =	vmul.f32 v43, v0;
	_ =	sdelay $0x1  }
0x287: {  	[tilespmem:s12+$0x16F20] =	vst v7;
	v7 =	vmul.f32 v8, v0  }
0x288: {  	v58 =	vld [tilespmem:$0x1FE30]  }
0x289: {  	[tilespmem:s12+$0x16F30] =	vst v7;
	v7 =	vmul.f32 v62, v0;
	_ =	sdelay $0x1  }
0x28a: {  	[tilespmem:s12+$0x16F40] =	vst v7;
	v7 =	vmul.f32 v13, v0  }
0x28b: {  	v59 =	vbroadcast v63, $0x5  }
0x28c: {  	[tilespmem:s12+$0x16F50] =	vst v7;
	v7 =	vmul.f32 v9, v0;
	v0 =	vmul.f32 v58, v0;
	_ =	sdelay $0x1  }
0x28d: {  	[tilespmem:s12+$0x16F70] =	vst v0;
	v0 =	vmul.f32 v38, v59;
	_ =	sdelay $0x1  }
0x28e: {  	[tilespmem:s12+$0x16F80] =	vst v0;
	v0 =	vld [tilespmem:$0x1FE40];
	_ =	sdelay $0x4  }
0x28f: {  	v0 =	vmul.f32 v0, v59;
	_ =	sdelay $0x1  }
0x290: {  	[tilespmem:s12+$0x16F90] =	vst v0;
	v0 =	vld [tilespmem:$0x1FE60];
	_ =	sdelay $0x4  }
0x291: {  	v0 =	vmul.f32 v0, v59;
	_ =	sdelay $0x1  }
0x292: {  	[tilespmem:s12+$0x16FA0] =	vst v0;
	v0 =	vld [tilespmem:$0x1FE80];
	_ =	sdelay $0x1  }
0x293: {  	v34 =	vld [tilespmem:s12+$0x14940]  }
0x294: {  	v56 =	vld [tilespmem:$0x1FF00]  }
0x295: {  	v38 =	vld [tilespmem:$0x1FEF0]  }
0x296: {  	v61 =	vld [tilespmem:$0x1FEC0];
	v0 =	vmul.f32 v0, v59  }
0x297: {  	v62 =	vld [tilespmem:$0x1FEE0]  }
0x298: {  	[tilespmem:s12+$0x16FB0] =	vst v0;
	v0 =	vld [tilespmem:$0x1FEA0]  }
0x299: {  	v57 =	vld [tilespmem:$0x1FF20]  }
0x29a: {  	v43 =	vbroadcast v63, $0x6;
	v33 =	vmul.f32 v38, v59  }
0x29b: {  	[tilespmem:$0x1FBB0] =	vst v34;
	v34 =	vmul.f32 v61, v59;
	v58 =	vld [tilespmem:$0x1FF40]  }
0x29c: {  	[tilespmem:s12+$0x16FF0] =	vst v33;
	v33 =	vmul.f32 v56, v43  }
0x29d: {  	[tilespmem:s12+$0x16FD0] =	vst v34;
	v34 =	vmul.f32 v62, v59;
	v60 =	vmul.f32 v0, v59;
	v59 =	vld [tilespmem:$0x1FF50]  }
0x29e: {  	v2 =	vld [tilespmem:s12+$0x148D0];
	[tilespmem:s12+$0x17000] =	vst v33;
	v33 =	vmul.f32 v57, v43  }
0x29f: {  	[tilespmem:s12+$0x16FC0] =	vst v60;
	v60 =	vld [tilespmem:$0x1FF70]  }
0x2a0: {  	v10 =	vld [tilespmem:s12+$0x14900];
	[tilespmem:s12+$0x17010] =	vst v33;
	v33 =	vmul.f32 v58, v43  }
0x2a1: {  	v62 =	vld [tilespmem:$0x1FFA0]  }
0x2a2: {  	v27 =	vld [tilespmem:s12+$0x14910];
	[tilespmem:s12+$0x17020] =	vst v33;
	v33 =	vmul.f32 v59, v43  }
0x2a3: {  	v1 =	vld [tilespmem:s12+$0x14890];
	[tilespmem:$0x1FB50] =	vst v2  }
0x2a4: {  	v30 =	vld [tilespmem:s12+$0x14920];
	[tilespmem:s12+$0x17030] =	vst v33;
	v33 =	vmul.f32 v60, v43  }
0x2a5: {  	v31 =	vld [tilespmem:s12+$0x14930];
	[tilespmem:$0x1FB70] =	vst v10  }
0x2a6: {  	v2 =	vld [tilespmem:s12+$0x148E0];
	[tilespmem:s12+$0x17040] =	vst v33;
	v33 =	vmul.f32 v62, v43  }
0x2a7: {  	v4 =	vld [tilespmem:s12+$0x148A0];
	[tilespmem:$0x1FB80] =	vst v27  }
0x2a8: {  	v37 =	vld [tilespmem:s12+$0x14950];
	[tilespmem:s12+$0x17060] =	vst v33;
	v33 =	vbroadcast v63, $0x7  }
0x2a9: {  	v6 =	vld [tilespmem:s12+$0x148B0];
	[tilespmem:$0x1FB90] =	vst v30  }
0x2aa: {  	[tilespmem:$0x1FBA0] =	vst v31;
	v62 =	vld [tilespmem:$0x1FB50];
	v38 =	vmul.f32 v3, v33  }
0x2ab: {  	v5 =	vld [tilespmem:s12+$0x148C0];
	[tilespmem:$0x1FB60] =	vst v2  }
0x2ac: {  	v35 =	vmul.f32 v41, v43;
	[tilespmem:s12+$0x17080] =	vst v38;
	v38 =	vld [tilespmem:$0x1FB60]  }
0x2ad: {  	[tilespmem:$0x1FBC0] =	vst v37;
	v2 =	vld [tilespmem:s12+$0x148F0];
	v61 =	vmul.f32 v42, v43;
	v42 =	vmul.f32 v4, v33  }
0x2ae: {  	v46 =	vld [tilespmem:s12+$0x14960];
	[tilespmem:s12+$0x17070] =	vst v35  }
0x2af: {  	v35 =	vmul.f32 v62, v33;
	[tilespmem:s12+$0x170A0] =	vst v42;
	v42 =	vld [tilespmem:$0x1FB80]  }
0x2b0: {  	[tilespmem:s12+$0x17050] =	vst v61;
	v41 =	vmul.f32 v1, v33;
	v43 =	vmul.f32 v6, v33  }
0x2b1: {  	v61 =	vmul.f32 v5, v33;
	[tilespmem:s12+$0x170D0] =	vst v35;
	v35 =	vmul.f32 v38, v33  }
0x2b2: {  	[tilespmem:s12+$0x170B0] =	vst v43;
	v43 =	vld [tilespmem:$0x1FB90];
	v38 =	vbroadcast v63, $0x8;
	v33 =	vmul.f32 v2, v33  }
0x2b3: {  	[tilespmem:$0x1FBD0] =	vst v46;
	v2 =	vld [tilespmem:$0x1FB70]  }
0x2b4: {  	[tilespmem:s12+$0x170F0] =	vst v33;
	v33 =	vmul.f32 v42, v38;
	v42 =	vld [tilespmem:$0x1FBB0]  }
0x2b5: {  	[tilespmem:s12+$0x16F60] =	vst v7  }
0x2b6: {  	[tilespmem:s12+$0x16FE0] =	vst v34  }
0x2b7: {  	v16 =	vld [tilespmem:s12+$0x14970];
	[tilespmem:s12+$0x170E0] =	vst v35;
	v35 =	vmul.f32 v43, v38  }
0x2b8: {  	v14 =	vld [tilespmem:s12+$0x14980];
	[tilespmem:s12+$0x17090] =	vst v41;
	v41 =	vmul.f32 v2, v38  }
0x2b9: {  	v15 =	vld [tilespmem:s12+$0x149A0];
	[tilespmem:s12+$0x17120] =	vst v35;
	v35 =	vmul.f32 v42, v38  }
0x2ba: {  	[tilespmem:s12+$0x17100] =	vst v41;
	v41 =	vld [tilespmem:$0x1FBA0]  }
0x2bb: {  	v23 =	vld [tilespmem:s12+$0x149D0];
	[tilespmem:s12+$0x17140] =	vst v35;
	v35 =	vbroadcast v63, $0x9  }
0x2bc: {  	[tilespmem:s12+$0x170C0] =	vst v61;
	v43 =	vld [tilespmem:$0x1FBC0];
	v16 =	vmul.f32 v16, v38  }
0x2bd: {  	v20 =	vld [tilespmem:s12+$0x149B0];
	[tilespmem:s12+$0x17110] =	vst v33;
	v14 =	vmul.f32 v14, v35  }
0x2be: {  	v18 =	vld [tilespmem:s12+$0x149C0];
	[tilespmem:s12+$0x17170] =	vst v16;
	v42 =	vmul.f32 v15, v35  }
0x2bf: {  	v31 =	vld [tilespmem:s12+$0x14A10];
	v33 =	vmul.f32 v41, v38;
	[tilespmem:s12+$0x17180] =	vst v14  }
0x2c0: {  	v39 =	vld [tilespmem:s12+$0x14A50];
	v23 =	vmul.f32 v23, v35;
	[tilespmem:s12+$0x171A0] =	vst v42  }
0x2c1: {  	v21 =	vld [tilespmem:s12+$0x149E0];
	[tilespmem:s12+$0x17130] =	vst v33;
	v33 =	vmul.f32 v43, v38  }
0x2c2: {  	v27 =	vld [tilespmem:s12+$0x14A20];
	v14 =	vbroadcast v63, $0xA;
	[tilespmem:s12+$0x171D0] =	vst v23;
	v43 =	vmul.f32 v20, v35  }
0x2c3: {  	v36 =	vld [tilespmem:s12+$0x14A30];
	v20 =	vmul.f32 v18, v35;
	[tilespmem:s12+$0x17150] =	vst v33  }
0x2c4: {  	v32 =	vld [tilespmem:s12+$0x14A40];
	v42 =	vmul.f32 v31, v14;
	[tilespmem:s12+$0x171B0] =	vst v43  }
0x2c5: {  	v37 =	vld [tilespmem:s12+$0x14A60];
	v23 =	vmul.f32 v39, v14;
	[tilespmem:s12+$0x171C0] =	vst v20  }
0x2c6: {  	v41 =	vld [tilespmem:$0x1FBD0];
	v33 =	vmul.f32 v21, v35;
	[tilespmem:s12+$0x17210] =	vst v42  }
0x2c7: {  	v30 =	vld [tilespmem:s12+$0x149F0];
	v43 =	vmul.f32 v27, v14;
	[tilespmem:s12+$0x17250] =	vst v23  }
0x2c8: {  	v25 =	vld [tilespmem:s12+$0x14B10];
	v20 =	vmul.f32 v36, v14;
	[tilespmem:s12+$0x171E0] =	vst v33  }
0x2c9: {  	v26 =	vld [tilespmem:s12+$0x14B40];
	v21 =	vmul.f32 v32, v14;
	[tilespmem:s12+$0x17220] =	vst v43  }
0x2ca: {  	v12 =	vld [tilespmem:s12+$0x14B50];
	v27 =	vmul.f32 v37, v14;
	[tilespmem:s12+$0x17230] =	vst v20  }
0x2cb: {  	v9 =	vld [tilespmem:s12+$0x14B70];
	v37 =	vbroadcast v63, $0xC;
	v41 =	vmul.f32 v41, v38;
	[tilespmem:s12+$0x17240] =	vst v21  }
0x2cc: {  	v17 =	vld [tilespmem:s12+$0x14990];
	v38 =	vmul.f32 v30, v35;
	[tilespmem:s12+$0x17260] =	vst v27  }
0x2cd: {  	v19 =	vld [tilespmem:s12+$0x14B00];
	v39 =	vmul.f32 v25, v37;
	[tilespmem:s12+$0x17160] =	vst v41  }
0x2ce: {  	v24 =	vld [tilespmem:s12+$0x14A00];
	v42 =	vmul.f32 v26, v37;
	[tilespmem:s12+$0x171F0] =	vst v38  }
0x2cf: {  	v47 =	vld [tilespmem:s12+$0x14A70];
	v43 =	vmul.f32 v12, v37;
	[tilespmem:s12+$0x17310] =	vst v39  }
0x2d0: {  	v29 =	vld [tilespmem:s12+$0x14B60];
	v9 =	vmul.f32 v9, v37;
	[tilespmem:s12+$0x17340] =	vst v42  }
0x2d1: {  	v40 =	vld [tilespmem:s12+$0x14A80];
	v41 =	vmul.f32 v17, v35;
	[tilespmem:s12+$0x17350] =	vst v43  }
0x2d2: {  	v48 =	vld [tilespmem:s12+$0x14A90];
	v38 =	vmul.f32 v19, v37;
	[tilespmem:s12+$0x17370] =	vst v9  }
0x2d3: {  	v44 =	vld [tilespmem:s12+$0x14AA0];
	[tilespmem:s12+$0x17190] =	vst v41;
	v41 =	vmul.f32 v24, v14  }
0x2d4: {  	v51 =	vld [tilespmem:s12+$0x14AB0];
	v24 =	vbroadcast v63, $0xB;
	v14 =	vmul.f32 v47, v14;
	[tilespmem:s12+$0x17300] =	vst v38  }
0x2d5: {  	v49 =	vld [tilespmem:s12+$0x14AC0];
	v47 =	vmul.f32 v29, v37;
	[tilespmem:s12+$0x17200] =	vst v41  }
0x2d6: {  	v54 =	vld [tilespmem:s12+$0x14AD0];
	v30 =	vmul.f32 v40, v24;
	[tilespmem:s12+$0x17270] =	vst v14  }
0x2d7: {  	v11 =	vld [tilespmem:s12+$0x14AE0];
	v31 =	vmul.f32 v48, v24;
	[tilespmem:s12+$0x17360] =	vst v47  }
0x2d8: {  	v10 =	vld [tilespmem:s12+$0x14AF0];
	v32 =	vmul.f32 v44, v24;
	[tilespmem:s12+$0x17280] =	vst v30  }
0x2d9: {  	v22 =	vld [tilespmem:s12+$0x14B20];
	v33 =	vmul.f32 v51, v24;
	[tilespmem:s12+$0x17290] =	vst v31  }
0x2da: {  	v28 =	vld [tilespmem:s12+$0x14B30];
	v35 =	vmul.f32 v49, v24;
	[tilespmem:s12+$0x172A0] =	vst v32  }
0x2db: {  	v13 =	vld [tilespmem:s12+$0x14B80];
	v36 =	vmul.f32 v54, v24;
	[tilespmem:s12+$0x172B0] =	vst v33  }
0x2dc: {  	v8 =	vld [tilespmem:s12+$0x14B90];
	v11 =	vmul.f32 v11, v24;
	[tilespmem:s12+$0x172C0] =	vst v35  }
0x2dd: {  	v7 =	vld [tilespmem:s12+$0x14BA0];
	v10 =	vmul.f32 v10, v24;
	[tilespmem:s12+$0x172D0] =	vst v36  }
0x2de: {  	v45 =	vld [tilespmem:s12+$0x14BB0];
	v40 =	vmul.f32 v22, v37;
	v44 =	vbroadcast v63, $0xD;
	[tilespmem:s12+$0x172E0] =	vst v11  }
0x2df: {  	v0 =	vld [tilespmem:s12+$0x14BC0];
	v41 =	vmul.f32 v28, v37;
	[tilespmem:s12+$0x172F0] =	vst v10  }
0x2e0: {  	v46 =	vld [tilespmem:s12+$0x14BE0];
	[tilespmem:s12+$0x17320] =	vst v40;
	v48 =	vmul.f32 v13, v44  }
0x2e1: {  	v50 =	vld [tilespmem:s12+$0x14BD0];
	[tilespmem:s12+$0x17330] =	vst v41;
	v8 =	vmul.f32 v8, v44  }
0x2e2: {  	v52 =	vld [tilespmem:s12+$0x14BF0];
	v7 =	vmul.f32 v7, v44;
	[tilespmem:s12+$0x17380] =	vst v48  }
0x2e3: {  	v34 =	vld [tilespmem:s12+$0x14C00];
	v49 =	vmul.f32 v45, v44;
	[tilespmem:s12+$0x17390] =	vst v8  }
0x2e4: {  	v55 =	vld [tilespmem:s12+$0x14C10];
	v0 =	vmul.f32 v0, v44;
	[tilespmem:s12+$0x173A0] =	vst v7  }
0x2e5: {  	v53 =	vld [tilespmem:s12+$0x14C20];
	v51 =	vmul.f32 v46, v44;
	[tilespmem:s12+$0x173B0] =	vst v49  }
0x2e6: {  	v56 =	vld [tilespmem:s12+$0x14C30];
	v7 =	vmul.f32 v50, v44;
	[tilespmem:s12+$0x173C0] =	vst v0;
	v0 =	vbroadcast v63, $0xE  }
0x2e7: {  	v57 =	vld [tilespmem:s12+$0x14C40];
	v54 =	vmul.f32 v52, v44;
	[tilespmem:s12+$0x173E0] =	vst v51  }
0x2e8: {  	v58 =	vld [tilespmem:s12+$0x14C50];
	[tilespmem:s12+$0x173D0] =	vst v7;
	v7 =	vmul.f32 v34, v0  }
0x2e9: {  	v59 =	vld [tilespmem:s12+$0x14C60];
	[tilespmem:s12+$0x173F0] =	vst v54;
	v55 =	vmul.f32 v55, v0  }
0x2ea: {  	v60 =	vld [tilespmem:s12+$0x14C70];
	[tilespmem:s12+$0x17400] =	vst v7;
	v7 =	vmul.f32 v53, v0  }
0x2eb: {  	v3 =	vld [tilespmem:s12+$0x14C80];
	v56 =	vmul.f32 v56, v0;
	[tilespmem:s12+$0x17410] =	vst v55  }
0x2ec: {  	v1 =	vld [tilespmem:s12+$0x14C90];
	[tilespmem:s12+$0x17420] =	vst v7;
	v7 =	vmul.f32 v57, v0  }
0x2ed: {  	v4 =	vld [tilespmem:s12+$0x14CA0];
	v58 =	vmul.f32 v58, v0;
	[tilespmem:s12+$0x17430] =	vst v56  }
0x2ee: {  	v2 =	vld [tilespmem:s12+$0x14CF0];
	[tilespmem:s12+$0x17440] =	vst v7;
	v7 =	vbroadcast v63, $0xF;
	v63 =	vmul.f32 v59, v0  }
0x2ef: {  	v6 =	vld [tilespmem:s12+$0x14CB0];
	[tilespmem:s12+$0x17450] =	vst v58;
	v0 =	vmul.f32 v60, v0  }
0x2f0: {  	v5 =	vld [tilespmem:s12+$0x14CC0];
	[tilespmem:s12+$0x17460] =	vst v63;
	v3 =	vmul.f32 v3, v7  }
0x2f1: {  	v61 =	vld [tilespmem:s12+$0x14CD0];
	[tilespmem:s12+$0x17470] =	vst v0;
	v0 =	vmul.f32 v1, v7  }
0x2f2: {  	v62 =	vld [tilespmem:s12+$0x14CE0];
	v1 =	vmul.f32 v4, v7;
	[tilespmem:s12+$0x17480] =	vst v3  }
0x2f3: {  	s24 =	sand.u32 $0x1, s10;
	v2 =	vmul.f32 v2, v7;
	[tilespmem:s12+$0x17490] =	vst v0  }
0x2f4: {  	p3 =	sne.s32 s24, s8;
	v0 =	vmul.f32 v6, v7;
	[tilespmem:s12+$0x174A0] =	vst v1  }
.Ltmp7:
0x2f5: {  	v1 =	vmul.f32 v5, v7;
	[tilespmem:s12+$0x174F0] =	vst v2;
	(pc) =	sbr.rel @p3 .LBB2_12-.Ltmp7, $4  }
0x2f6: {  	[tilespmem:s12+$0x174B0] =	vst v0;
	v0 =	vmul.f32 v61, v7  }
0x2f7: {  	[tilespmem:s12+$0x174C0] =	vst v1;
	v1 =	vmul.f32 v62, v7  }
0x2f8: {  	[tilespmem:s12+$0x174D0] =	vst v0  }
0x2f9: {  	v4 =	vimm.f32 $0.0e+00;
	v3 =	vlaneseq.u32;
	[tilespmem:s12+$0x174E0] =	vst v1  }
0x2fa: {  	s0 =	simm.s32 $0x0  }
0x2fb: {  	v0 =	vld [tilespmem:s0+$0x14380];
	_ =	sdelay $0x4  }
0x2fc: {  	(v2sf) =	vpush v0, $0x0;
	_ =	sdelay $0x7  }
0x2fd: {  	(v2sf) =	vpush v0, $0x1;
	_ =	sdelay $0x6  }
0x2fe: {  	s9 =	spop (v2sf)  }
0x2ff: {  	(v2sf) =	vpush v0, $0x2;
	s7 =	sand.u32 $0xFFFFFFF0, s9  }
0x300: {  	v1 =	vld [tilespmem:s7+$0x19500]  }
0x301: {  	s0 =	sand.u32 $0xF, s9  }
0x302: {  	v2 =	vmov s0  }
0x303: {  	vm0 =	veq.s32 v2, v3  }
0x304: {  	v2 =	vsel vm0, $0x3F800000, v4  }
0x305: {  	v1 =	vadd.f32 v2, v1  }
0x306: {  	s11 =	spop (v2sf)  }
0x307: {  	(v2sf) =	vpush v0, $0x3;
	s12 =	sand.u32 $0xFFFFFFF0, s11;
	[tilespmem:s7+$0x19500] =	vst v1  }
0x308: {  	v1 =	vld [tilespmem:s12+$0x19500]  }
0x309: {  	s0 =	sand.u32 $0xF, s11  }
0x30a: {  	v2 =	vmov s0  }
0x30b: {  	vm13 =	veq.s32 v2, v3  }
0x30c: {  	v2 =	vsel vm13, $0x3F800000, v4  }
0x30d: {  	v1 =	vadd.f32 v2, v1  }
0x30e: {  	s13 =	spop (v2sf)  }
0x30f: {  	(v2sf) =	vpush v0, $0x4;
	s14 =	sand.u32 $0xFFFFFFF0, s13;
	[tilespmem:s12+$0x19500] =	vst v1  }
0x310: {  	v1 =	vld [tilespmem:s14+$0x19500]  }
0x311: {  	s0 =	sand.u32 $0xF, s13  }
0x312: {  	v2 =	vmov s0  }
0x313: {  	vm14 =	veq.s32 v2, v3  }
0x314: {  	v2 =	vsel vm14, $0x3F800000, v4  }
0x315: {  	v1 =	vadd.f32 v2, v1  }
0x316: {  	s15 =	spop (v2sf)  }
0x317: {  	(v2sf) =	vpush v0, $0x5;
	s16 =	sand.u32 $0xFFFFFFF0, s15;
	[tilespmem:s14+$0x19500] =	vst v1  }
0x318: {  	v1 =	vld [tilespmem:s16+$0x19500]  }
0x319: {  	s0 =	sand.u32 $0xF, s15  }
0x31a: {  	v2 =	vmov s0  }
0x31b: {  	vm15 =	veq.s32 v2, v3  }
0x31c: {  	v2 =	vsel vm15, $0x3F800000, v4  }
0x31d: {  	v1 =	vadd.f32 v1, v2  }
0x31e: {  	s17 =	spop (v2sf)  }
0x31f: {  	(v2sf) =	vpush v0, $0x6;
	s18 =	sand.u32 $0xFFFFFFF0, s17;
	[tilespmem:s16+$0x19500] =	vst v1  }
0x320: {  	v1 =	vld [tilespmem:s18+$0x19500]  }
0x321: {  	s0 =	sand.u32 $0xF, s17  }
0x322: {  	v2 =	vmov s0  }
0x323: {  	vm4 =	veq.s32 v2, v3  }
0x324: {  	v2 =	vsel vm4, $0x3F800000, v4  }
0x325: {  	v1 =	vadd.f32 v1, v2  }
0x326: {  	s19 =	spop (v2sf)  }
0x327: {  	(v2sf) =	vpush v0, $0x7;
	s21 =	sand.u32 $0xFFFFFFF0, s19;
	[tilespmem:s18+$0x19500] =	vst v1  }
0x328: {  	v1 =	vld [tilespmem:s21+$0x19500]  }
0x329: {  	s0 =	sand.u32 $0xF, s19  }
0x32a: {  	v2 =	vmov s0  }
0x32b: {  	vm5 =	veq.s32 v2, v3  }
0x32c: {  	v2 =	vsel vm5, $0x3F800000, v4  }
0x32d: {  	v1 =	vadd.f32 v1, v2  }
0x32e: {  	s22 =	spop (v2sf)  }
0x32f: {  	(v2sf) =	vpush v0, $0x8;
	s23 =	sand.u32 $0xFFFFFFF0, s22;
	[tilespmem:s21+$0x19500] =	vst v1  }
0x330: {  	v1 =	vld [tilespmem:s23+$0x19500]  }
0x331: {  	s0 =	sand.u32 $0xF, s22  }
0x332: {  	v2 =	vmov s0  }
0x333: {  	vm6 =	veq.s32 v2, v3  }
0x334: {  	v2 =	vsel vm6, $0x3F800000, v4  }
0x335: {  	v1 =	vadd.f32 v1, v2  }
0x336: {  	s24 =	spop (v2sf)  }
0x337: {  	(v2sf) =	vpush v0, $0x9;
	s1 =	sand.u32 $0xFFFFFFF0, s24;
	[tilespmem:s23+$0x19500] =	vst v1  }
0x338: {  	v1 =	vld [tilespmem:s1+$0x19500]  }
0x339: {  	s0 =	sand.u32 $0xF, s24  }
0x33a: {  	v2 =	vmov s0  }
0x33b: {  	vm7 =	veq.s32 v2, v3  }
0x33c: {  	v2 =	vsel vm7, $0x3F800000, v4  }
0x33d: {  	v1 =	vadd.f32 v1, v2  }
0x33e: {  	s4 =	smov.u32 s2;
	s2 =	spop (v2sf)  }
0x33f: {  	(v2sf) =	vpush v0, $0xA;
	s9 =	sand.u32 $0xFFFFFFF0, s2;
	[tilespmem:s1+$0x19500] =	vst v1  }
0x340: {  	v1 =	vld [tilespmem:s9+$0x19500]  }
0x341: {  	s0 =	sand.u32 $0xF, s2  }
0x342: {  	v2 =	vmov s0  }
0x343: {  	vm8 =	veq.s32 v2, v3  }
0x344: {  	v2 =	vsel vm8, $0x3F800000, v4  }
0x345: {  	v1 =	vadd.f32 v1, v2  }
0x346: {  	s11 =	spop (v2sf)  }
0x347: {  	(v2sf) =	vpush v0, $0xB;
	s12 =	sand.u32 $0xFFFFFFF0, s11;
	[tilespmem:s9+$0x19500] =	vst v1  }
0x348: {  	v1 =	vld [tilespmem:s12+$0x19500]  }
0x349: {  	s0 =	sand.u32 $0xF, s11  }
0x34a: {  	v2 =	vmov s0  }
0x34b: {  	vm9 =	veq.s32 v2, v3  }
0x34c: {  	v2 =	vsel vm9, $0x3F800000, v4  }
0x34d: {  	v1 =	vadd.f32 v1, v2  }
0x34e: {  	s13 =	spop (v2sf)  }
0x34f: {  	(v2sf) =	vpush v0, $0xC;
	s14 =	sand.u32 $0xFFFFFFF0, s13;
	[tilespmem:s12+$0x19500] =	vst v1  }
0x350: {  	v1 =	vld [tilespmem:s14+$0x19500]  }
0x351: {  	s0 =	sand.u32 $0xF, s13  }
0x352: {  	v2 =	vmov s0  }
0x353: {  	vm10 =	veq.s32 v2, v3  }
0x354: {  	v2 =	vsel vm10, $0x3F800000, v4  }
0x355: {  	v1 =	vadd.f32 v1, v2  }
0x356: {  	s15 =	spop (v2sf)  }
0x357: {  	(v2sf) =	vpush v0, $0xD;
	s16 =	sand.u32 $0xFFFFFFF0, s15;
	[tilespmem:s14+$0x19500] =	vst v1  }
0x358: {  	v1 =	vld [tilespmem:s16+$0x19500]  }
0x359: {  	s0 =	sand.u32 $0xF, s15  }
0x35a: {  	v2 =	vmov s0  }
0x35b: {  	vm11 =	veq.s32 v2, v3  }
0x35c: {  	v2 =	vsel vm11, $0x3F800000, v4  }
0x35d: {  	v1 =	vadd.f32 v1, v2  }
0x35e: {  	s17 =	spop (v2sf)  }
0x35f: {  	(v2sf) =	vpush v0, $0xE;
	s18 =	sand.u32 $0xFFFFFFF0, s17;
	[tilespmem:s16+$0x19500] =	vst v1  }
0x360: {  	v1 =	vld [tilespmem:s18+$0x19500]  }
0x361: {  	s0 =	sand.u32 $0xF, s17  }
0x362: {  	v2 =	vmov s0  }
0x363: {  	vm12 =	veq.s32 v2, v3  }
0x364: {  	v2 =	vsel vm12, $0x3F800000, v4  }
0x365: {  	v1 =	vadd.f32 v1, v2  }
0x366: {  	s19 =	spop (v2sf)  }
0x367: {  	(v2sf) =	vpush v0, $0xF;
	s21 =	sand.u32 $0xFFFFFFF0, s19;
	[tilespmem:s18+$0x19500] =	vst v1  }
0x368: {  	v0 =	vld [tilespmem:s21+$0x19500]  }
0x369: {  	s0 =	sand.u32 $0xF, s19  }
0x36a: {  	v1 =	vmov s0  }
0x36b: {  	vm13 =	veq.s32 v1, v3  }
0x36c: {  	v1 =	vsel vm13, $0x3F800000, v4  }
0x36d: {  	v0 =	vadd.f32 v0, v1  }
0x36e: {  	s22 =	spop (v2sf)  }
0x36f: {  	s23 =	sand.u32 $0xFFFFFFF0, s22;
	[tilespmem:s21+$0x19500] =	vst v0  }
0x370: {  	v0 =	vld [tilespmem:s23+$0x19500]  }
0x371: {  	s0 =	sand.u32 $0xF, s22  }
0x372: {  	v1 =	vmov s0  }
0x373: {  	vm14 =	veq.s32 v1, v3  }
0x374: {  	v1 =	vsel vm14, $0x3F800000, v4  }
0x375: {  	v0 =	vadd.f32 v0, v1  }
0x376: {  	s9 =	spop (v2sf)  }
0x377: {  	s0 =	sand.u32 $0xFFFFFFF0, s9;
	[tilespmem:s23+$0x19500] =	vst v0  }
0x378: {  	v0 =	vld [tilespmem:s0+$0x19500]  }
0x379: {  	s24 =	sand.u32 $0xF, s9  }
0x37a: {  	v1 =	vmov s24  }
0x37b: {  	vm15 =	veq.s32 v1, v3  }
0x37c: {  	v1 =	vsel vm15, $0x3F800000, v4  }
0x37d: {  	s11 =	simm.s32 $0x40;
	s12 =	simm.s32 $0x80;
	v0 =	vadd.f32 v0, v1  }
.LBB2_10:
0x37e: {  	p3 =	sne.s32 s12, $0x100  }
0x37f: {  	s7 =	sshra.s32 s11, $0x2;
	s11 =	smov.u32 s12;
	s12 =	sadd.s32 $0x40, s12;
	[tilespmem:s0+$0x19500] =	vst v0  }
0x380: {  	v0 =	vld [tilespmem:s7+$0x14380];
	_ =	sdelay $0x4  }
0x381: {  	(v2sf) =	vpush v0, $0x0  }
0x382: {  	(v2sf) =	vpush v0, $0x1  }
0x383: {  	(v2sf) =	vpush v0, $0x2  }
0x384: {  	(v2sf) =	vpush v0, $0x3  }
0x385: {  	(v2sf) =	vpush v0, $0x4  }
0x386: {  	(v2sf) =	vpush v0, $0x5  }
0x387: {  	(v2sf) =	vpush v0, $0x6  }
0x388: {  	(v2sf) =	vpush v0, $0x7  }
0x389: {  	(v2sf) =	vpush v0, $0x8  }
0x38a: {  	(v2sf) =	vpush v0, $0x9  }
0x38b: {  	(v2sf) =	vpush v0, $0xA  }
0x38c: {  	(v2sf) =	vpush v0, $0xB  }
0x38d: {  	(v2sf) =	vpush v0, $0xC  }
0x38e: {  	(v2sf) =	vpush v0, $0xD  }
0x38f: {  	(v2sf) =	vpush v0, $0xE  }
0x390: {  	s0 =	spop (v2sf);
	(v2sf) =	vpush v0, $0xF  }
0x391: {  	s7 =	sand.u32 $0xF, s0;
	s13 =	sand.u32 $0xFFFFFFF0, s0;
	s14 =	spop (v2sf)  }
0x392: {  	v0 =	vld [tilespmem:s13+$0x19500];
	v1 =	vmov s7;
	s7 =	sand.u32 $0xF, s14;
	s0 =	spop (v2sf)  }
0x393: {  	vm1 =	veq.s32 v1, v3;
	v1 =	vmov s7;
	s9 =	sand.u32 $0xF, s0;
	s7 =	spop (v2sf)  }
0x394: {  	vm0 =	veq.s32 v1, v3;
	v1 =	vmov s9;
	s9 =	sand.u32 $0xF, s7;
	s24 =	spop (v2sf)  }
0x395: {  	vm13 =	veq.s32 v1, v3;
	v1 =	vmov s9;
	s15 =	sand.u32 $0xF, s24;
	s9 =	spop (v2sf)  }
0x396: {  	v2 =	vsel vm1, $0x3F800000, v4;
	vm12 =	veq.s32 v1, v3;
	v1 =	vmov s15;
	s15 =	sand.u32 $0xF, s9;
	s23 =	spop (v2sf)  }
0x397: {  	v0 =	vadd.f32 v2, v0;
	vm11 =	veq.s32 v1, v3;
	v1 =	vmov s15;
	s15 =	sand.u32 $0xF, s23;
	s22 =	spop (v2sf)  }
0x398: {  	vm10 =	veq.s32 v1, v3;
	v1 =	vmov s15;
	s15 =	sand.u32 $0xF, s22;
	s21 =	spop (v2sf)  }
0x399: {  	s1 =	sand.u32 $0xFFFFFFF0, s14;
	[tilespmem:s13+$0x19500] =	vst v0;
	vm9 =	veq.s32 v1, v3;
	v0 =	vmov s15;
	s13 =	sand.u32 $0xF, s21;
	s19 =	spop (v2sf)  }
0x39a: {  	v1 =	vld [tilespmem:s1+$0x19500];
	vm8 =	veq.s32 v0, v3;
	v0 =	vmov s13;
	s13 =	sand.u32 $0xF, s19;
	s18 =	spop (v2sf)  }
0x39b: {  	vm7 =	veq.s32 v0, v3;
	v0 =	vmov s13;
	s13 =	sand.u32 $0xF, s18;
	s17 =	spop (v2sf)  }
0x39c: {  	vm6 =	veq.s32 v0, v3;
	v0 =	vmov s13;
	s13 =	sand.u32 $0xF, s17;
	s16 =	spop (v2sf)  }
0x39d: {  	vm5 =	veq.s32 v0, v3;
	v0 =	vmov s13;
	s13 =	sand.u32 $0xF, s16;
	s15 =	spop (v2sf)  }
0x39e: {  	v2 =	vsel vm0, $0x3F800000, v4;
	vm4 =	veq.s32 v0, v3;
	v0 =	vmov s13;
	s13 =	sand.u32 $0xF, s15;
	s14 =	spop (v2sf)  }
0x39f: {  	v1 =	vadd.f32 v2, v1;
	vm3 =	veq.s32 v0, v3;
	v0 =	vmov s13;
	s2 =	sand.u32 $0xF, s14;
	s13 =	spop (v2sf)  }
0x3a0: {  	vm2 =	veq.s32 v0, v3;
	v0 =	vmov s2;
	s2 =	sand.u32 $0xF, s13  }
0x3a1: {  	s0 =	sand.u32 $0xFFFFFFF0, s0;
	[tilespmem:s1+$0x19500] =	vst v1;
	vm1 =	veq.s32 v0, v3;
	v0 =	vmov s2  }
0x3a2: {  	v1 =	vld [tilespmem:s0+$0x19500];
	vm0 =	veq.s32 v0, v3;
	_ =	sdelay $0x3  }
0x3a3: {  	v0 =	vsel vm13, $0x3F800000, v4  }
0x3a4: {  	v0 =	vadd.f32 v0, v1;
	_ =	sdelay $0x1  }
0x3a5: {  	[tilespmem:s0+$0x19500] =	vst v0;
	s0 =	sand.u32 $0xFFFFFFF0, s7  }
0x3a6: {  	v0 =	vld [tilespmem:s0+$0x19500];
	_ =	sdelay $0x3  }
0x3a7: {  	v1 =	vsel vm12, $0x3F800000, v4  }
0x3a8: {  	v0 =	vadd.f32 v0, v1;
	_ =	sdelay $0x1  }
0x3a9: {  	[tilespmem:s0+$0x19500] =	vst v0;
	s0 =	sand.u32 $0xFFFFFFF0, s24  }
0x3aa: {  	v0 =	vld [tilespmem:s0+$0x19500];
	_ =	sdelay $0x3  }
0x3ab: {  	v1 =	vsel vm11, $0x3F800000, v4  }
0x3ac: {  	v0 =	vadd.f32 v0, v1;
	_ =	sdelay $0x1  }
0x3ad: {  	[tilespmem:s0+$0x19500] =	vst v0;
	s0 =	sand.u32 $0xFFFFFFF0, s9  }
0x3ae: {  	v0 =	vld [tilespmem:s0+$0x19500];
	_ =	sdelay $0x3  }
0x3af: {  	v1 =	vsel vm10, $0x3F800000, v4  }
0x3b0: {  	v0 =	vadd.f32 v0, v1;
	_ =	sdelay $0x1  }
0x3b1: {  	[tilespmem:s0+$0x19500] =	vst v0;
	s0 =	sand.u32 $0xFFFFFFF0, s23  }
0x3b2: {  	v0 =	vld [tilespmem:s0+$0x19500];
	_ =	sdelay $0x3  }
0x3b3: {  	v1 =	vsel vm9, $0x3F800000, v4  }
0x3b4: {  	v0 =	vadd.f32 v0, v1;
	_ =	sdelay $0x1  }
0x3b5: {  	[tilespmem:s0+$0x19500] =	vst v0;
	s0 =	sand.u32 $0xFFFFFFF0, s22  }
0x3b6: {  	v0 =	vld [tilespmem:s0+$0x19500];
	_ =	sdelay $0x3  }
0x3b7: {  	v1 =	vsel vm8, $0x3F800000, v4  }
0x3b8: {  	v0 =	vadd.f32 v0, v1;
	_ =	sdelay $0x1  }
0x3b9: {  	[tilespmem:s0+$0x19500] =	vst v0;
	s0 =	sand.u32 $0xFFFFFFF0, s21  }
0x3ba: {  	v0 =	vld [tilespmem:s0+$0x19500];
	_ =	sdelay $0x3  }
0x3bb: {  	v1 =	vsel vm7, $0x3F800000, v4  }
0x3bc: {  	v0 =	vadd.f32 v0, v1;
	_ =	sdelay $0x1  }
0x3bd: {  	[tilespmem:s0+$0x19500] =	vst v0;
	s0 =	sand.u32 $0xFFFFFFF0, s19  }
0x3be: {  	v0 =	vld [tilespmem:s0+$0x19500];
	_ =	sdelay $0x3  }
0x3bf: {  	v1 =	vsel vm6, $0x3F800000, v4  }
0x3c0: {  	v0 =	vadd.f32 v0, v1;
	_ =	sdelay $0x1  }
0x3c1: {  	[tilespmem:s0+$0x19500] =	vst v0;
	s0 =	sand.u32 $0xFFFFFFF0, s18  }
0x3c2: {  	v0 =	vld [tilespmem:s0+$0x19500];
	_ =	sdelay $0x3  }
0x3c3: {  	v1 =	vsel vm5, $0x3F800000, v4  }
0x3c4: {  	v0 =	vadd.f32 v0, v1;
	_ =	sdelay $0x1  }
0x3c5: {  	[tilespmem:s0+$0x19500] =	vst v0;
	s0 =	sand.u32 $0xFFFFFFF0, s17  }
0x3c6: {  	v0 =	vld [tilespmem:s0+$0x19500];
	_ =	sdelay $0x3  }
0x3c7: {  	v1 =	vsel vm4, $0x3F800000, v4  }
0x3c8: {  	v0 =	vadd.f32 v0, v1;
	_ =	sdelay $0x1  }
0x3c9: {  	[tilespmem:s0+$0x19500] =	vst v0;
	s0 =	sand.u32 $0xFFFFFFF0, s16  }
0x3ca: {  	v0 =	vld [tilespmem:s0+$0x19500];
	_ =	sdelay $0x3  }
0x3cb: {  	v1 =	vsel vm3, $0x3F800000, v4  }
0x3cc: {  	v0 =	vadd.f32 v0, v1;
	_ =	sdelay $0x1  }
0x3cd: {  	[tilespmem:s0+$0x19500] =	vst v0;
	s0 =	sand.u32 $0xFFFFFFF0, s15  }
0x3ce: {  	v0 =	vld [tilespmem:s0+$0x19500];
	_ =	sdelay $0x3  }
0x3cf: {  	v1 =	vsel vm2, $0x3F800000, v4  }
0x3d0: {  	v0 =	vadd.f32 v0, v1;
	_ =	sdelay $0x1  }
0x3d1: {  	[tilespmem:s0+$0x19500] =	vst v0;
	s0 =	sand.u32 $0xFFFFFFF0, s14  }
0x3d2: {  	v0 =	vld [tilespmem:s0+$0x19500];
	_ =	sdelay $0x3  }
0x3d3: {  	v1 =	vsel vm1, $0x3F800000, v4  }
0x3d4: {  	v0 =	vadd.f32 v0, v1;
	_ =	sdelay $0x1  }
0x3d5: {  	[tilespmem:s0+$0x19500] =	vst v0;
	s0 =	sand.u32 $0xFFFFFFF0, s13  }
0x3d6: {  	v0 =	vld [tilespmem:s0+$0x19500]  }
.Ltmp8:
0x3d7: {  	(pc) =	sbr.rel @p3 .LBB2_10-.Ltmp8, $3  }
0x3d8: {  	_ =	sdelay $0x1  }
0x3d9: {  	v1 =	vsel vm0, $0x3F800000, v4  }
0x3da: {  	v0 =	vadd.f32 v0, v1  }
0x3db: {  	_ = 	snop  }
0x3dc: {  	s1 =	sshra.s32 s11, $0x2;
	[tilespmem:s0+$0x19500] =	vst v0  }
0x3dd: {  	v0 =	vld [tilespmem:s1+$0x14380];
	_ =	sdelay $0x4  }
0x3de: {  	(v2sf) =	vpush v0, $0x0;
	_ =	sdelay $0x7  }
0x3df: {  	(v2sf) =	vpush v0, $0x1;
	_ =	sdelay $0x6  }
0x3e0: {  	s2 =	spop (v2sf)  }
0x3e1: {  	(v2sf) =	vpush v0, $0x2;
	s7 =	sand.u32 $0xFFFFFFF0, s2  }
0x3e2: {  	v1 =	vld [tilespmem:s7+$0x19500]  }
0x3e3: {  	s0 =	sand.u32 $0xF, s2  }
0x3e4: {  	v2 =	vmov s0  }
0x3e5: {  	vm0 =	veq.s32 v2, v3  }
0x3e6: {  	v2 =	vsel vm0, $0x3F800000, v4  }
0x3e7: {  	v1 =	vadd.f32 v2, v1  }
0x3e8: {  	s9 =	spop (v2sf)  }
0x3e9: {  	(v2sf) =	vpush v0, $0x3;
	s11 =	sand.u32 $0xFFFFFFF0, s9;
	[tilespmem:s7+$0x19500] =	vst v1  }
0x3ea: {  	v1 =	vld [tilespmem:s11+$0x19500]  }
0x3eb: {  	s0 =	sand.u32 $0xF, s9  }
0x3ec: {  	v2 =	vmov s0  }
0x3ed: {  	vm13 =	veq.s32 v2, v3  }
0x3ee: {  	v2 =	vsel vm13, $0x3F800000, v4  }
0x3ef: {  	v1 =	vadd.f32 v2, v1  }
0x3f0: {  	s12 =	spop (v2sf)  }
0x3f1: {  	(v2sf) =	vpush v0, $0x4;
	s13 =	sand.u32 $0xFFFFFFF0, s12;
	[tilespmem:s11+$0x19500] =	vst v1  }
0x3f2: {  	v1 =	vld [tilespmem:s13+$0x19500]  }
0x3f3: {  	s0 =	sand.u32 $0xF, s12  }
0x3f4: {  	v2 =	vmov s0  }
0x3f5: {  	vm14 =	veq.s32 v2, v3  }
0x3f6: {  	v2 =	vsel vm14, $0x3F800000, v4  }
0x3f7: {  	v1 =	vadd.f32 v2, v1  }
0x3f8: {  	s14 =	spop (v2sf)  }
0x3f9: {  	(v2sf) =	vpush v0, $0x5;
	s15 =	sand.u32 $0xFFFFFFF0, s14;
	[tilespmem:s13+$0x19500] =	vst v1  }
0x3fa: {  	v1 =	vld [tilespmem:s15+$0x19500]  }
0x3fb: {  	s0 =	sand.u32 $0xF, s14  }
0x3fc: {  	v2 =	vmov s0  }
0x3fd: {  	vm15 =	veq.s32 v2, v3  }
0x3fe: {  	v2 =	vsel vm15, $0x3F800000, v4  }
0x3ff: {  	v1 =	vadd.f32 v1, v2  }
0x400: {  	s16 =	spop (v2sf)  }
0x401: {  	(v2sf) =	vpush v0, $0x6;
	s17 =	sand.u32 $0xFFFFFFF0, s16;
	[tilespmem:s15+$0x19500] =	vst v1  }
0x402: {  	v1 =	vld [tilespmem:s17+$0x19500]  }
0x403: {  	s0 =	sand.u32 $0xF, s16  }
0x404: {  	v2 =	vmov s0  }
0x405: {  	vm4 =	veq.s32 v2, v3  }
0x406: {  	v2 =	vsel vm4, $0x3F800000, v4  }
0x407: {  	v1 =	vadd.f32 v1, v2  }
0x408: {  	s18 =	spop (v2sf)  }
0x409: {  	(v2sf) =	vpush v0, $0x7;
	s19 =	sand.u32 $0xFFFFFFF0, s18;
	[tilespmem:s17+$0x19500] =	vst v1  }
0x40a: {  	v1 =	vld [tilespmem:s19+$0x19500]  }
0x40b: {  	s0 =	sand.u32 $0xF, s18  }
0x40c: {  	v2 =	vmov s0  }
0x40d: {  	vm5 =	veq.s32 v2, v3  }
0x40e: {  	v2 =	vsel vm5, $0x3F800000, v4  }
0x40f: {  	v1 =	vadd.f32 v1, v2  }
0x410: {  	s21 =	spop (v2sf)  }
0x411: {  	(v2sf) =	vpush v0, $0x8;
	s22 =	sand.u32 $0xFFFFFFF0, s21;
	[tilespmem:s19+$0x19500] =	vst v1  }
0x412: {  	v1 =	vld [tilespmem:s22+$0x19500]  }
0x413: {  	s0 =	sand.u32 $0xF, s21  }
0x414: {  	v2 =	vmov s0  }
0x415: {  	vm6 =	veq.s32 v2, v3  }
0x416: {  	v2 =	vsel vm6, $0x3F800000, v4  }
0x417: {  	v1 =	vadd.f32 v1, v2  }
0x418: {  	s23 =	spop (v2sf)  }
0x419: {  	(v2sf) =	vpush v0, $0x9;
	s24 =	sand.u32 $0xFFFFFFF0, s23;
	[tilespmem:s22+$0x19500] =	vst v1  }
0x41a: {  	v1 =	vld [tilespmem:s24+$0x19500]  }
0x41b: {  	s0 =	sand.u32 $0xF, s23  }
0x41c: {  	v2 =	vmov s0  }
0x41d: {  	vm7 =	veq.s32 v2, v3  }
0x41e: {  	v2 =	vsel vm7, $0x3F800000, v4  }
0x41f: {  	v1 =	vadd.f32 v1, v2  }
0x420: {  	s2 =	spop (v2sf)  }
0x421: {  	(v2sf) =	vpush v0, $0xA;
	s7 =	sand.u32 $0xFFFFFFF0, s2;
	[tilespmem:s24+$0x19500] =	vst v1  }
0x422: {  	v1 =	vld [tilespmem:s7+$0x19500]  }
0x423: {  	s0 =	sand.u32 $0xF, s2  }
0x424: {  	v2 =	vmov s0  }
0x425: {  	vm8 =	veq.s32 v2, v3  }
0x426: {  	v2 =	vsel vm8, $0x3F800000, v4  }
0x427: {  	v1 =	vadd.f32 v1, v2  }
0x428: {  	s9 =	spop (v2sf)  }
0x429: {  	(v2sf) =	vpush v0, $0xB;
	s11 =	sand.u32 $0xFFFFFFF0, s9;
	[tilespmem:s7+$0x19500] =	vst v1  }
0x42a: {  	v1 =	vld [tilespmem:s11+$0x19500]  }
0x42b: {  	s0 =	sand.u32 $0xF, s9  }
0x42c: {  	v2 =	vmov s0  }
0x42d: {  	vm9 =	veq.s32 v2, v3  }
0x42e: {  	v2 =	vsel vm9, $0x3F800000, v4  }
0x42f: {  	v1 =	vadd.f32 v1, v2  }
0x430: {  	s12 =	spop (v2sf)  }
0x431: {  	(v2sf) =	vpush v0, $0xC;
	s13 =	sand.u32 $0xFFFFFFF0, s12;
	[tilespmem:s11+$0x19500] =	vst v1  }
0x432: {  	v1 =	vld [tilespmem:s13+$0x19500]  }
0x433: {  	s0 =	sand.u32 $0xF, s12  }
0x434: {  	v2 =	vmov s0  }
0x435: {  	vm10 =	veq.s32 v2, v3  }
0x436: {  	v2 =	vsel vm10, $0x3F800000, v4  }
0x437: {  	v1 =	vadd.f32 v1, v2  }
0x438: {  	s14 =	spop (v2sf)  }
0x439: {  	(v2sf) =	vpush v0, $0xD;
	s15 =	sand.u32 $0xFFFFFFF0, s14;
	[tilespmem:s13+$0x19500] =	vst v1  }
0x43a: {  	v1 =	vld [tilespmem:s15+$0x19500]  }
0x43b: {  	s0 =	sand.u32 $0xF, s14  }
0x43c: {  	v2 =	vmov s0  }
0x43d: {  	vm11 =	veq.s32 v2, v3  }
0x43e: {  	v2 =	vsel vm11, $0x3F800000, v4  }
0x43f: {  	v1 =	vadd.f32 v1, v2  }
0x440: {  	s16 =	spop (v2sf)  }
0x441: {  	(v2sf) =	vpush v0, $0xE;
	s17 =	sand.u32 $0xFFFFFFF0, s16;
	[tilespmem:s15+$0x19500] =	vst v1  }
0x442: {  	v1 =	vld [tilespmem:s17+$0x19500]  }
0x443: {  	s0 =	sand.u32 $0xF, s16  }
0x444: {  	v2 =	vmov s0  }
0x445: {  	vm12 =	veq.s32 v2, v3  }
0x446: {  	v2 =	vsel vm12, $0x3F800000, v4  }
0x447: {  	v1 =	vadd.f32 v1, v2  }
0x448: {  	s18 =	spop (v2sf)  }
0x449: {  	(v2sf) =	vpush v0, $0xF;
	s19 =	sand.u32 $0xFFFFFFF0, s18;
	[tilespmem:s17+$0x19500] =	vst v1  }
0x44a: {  	v0 =	vld [tilespmem:s19+$0x19500]  }
0x44b: {  	s0 =	sand.u32 $0xF, s18  }
0x44c: {  	v1 =	vmov s0  }
0x44d: {  	vm13 =	veq.s32 v1, v3  }
0x44e: {  	v1 =	vsel vm13, $0x3F800000, v4  }
0x44f: {  	v0 =	vadd.f32 v0, v1  }
0x450: {  	s21 =	spop (v2sf)  }
0x451: {  	s22 =	sand.u32 $0xFFFFFFF0, s21;
	[tilespmem:s19+$0x19500] =	vst v0  }
0x452: {  	v0 =	vld [tilespmem:s22+$0x19500]  }
0x453: {  	s0 =	sand.u32 $0xF, s21  }
0x454: {  	v1 =	vmov s0  }
0x455: {  	vm14 =	veq.s32 v1, v3  }
0x456: {  	v1 =	vsel vm14, $0x3F800000, v4  }
0x457: {  	v0 =	vadd.f32 v0, v1  }
0x458: {  	s23 =	spop (v2sf)  }
0x459: {  	s24 =	sand.u32 $0xFFFFFFF0, s23;
	[tilespmem:s22+$0x19500] =	vst v0  }
0x45a: {  	v0 =	vld [tilespmem:s24+$0x19500]  }
0x45b: {  	s0 =	sand.u32 $0xF, s23  }
0x45c: {  	v1 =	vmov s0  }
.Ltmp9:
0x45d: {  	vm15 =	veq.s32 v1, v3;
	(pc) =	sbr.rel .LBB2_12-.Ltmp9, $4  }
0x45e: {  	v1 =	vsel vm15, $0x3F800000, v4  }
0x45f: {  	v0 =	vadd.f32 v0, v1  }
0x460: {  	s2 =	smov.u32 s4  }
0x461: {  	s16 =	simm.s32 $0x14280;
	s18 =	simm.s32 $0x14480;
	s17 =	simm.s32 $0x14380;
	[tilespmem:s24+$0x19500] =	vst v0  }
.LBB2_14:
0x462: {  	_ =	sfence.sel $0x180000  }
0x463: {  	[bflag:$0x0] =	sbarrier.arrive $0xFFFF  }
0x464: {  	_ =	strace $0x90000047  }
0x465: {  	[bflag:$0x2] =	sbarrier.arrive $0xFFFF  }
0x466: {  	s0 =	rddreg [dreg:$0x8]  }
0x467: {  	s0 =	sadd.s32 @!p0 $0x100000, s0  }
0x468: {  	[sflag:s0] =	ssyncadd.tile.s32 @!p0 $0x1;
	_ =	shalt  }
.Lfunc_end2:
_tile_overlayer_lowered:
.L_overlay_start_2:
0x469: {  	(tag) =	ssettag $0x2  }
0x46a: {  	s0 =	rddreg [dreg:$0x0];
	s2 =	stileid.u32  }
0x46b: {  	s1 =	rddreg [dreg:$0x1];
	p0 =	sne.s32 s2, $0x0  }
0x46c: {  	s3 =	rddreg [dreg:$0x2];
	[bflag:$0x3] =	sbarrier.arrive $0xFFFF;
	s2 =	simm.s32 @!p0 $0x1C02  }
0x46d: {  	[timem:s3], [sflag:s2] =	dma.local @!p0 [hbm:s0], s1  }
0x46e: {  	s0 =	simm.s32 @!p0 $0x2  }
0x46f: {  	_ =	swait.ge @!p0 [sflag:s0], s1  }
0x470: {  	s1 =	ssub.s32 @!p0 $0x0, s1;
	[sflag:s0] =	ssyncset.done @!p0 $0x0  }
0x471: {  	[sflag:s0] =	ssyncadd.s32 @!p0 s1  }
0x472: {  	[bflag:$0x3] =	sbarrier.arrive $0xFFFF  }
0x473: {  	_ =	shalt  }

</sc_bundles>
